<compile_context>
chip_gen: v7x
topology: tpu7x:2x2x1
jax: 0.10.2.dev20260603
libtpu: 0.0.44.dev20260713+nightly
codegen_flags: <defaults>
</compile_context>

<pallas_src>
import functools

import jax
import jax.numpy as jnp
from jax import lax
from jax.experimental import pallas as pl
from jax.experimental.pallas import tpu as pltpu
from jax.experimental.pallas import tpu_sc as plsc

_V = 100000
_VP = 782 * 128
_E = 64
_B = 1024
_S = 200
_N = _B * _S

_PASSES = 2
_SG = _S // 8


def _pe_table_t():
    pos = jnp.arange(_S, dtype=jnp.float32)[:, None]
    denom = 10000.0 ** ((jnp.arange(_E) // 2).astype(jnp.float32) / _E)[None, :]
    ang = pos / denom
    pe = jnp.where((jnp.arange(_E) % 2)[None, :] == 0, jnp.sin(ang), jnp.cos(ang))
    return jnp.pad(pe.T, ((0, 0), (0, 1024 - _S))).reshape(_E, 8, 128)


def _sc_call(idx_flat, tp3, pe8):
    mesh = plsc.VectorSubcoreMesh(core_axis_name="c", subcore_axis_name="s")

    @functools.partial(
        pl.kernel,
        mesh=mesh,
        out_type=jax.ShapeDtypeStruct((_S, 8, 8, 8, 128), jnp.float32),
        compiler_params=pltpu.CompilerParams(needs_layout_passes=False),
        scratch_types=[
            pltpu.VMEM_SHARED((_SG, 8, 8, 128), jnp.int32),
            pltpu.VMEM((782, 128), jnp.float32),
            pltpu.VMEM((8, 4, 128), jnp.int32),
            pltpu.VMEM((8, 4, 128), jnp.int32),
            pltpu.VMEM((8, 128), jnp.float32),
            pltpu.VMEM((4, 8, 128), jnp.float32),
            pltpu.VMEM((4, 8, 128), jnp.float32),
            pltpu.SemaphoreType.DMA,
            pltpu.SemaphoreType.DMA,
            pltpu.SemaphoreType.DMA,
            pltpu.SemaphoreType.DMA,
        ],
    )
    def k(idx_hbm, tp3_hbm, pe8_hbm, out_hbm, idx_sp, row_v, iv0, iv1, pe_v,
          ow0, ow1, ws0, ws1, is0, is1):
        sid = lax.axis_index("s")
        cid = lax.axis_index("c")
        grp_l = sid // 8
        sub = sid % 8
        obufs = (ow0, ow1)
        wsems = (ws0, ws1)
        ivs = (iv0, iv1)
        isems = (is0, is1)

        def unit_src(st, hh):
            return idx_sp.at[st, :, pl.ds(hh * 4, 4), :]

        @pl.when(sid == 0)
        def _stage_idx():
            pltpu.sync_copy(idx_hbm, idx_sp)

        plsc.subcore_barrier()

        for p in range(_PASSES):
            g = 4 * p + 2 * cid + grp_l
            e = 8 * g + sub
            pltpu.sync_copy(tp3_hbm.at[e], row_v)
            pltpu.sync_copy(pe8_hbm.at[e], pe_v)
            pltpu.async_copy(unit_src(0, 0), iv0, is0)
            pltpu.async_copy(unit_src(0, 1), iv1, is1)

            def half(st, hh, first_round):
                iv = ivs[hh]
                isem = isems[hh]
                ob = obufs[hh]
                wsem = wsems[hh]
                dst = out_hbm.at[pl.ds(st * 8 + hh * 4, 4), g, :, sub, :]
                pltpu.make_async_copy(unit_src(st, hh), iv, isem).wait()
                if first_round:
                    @pl.when(st >= 1)
                    def _w():
                        pltpu.make_async_copy(ob, dst, wsem).wait()
                else:
                    pltpu.make_async_copy(ob, dst, wsem).wait()
                zero16 = jnp.zeros((16,), dtype=jnp.int32)
                for si in range(4):
                    s = st * 8 + hh * 4 + si
                    hi16 = jnp.full((16,), s // 128, dtype=jnp.int32)
                    lo16 = jnp.full((16,), s % 128, dtype=jnp.int32)
                    p0 = plsc.load_gather(pe_v, [hi16, lo16])

                    @plsc.parallel_loop(0, 64, 1, unroll=64)
                    def _chunk(k, si=si, p0=p0, ob=ob, iv=iv):
                        tok = iv[k >> 3, si, pl.ds((k & 7) * 16, 16)]
                        vals = plsc.load_gather(row_v, [zero16, tok])
                        ob[si, k >> 3, pl.ds((k & 7) * 16, 16)] = vals + p0
                pltpu.async_copy(ob, dst, wsem)

                @pl.when(st + 1 < _SG)
                def _pf():
                    pltpu.async_copy(unit_src(st + 1, hh), iv, isem)

            def st_body(st, carry):
                half(st, 0, p == 0)
                half(st, 1, p == 0)
                return carry

            lax.fori_loop(0, _SG, st_body, 0)

        dummy = out_hbm.at[pl.ds(0, 4), 0, :, 0, :]
        pltpu.make_async_copy(obufs[0], dummy, wsems[0]).wait()
        pltpu.make_async_copy(obufs[1], dummy, wsems[1]).wait()

    return k(idx_flat, tp3, pe8)


def kernel(input_x, table):
    idx4 = (input_x.astype(jnp.int32)
            .reshape(8, 128, 25, 8).transpose(2, 0, 3, 1))
    tp3 = jnp.pad(table, ((0, _VP - _V), (0, 0))).T.reshape(_E, 782, 128)
    pe8 = _pe_table_t()
    out5 = _sc_call(idx4, tp3, pe8)
    return out5.transpose(2, 4, 0, 1, 3).reshape(_B, _S, _E)

# --- scband reference (transcript-rebuilt; emitter-appended) ---
"""Pipeline reference for scband-input-block-61692910240002 (READ-ONLY COPY).

The authoritative reference and input builder live on the scoring server;
editing this copy changes nothing except your own understanding.
"""

import jax, jax.numpy as jnp
import numpy as np

VOCAB_SIZE = 100000
EMBED_SIZE = 64
BATCH = 1024
SEQ_LEN = 200


def _positional_encoding(batch_size, seq_len, embed_size):
    # pos_encoding_element = arange(seq_len)[:,None] / 10000 ** (arange(embed)//2 / embed)[None,:]
    pos = jnp.arange(seq_len, dtype=jnp.float32)[:, None]
    denom = 10000.0 ** ((jnp.arange(embed_size) // 2).astype(jnp.float32) / embed_size)[None, :]
    pos_encoding_element = pos / denom  # [seq_len, embed_size]
    pe = jnp.zeros((seq_len, embed_size), dtype=jnp.float32)
    pe = pe.at[:, 0::2].set(jnp.sin(pos_encoding_element[:, 0::2]))
    pe = pe.at[:, 1::2].set(jnp.cos(pos_encoding_element[:, 1::2]))
    return jnp.broadcast_to(pe[None, :, :], (batch_size, seq_len, embed_size))


def setup_inputs(seed: int = 0) -> dict:
    key = jax.random.key(seed)
    k1, k2 = jax.random.split(key)
    input_x = jax.random.randint(k1, (BATCH, SEQ_LEN), 0, VOCAB_SIZE, dtype=jnp.int64 if jax.config.jax_enable_x64 else jnp.int32)
    table = jax.random.normal(k2, (VOCAB_SIZE, EMBED_SIZE), dtype=jnp.float32)
    return {"input_x": input_x, "table": table}


def reference(input_x, table):
    x = jnp.take(table, input_x, axis=0)  # [B, S, E] embedding lookup
    b, s, e = x.shape
    pos_embedding = _positional_encoding(b, s, e)
    return x + pos_embedding

if __name__ == "__main__":
    import jax
    _d = setup_inputs()
    print(jax.jit(kernel)(*tuple(_d.values())))

</pallas_src>

<mosaic_0001>
#map = affine_map<(d0, d1) -> (0, 0, 0, 0)>
#map1 = affine_map<(d0, d1) -> (0, 0, 0)>
#map2 = affine_map<(d0, d1) -> (0, 0, 0, 0, 0)>
module attributes {stable_mosaic.version = 14 : i64} {
  func.func @k(%arg0: i32, %arg1: i32, %arg2: memref<25x8x8x128xi32, #tpu.memory_space<hbm>>, %arg3: memref<64x782x128xf32, #tpu.memory_space<hbm>>, %arg4: memref<64x8x128xf32, #tpu.memory_space<hbm>>, %arg5: memref<200x8x8x8x128xf32, #tpu.memory_space<hbm>>, %arg6: memref<25x8x8x128xi32, #tpu.memory_space<vmem_shared>>, %arg7: memref<782x128xf32, #tpu.memory_space<vmem>>, %arg8: memref<8x4x128xi32, #tpu.memory_space<vmem>>, %arg9: memref<8x4x128xi32, #tpu.memory_space<vmem>>, %arg10: memref<8x128xf32, #tpu.memory_space<vmem>>, %arg11: memref<4x8x128xf32, #tpu.memory_space<vmem>>, %arg12: memref<4x8x128xf32, #tpu.memory_space<vmem>>, %arg13: memref<!tpu.dma_semaphore, #tpu.memory_space<semaphore_mem>>, %arg14: memref<!tpu.dma_semaphore, #tpu.memory_space<semaphore_mem>>, %arg15: memref<!tpu.dma_semaphore, #tpu.memory_space<semaphore_mem>>, %arg16: memref<!tpu.dma_semaphore, #tpu.memory_space<semaphore_mem>>) attributes {dimension_semantics = [#tpu.dimension_semantics<core_parallel>, #tpu.dimension_semantics<subcore_parallel>], iteration_bounds = array<i64: 2, 16>, scalar_prefetch = 0 : i64, scratch_operands = 11 : i64, tpu.core_type = #tpu.core_type<sc_vector_subcore>, window_params = [{transform_indices = #map}, {transform_indices = #map1}, {transform_indices = #map1}, {transform_indices = #map2}]} {
    %jit3A = arith.constant 8 : i32
    %div3A = arith.divsi %arg1, %jit3A : i32
    %sign3A = arith.constant 0 : i32
    %sign3A_0 = arith.cmpi sgt, %arg1, %sign3A : i32
    %sign3A_1 = arith.extui %sign3A_0 : i1 to i32
    %sign3A_2 = arith.constant 0 : i32
    %sign3A_3 = arith.cmpi slt, %arg1, %sign3A_2 : i32
    %sign3A_4 = arith.extui %sign3A_3 : i1 to i32
    %sign3A_5 = arith.subi %sign3A_1, %sign3A_4 : i32
    %sign3A_6 = arith.constant 0 : i32
    %sign3A_7 = arith.cmpi sgt, %jit3A, %sign3A_6 : i32
    %sign3A_8 = arith.extui %sign3A_7 : i1 to i32
    %sign3A_9 = arith.constant 0 : i32
    %sign3A_10 = arith.cmpi slt, %jit3A, %sign3A_9 : i32
    %sign3A_11 = arith.extui %sign3A_10 : i1 to i32
    %sign3A_12 = arith.subi %sign3A_8, %sign3A_11 : i32
    %ne3A = arith.cmpi ne, %sign3A_5, %sign3A_12 : i32
    %rem3A = arith.remsi %arg1, %jit3A : i32
    %ne3A_13 = arith.constant 0 : i32
    %ne3A_14 = arith.cmpi ne, %rem3A, %ne3A_13 : i32
    %and3A = arith.andi %ne3A, %ne3A_14 : i1
    %sub3A = arith.constant 1 : i32
    %sub3A_15 = arith.subi %div3A, %sub3A : i32
    %select_n3A = arith.select %and3A, %sub3A_15, %div3A : i32
    %jit3A_16 = arith.constant 8 : i32
    %eq3A = arith.constant 0 : i32
    %eq3A_17 = arith.cmpi eq, %jit3A_16, %eq3A : i32
    %jit3A_18 = arith.constant 1 : i32
    %select_n3A_19 = arith.select %eq3A_17, %jit3A_18, %jit3A_16 : i32
    %rem3A_20 = arith.remsi %arg1, %select_n3A_19 : i32
    %ne3A_21 = arith.constant 0 : i32
    %ne3A_22 = arith.cmpi ne, %rem3A_20, %ne3A_21 : i32
    %lt3A = arith.constant 0 : i32
    %lt3A_23 = arith.cmpi slt, %rem3A_20, %lt3A : i32
    %lt3A_24 = arith.constant 0 : i32
    %lt3A_25 = arith.cmpi slt, %select_n3A_19, %lt3A_24 : i32
    %ne3A_26 = arith.xori %lt3A_23, %lt3A_25 : i1
    %and3A_27 = arith.andi %ne3A_26, %ne3A_22 : i1
    %add3A = arith.addi %rem3A_20, %select_n3A_19 : i32
    %select_n3A_28 = arith.select %and3A_27, %add3A, %rem3A_20 : i32
    %eq3A_29 = arith.constant 0 : i32
    %eq3A_30 = arith.cmpi eq, %arg1, %eq3A_29 : i32
    %convert_element_type3A = arith.extui %eq3A_30 : i1 to i32
    %cond3A = arith.constant 0 : i32
    %cond3A_31 = arith.cmpi ne, %convert_element_type3A, %cond3A : i32
    scf.if %cond3A_31 {
      "tpu.region"() ({
        %run_scoped3A = tpu.sem_alloc : memref<!tpu.dma_semaphore, #tpu.memory_space<semaphore_mem>>
        tpu.enqueue_dma source(%arg2 : memref<25x8x8x128xi32, #tpu.memory_space<hbm>>) target(%arg6 : memref<25x8x8x128xi32, #tpu.memory_space<vmem_shared>>) target_semaphore(%run_scoped3A : memref<!tpu.dma_semaphore, #tpu.memory_space<semaphore_mem>>)
        tpu.wait_dma2 semaphore(%run_scoped3A : memref<!tpu.dma_semaphore, #tpu.memory_space<semaphore_mem>>) src(%arg2 : memref<25x8x8x128xi32, #tpu.memory_space<hbm>>) dst(%arg6 : memref<25x8x8x128xi32, #tpu.memory_space<vmem_shared>>)
        tpu.yield
      }) : () -> ()
    } else {
    }
    %barrier3A = arith.constant 0 : index
    tpu.barrier barrier_id(%barrier3A)
    %mul3A = arith.constant 2 : i32
    %mul3A_32 = arith.muli %mul3A, %arg0 : i32
    %add3A_33 = arith.constant 0 : i32
    %add3A_34 = arith.addi %add3A_33, %mul3A_32 : i32
    %add3A_35 = arith.addi %add3A_34, %select_n3A : i32
    %mul3A_36 = arith.constant 8 : i32
    %mul3A_37 = arith.muli %mul3A_36, %add3A_35 : i32
    %add3A_38 = arith.addi %mul3A_37, %select_n3A_28 : i32
    "tpu.region"() ({
      %run_scoped3A = tpu.sem_alloc : memref<!tpu.dma_semaphore, #tpu.memory_space<semaphore_mem>>
      %dma_start3A_124 = arith.constant 0 : i32
      %dma_start3A_125 = arith.constant 0 : i32
      %dma_start3A_126 = tpu.memref_slice %arg3[%add3A_38, %dma_start3A_124, %dma_start3A_125] : memref<64x782x128xf32, #tpu.memory_space<hbm>> -> memref<1x782x128xf32, #tpu.memory_space<hbm>>
      %dma_start3A_127 = tpu.memref_squeeze %dma_start3A_126 : memref<1x782x128xf32, #tpu.memory_space<hbm>> -> memref<782x128xf32, #tpu.memory_space<hbm>>
      %dma_start3A_128 = arith.constant 0 : i32
      %dma_start3A_129 = arith.constant 0 : i32
      %dma_start3A_130 = tpu.memref_slice %arg3[%add3A_38, %dma_start3A_128, %dma_start3A_129] : memref<64x782x128xf32, #tpu.memory_space<hbm>> -> memref<1x782x128xf32, #tpu.memory_space<hbm>>
      %dma_start3A_131 = tpu.memref_squeeze %dma_start3A_130 : memref<1x782x128xf32, #tpu.memory_space<hbm>> -> memref<782x128xf32, #tpu.memory_space<hbm>>
      tpu.enqueue_dma source(%dma_start3A_131 : memref<782x128xf32, #tpu.memory_space<hbm>>) target(%arg7 : memref<782x128xf32, #tpu.memory_space<vmem>>) target_semaphore(%run_scoped3A : memref<!tpu.dma_semaphore, #tpu.memory_space<semaphore_mem>>)
      %dma_wait3A_132 = arith.constant 0 : i32
      %dma_wait3A_133 = arith.constant 0 : i32
      %dma_wait3A_134 = tpu.memref_slice %arg3[%add3A_38, %dma_wait3A_132, %dma_wait3A_133] : memref<64x782x128xf32, #tpu.memory_space<hbm>> -> memref<1x782x128xf32, #tpu.memory_space<hbm>>
      %dma_wait3A_135 = tpu.memref_squeeze %dma_wait3A_134 : memref<1x782x128xf32, #tpu.memory_space<hbm>> -> memref<782x128xf32, #tpu.memory_space<hbm>>
      %dma_wait3A_136 = arith.constant 0 : i32
      %dma_wait3A_137 = arith.constant 0 : i32
      %dma_wait3A_138 = tpu.memref_slice %arg3[%add3A_38, %dma_wait3A_136, %dma_wait3A_137] : memref<64x782x128xf32, #tpu.memory_space<hbm>> -> memref<1x782x128xf32, #tpu.memory_space<hbm>>
      %dma_wait3A_139 = tpu.memref_squeeze %dma_wait3A_138 : memref<1x782x128xf32, #tpu.memory_space<hbm>> -> memref<782x128xf32, #tpu.memory_space<hbm>>
      tpu.wait_dma2 semaphore(%run_scoped3A : memref<!tpu.dma_semaphore, #tpu.memory_space<semaphore_mem>>) src(%dma_wait3A_139 : memref<782x128xf32, #tpu.memory_space<hbm>>) dst(%arg7 : memref<782x128xf32, #tpu.memory_space<vmem>>)
      tpu.yield
    }) : () -> ()
    "tpu.region"() ({
      %run_scoped3A = tpu.sem_alloc : memref<!tpu.dma_semaphore, #tpu.memory_space<semaphore_mem>>
      %dma_start3A_124 = arith.constant 0 : i32
      %dma_start3A_125 = arith.constant 0 : i32
      %dma_start3A_126 = tpu.memref_slice %arg4[%add3A_38, %dma_start3A_124, %dma_start3A_125] : memref<64x8x128xf32, #tpu.memory_space<hbm>> -> memref<1x8x128xf32, #tpu.memory_space<hbm>>
      %dma_start3A_127 = tpu.memref_squeeze %dma_start3A_126 : memref<1x8x128xf32, #tpu.memory_space<hbm>> -> memref<8x128xf32, #tpu.memory_space<hbm>>
      %dma_start3A_128 = arith.constant 0 : i32
      %dma_start3A_129 = arith.constant 0 : i32
      %dma_start3A_130 = tpu.memref_slice %arg4[%add3A_38, %dma_start3A_128, %dma_start3A_129] : memref<64x8x128xf32, #tpu.memory_space<hbm>> -> memref<1x8x128xf32, #tpu.memory_space<hbm>>
      %dma_start3A_131 = tpu.memref_squeeze %dma_start3A_130 : memref<1x8x128xf32, #tpu.memory_space<hbm>> -> memref<8x128xf32, #tpu.memory_space<hbm>>
      tpu.enqueue_dma source(%dma_start3A_131 : memref<8x128xf32, #tpu.memory_space<hbm>>) target(%arg10 : memref<8x128xf32, #tpu.memory_space<vmem>>) target_semaphore(%run_scoped3A : memref<!tpu.dma_semaphore, #tpu.memory_space<semaphore_mem>>)
      %dma_wait3A_132 = arith.constant 0 : i32
      %dma_wait3A_133 = arith.constant 0 : i32
      %dma_wait3A_134 = tpu.memref_slice %arg4[%add3A_38, %dma_wait3A_132, %dma_wait3A_133] : memref<64x8x128xf32, #tpu.memory_space<hbm>> -> memref<1x8x128xf32, #tpu.memory_space<hbm>>
      %dma_wait3A_135 = tpu.memref_squeeze %dma_wait3A_134 : memref<1x8x128xf32, #tpu.memory_space<hbm>> -> memref<8x128xf32, #tpu.memory_space<hbm>>
      %dma_wait3A_136 = arith.constant 0 : i32
      %dma_wait3A_137 = arith.constant 0 : i32
      %dma_wait3A_138 = tpu.memref_slice %arg4[%add3A_38, %dma_wait3A_136, %dma_wait3A_137] : memref<64x8x128xf32, #tpu.memory_space<hbm>> -> memref<1x8x128xf32, #tpu.memory_space<hbm>>
      %dma_wait3A_139 = tpu.memref_squeeze %dma_wait3A_138 : memref<1x8x128xf32, #tpu.memory_space<hbm>> -> memref<8x128xf32, #tpu.memory_space<hbm>>
      tpu.wait_dma2 semaphore(%run_scoped3A : memref<!tpu.dma_semaphore, #tpu.memory_space<semaphore_mem>>) src(%dma_wait3A_139 : memref<8x128xf32, #tpu.memory_space<hbm>>) dst(%arg10 : memref<8x128xf32, #tpu.memory_space<vmem>>)
      tpu.yield
    }) : () -> ()
    %dma_start3A = arith.constant 0 : i32
    %dma_start3A_39 = arith.constant 0 : i32
    %dma_start3A_40 = arith.constant 0 : i32
    %dma_start3A_41 = arith.constant 0 : i32
    %dma_start3A_42 = tpu.memref_slice %arg6[%dma_start3A, %dma_start3A_39, %dma_start3A_40, %dma_start3A_41] : memref<25x8x8x128xi32, #tpu.memory_space<vmem_shared>> -> memref<1x8x4x128xi32, #tpu.memory_space<vmem_shared>>
    %dma_start3A_43 = tpu.memref_squeeze %dma_start3A_42 : memref<1x8x4x128xi32, #tpu.memory_space<vmem_shared>> -> memref<8x4x128xi32, #tpu.memory_space<vmem_shared>>
    %dma_start3A_44 = arith.constant 0 : i32
    %dma_start3A_45 = arith.constant 0 : i32
    %dma_start3A_46 = arith.constant 0 : i32
    %dma_start3A_47 = tpu.memref_slice %arg6[%dma_start3A, %dma_start3A_44, %dma_start3A_45, %dma_start3A_46] : memref<25x8x8x128xi32, #tpu.memory_space<vmem_shared>> -> memref<1x8x4x128xi32, #tpu.memory_space<vmem_shared>>
    %dma_start3A_48 = tpu.memref_squeeze %dma_start3A_47 : memref<1x8x4x128xi32, #tpu.memory_space<vmem_shared>> -> memref<8x4x128xi32, #tpu.memory_space<vmem_shared>>
    tpu.enqueue_dma source(%dma_start3A_48 : memref<8x4x128xi32, #tpu.memory_space<vmem_shared>>) target(%arg8 : memref<8x4x128xi32, #tpu.memory_space<vmem>>) target_semaphore(%arg15 : memref<!tpu.dma_semaphore, #tpu.memory_space<semaphore_mem>>)
    %dma_start3A_49 = arith.constant 0 : i32
    %dma_start3A_50 = arith.constant 0 : i32
    %dma_start3A_51 = arith.constant 4 : i32
    %dma_start3A_52 = arith.constant 0 : i32
    %dma_start3A_53 = tpu.memref_slice %arg6[%dma_start3A_49, %dma_start3A_50, %dma_start3A_51, %dma_start3A_52] : memref<25x8x8x128xi32, #tpu.memory_space<vmem_shared>> -> memref<1x8x4x128xi32, #tpu.memory_space<vmem_shared>>
    %dma_start3A_54 = tpu.memref_squeeze %dma_start3A_53 : memref<1x8x4x128xi32, #tpu.memory_space<vmem_shared>> -> memref<8x4x128xi32, #tpu.memory_space<vmem_shared>>
    %dma_start3A_55 = arith.constant 0 : i32
    %dma_start3A_56 = arith.constant 4 : i32
    %dma_start3A_57 = arith.constant 0 : i32
    %dma_start3A_58 = tpu.memref_slice %arg6[%dma_start3A_49, %dma_start3A_55, %dma_start3A_56, %dma_start3A_57] : memref<25x8x8x128xi32, #tpu.memory_space<vmem_shared>> -> memref<1x8x4x128xi32, #tpu.memory_space<vmem_shared>>
    %dma_start3A_59 = tpu.memref_squeeze %dma_start3A_58 : memref<1x8x4x128xi32, #tpu.memory_space<vmem_shared>> -> memref<8x4x128xi32, #tpu.memory_space<vmem_shared>>
    tpu.enqueue_dma source(%dma_start3A_59 : memref<8x4x128xi32, #tpu.memory_space<vmem_shared>>) target(%arg9 : memref<8x4x128xi32, #tpu.memory_space<vmem>>) target_semaphore(%arg16 : memref<!tpu.dma_semaphore, #tpu.memory_space<semaphore_mem>>)
    %scan3A = arith.constant 0 : i32
    %scan3A_60 = arith.constant 0 : i32
    %scan3A_61 = arith.constant 25 : i32
    %scan3A_62 = arith.addi %scan3A_60, %scan3A_61 : i32
    %scan3A_63 = arith.constant 1 : i32
    scf.for %scan3A_124 = %scan3A_60 to %scan3A_62 step %scan3A_63  : i32 {
      %mul3A_125 = arith.constant 8 : i32
      %mul3A_126 = arith.muli %scan3A_124, %mul3A_125 : i32
      %add3A_127 = arith.constant 0 : i32
      %add3A_128 = arith.addi %mul3A_126, %add3A_127 : i32
      %dma_wait3A_129 = arith.constant 0 : i32
      %dma_wait3A_130 = arith.constant 0 : i32
      %dma_wait3A_131 = arith.constant 0 : i32
      %dma_wait3A_132 = tpu.memref_slice %arg6[%scan3A_124, %dma_wait3A_129, %dma_wait3A_130, %dma_wait3A_131] : memref<25x8x8x128xi32, #tpu.memory_space<vmem_shared>> -> memref<1x8x4x128xi32, #tpu.memory_space<vmem_shared>>
      %dma_wait3A_133 = tpu.memref_squeeze %dma_wait3A_132 : memref<1x8x4x128xi32, #tpu.memory_space<vmem_shared>> -> memref<8x4x128xi32, #tpu.memory_space<vmem_shared>>
      %dma_wait3A_134 = arith.constant 0 : i32
      %dma_wait3A_135 = arith.constant 0 : i32
      %dma_wait3A_136 = arith.constant 0 : i32
      %dma_wait3A_137 = tpu.memref_slice %arg6[%scan3A_124, %dma_wait3A_134, %dma_wait3A_135, %dma_wait3A_136] : memref<25x8x8x128xi32, #tpu.memory_space<vmem_shared>> -> memref<1x8x4x128xi32, #tpu.memory_space<vmem_shared>>
      %dma_wait3A_138 = tpu.memref_squeeze %dma_wait3A_137 : memref<1x8x4x128xi32, #tpu.memory_space<vmem_shared>> -> memref<8x4x128xi32, #tpu.memory_space<vmem_shared>>
      tpu.wait_dma2 semaphore(%arg15 : memref<!tpu.dma_semaphore, #tpu.memory_space<semaphore_mem>>) src(%dma_wait3A_138 : memref<8x4x128xi32, #tpu.memory_space<vmem_shared>>) dst(%arg8 : memref<8x4x128xi32, #tpu.memory_space<vmem>>)
      %ge3A = arith.constant 1 : i32
      %ge3A_139 = arith.cmpi sge, %scan3A_124, %ge3A : i32
      %convert_element_type3A_140 = arith.extui %ge3A_139 : i1 to i32
      %cond3A_141 = arith.constant 0 : i32
      %cond3A_142 = arith.cmpi ne, %convert_element_type3A_140, %cond3A_141 : i32
      scf.if %cond3A_142 {
        %dma_wait3A_609 = arith.constant 0 : i32
        %dma_wait3A_610 = arith.constant 0 : i32
        %dma_wait3A_611 = tpu.memref_slice %arg5[%add3A_128, %add3A_35, %dma_wait3A_609, %select_n3A_28, %dma_wait3A_610] : memref<200x8x8x8x128xf32, #tpu.memory_space<hbm>> -> memref<4x1x8x1x128xf32, #tpu.memory_space<hbm>>
        %dma_wait3A_612 = tpu.memref_squeeze %dma_wait3A_611 : memref<4x1x8x1x128xf32, #tpu.memory_space<hbm>> -> memref<4x8x128xf32, #tpu.memory_space<hbm>>
        %dma_wait3A_613 = arith.constant 0 : i32
        %dma_wait3A_614 = arith.constant 0 : i32
        %dma_wait3A_615 = tpu.memref_slice %arg5[%add3A_128, %add3A_35, %dma_wait3A_613, %select_n3A_28, %dma_wait3A_614] : memref<200x8x8x8x128xf32, #tpu.memory_space<hbm>> -> memref<4x1x8x1x128xf32, #tpu.memory_space<hbm>>
        %dma_wait3A_616 = tpu.memref_squeeze %dma_wait3A_615 : memref<4x1x8x1x128xf32, #tpu.memory_space<hbm>> -> memref<4x8x128xf32, #tpu.memory_space<hbm>>
        tpu.wait_dma2 semaphore(%arg13 : memref<!tpu.dma_semaphore, #tpu.memory_space<semaphore_mem>>) src(%arg11 : memref<4x8x128xf32, #tpu.memory_space<vmem>>) dst(%dma_wait3A_616 : memref<4x8x128xf32, #tpu.memory_space<hbm>>)
      } else {
      }
      %broadcast_in_dim3A = arith.constant 0 : i32
      %broadcast_in_dim3A_143 = vector.broadcast %broadcast_in_dim3A : i32 to vector<16xi32>
      %mul3A_144 = arith.constant 8 : i32
      %mul3A_145 = arith.muli %scan3A_124, %mul3A_144 : i32
      %add3A_146 = arith.constant 0 : i32
      %add3A_147 = arith.addi %mul3A_145, %add3A_146 : i32
      %add3A_148 = arith.constant 0 : i32
      %add3A_149 = arith.addi %add3A_147, %add3A_148 : i32
      %jit3A_150 = arith.constant 128 : i32
      %div3A_151 = arith.divsi %add3A_149, %jit3A_150 : i32
      %sign3A_152 = arith.constant 0 : i32
      %sign3A_153 = arith.cmpi sgt, %add3A_149, %sign3A_152 : i32
      %sign3A_154 = arith.extui %sign3A_153 : i1 to i32
      %sign3A_155 = arith.constant 0 : i32
      %sign3A_156 = arith.cmpi slt, %add3A_149, %sign3A_155 : i32
      %sign3A_157 = arith.extui %sign3A_156 : i1 to i32
      %sign3A_158 = arith.subi %sign3A_154, %sign3A_157 : i32
      %sign3A_159 = arith.constant 0 : i32
      %sign3A_160 = arith.cmpi sgt, %jit3A_150, %sign3A_159 : i32
      %sign3A_161 = arith.extui %sign3A_160 : i1 to i32
      %sign3A_162 = arith.constant 0 : i32
      %sign3A_163 = arith.cmpi slt, %jit3A_150, %sign3A_162 : i32
      %sign3A_164 = arith.extui %sign3A_163 : i1 to i32
      %sign3A_165 = arith.subi %sign3A_161, %sign3A_164 : i32
      %ne3A_166 = arith.cmpi ne, %sign3A_158, %sign3A_165 : i32
      %rem3A_167 = arith.remsi %add3A_149, %jit3A_150 : i32
      %ne3A_168 = arith.constant 0 : i32
      %ne3A_169 = arith.cmpi ne, %rem3A_167, %ne3A_168 : i32
      %and3A_170 = arith.andi %ne3A_166, %ne3A_169 : i1
      %sub3A_171 = arith.constant 1 : i32
      %sub3A_172 = arith.subi %div3A_151, %sub3A_171 : i32
      %select_n3A_173 = arith.select %and3A_170, %sub3A_172, %div3A_151 : i32
      %broadcast_in_dim3A_174 = vector.broadcast %select_n3A_173 : i32 to vector<16xi32>
      %jit3A_175 = arith.constant 128 : i32
      %eq3A_176 = arith.constant 0 : i32
      %eq3A_177 = arith.cmpi eq, %jit3A_175, %eq3A_176 : i32
      %jit3A_178 = arith.constant 1 : i32
      %select_n3A_179 = arith.select %eq3A_177, %jit3A_178, %jit3A_175 : i32
      %rem3A_180 = arith.remsi %add3A_149, %select_n3A_179 : i32
      %ne3A_181 = arith.constant 0 : i32
      %ne3A_182 = arith.cmpi ne, %rem3A_180, %ne3A_181 : i32
      %lt3A_183 = arith.constant 0 : i32
      %lt3A_184 = arith.cmpi slt, %rem3A_180, %lt3A_183 : i32
      %lt3A_185 = arith.constant 0 : i32
      %lt3A_186 = arith.cmpi slt, %select_n3A_179, %lt3A_185 : i32
      %ne3A_187 = arith.xori %lt3A_184, %lt3A_186 : i1
      %and3A_188 = arith.andi %ne3A_187, %ne3A_182 : i1
      %add3A_189 = arith.addi %rem3A_180, %select_n3A_179 : i32
      %select_n3A_190 = arith.select %and3A_188, %add3A_189, %rem3A_180 : i32
      %broadcast_in_dim3A_191 = vector.broadcast %select_n3A_190 : i32 to vector<16xi32>
      %gather3A = tpu.vector_load_idx %arg10[%broadcast_in_dim3A_174, %broadcast_in_dim3A_191] : memref<8x128xf32, #tpu.memory_space<vmem>>[vector<16xi32>, vector<16xi32>], vector<16xf32>,
      %parallel_loop3A = arith.constant 0 : i32
      %parallel_loop3A_192 = arith.constant 64 : i32
      %parallel_loop3A_193 = arith.constant 1 : i32
      scf.for %parallel_loop3A_609 = %parallel_loop3A to %parallel_loop3A_192 step %parallel_loop3A_193  : i32 {
        %parallel_loop3A_610 = arith.constant 3 : i32
        %parallel_loop3A_611 = arith.shrsi %parallel_loop3A_609, %parallel_loop3A_610 : i32
        %parallel_loop3A_612 = arith.constant 7 : i32
        %parallel_loop3A_613 = arith.andi %parallel_loop3A_609, %parallel_loop3A_612 : i32
        %parallel_loop3A_614 = arith.constant 16 : i32
        %parallel_loop3A_615 = arith.muli %parallel_loop3A_613, %parallel_loop3A_614 : i32
        %parallel_loop3A_616 = arith.constant 0 : i32
        %parallel_loop3A_617 = arith.index_cast %parallel_loop3A_611 : i32 to index
        %parallel_loop3A_618 = arith.index_cast %parallel_loop3A_616 : i32 to index
        %parallel_loop3A_619 = arith.index_cast %parallel_loop3A_615 : i32 to index
        %parallel_loop3A_620 = tpu.vector_load %arg8[%parallel_loop3A_617, %parallel_loop3A_618, %parallel_loop3A_619] {strides = array<i32>} : memref<8x4x128xi32, #tpu.memory_space<vmem>>, vector<16xi32>,
        %parallel_loop3A_621 = tpu.vector_load_idx %arg7[%broadcast_in_dim3A_143, %parallel_loop3A_620] : memref<782x128xf32, #tpu.memory_space<vmem>>[vector<16xi32>, vector<16xi32>], vector<16xf32>,
        %parallel_loop3A_622 = arith.addf %parallel_loop3A_621, %gather3A : vector<16xf32>
        %parallel_loop3A_623 = arith.constant 3 : i32
        %parallel_loop3A_624 = arith.shrsi %parallel_loop3A_609, %parallel_loop3A_623 : i32
        %parallel_loop3A_625 = arith.constant 7 : i32
        %parallel_loop3A_626 = arith.andi %parallel_loop3A_609, %parallel_loop3A_625 : i32
        %parallel_loop3A_627 = arith.constant 16 : i32
        %parallel_loop3A_628 = arith.muli %parallel_loop3A_626, %parallel_loop3A_627 : i32
        %parallel_loop3A_629 = arith.constant 0 : i32
        %parallel_loop3A_630 = arith.index_cast %parallel_loop3A_629 : i32 to index
        %parallel_loop3A_631 = arith.index_cast %parallel_loop3A_624 : i32 to index
        %parallel_loop3A_632 = arith.index_cast %parallel_loop3A_628 : i32 to index
        %parallel_loop3A_633 = tpu.vector_load %arg11[%parallel_loop3A_630, %parallel_loop3A_631, %parallel_loop3A_632] {strides = array<i32>} : memref<4x8x128xf32, #tpu.memory_space<vmem>>, vector<16xf32>,
        tpu.vector_store %arg11[%parallel_loop3A_630, %parallel_loop3A_631, %parallel_loop3A_632], %parallel_loop3A_622 {strides = array<i32>} : memref<4x8x128xf32, #tpu.memory_space<vmem>>, vector<16xf32>,
      } {sc.loop_unroll_factor = 64 : i64, sc.parallel_access}
      %mul3A_194 = arith.constant 8 : i32
      %mul3A_195 = arith.muli %scan3A_124, %mul3A_194 : i32
      %add3A_196 = arith.constant 0 : i32
      %add3A_197 = arith.addi %mul3A_195, %add3A_196 : i32
      %add3A_198 = arith.constant 1 : i32
      %add3A_199 = arith.addi %add3A_197, %add3A_198 : i32
      %jit3A_200 = arith.constant 128 : i32
      %div3A_201 = arith.divsi %add3A_199, %jit3A_200 : i32
      %sign3A_202 = arith.constant 0 : i32
      %sign3A_203 = arith.cmpi sgt, %add3A_199, %sign3A_202 : i32
      %sign3A_204 = arith.extui %sign3A_203 : i1 to i32
      %sign3A_205 = arith.constant 0 : i32
      %sign3A_206 = arith.cmpi slt, %add3A_199, %sign3A_205 : i32
      %sign3A_207 = arith.extui %sign3A_206 : i1 to i32
      %sign3A_208 = arith.subi %sign3A_204, %sign3A_207 : i32
      %sign3A_209 = arith.constant 0 : i32
      %sign3A_210 = arith.cmpi sgt, %jit3A_200, %sign3A_209 : i32
      %sign3A_211 = arith.extui %sign3A_210 : i1 to i32
      %sign3A_212 = arith.constant 0 : i32
      %sign3A_213 = arith.cmpi slt, %jit3A_200, %sign3A_212 : i32
      %sign3A_214 = arith.extui %sign3A_213 : i1 to i32
      %sign3A_215 = arith.subi %sign3A_211, %sign3A_214 : i32
      %ne3A_216 = arith.cmpi ne, %sign3A_208, %sign3A_215 : i32
      %rem3A_217 = arith.remsi %add3A_199, %jit3A_200 : i32
      %ne3A_218 = arith.constant 0 : i32
      %ne3A_219 = arith.cmpi ne, %rem3A_217, %ne3A_218 : i32
      %and3A_220 = arith.andi %ne3A_216, %ne3A_219 : i1
      %sub3A_221 = arith.constant 1 : i32
      %sub3A_222 = arith.subi %div3A_201, %sub3A_221 : i32
      %select_n3A_223 = arith.select %and3A_220, %sub3A_222, %div3A_201 : i32
      %broadcast_in_dim3A_224 = vector.broadcast %select_n3A_223 : i32 to vector<16xi32>
      %jit3A_225 = arith.constant 128 : i32
      %eq3A_226 = arith.constant 0 : i32
      %eq3A_227 = arith.cmpi eq, %jit3A_225, %eq3A_226 : i32
      %jit3A_228 = arith.constant 1 : i32
      %select_n3A_229 = arith.select %eq3A_227, %jit3A_228, %jit3A_225 : i32
      %rem3A_230 = arith.remsi %add3A_199, %select_n3A_229 : i32
      %ne3A_231 = arith.constant 0 : i32
      %ne3A_232 = arith.cmpi ne, %rem3A_230, %ne3A_231 : i32
      %lt3A_233 = arith.constant 0 : i32
      %lt3A_234 = arith.cmpi slt, %rem3A_230, %lt3A_233 : i32
      %lt3A_235 = arith.constant 0 : i32
      %lt3A_236 = arith.cmpi slt, %select_n3A_229, %lt3A_235 : i32
      %ne3A_237 = arith.xori %lt3A_234, %lt3A_236 : i1
      %and3A_238 = arith.andi %ne3A_237, %ne3A_232 : i1
      %add3A_239 = arith.addi %rem3A_230, %select_n3A_229 : i32
      %select_n3A_240 = arith.select %and3A_238, %add3A_239, %rem3A_230 : i32
      %broadcast_in_dim3A_241 = vector.broadcast %select_n3A_240 : i32 to vector<16xi32>
      %gather3A_242 = tpu.vector_load_idx %arg10[%broadcast_in_dim3A_224, %broadcast_in_dim3A_241] : memref<8x128xf32, #tpu.memory_space<vmem>>[vector<16xi32>, vector<16xi32>], vector<16xf32>,
      %parallel_loop3A_243 = arith.constant 0 : i32
      %parallel_loop3A_244 = arith.constant 64 : i32
      %parallel_loop3A_245 = arith.constant 1 : i32
      scf.for %parallel_loop3A_609 = %parallel_loop3A_243 to %parallel_loop3A_244 step %parallel_loop3A_245  : i32 {
        %parallel_loop3A_610 = arith.constant 3 : i32
        %parallel_loop3A_611 = arith.shrsi %parallel_loop3A_609, %parallel_loop3A_610 : i32
        %parallel_loop3A_612 = arith.constant 7 : i32
        %parallel_loop3A_613 = arith.andi %parallel_loop3A_609, %parallel_loop3A_612 : i32
        %parallel_loop3A_614 = arith.constant 16 : i32
        %parallel_loop3A_615 = arith.muli %parallel_loop3A_613, %parallel_loop3A_614 : i32
        %parallel_loop3A_616 = arith.constant 1 : i32
        %parallel_loop3A_617 = arith.index_cast %parallel_loop3A_611 : i32 to index
        %parallel_loop3A_618 = arith.index_cast %parallel_loop3A_616 : i32 to index
        %parallel_loop3A_619 = arith.index_cast %parallel_loop3A_615 : i32 to index
        %parallel_loop3A_620 = tpu.vector_load %arg8[%parallel_loop3A_617, %parallel_loop3A_618, %parallel_loop3A_619] {strides = array<i32>} : memref<8x4x128xi32, #tpu.memory_space<vmem>>, vector<16xi32>,
        %parallel_loop3A_621 = tpu.vector_load_idx %arg7[%broadcast_in_dim3A_143, %parallel_loop3A_620] : memref<782x128xf32, #tpu.memory_space<vmem>>[vector<16xi32>, vector<16xi32>], vector<16xf32>,
        %parallel_loop3A_622 = arith.addf %parallel_loop3A_621, %gather3A_242 : vector<16xf32>
        %parallel_loop3A_623 = arith.constant 3 : i32
        %parallel_loop3A_624 = arith.shrsi %parallel_loop3A_609, %parallel_loop3A_623 : i32
        %parallel_loop3A_625 = arith.constant 7 : i32
        %parallel_loop3A_626 = arith.andi %parallel_loop3A_609, %parallel_loop3A_625 : i32
        %parallel_loop3A_627 = arith.constant 16 : i32
        %parallel_loop3A_628 = arith.muli %parallel_loop3A_626, %parallel_loop3A_627 : i32
        %parallel_loop3A_629 = arith.constant 1 : i32
        %parallel_loop3A_630 = arith.index_cast %parallel_loop3A_629 : i32 to index
        %parallel_loop3A_631 = arith.index_cast %parallel_loop3A_624 : i32 to index
        %parallel_loop3A_632 = arith.index_cast %parallel_loop3A_628 : i32 to index
        %parallel_loop3A_633 = tpu.vector_load %arg11[%parallel_loop3A_630, %parallel_loop3A_631, %parallel_loop3A_632] {strides = array<i32>} : memref<4x8x128xf32, #tpu.memory_space<vmem>>, vector<16xf32>,
        tpu.vector_store %arg11[%parallel_loop3A_630, %parallel_loop3A_631, %parallel_loop3A_632], %parallel_loop3A_622 {strides = array<i32>} : memref<4x8x128xf32, #tpu.memory_space<vmem>>, vector<16xf32>,
      } {sc.loop_unroll_factor = 64 : i64, sc.parallel_access}
      %mul3A_246 = arith.constant 8 : i32
      %mul3A_247 = arith.muli %scan3A_124, %mul3A_246 : i32
      %add3A_248 = arith.constant 0 : i32
      %add3A_249 = arith.addi %mul3A_247, %add3A_248 : i32
      %add3A_250 = arith.constant 2 : i32
      %add3A_251 = arith.addi %add3A_249, %add3A_250 : i32
      %jit3A_252 = arith.constant 128 : i32
      %div3A_253 = arith.divsi %add3A_251, %jit3A_252 : i32
      %sign3A_254 = arith.constant 0 : i32
      %sign3A_255 = arith.cmpi sgt, %add3A_251, %sign3A_254 : i32
      %sign3A_256 = arith.extui %sign3A_255 : i1 to i32
      %sign3A_257 = arith.constant 0 : i32
      %sign3A_258 = arith.cmpi slt, %add3A_251, %sign3A_257 : i32
      %sign3A_259 = arith.extui %sign3A_258 : i1 to i32
      %sign3A_260 = arith.subi %sign3A_256, %sign3A_259 : i32
      %sign3A_261 = arith.constant 0 : i32
      %sign3A_262 = arith.cmpi sgt, %jit3A_252, %sign3A_261 : i32
      %sign3A_263 = arith.extui %sign3A_262 : i1 to i32
      %sign3A_264 = arith.constant 0 : i32
      %sign3A_265 = arith.cmpi slt, %jit3A_252, %sign3A_264 : i32
      %sign3A_266 = arith.extui %sign3A_265 : i1 to i32
      %sign3A_267 = arith.subi %sign3A_263, %sign3A_266 : i32
      %ne3A_268 = arith.cmpi ne, %sign3A_260, %sign3A_267 : i32
      %rem3A_269 = arith.remsi %add3A_251, %jit3A_252 : i32
      %ne3A_270 = arith.constant 0 : i32
      %ne3A_271 = arith.cmpi ne, %rem3A_269, %ne3A_270 : i32
      %and3A_272 = arith.andi %ne3A_268, %ne3A_271 : i1
      %sub3A_273 = arith.constant 1 : i32
      %sub3A_274 = arith.subi %div3A_253, %sub3A_273 : i32
      %select_n3A_275 = arith.select %and3A_272, %sub3A_274, %div3A_253 : i32
      %broadcast_in_dim3A_276 = vector.broadcast %select_n3A_275 : i32 to vector<16xi32>
      %jit3A_277 = arith.constant 128 : i32
      %eq3A_278 = arith.constant 0 : i32
      %eq3A_279 = arith.cmpi eq, %jit3A_277, %eq3A_278 : i32
      %jit3A_280 = arith.constant 1 : i32
      %select_n3A_281 = arith.select %eq3A_279, %jit3A_280, %jit3A_277 : i32
      %rem3A_282 = arith.remsi %add3A_251, %select_n3A_281 : i32
      %ne3A_283 = arith.constant 0 : i32
      %ne3A_284 = arith.cmpi ne, %rem3A_282, %ne3A_283 : i32
      %lt3A_285 = arith.constant 0 : i32
      %lt3A_286 = arith.cmpi slt, %rem3A_282, %lt3A_285 : i32
      %lt3A_287 = arith.constant 0 : i32
      %lt3A_288 = arith.cmpi slt, %select_n3A_281, %lt3A_287 : i32
      %ne3A_289 = arith.xori %lt3A_286, %lt3A_288 : i1
      %and3A_290 = arith.andi %ne3A_289, %ne3A_284 : i1
      %add3A_291 = arith.addi %rem3A_282, %select_n3A_281 : i32
      %select_n3A_292 = arith.select %and3A_290, %add3A_291, %rem3A_282 : i32
      %broadcast_in_dim3A_293 = vector.broadcast %select_n3A_292 : i32 to vector<16xi32>
      %gather3A_294 = tpu.vector_load_idx %arg10[%broadcast_in_dim3A_276, %broadcast_in_dim3A_293] : memref<8x128xf32, #tpu.memory_space<vmem>>[vector<16xi32>, vector<16xi32>], vector<16xf32>,
      %parallel_loop3A_295 = arith.constant 0 : i32
      %parallel_loop3A_296 = arith.constant 64 : i32
      %parallel_loop3A_297 = arith.constant 1 : i32
      scf.for %parallel_loop3A_609 = %parallel_loop3A_295 to %parallel_loop3A_296 step %parallel_loop3A_297  : i32 {
        %parallel_loop3A_610 = arith.constant 3 : i32
        %parallel_loop3A_611 = arith.shrsi %parallel_loop3A_609, %parallel_loop3A_610 : i32
        %parallel_loop3A_612 = arith.constant 7 : i32
        %parallel_loop3A_613 = arith.andi %parallel_loop3A_609, %parallel_loop3A_612 : i32
        %parallel_loop3A_614 = arith.constant 16 : i32
        %parallel_loop3A_615 = arith.muli %parallel_loop3A_613, %parallel_loop3A_614 : i32
        %parallel_loop3A_616 = arith.constant 2 : i32
        %parallel_loop3A_617 = arith.index_cast %parallel_loop3A_611 : i32 to index
        %parallel_loop3A_618 = arith.index_cast %parallel_loop3A_616 : i32 to index
        %parallel_loop3A_619 = arith.index_cast %parallel_loop3A_615 : i32 to index
        %parallel_loop3A_620 = tpu.vector_load %arg8[%parallel_loop3A_617, %parallel_loop3A_618, %parallel_loop3A_619] {strides = array<i32>} : memref<8x4x128xi32, #tpu.memory_space<vmem>>, vector<16xi32>,
        %parallel_loop3A_621 = tpu.vector_load_idx %arg7[%broadcast_in_dim3A_143, %parallel_loop3A_620] : memref<782x128xf32, #tpu.memory_space<vmem>>[vector<16xi32>, vector<16xi32>], vector<16xf32>,
        %parallel_loop3A_622 = arith.addf %parallel_loop3A_621, %gather3A_294 : vector<16xf32>
        %parallel_loop3A_623 = arith.constant 3 : i32
        %parallel_loop3A_624 = arith.shrsi %parallel_loop3A_609, %parallel_loop3A_623 : i32
        %parallel_loop3A_625 = arith.constant 7 : i32
        %parallel_loop3A_626 = arith.andi %parallel_loop3A_609, %parallel_loop3A_625 : i32
        %parallel_loop3A_627 = arith.constant 16 : i32
        %parallel_loop3A_628 = arith.muli %parallel_loop3A_626, %parallel_loop3A_627 : i32
        %parallel_loop3A_629 = arith.constant 2 : i32
        %parallel_loop3A_630 = arith.index_cast %parallel_loop3A_629 : i32 to index
        %parallel_loop3A_631 = arith.index_cast %parallel_loop3A_624 : i32 to index
        %parallel_loop3A_632 = arith.index_cast %parallel_loop3A_628 : i32 to index
        %parallel_loop3A_633 = tpu.vector_load %arg11[%parallel_loop3A_630, %parallel_loop3A_631, %parallel_loop3A_632] {strides = array<i32>} : memref<4x8x128xf32, #tpu.memory_space<vmem>>, vector<16xf32>,
        tpu.vector_store %arg11[%parallel_loop3A_630, %parallel_loop3A_631, %parallel_loop3A_632], %parallel_loop3A_622 {strides = array<i32>} : memref<4x8x128xf32, #tpu.memory_space<vmem>>, vector<16xf32>,
      } {sc.loop_unroll_factor = 64 : i64, sc.parallel_access}
      %mul3A_298 = arith.constant 8 : i32
      %mul3A_299 = arith.muli %scan3A_124, %mul3A_298 : i32
      %add3A_300 = arith.constant 0 : i32
      %add3A_301 = arith.addi %mul3A_299, %add3A_300 : i32
      %add3A_302 = arith.constant 3 : i32
      %add3A_303 = arith.addi %add3A_301, %add3A_302 : i32
      %jit3A_304 = arith.constant 128 : i32
      %div3A_305 = arith.divsi %add3A_303, %jit3A_304 : i32
      %sign3A_306 = arith.constant 0 : i32
      %sign3A_307 = arith.cmpi sgt, %add3A_303, %sign3A_306 : i32
      %sign3A_308 = arith.extui %sign3A_307 : i1 to i32
      %sign3A_309 = arith.constant 0 : i32
      %sign3A_310 = arith.cmpi slt, %add3A_303, %sign3A_309 : i32
      %sign3A_311 = arith.extui %sign3A_310 : i1 to i32
      %sign3A_312 = arith.subi %sign3A_308, %sign3A_311 : i32
      %sign3A_313 = arith.constant 0 : i32
      %sign3A_314 = arith.cmpi sgt, %jit3A_304, %sign3A_313 : i32
      %sign3A_315 = arith.extui %sign3A_314 : i1 to i32
      %sign3A_316 = arith.constant 0 : i32
      %sign3A_317 = arith.cmpi slt, %jit3A_304, %sign3A_316 : i32
      %sign3A_318 = arith.extui %sign3A_317 : i1 to i32
      %sign3A_319 = arith.subi %sign3A_315, %sign3A_318 : i32
      %ne3A_320 = arith.cmpi ne, %sign3A_312, %sign3A_319 : i32
      %rem3A_321 = arith.remsi %add3A_303, %jit3A_304 : i32
      %ne3A_322 = arith.constant 0 : i32
      %ne3A_323 = arith.cmpi ne, %rem3A_321, %ne3A_322 : i32
      %and3A_324 = arith.andi %ne3A_320, %ne3A_323 : i1
      %sub3A_325 = arith.constant 1 : i32
      %sub3A_326 = arith.subi %div3A_305, %sub3A_325 : i32
      %select_n3A_327 = arith.select %and3A_324, %sub3A_326, %div3A_305 : i32
      %broadcast_in_dim3A_328 = vector.broadcast %select_n3A_327 : i32 to vector<16xi32>
      %jit3A_329 = arith.constant 128 : i32
      %eq3A_330 = arith.constant 0 : i32
      %eq3A_331 = arith.cmpi eq, %jit3A_329, %eq3A_330 : i32
      %jit3A_332 = arith.constant 1 : i32
      %select_n3A_333 = arith.select %eq3A_331, %jit3A_332, %jit3A_329 : i32
      %rem3A_334 = arith.remsi %add3A_303, %select_n3A_333 : i32
      %ne3A_335 = arith.constant 0 : i32
      %ne3A_336 = arith.cmpi ne, %rem3A_334, %ne3A_335 : i32
      %lt3A_337 = arith.constant 0 : i32
      %lt3A_338 = arith.cmpi slt, %rem3A_334, %lt3A_337 : i32
      %lt3A_339 = arith.constant 0 : i32
      %lt3A_340 = arith.cmpi slt, %select_n3A_333, %lt3A_339 : i32
      %ne3A_341 = arith.xori %lt3A_338, %lt3A_340 : i1
      %and3A_342 = arith.andi %ne3A_341, %ne3A_336 : i1
      %add3A_343 = arith.addi %rem3A_334, %select_n3A_333 : i32
      %select_n3A_344 = arith.select %and3A_342, %add3A_343, %rem3A_334 : i32
      %broadcast_in_dim3A_345 = vector.broadcast %select_n3A_344 : i32 to vector<16xi32>
      %gather3A_346 = tpu.vector_load_idx %arg10[%broadcast_in_dim3A_328, %broadcast_in_dim3A_345] : memref<8x128xf32, #tpu.memory_space<vmem>>[vector<16xi32>, vector<16xi32>], vector<16xf32>,
      %parallel_loop3A_347 = arith.constant 0 : i32
      %parallel_loop3A_348 = arith.constant 64 : i32
      %parallel_loop3A_349 = arith.constant 1 : i32
      scf.for %parallel_loop3A_609 = %parallel_loop3A_347 to %parallel_loop3A_348 step %parallel_loop3A_349  : i32 {
        %parallel_loop3A_610 = arith.constant 3 : i32
        %parallel_loop3A_611 = arith.shrsi %parallel_loop3A_609, %parallel_loop3A_610 : i32
        %parallel_loop3A_612 = arith.constant 7 : i32
        %parallel_loop3A_613 = arith.andi %parallel_loop3A_609, %parallel_loop3A_612 : i32
        %parallel_loop3A_614 = arith.constant 16 : i32
        %parallel_loop3A_615 = arith.muli %parallel_loop3A_613, %parallel_loop3A_614 : i32
        %parallel_loop3A_616 = arith.constant 3 : i32
        %parallel_loop3A_617 = arith.index_cast %parallel_loop3A_611 : i32 to index
        %parallel_loop3A_618 = arith.index_cast %parallel_loop3A_616 : i32 to index
        %parallel_loop3A_619 = arith.index_cast %parallel_loop3A_615 : i32 to index
        %parallel_loop3A_620 = tpu.vector_load %arg8[%parallel_loop3A_617, %parallel_loop3A_618, %parallel_loop3A_619] {strides = array<i32>} : memref<8x4x128xi32, #tpu.memory_space<vmem>>, vector<16xi32>,
        %parallel_loop3A_621 = tpu.vector_load_idx %arg7[%broadcast_in_dim3A_143, %parallel_loop3A_620] : memref<782x128xf32, #tpu.memory_space<vmem>>[vector<16xi32>, vector<16xi32>], vector<16xf32>,
        %parallel_loop3A_622 = arith.addf %parallel_loop3A_621, %gather3A_346 : vector<16xf32>
        %parallel_loop3A_623 = arith.constant 3 : i32
        %parallel_loop3A_624 = arith.shrsi %parallel_loop3A_609, %parallel_loop3A_623 : i32
        %parallel_loop3A_625 = arith.constant 7 : i32
        %parallel_loop3A_626 = arith.andi %parallel_loop3A_609, %parallel_loop3A_625 : i32
        %parallel_loop3A_627 = arith.constant 16 : i32
        %parallel_loop3A_628 = arith.muli %parallel_loop3A_626, %parallel_loop3A_627 : i32
        %parallel_loop3A_629 = arith.constant 3 : i32
        %parallel_loop3A_630 = arith.index_cast %parallel_loop3A_629 : i32 to index
        %parallel_loop3A_631 = arith.index_cast %parallel_loop3A_624 : i32 to index
        %parallel_loop3A_632 = arith.index_cast %parallel_loop3A_628 : i32 to index
        %parallel_loop3A_633 = tpu.vector_load %arg11[%parallel_loop3A_630, %parallel_loop3A_631, %parallel_loop3A_632] {strides = array<i32>} : memref<4x8x128xf32, #tpu.memory_space<vmem>>, vector<16xf32>,
        tpu.vector_store %arg11[%parallel_loop3A_630, %parallel_loop3A_631, %parallel_loop3A_632], %parallel_loop3A_622 {strides = array<i32>} : memref<4x8x128xf32, #tpu.memory_space<vmem>>, vector<16xf32>,
      } {sc.loop_unroll_factor = 64 : i64, sc.parallel_access}
      %dma_start3A_350 = arith.constant 0 : i32
      %dma_start3A_351 = arith.constant 0 : i32
      %dma_start3A_352 = tpu.memref_slice %arg5[%add3A_128, %add3A_35, %dma_start3A_350, %select_n3A_28, %dma_start3A_351] : memref<200x8x8x8x128xf32, #tpu.memory_space<hbm>> -> memref<4x1x8x1x128xf32, #tpu.memory_space<hbm>>
      %dma_start3A_353 = tpu.memref_squeeze %dma_start3A_352 : memref<4x1x8x1x128xf32, #tpu.memory_space<hbm>> -> memref<4x8x128xf32, #tpu.memory_space<hbm>>
      %dma_start3A_354 = arith.constant 0 : i32
      %dma_start3A_355 = arith.constant 0 : i32
      %dma_start3A_356 = tpu.memref_slice %arg5[%add3A_128, %add3A_35, %dma_start3A_354, %select_n3A_28, %dma_start3A_355] : memref<200x8x8x8x128xf32, #tpu.memory_space<hbm>> -> memref<4x1x8x1x128xf32, #tpu.memory_space<hbm>>
      %dma_start3A_357 = tpu.memref_squeeze %dma_start3A_356 : memref<4x1x8x1x128xf32, #tpu.memory_space<hbm>> -> memref<4x8x128xf32, #tpu.memory_space<hbm>>
      tpu.enqueue_dma source(%arg11 : memref<4x8x128xf32, #tpu.memory_space<vmem>>) target(%dma_start3A_357 : memref<4x8x128xf32, #tpu.memory_space<hbm>>) target_semaphore(%arg13 : memref<!tpu.dma_semaphore, #tpu.memory_space<semaphore_mem>>)
      %add3A_358 = arith.constant 1 : i32
      %add3A_359 = arith.addi %scan3A_124, %add3A_358 : i32
      %lt3A_360 = arith.constant 25 : i32
      %lt3A_361 = arith.cmpi slt, %add3A_359, %lt3A_360 : i32
      %convert_element_type3A_362 = arith.extui %lt3A_361 : i1 to i32
      %cond3A_363 = arith.constant 0 : i32
      %cond3A_364 = arith.cmpi ne, %convert_element_type3A_362, %cond3A_363 : i32
      scf.if %cond3A_364 {
        %add3A_609 = arith.constant 1 : i32
        %add3A_610 = arith.addi %scan3A_124, %add3A_609 : i32
        %dma_start3A_611 = arith.constant 0 : i32
        %dma_start3A_612 = arith.constant 0 : i32
        %dma_start3A_613 = arith.constant 0 : i32
        %dma_start3A_614 = tpu.memref_slice %arg6[%add3A_610, %dma_start3A_611, %dma_start3A_612, %dma_start3A_613] : memref<25x8x8x128xi32, #tpu.memory_space<vmem_shared>> -> memref<1x8x4x128xi32, #tpu.memory_space<vmem_shared>>
        %dma_start3A_615 = tpu.memref_squeeze %dma_start3A_614 : memref<1x8x4x128xi32, #tpu.memory_space<vmem_shared>> -> memref<8x4x128xi32, #tpu.memory_space<vmem_shared>>
        %dma_start3A_616 = arith.constant 0 : i32
        %dma_start3A_617 = arith.constant 0 : i32
        %dma_start3A_618 = arith.constant 0 : i32
        %dma_start3A_619 = tpu.memref_slice %arg6[%add3A_610, %dma_start3A_616, %dma_start3A_617, %dma_start3A_618] : memref<25x8x8x128xi32, #tpu.memory_space<vmem_shared>> -> memref<1x8x4x128xi32, #tpu.memory_space<vmem_shared>>
        %dma_start3A_620 = tpu.memref_squeeze %dma_start3A_619 : memref<1x8x4x128xi32, #tpu.memory_space<vmem_shared>> -> memref<8x4x128xi32, #tpu.memory_space<vmem_shared>>
        tpu.enqueue_dma source(%dma_start3A_620 : memref<8x4x128xi32, #tpu.memory_space<vmem_shared>>) target(%arg8 : memref<8x4x128xi32, #tpu.memory_space<vmem>>) target_semaphore(%arg15 : memref<!tpu.dma_semaphore, #tpu.memory_space<semaphore_mem>>)
      } else {
      }
      %mul3A_365 = arith.constant 8 : i32
      %mul3A_366 = arith.muli %scan3A_124, %mul3A_365 : i32
      %add3A_367 = arith.constant 4 : i32
      %add3A_368 = arith.addi %mul3A_366, %add3A_367 : i32
      %dma_wait3A_369 = arith.constant 0 : i32
      %dma_wait3A_370 = arith.constant 4 : i32
      %dma_wait3A_371 = arith.constant 0 : i32
      %dma_wait3A_372 = tpu.memref_slice %arg6[%scan3A_124, %dma_wait3A_369, %dma_wait3A_370, %dma_wait3A_371] : memref<25x8x8x128xi32, #tpu.memory_space<vmem_shared>> -> memref<1x8x4x128xi32, #tpu.memory_space<vmem_shared>>
      %dma_wait3A_373 = tpu.memref_squeeze %dma_wait3A_372 : memref<1x8x4x128xi32, #tpu.memory_space<vmem_shared>> -> memref<8x4x128xi32, #tpu.memory_space<vmem_shared>>
      %dma_wait3A_374 = arith.constant 0 : i32
      %dma_wait3A_375 = arith.constant 4 : i32
      %dma_wait3A_376 = arith.constant 0 : i32
      %dma_wait3A_377 = tpu.memref_slice %arg6[%scan3A_124, %dma_wait3A_374, %dma_wait3A_375, %dma_wait3A_376] : memref<25x8x8x128xi32, #tpu.memory_space<vmem_shared>> -> memref<1x8x4x128xi32, #tpu.memory_space<vmem_shared>>
      %dma_wait3A_378 = tpu.memref_squeeze %dma_wait3A_377 : memref<1x8x4x128xi32, #tpu.memory_space<vmem_shared>> -> memref<8x4x128xi32, #tpu.memory_space<vmem_shared>>
      tpu.wait_dma2 semaphore(%arg16 : memref<!tpu.dma_semaphore, #tpu.memory_space<semaphore_mem>>) src(%dma_wait3A_378 : memref<8x4x128xi32, #tpu.memory_space<vmem_shared>>) dst(%arg9 : memref<8x4x128xi32, #tpu.memory_space<vmem>>)
      %ge3A_379 = arith.constant 1 : i32
      %ge3A_380 = arith.cmpi sge, %scan3A_124, %ge3A_379 : i32
      %convert_element_type3A_381 = arith.extui %ge3A_380 : i1 to i32
      %cond3A_382 = arith.constant 0 : i32
      %cond3A_383 = arith.cmpi ne, %convert_element_type3A_381, %cond3A_382 : i32
      scf.if %cond3A_383 {
        %dma_wait3A_609 = arith.constant 0 : i32
        %dma_wait3A_610 = arith.constant 0 : i32
        %dma_wait3A_611 = tpu.memref_slice %arg5[%add3A_368, %add3A_35, %dma_wait3A_609, %select_n3A_28, %dma_wait3A_610] : memref<200x8x8x8x128xf32, #tpu.memory_space<hbm>> -> memref<4x1x8x1x128xf32, #tpu.memory_space<hbm>>
        %dma_wait3A_612 = tpu.memref_squeeze %dma_wait3A_611 : memref<4x1x8x1x128xf32, #tpu.memory_space<hbm>> -> memref<4x8x128xf32, #tpu.memory_space<hbm>>
        %dma_wait3A_613 = arith.constant 0 : i32
        %dma_wait3A_614 = arith.constant 0 : i32
        %dma_wait3A_615 = tpu.memref_slice %arg5[%add3A_368, %add3A_35, %dma_wait3A_613, %select_n3A_28, %dma_wait3A_614] : memref<200x8x8x8x128xf32, #tpu.memory_space<hbm>> -> memref<4x1x8x1x128xf32, #tpu.memory_space<hbm>>
        %dma_wait3A_616 = tpu.memref_squeeze %dma_wait3A_615 : memref<4x1x8x1x128xf32, #tpu.memory_space<hbm>> -> memref<4x8x128xf32, #tpu.memory_space<hbm>>
        tpu.wait_dma2 semaphore(%arg14 : memref<!tpu.dma_semaphore, #tpu.memory_space<semaphore_mem>>) src(%arg12 : memref<4x8x128xf32, #tpu.memory_space<vmem>>) dst(%dma_wait3A_616 : memref<4x8x128xf32, #tpu.memory_space<hbm>>)
      } else {
      }
      %broadcast_in_dim3A_384 = arith.constant 0 : i32
      %broadcast_in_dim3A_385 = vector.broadcast %broadcast_in_dim3A_384 : i32 to vector<16xi32>
      %mul3A_386 = arith.constant 8 : i32
      %mul3A_387 = arith.muli %scan3A_124, %mul3A_386 : i32
      %add3A_388 = arith.constant 4 : i32
      %add3A_389 = arith.addi %mul3A_387, %add3A_388 : i32
      %add3A_390 = arith.constant 0 : i32
      %add3A_391 = arith.addi %add3A_389, %add3A_390 : i32
      %jit3A_392 = arith.constant 128 : i32
      %div3A_393 = arith.divsi %add3A_391, %jit3A_392 : i32
      %sign3A_394 = arith.constant 0 : i32
      %sign3A_395 = arith.cmpi sgt, %add3A_391, %sign3A_394 : i32
      %sign3A_396 = arith.extui %sign3A_395 : i1 to i32
      %sign3A_397 = arith.constant 0 : i32
      %sign3A_398 = arith.cmpi slt, %add3A_391, %sign3A_397 : i32
      %sign3A_399 = arith.extui %sign3A_398 : i1 to i32
      %sign3A_400 = arith.subi %sign3A_396, %sign3A_399 : i32
      %sign3A_401 = arith.constant 0 : i32
      %sign3A_402 = arith.cmpi sgt, %jit3A_392, %sign3A_401 : i32
      %sign3A_403 = arith.extui %sign3A_402 : i1 to i32
      %sign3A_404 = arith.constant 0 : i32
      %sign3A_405 = arith.cmpi slt, %jit3A_392, %sign3A_404 : i32
      %sign3A_406 = arith.extui %sign3A_405 : i1 to i32
      %sign3A_407 = arith.subi %sign3A_403, %sign3A_406 : i32
      %ne3A_408 = arith.cmpi ne, %sign3A_400, %sign3A_407 : i32
      %rem3A_409 = arith.remsi %add3A_391, %jit3A_392 : i32
      %ne3A_410 = arith.constant 0 : i32
      %ne3A_411 = arith.cmpi ne, %rem3A_409, %ne3A_410 : i32
      %and3A_412 = arith.andi %ne3A_408, %ne3A_411 : i1
      %sub3A_413 = arith.constant 1 : i32
      %sub3A_414 = arith.subi %div3A_393, %sub3A_413 : i32
      %select_n3A_415 = arith.select %and3A_412, %sub3A_414, %div3A_393 : i32
      %broadcast_in_dim3A_416 = vector.broadcast %select_n3A_415 : i32 to vector<16xi32>
      %jit3A_417 = arith.constant 128 : i32
      %eq3A_418 = arith.constant 0 : i32
      %eq3A_419 = arith.cmpi eq, %jit3A_417, %eq3A_418 : i32
      %jit3A_420 = arith.constant 1 : i32
      %select_n3A_421 = arith.select %eq3A_419, %jit3A_420, %jit3A_417 : i32
      %rem3A_422 = arith.remsi %add3A_391, %select_n3A_421 : i32
      %ne3A_423 = arith.constant 0 : i32
      %ne3A_424 = arith.cmpi ne, %rem3A_422, %ne3A_423 : i32
      %lt3A_425 = arith.constant 0 : i32
      %lt3A_426 = arith.cmpi slt, %rem3A_422, %lt3A_425 : i32
      %lt3A_427 = arith.constant 0 : i32
      %lt3A_428 = arith.cmpi slt, %select_n3A_421, %lt3A_427 : i32
      %ne3A_429 = arith.xori %lt3A_426, %lt3A_428 : i1
      %and3A_430 = arith.andi %ne3A_429, %ne3A_424 : i1
      %add3A_431 = arith.addi %rem3A_422, %select_n3A_421 : i32
      %select_n3A_432 = arith.select %and3A_430, %add3A_431, %rem3A_422 : i32
      %broadcast_in_dim3A_433 = vector.broadcast %select_n3A_432 : i32 to vector<16xi32>
      %gather3A_434 = tpu.vector_load_idx %arg10[%broadcast_in_dim3A_416, %broadcast_in_dim3A_433] : memref<8x128xf32, #tpu.memory_space<vmem>>[vector<16xi32>, vector<16xi32>], vector<16xf32>,
      %parallel_loop3A_435 = arith.constant 0 : i32
      %parallel_loop3A_436 = arith.constant 64 : i32
      %parallel_loop3A_437 = arith.constant 1 : i32
      scf.for %parallel_loop3A_609 = %parallel_loop3A_435 to %parallel_loop3A_436 step %parallel_loop3A_437  : i32 {
        %parallel_loop3A_610 = arith.constant 3 : i32
        %parallel_loop3A_611 = arith.shrsi %parallel_loop3A_609, %parallel_loop3A_610 : i32
        %parallel_loop3A_612 = arith.constant 7 : i32
        %parallel_loop3A_613 = arith.andi %parallel_loop3A_609, %parallel_loop3A_612 : i32
        %parallel_loop3A_614 = arith.constant 16 : i32
        %parallel_loop3A_615 = arith.muli %parallel_loop3A_613, %parallel_loop3A_614 : i32
        %parallel_loop3A_616 = arith.constant 0 : i32
        %parallel_loop3A_617 = arith.index_cast %parallel_loop3A_611 : i32 to index
        %parallel_loop3A_618 = arith.index_cast %parallel_loop3A_616 : i32 to index
        %parallel_loop3A_619 = arith.index_cast %parallel_loop3A_615 : i32 to index
        %parallel_loop3A_620 = tpu.vector_load %arg9[%parallel_loop3A_617, %parallel_loop3A_618, %parallel_loop3A_619] {strides = array<i32>} : memref<8x4x128xi32, #tpu.memory_space<vmem>>, vector<16xi32>,
        %parallel_loop3A_621 = tpu.vector_load_idx %arg7[%broadcast_in_dim3A_385, %parallel_loop3A_620] : memref<782x128xf32, #tpu.memory_space<vmem>>[vector<16xi32>, vector<16xi32>], vector<16xf32>,
        %parallel_loop3A_622 = arith.addf %parallel_loop3A_621, %gather3A_434 : vector<16xf32>
        %parallel_loop3A_623 = arith.constant 3 : i32
        %parallel_loop3A_624 = arith.shrsi %parallel_loop3A_609, %parallel_loop3A_623 : i32
        %parallel_loop3A_625 = arith.constant 7 : i32
        %parallel_loop3A_626 = arith.andi %parallel_loop3A_609, %parallel_loop3A_625 : i32
        %parallel_loop3A_627 = arith.constant 16 : i32
        %parallel_loop3A_628 = arith.muli %parallel_loop3A_626, %parallel_loop3A_627 : i32
        %parallel_loop3A_629 = arith.constant 0 : i32
        %parallel_loop3A_630 = arith.index_cast %parallel_loop3A_629 : i32 to index
        %parallel_loop3A_631 = arith.index_cast %parallel_loop3A_624 : i32 to index
        %parallel_loop3A_632 = arith.index_cast %parallel_loop3A_628 : i32 to index
        %parallel_loop3A_633 = tpu.vector_load %arg12[%parallel_loop3A_630, %parallel_loop3A_631, %parallel_loop3A_632] {strides = array<i32>} : memref<4x8x128xf32, #tpu.memory_space<vmem>>, vector<16xf32>,
        tpu.vector_store %arg12[%parallel_loop3A_630, %parallel_loop3A_631, %parallel_loop3A_632], %parallel_loop3A_622 {strides = array<i32>} : memref<4x8x128xf32, #tpu.memory_space<vmem>>, vector<16xf32>,
      } {sc.loop_unroll_factor = 64 : i64, sc.parallel_access}
      %mul3A_438 = arith.constant 8 : i32
      %mul3A_439 = arith.muli %scan3A_124, %mul3A_438 : i32
      %add3A_440 = arith.constant 4 : i32
      %add3A_441 = arith.addi %mul3A_439, %add3A_440 : i32
      %add3A_442 = arith.constant 1 : i32
      %add3A_443 = arith.addi %add3A_441, %add3A_442 : i32
      %jit3A_444 = arith.constant 128 : i32
      %div3A_445 = arith.divsi %add3A_443, %jit3A_444 : i32
      %sign3A_446 = arith.constant 0 : i32
      %sign3A_447 = arith.cmpi sgt, %add3A_443, %sign3A_446 : i32
      %sign3A_448 = arith.extui %sign3A_447 : i1 to i32
      %sign3A_449 = arith.constant 0 : i32
      %sign3A_450 = arith.cmpi slt, %add3A_443, %sign3A_449 : i32
      %sign3A_451 = arith.extui %sign3A_450 : i1 to i32
      %sign3A_452 = arith.subi %sign3A_448, %sign3A_451 : i32
      %sign3A_453 = arith.constant 0 : i32
      %sign3A_454 = arith.cmpi sgt, %jit3A_444, %sign3A_453 : i32
      %sign3A_455 = arith.extui %sign3A_454 : i1 to i32
      %sign3A_456 = arith.constant 0 : i32
      %sign3A_457 = arith.cmpi slt, %jit3A_444, %sign3A_456 : i32
      %sign3A_458 = arith.extui %sign3A_457 : i1 to i32
      %sign3A_459 = arith.subi %sign3A_455, %sign3A_458 : i32
      %ne3A_460 = arith.cmpi ne, %sign3A_452, %sign3A_459 : i32
      %rem3A_461 = arith.remsi %add3A_443, %jit3A_444 : i32
      %ne3A_462 = arith.constant 0 : i32
      %ne3A_463 = arith.cmpi ne, %rem3A_461, %ne3A_462 : i32
      %and3A_464 = arith.andi %ne3A_460, %ne3A_463 : i1
      %sub3A_465 = arith.constant 1 : i32
      %sub3A_466 = arith.subi %div3A_445, %sub3A_465 : i32
      %select_n3A_467 = arith.select %and3A_464, %sub3A_466, %div3A_445 : i32
      %broadcast_in_dim3A_468 = vector.broadcast %select_n3A_467 : i32 to vector<16xi32>
      %jit3A_469 = arith.constant 128 : i32
      %eq3A_470 = arith.constant 0 : i32
      %eq3A_471 = arith.cmpi eq, %jit3A_469, %eq3A_470 : i32
      %jit3A_472 = arith.constant 1 : i32
      %select_n3A_473 = arith.select %eq3A_471, %jit3A_472, %jit3A_469 : i32
      %rem3A_474 = arith.remsi %add3A_443, %select_n3A_473 : i32
      %ne3A_475 = arith.constant 0 : i32
      %ne3A_476 = arith.cmpi ne, %rem3A_474, %ne3A_475 : i32
      %lt3A_477 = arith.constant 0 : i32
      %lt3A_478 = arith.cmpi slt, %rem3A_474, %lt3A_477 : i32
      %lt3A_479 = arith.constant 0 : i32
      %lt3A_480 = arith.cmpi slt, %select_n3A_473, %lt3A_479 : i32
      %ne3A_481 = arith.xori %lt3A_478, %lt3A_480 : i1
      %and3A_482 = arith.andi %ne3A_481, %ne3A_476 : i1
      %add3A_483 = arith.addi %rem3A_474, %select_n3A_473 : i32
      %select_n3A_484 = arith.select %and3A_482, %add3A_483, %rem3A_474 : i32
      %broadcast_in_dim3A_485 = vector.broadcast %select_n3A_484 : i32 to vector<16xi32>
      %gather3A_486 = tpu.vector_load_idx %arg10[%broadcast_in_dim3A_468, %broadcast_in_dim3A_485] : memref<8x128xf32, #tpu.memory_space<vmem>>[vector<16xi32>, vector<16xi32>], vector<16xf32>,
      %parallel_loop3A_487 = arith.constant 0 : i32
      %parallel_loop3A_488 = arith.constant 64 : i32
      %parallel_loop3A_489 = arith.constant 1 : i32
      scf.for %parallel_loop3A_609 = %parallel_loop3A_487 to %parallel_loop3A_488 step %parallel_loop3A_489  : i32 {
        %parallel_loop3A_610 = arith.constant 3 : i32
        %parallel_loop3A_611 = arith.shrsi %parallel_loop3A_609, %parallel_loop3A_610 : i32
        %parallel_loop3A_612 = arith.constant 7 : i32
        %parallel_loop3A_613 = arith.andi %parallel_loop3A_609, %parallel_loop3A_612 : i32
        %parallel_loop3A_614 = arith.constant 16 : i32
        %parallel_loop3A_615 = arith.muli %parallel_loop3A_613, %parallel_loop3A_614 : i32
        %parallel_loop3A_616 = arith.constant 1 : i32
        %parallel_loop3A_617 = arith.index_cast %parallel_loop3A_611 : i32 to index
        %parallel_loop3A_618 = arith.index_cast %parallel_loop3A_616 : i32 to index
        %parallel_loop3A_619 = arith.index_cast %parallel_loop3A_615 : i32 to index
        %parallel_loop3A_620 = tpu.vector_load %arg9[%parallel_loop3A_617, %parallel_loop3A_618, %parallel_loop3A_619] {strides = array<i32>} : memref<8x4x128xi32, #tpu.memory_space<vmem>>, vector<16xi32>,
        %parallel_loop3A_621 = tpu.vector_load_idx %arg7[%broadcast_in_dim3A_385, %parallel_loop3A_620] : memref<782x128xf32, #tpu.memory_space<vmem>>[vector<16xi32>, vector<16xi32>], vector<16xf32>,
        %parallel_loop3A_622 = arith.addf %parallel_loop3A_621, %gather3A_486 : vector<16xf32>
        %parallel_loop3A_623 = arith.constant 3 : i32
        %parallel_loop3A_624 = arith.shrsi %parallel_loop3A_609, %parallel_loop3A_623 : i32
        %parallel_loop3A_625 = arith.constant 7 : i32
        %parallel_loop3A_626 = arith.andi %parallel_loop3A_609, %parallel_loop3A_625 : i32
        %parallel_loop3A_627 = arith.constant 16 : i32
        %parallel_loop3A_628 = arith.muli %parallel_loop3A_626, %parallel_loop3A_627 : i32
        %parallel_loop3A_629 = arith.constant 1 : i32
        %parallel_loop3A_630 = arith.index_cast %parallel_loop3A_629 : i32 to index
        %parallel_loop3A_631 = arith.index_cast %parallel_loop3A_624 : i32 to index
        %parallel_loop3A_632 = arith.index_cast %parallel_loop3A_628 : i32 to index
        %parallel_loop3A_633 = tpu.vector_load %arg12[%parallel_loop3A_630, %parallel_loop3A_631, %parallel_loop3A_632] {strides = array<i32>} : memref<4x8x128xf32, #tpu.memory_space<vmem>>, vector<16xf32>,
        tpu.vector_store %arg12[%parallel_loop3A_630, %parallel_loop3A_631, %parallel_loop3A_632], %parallel_loop3A_622 {strides = array<i32>} : memref<4x8x128xf32, #tpu.memory_space<vmem>>, vector<16xf32>,
      } {sc.loop_unroll_factor = 64 : i64, sc.parallel_access}
      %mul3A_490 = arith.constant 8 : i32
      %mul3A_491 = arith.muli %scan3A_124, %mul3A_490 : i32
      %add3A_492 = arith.constant 4 : i32
      %add3A_493 = arith.addi %mul3A_491, %add3A_492 : i32
      %add3A_494 = arith.constant 2 : i32
      %add3A_495 = arith.addi %add3A_493, %add3A_494 : i32
      %jit3A_496 = arith.constant 128 : i32
      %div3A_497 = arith.divsi %add3A_495, %jit3A_496 : i32
      %sign3A_498 = arith.constant 0 : i32
      %sign3A_499 = arith.cmpi sgt, %add3A_495, %sign3A_498 : i32
      %sign3A_500 = arith.extui %sign3A_499 : i1 to i32
      %sign3A_501 = arith.constant 0 : i32
      %sign3A_502 = arith.cmpi slt, %add3A_495, %sign3A_501 : i32
      %sign3A_503 = arith.extui %sign3A_502 : i1 to i32
      %sign3A_504 = arith.subi %sign3A_500, %sign3A_503 : i32
      %sign3A_505 = arith.constant 0 : i32
      %sign3A_506 = arith.cmpi sgt, %jit3A_496, %sign3A_505 : i32
      %sign3A_507 = arith.extui %sign3A_506 : i1 to i32
      %sign3A_508 = arith.constant 0 : i32
      %sign3A_509 = arith.cmpi slt, %jit3A_496, %sign3A_508 : i32
      %sign3A_510 = arith.extui %sign3A_509 : i1 to i32
      %sign3A_511 = arith.subi %sign3A_507, %sign3A_510 : i32
      %ne3A_512 = arith.cmpi ne, %sign3A_504, %sign3A_511 : i32
      %rem3A_513 = arith.remsi %add3A_495, %jit3A_496 : i32
      %ne3A_514 = arith.constant 0 : i32
      %ne3A_515 = arith.cmpi ne, %rem3A_513, %ne3A_514 : i32
      %and3A_516 = arith.andi %ne3A_512, %ne3A_515 : i1
      %sub3A_517 = arith.constant 1 : i32
      %sub3A_518 = arith.subi %div3A_497, %sub3A_517 : i32
      %select_n3A_519 = arith.select %and3A_516, %sub3A_518, %div3A_497 : i32
      %broadcast_in_dim3A_520 = vector.broadcast %select_n3A_519 : i32 to vector<16xi32>
      %jit3A_521 = arith.constant 128 : i32
      %eq3A_522 = arith.constant 0 : i32
      %eq3A_523 = arith.cmpi eq, %jit3A_521, %eq3A_522 : i32
      %jit3A_524 = arith.constant 1 : i32
      %select_n3A_525 = arith.select %eq3A_523, %jit3A_524, %jit3A_521 : i32
      %rem3A_526 = arith.remsi %add3A_495, %select_n3A_525 : i32
      %ne3A_527 = arith.constant 0 : i32
      %ne3A_528 = arith.cmpi ne, %rem3A_526, %ne3A_527 : i32
      %lt3A_529 = arith.constant 0 : i32
      %lt3A_530 = arith.cmpi slt, %rem3A_526, %lt3A_529 : i32
      %lt3A_531 = arith.constant 0 : i32
      %lt3A_532 = arith.cmpi slt, %select_n3A_525, %lt3A_531 : i32
      %ne3A_533 = arith.xori %lt3A_530, %lt3A_532 : i1
      %and3A_534 = arith.andi %ne3A_533, %ne3A_528 : i1
      %add3A_535 = arith.addi %rem3A_526, %select_n3A_525 : i32
      %select_n3A_536 = arith.select %and3A_534, %add3A_535, %rem3A_526 : i32
      %broadcast_in_dim3A_537 = vector.broadcast %select_n3A_536 : i32 to vector<16xi32>
      %gather3A_538 = tpu.vector_load_idx %arg10[%broadcast_in_dim3A_520, %broadcast_in_dim3A_537] : memref<8x128xf32, #tpu.memory_space<vmem>>[vector<16xi32>, vector<16xi32>], vector<16xf32>,
      %parallel_loop3A_539 = arith.constant 0 : i32
      %parallel_loop3A_540 = arith.constant 64 : i32
      %parallel_loop3A_541 = arith.constant 1 : i32
      scf.for %parallel_loop3A_609 = %parallel_loop3A_539 to %parallel_loop3A_540 step %parallel_loop3A_541  : i32 {
        %parallel_loop3A_610 = arith.constant 3 : i32
        %parallel_loop3A_611 = arith.shrsi %parallel_loop3A_609, %parallel_loop3A_610 : i32
        %parallel_loop3A_612 = arith.constant 7 : i32
        %parallel_loop3A_613 = arith.andi %parallel_loop3A_609, %parallel_loop3A_612 : i32
        %parallel_loop3A_614 = arith.constant 16 : i32
        %parallel_loop3A_615 = arith.muli %parallel_loop3A_613, %parallel_loop3A_614 : i32
        %parallel_loop3A_616 = arith.constant 2 : i32
        %parallel_loop3A_617 = arith.index_cast %parallel_loop3A_611 : i32 to index
        %parallel_loop3A_618 = arith.index_cast %parallel_loop3A_616 : i32 to index
        %parallel_loop3A_619 = arith.index_cast %parallel_loop3A_615 : i32 to index
        %parallel_loop3A_620 = tpu.vector_load %arg9[%parallel_loop3A_617, %parallel_loop3A_618, %parallel_loop3A_619] {strides = array<i32>} : memref<8x4x128xi32, #tpu.memory_space<vmem>>, vector<16xi32>,
        %parallel_loop3A_621 = tpu.vector_load_idx %arg7[%broadcast_in_dim3A_385, %parallel_loop3A_620] : memref<782x128xf32, #tpu.memory_space<vmem>>[vector<16xi32>, vector<16xi32>], vector<16xf32>,
        %parallel_loop3A_622 = arith.addf %parallel_loop3A_621, %gather3A_538 : vector<16xf32>
        %parallel_loop3A_623 = arith.constant 3 : i32
        %parallel_loop3A_624 = arith.shrsi %parallel_loop3A_609, %parallel_loop3A_623 : i32
        %parallel_loop3A_625 = arith.constant 7 : i32
        %parallel_loop3A_626 = arith.andi %parallel_loop3A_609, %parallel_loop3A_625 : i32
        %parallel_loop3A_627 = arith.constant 16 : i32
        %parallel_loop3A_628 = arith.muli %parallel_loop3A_626, %parallel_loop3A_627 : i32
        %parallel_loop3A_629 = arith.constant 2 : i32
        %parallel_loop3A_630 = arith.index_cast %parallel_loop3A_629 : i32 to index
        %parallel_loop3A_631 = arith.index_cast %parallel_loop3A_624 : i32 to index
        %parallel_loop3A_632 = arith.index_cast %parallel_loop3A_628 : i32 to index
        %parallel_loop3A_633 = tpu.vector_load %arg12[%parallel_loop3A_630, %parallel_loop3A_631, %parallel_loop3A_632] {strides = array<i32>} : memref<4x8x128xf32, #tpu.memory_space<vmem>>, vector<16xf32>,
        tpu.vector_store %arg12[%parallel_loop3A_630, %parallel_loop3A_631, %parallel_loop3A_632], %parallel_loop3A_622 {strides = array<i32>} : memref<4x8x128xf32, #tpu.memory_space<vmem>>, vector<16xf32>,
      } {sc.loop_unroll_factor = 64 : i64, sc.parallel_access}
      %mul3A_542 = arith.constant 8 : i32
      %mul3A_543 = arith.muli %scan3A_124, %mul3A_542 : i32
      %add3A_544 = arith.constant 4 : i32
      %add3A_545 = arith.addi %mul3A_543, %add3A_544 : i32
      %add3A_546 = arith.constant 3 : i32
      %add3A_547 = arith.addi %add3A_545, %add3A_546 : i32
      %jit3A_548 = arith.constant 128 : i32
      %div3A_549 = arith.divsi %add3A_547, %jit3A_548 : i32
      %sign3A_550 = arith.constant 0 : i32
      %sign3A_551 = arith.cmpi sgt, %add3A_547, %sign3A_550 : i32
      %sign3A_552 = arith.extui %sign3A_551 : i1 to i32
      %sign3A_553 = arith.constant 0 : i32
      %sign3A_554 = arith.cmpi slt, %add3A_547, %sign3A_553 : i32
      %sign3A_555 = arith.extui %sign3A_554 : i1 to i32
      %sign3A_556 = arith.subi %sign3A_552, %sign3A_555 : i32
      %sign3A_557 = arith.constant 0 : i32
      %sign3A_558 = arith.cmpi sgt, %jit3A_548, %sign3A_557 : i32
      %sign3A_559 = arith.extui %sign3A_558 : i1 to i32
      %sign3A_560 = arith.constant 0 : i32
      %sign3A_561 = arith.cmpi slt, %jit3A_548, %sign3A_560 : i32
      %sign3A_562 = arith.extui %sign3A_561 : i1 to i32
      %sign3A_563 = arith.subi %sign3A_559, %sign3A_562 : i32
      %ne3A_564 = arith.cmpi ne, %sign3A_556, %sign3A_563 : i32
      %rem3A_565 = arith.remsi %add3A_547, %jit3A_548 : i32
      %ne3A_566 = arith.constant 0 : i32
      %ne3A_567 = arith.cmpi ne, %rem3A_565, %ne3A_566 : i32
      %and3A_568 = arith.andi %ne3A_564, %ne3A_567 : i1
      %sub3A_569 = arith.constant 1 : i32
      %sub3A_570 = arith.subi %div3A_549, %sub3A_569 : i32
      %select_n3A_571 = arith.select %and3A_568, %sub3A_570, %div3A_549 : i32
      %broadcast_in_dim3A_572 = vector.broadcast %select_n3A_571 : i32 to vector<16xi32>
      %jit3A_573 = arith.constant 128 : i32
      %eq3A_574 = arith.constant 0 : i32
      %eq3A_575 = arith.cmpi eq, %jit3A_573, %eq3A_574 : i32
      %jit3A_576 = arith.constant 1 : i32
      %select_n3A_577 = arith.select %eq3A_575, %jit3A_576, %jit3A_573 : i32
      %rem3A_578 = arith.remsi %add3A_547, %select_n3A_577 : i32
      %ne3A_579 = arith.constant 0 : i32
      %ne3A_580 = arith.cmpi ne, %rem3A_578, %ne3A_579 : i32
      %lt3A_581 = arith.constant 0 : i32
      %lt3A_582 = arith.cmpi slt, %rem3A_578, %lt3A_581 : i32
      %lt3A_583 = arith.constant 0 : i32
      %lt3A_584 = arith.cmpi slt, %select_n3A_577, %lt3A_583 : i32
      %ne3A_585 = arith.xori %lt3A_582, %lt3A_584 : i1
      %and3A_586 = arith.andi %ne3A_585, %ne3A_580 : i1
      %add3A_587 = arith.addi %rem3A_578, %select_n3A_577 : i32
      %select_n3A_588 = arith.select %and3A_586, %add3A_587, %rem3A_578 : i32
      %broadcast_in_dim3A_589 = vector.broadcast %select_n3A_588 : i32 to vector<16xi32>
      %gather3A_590 = tpu.vector_load_idx %arg10[%broadcast_in_dim3A_572, %broadcast_in_dim3A_589] : memref<8x128xf32, #tpu.memory_space<vmem>>[vector<16xi32>, vector<16xi32>], vector<16xf32>,
      %parallel_loop3A_591 = arith.constant 0 : i32
      %parallel_loop3A_592 = arith.constant 64 : i32
      %parallel_loop3A_593 = arith.constant 1 : i32
      scf.for %parallel_loop3A_609 = %parallel_loop3A_591 to %parallel_loop3A_592 step %parallel_loop3A_593  : i32 {
        %parallel_loop3A_610 = arith.constant 3 : i32
        %parallel_loop3A_611 = arith.shrsi %parallel_loop3A_609, %parallel_loop3A_610 : i32
        %parallel_loop3A_612 = arith.constant 7 : i32
        %parallel_loop3A_613 = arith.andi %parallel_loop3A_609, %parallel_loop3A_612 : i32
        %parallel_loop3A_614 = arith.constant 16 : i32
        %parallel_loop3A_615 = arith.muli %parallel_loop3A_613, %parallel_loop3A_614 : i32
        %parallel_loop3A_616 = arith.constant 3 : i32
        %parallel_loop3A_617 = arith.index_cast %parallel_loop3A_611 : i32 to index
        %parallel_loop3A_618 = arith.index_cast %parallel_loop3A_616 : i32 to index
        %parallel_loop3A_619 = arith.index_cast %parallel_loop3A_615 : i32 to index
        %parallel_loop3A_620 = tpu.vector_load %arg9[%parallel_loop3A_617, %parallel_loop3A_618, %parallel_loop3A_619] {strides = array<i32>} : memref<8x4x128xi32, #tpu.memory_space<vmem>>, vector<16xi32>,
        %parallel_loop3A_621 = tpu.vector_load_idx %arg7[%broadcast_in_dim3A_385, %parallel_loop3A_620] : memref<782x128xf32, #tpu.memory_space<vmem>>[vector<16xi32>, vector<16xi32>], vector<16xf32>,
        %parallel_loop3A_622 = arith.addf %parallel_loop3A_621, %gather3A_590 : vector<16xf32>
        %parallel_loop3A_623 = arith.constant 3 : i32
        %parallel_loop3A_624 = arith.shrsi %parallel_loop3A_609, %parallel_loop3A_623 : i32
        %parallel_loop3A_625 = arith.constant 7 : i32
        %parallel_loop3A_626 = arith.andi %parallel_loop3A_609, %parallel_loop3A_625 : i32
        %parallel_loop3A_627 = arith.constant 16 : i32
        %parallel_loop3A_628 = arith.muli %parallel_loop3A_626, %parallel_loop3A_627 : i32
        %parallel_loop3A_629 = arith.constant 3 : i32
        %parallel_loop3A_630 = arith.index_cast %parallel_loop3A_629 : i32 to index
        %parallel_loop3A_631 = arith.index_cast %parallel_loop3A_624 : i32 to index
        %parallel_loop3A_632 = arith.index_cast %parallel_loop3A_628 : i32 to index
        %parallel_loop3A_633 = tpu.vector_load %arg12[%parallel_loop3A_630, %parallel_loop3A_631, %parallel_loop3A_632] {strides = array<i32>} : memref<4x8x128xf32, #tpu.memory_space<vmem>>, vector<16xf32>,
        tpu.vector_store %arg12[%parallel_loop3A_630, %parallel_loop3A_631, %parallel_loop3A_632], %parallel_loop3A_622 {strides = array<i32>} : memref<4x8x128xf32, #tpu.memory_space<vmem>>, vector<16xf32>,
      } {sc.loop_unroll_factor = 64 : i64, sc.parallel_access}
      %dma_start3A_594 = arith.constant 0 : i32
      %dma_start3A_595 = arith.constant 0 : i32
      %dma_start3A_596 = tpu.memref_slice %arg5[%add3A_368, %add3A_35, %dma_start3A_594, %select_n3A_28, %dma_start3A_595] : memref<200x8x8x8x128xf32, #tpu.memory_space<hbm>> -> memref<4x1x8x1x128xf32, #tpu.memory_space<hbm>>
      %dma_start3A_597 = tpu.memref_squeeze %dma_start3A_596 : memref<4x1x8x1x128xf32, #tpu.memory_space<hbm>> -> memref<4x8x128xf32, #tpu.memory_space<hbm>>
      %dma_start3A_598 = arith.constant 0 : i32
      %dma_start3A_599 = arith.constant 0 : i32
      %dma_start3A_600 = tpu.memref_slice %arg5[%add3A_368, %add3A_35, %dma_start3A_598, %select_n3A_28, %dma_start3A_599] : memref<200x8x8x8x128xf32, #tpu.memory_space<hbm>> -> memref<4x1x8x1x128xf32, #tpu.memory_space<hbm>>
      %dma_start3A_601 = tpu.memref_squeeze %dma_start3A_600 : memref<4x1x8x1x128xf32, #tpu.memory_space<hbm>> -> memref<4x8x128xf32, #tpu.memory_space<hbm>>
      tpu.enqueue_dma source(%arg12 : memref<4x8x128xf32, #tpu.memory_space<vmem>>) target(%dma_start3A_601 : memref<4x8x128xf32, #tpu.memory_space<hbm>>) target_semaphore(%arg14 : memref<!tpu.dma_semaphore, #tpu.memory_space<semaphore_mem>>)
      %add3A_602 = arith.constant 1 : i32
      %add3A_603 = arith.addi %scan3A_124, %add3A_602 : i32
      %lt3A_604 = arith.constant 25 : i32
      %lt3A_605 = arith.cmpi slt, %add3A_603, %lt3A_604 : i32
      %convert_element_type3A_606 = arith.extui %lt3A_605 : i1 to i32
      %cond3A_607 = arith.constant 0 : i32
      %cond3A_608 = arith.cmpi ne, %convert_element_type3A_606, %cond3A_607 : i32
      scf.if %cond3A_608 {
        %add3A_609 = arith.constant 1 : i32
        %add3A_610 = arith.addi %scan3A_124, %add3A_609 : i32
        %dma_start3A_611 = arith.constant 0 : i32
        %dma_start3A_612 = arith.constant 4 : i32
        %dma_start3A_613 = arith.constant 0 : i32
        %dma_start3A_614 = tpu.memref_slice %arg6[%add3A_610, %dma_start3A_611, %dma_start3A_612, %dma_start3A_613] : memref<25x8x8x128xi32, #tpu.memory_space<vmem_shared>> -> memref<1x8x4x128xi32, #tpu.memory_space<vmem_shared>>
        %dma_start3A_615 = tpu.memref_squeeze %dma_start3A_614 : memref<1x8x4x128xi32, #tpu.memory_space<vmem_shared>> -> memref<8x4x128xi32, #tpu.memory_space<vmem_shared>>
        %dma_start3A_616 = arith.constant 0 : i32
        %dma_start3A_617 = arith.constant 4 : i32
        %dma_start3A_618 = arith.constant 0 : i32
        %dma_start3A_619 = tpu.memref_slice %arg6[%add3A_610, %dma_start3A_616, %dma_start3A_617, %dma_start3A_618] : memref<25x8x8x128xi32, #tpu.memory_space<vmem_shared>> -> memref<1x8x4x128xi32, #tpu.memory_space<vmem_shared>>
        %dma_start3A_620 = tpu.memref_squeeze %dma_start3A_619 : memref<1x8x4x128xi32, #tpu.memory_space<vmem_shared>> -> memref<8x4x128xi32, #tpu.memory_space<vmem_shared>>
        tpu.enqueue_dma source(%dma_start3A_620 : memref<8x4x128xi32, #tpu.memory_space<vmem_shared>>) target(%arg9 : memref<8x4x128xi32, #tpu.memory_space<vmem>>) target_semaphore(%arg16 : memref<!tpu.dma_semaphore, #tpu.memory_space<semaphore_mem>>)
      } else {
      }
    }
    %scan3A_64 = arith.constant 25 : i32
    %mul3A_65 = arith.constant 2 : i32
    %mul3A_66 = arith.muli %mul3A_65, %arg0 : i32
    %add3A_67 = arith.constant 4 : i32
    %add3A_68 = arith.addi %add3A_67, %mul3A_66 : i32
    %add3A_69 = arith.addi %add3A_68, %select_n3A : i32
    %mul3A_70 = arith.constant 8 : i32
    %mul3A_71 = arith.muli %mul3A_70, %add3A_69 : i32
    %add3A_72 = arith.addi %mul3A_71, %select_n3A_28 : i32
    "tpu.region"() ({
      %run_scoped3A = tpu.sem_alloc : memref<!tpu.dma_semaphore, #tpu.memory_space<semaphore_mem>>
      %dma_start3A_124 = arith.constant 0 : i32
      %dma_start3A_125 = arith.constant 0 : i32
      %dma_start3A_126 = tpu.memref_slice %arg3[%add3A_72, %dma_start3A_124, %dma_start3A_125] : memref<64x782x128xf32, #tpu.memory_space<hbm>> -> memref<1x782x128xf32, #tpu.memory_space<hbm>>
      %dma_start3A_127 = tpu.memref_squeeze %dma_start3A_126 : memref<1x782x128xf32, #tpu.memory_space<hbm>> -> memref<782x128xf32, #tpu.memory_space<hbm>>
      %dma_start3A_128 = arith.constant 0 : i32
      %dma_start3A_129 = arith.constant 0 : i32
      %dma_start3A_130 = tpu.memref_slice %arg3[%add3A_72, %dma_start3A_128, %dma_start3A_129] : memref<64x782x128xf32, #tpu.memory_space<hbm>> -> memref<1x782x128xf32, #tpu.memory_space<hbm>>
      %dma_start3A_131 = tpu.memref_squeeze %dma_start3A_130 : memref<1x782x128xf32, #tpu.memory_space<hbm>> -> memref<782x128xf32, #tpu.memory_space<hbm>>
      tpu.enqueue_dma source(%dma_start3A_131 : memref<782x128xf32, #tpu.memory_space<hbm>>) target(%arg7 : memref<782x128xf32, #tpu.memory_space<vmem>>) target_semaphore(%run_scoped3A : memref<!tpu.dma_semaphore, #tpu.memory_space<semaphore_mem>>)
      %dma_wait3A_132 = arith.constant 0 : i32
      %dma_wait3A_133 = arith.constant 0 : i32
      %dma_wait3A_134 = tpu.memref_slice %arg3[%add3A_72, %dma_wait3A_132, %dma_wait3A_133] : memref<64x782x128xf32, #tpu.memory_space<hbm>> -> memref<1x782x128xf32, #tpu.memory_space<hbm>>
      %dma_wait3A_135 = tpu.memref_squeeze %dma_wait3A_134 : memref<1x782x128xf32, #tpu.memory_space<hbm>> -> memref<782x128xf32, #tpu.memory_space<hbm>>
      %dma_wait3A_136 = arith.constant 0 : i32
      %dma_wait3A_137 = arith.constant 0 : i32
      %dma_wait3A_138 = tpu.memref_slice %arg3[%add3A_72, %dma_wait3A_136, %dma_wait3A_137] : memref<64x782x128xf32, #tpu.memory_space<hbm>> -> memref<1x782x128xf32, #tpu.memory_space<hbm>>
      %dma_wait3A_139 = tpu.memref_squeeze %dma_wait3A_138 : memref<1x782x128xf32, #tpu.memory_space<hbm>> -> memref<782x128xf32, #tpu.memory_space<hbm>>
      tpu.wait_dma2 semaphore(%run_scoped3A : memref<!tpu.dma_semaphore, #tpu.memory_space<semaphore_mem>>) src(%dma_wait3A_139 : memref<782x128xf32, #tpu.memory_space<hbm>>) dst(%arg7 : memref<782x128xf32, #tpu.memory_space<vmem>>)
      tpu.yield
    }) : () -> ()
    "tpu.region"() ({
      %run_scoped3A = tpu.sem_alloc : memref<!tpu.dma_semaphore, #tpu.memory_space<semaphore_mem>>
      %dma_start3A_124 = arith.constant 0 : i32
      %dma_start3A_125 = arith.constant 0 : i32
      %dma_start3A_126 = tpu.memref_slice %arg4[%add3A_72, %dma_start3A_124, %dma_start3A_125] : memref<64x8x128xf32, #tpu.memory_space<hbm>> -> memref<1x8x128xf32, #tpu.memory_space<hbm>>
      %dma_start3A_127 = tpu.memref_squeeze %dma_start3A_126 : memref<1x8x128xf32, #tpu.memory_space<hbm>> -> memref<8x128xf32, #tpu.memory_space<hbm>>
      %dma_start3A_128 = arith.constant 0 : i32
      %dma_start3A_129 = arith.constant 0 : i32
      %dma_start3A_130 = tpu.memref_slice %arg4[%add3A_72, %dma_start3A_128, %dma_start3A_129] : memref<64x8x128xf32, #tpu.memory_space<hbm>> -> memref<1x8x128xf32, #tpu.memory_space<hbm>>
      %dma_start3A_131 = tpu.memref_squeeze %dma_start3A_130 : memref<1x8x128xf32, #tpu.memory_space<hbm>> -> memref<8x128xf32, #tpu.memory_space<hbm>>
      tpu.enqueue_dma source(%dma_start3A_131 : memref<8x128xf32, #tpu.memory_space<hbm>>) target(%arg10 : memref<8x128xf32, #tpu.memory_space<vmem>>) target_semaphore(%run_scoped3A : memref<!tpu.dma_semaphore, #tpu.memory_space<semaphore_mem>>)
      %dma_wait3A_132 = arith.constant 0 : i32
      %dma_wait3A_133 = arith.constant 0 : i32
      %dma_wait3A_134 = tpu.memref_slice %arg4[%add3A_72, %dma_wait3A_132, %dma_wait3A_133] : memref<64x8x128xf32, #tpu.memory_space<hbm>> -> memref<1x8x128xf32, #tpu.memory_space<hbm>>
      %dma_wait3A_135 = tpu.memref_squeeze %dma_wait3A_134 : memref<1x8x128xf32, #tpu.memory_space<hbm>> -> memref<8x128xf32, #tpu.memory_space<hbm>>
      %dma_wait3A_136 = arith.constant 0 : i32
      %dma_wait3A_137 = arith.constant 0 : i32
      %dma_wait3A_138 = tpu.memref_slice %arg4[%add3A_72, %dma_wait3A_136, %dma_wait3A_137] : memref<64x8x128xf32, #tpu.memory_space<hbm>> -> memref<1x8x128xf32, #tpu.memory_space<hbm>>
      %dma_wait3A_139 = tpu.memref_squeeze %dma_wait3A_138 : memref<1x8x128xf32, #tpu.memory_space<hbm>> -> memref<8x128xf32, #tpu.memory_space<hbm>>
      tpu.wait_dma2 semaphore(%run_scoped3A : memref<!tpu.dma_semaphore, #tpu.memory_space<semaphore_mem>>) src(%dma_wait3A_139 : memref<8x128xf32, #tpu.memory_space<hbm>>) dst(%arg10 : memref<8x128xf32, #tpu.memory_space<vmem>>)
      tpu.yield
    }) : () -> ()
    %dma_start3A_73 = arith.constant 0 : i32
    %dma_start3A_74 = arith.constant 0 : i32
    %dma_start3A_75 = arith.constant 0 : i32
    %dma_start3A_76 = arith.constant 0 : i32
    %dma_start3A_77 = tpu.memref_slice %arg6[%dma_start3A_73, %dma_start3A_74, %dma_start3A_75, %dma_start3A_76] : memref<25x8x8x128xi32, #tpu.memory_space<vmem_shared>> -> memref<1x8x4x128xi32, #tpu.memory_space<vmem_shared>>
    %dma_start3A_78 = tpu.memref_squeeze %dma_start3A_77 : memref<1x8x4x128xi32, #tpu.memory_space<vmem_shared>> -> memref<8x4x128xi32, #tpu.memory_space<vmem_shared>>
    %dma_start3A_79 = arith.constant 0 : i32
    %dma_start3A_80 = arith.constant 0 : i32
    %dma_start3A_81 = arith.constant 0 : i32
    %dma_start3A_82 = tpu.memref_slice %arg6[%dma_start3A_73, %dma_start3A_79, %dma_start3A_80, %dma_start3A_81] : memref<25x8x8x128xi32, #tpu.memory_space<vmem_shared>> -> memref<1x8x4x128xi32, #tpu.memory_space<vmem_shared>>
    %dma_start3A_83 = tpu.memref_squeeze %dma_start3A_82 : memref<1x8x4x128xi32, #tpu.memory_space<vmem_shared>> -> memref<8x4x128xi32, #tpu.memory_space<vmem_shared>>
    tpu.enqueue_dma source(%dma_start3A_83 : memref<8x4x128xi32, #tpu.memory_space<vmem_shared>>) target(%arg8 : memref<8x4x128xi32, #tpu.memory_space<vmem>>) target_semaphore(%arg15 : memref<!tpu.dma_semaphore, #tpu.memory_space<semaphore_mem>>)
    %dma_start3A_84 = arith.constant 0 : i32
    %dma_start3A_85 = arith.constant 0 : i32
    %dma_start3A_86 = arith.constant 4 : i32
    %dma_start3A_87 = arith.constant 0 : i32
    %dma_start3A_88 = tpu.memref_slice %arg6[%dma_start3A_84, %dma_start3A_85, %dma_start3A_86, %dma_start3A_87] : memref<25x8x8x128xi32, #tpu.memory_space<vmem_shared>> -> memref<1x8x4x128xi32, #tpu.memory_space<vmem_shared>>
    %dma_start3A_89 = tpu.memref_squeeze %dma_start3A_88 : memref<1x8x4x128xi32, #tpu.memory_space<vmem_shared>> -> memref<8x4x128xi32, #tpu.memory_space<vmem_shared>>
    %dma_start3A_90 = arith.constant 0 : i32
    %dma_start3A_91 = arith.constant 4 : i32
    %dma_start3A_92 = arith.constant 0 : i32
    %dma_start3A_93 = tpu.memref_slice %arg6[%dma_start3A_84, %dma_start3A_90, %dma_start3A_91, %dma_start3A_92] : memref<25x8x8x128xi32, #tpu.memory_space<vmem_shared>> -> memref<1x8x4x128xi32, #tpu.memory_space<vmem_shared>>
    %dma_start3A_94 = tpu.memref_squeeze %dma_start3A_93 : memref<1x8x4x128xi32, #tpu.memory_space<vmem_shared>> -> memref<8x4x128xi32, #tpu.memory_space<vmem_shared>>
    tpu.enqueue_dma source(%dma_start3A_94 : memref<8x4x128xi32, #tpu.memory_space<vmem_shared>>) target(%arg9 : memref<8x4x128xi32, #tpu.memory_space<vmem>>) target_semaphore(%arg16 : memref<!tpu.dma_semaphore, #tpu.memory_space<semaphore_mem>>)
    %scan3A_95 = arith.constant 0 : i32
    %scan3A_96 = arith.constant 0 : i32
    %scan3A_97 = arith.constant 25 : i32
    %scan3A_98 = arith.addi %scan3A_96, %scan3A_97 : i32
    %scan3A_99 = arith.constant 1 : i32
    scf.for %scan3A_124 = %scan3A_96 to %scan3A_98 step %scan3A_99  : i32 {
      %mul3A_125 = arith.constant 8 : i32
      %mul3A_126 = arith.muli %scan3A_124, %mul3A_125 : i32
      %add3A_127 = arith.constant 0 : i32
      %add3A_128 = arith.addi %mul3A_126, %add3A_127 : i32
      %dma_wait3A_129 = arith.constant 0 : i32
      %dma_wait3A_130 = arith.constant 0 : i32
      %dma_wait3A_131 = arith.constant 0 : i32
      %dma_wait3A_132 = tpu.memref_slice %arg6[%scan3A_124, %dma_wait3A_129, %dma_wait3A_130, %dma_wait3A_131] : memref<25x8x8x128xi32, #tpu.memory_space<vmem_shared>> -> memref<1x8x4x128xi32, #tpu.memory_space<vmem_shared>>
      %dma_wait3A_133 = tpu.memref_squeeze %dma_wait3A_132 : memref<1x8x4x128xi32, #tpu.memory_space<vmem_shared>> -> memref<8x4x128xi32, #tpu.memory_space<vmem_shared>>
      %dma_wait3A_134 = arith.constant 0 : i32
      %dma_wait3A_135 = arith.constant 0 : i32
      %dma_wait3A_136 = arith.constant 0 : i32
      %dma_wait3A_137 = tpu.memref_slice %arg6[%scan3A_124, %dma_wait3A_134, %dma_wait3A_135, %dma_wait3A_136] : memref<25x8x8x128xi32, #tpu.memory_space<vmem_shared>> -> memref<1x8x4x128xi32, #tpu.memory_space<vmem_shared>>
      %dma_wait3A_138 = tpu.memref_squeeze %dma_wait3A_137 : memref<1x8x4x128xi32, #tpu.memory_space<vmem_shared>> -> memref<8x4x128xi32, #tpu.memory_space<vmem_shared>>
      tpu.wait_dma2 semaphore(%arg15 : memref<!tpu.dma_semaphore, #tpu.memory_space<semaphore_mem>>) src(%dma_wait3A_138 : memref<8x4x128xi32, #tpu.memory_space<vmem_shared>>) dst(%arg8 : memref<8x4x128xi32, #tpu.memory_space<vmem>>)
      %dma_wait3A_139 = arith.constant 0 : i32
      %dma_wait3A_140 = arith.constant 0 : i32
      %dma_wait3A_141 = tpu.memref_slice %arg5[%add3A_128, %add3A_69, %dma_wait3A_139, %select_n3A_28, %dma_wait3A_140] : memref<200x8x8x8x128xf32, #tpu.memory_space<hbm>> -> memref<4x1x8x1x128xf32, #tpu.memory_space<hbm>>
      %dma_wait3A_142 = tpu.memref_squeeze %dma_wait3A_141 : memref<4x1x8x1x128xf32, #tpu.memory_space<hbm>> -> memref<4x8x128xf32, #tpu.memory_space<hbm>>
      %dma_wait3A_143 = arith.constant 0 : i32
      %dma_wait3A_144 = arith.constant 0 : i32
      %dma_wait3A_145 = tpu.memref_slice %arg5[%add3A_128, %add3A_69, %dma_wait3A_143, %select_n3A_28, %dma_wait3A_144] : memref<200x8x8x8x128xf32, #tpu.memory_space<hbm>> -> memref<4x1x8x1x128xf32, #tpu.memory_space<hbm>>
      %dma_wait3A_146 = tpu.memref_squeeze %dma_wait3A_145 : memref<4x1x8x1x128xf32, #tpu.memory_space<hbm>> -> memref<4x8x128xf32, #tpu.memory_space<hbm>>
      tpu.wait_dma2 semaphore(%arg13 : memref<!tpu.dma_semaphore, #tpu.memory_space<semaphore_mem>>) src(%arg11 : memref<4x8x128xf32, #tpu.memory_space<vmem>>) dst(%dma_wait3A_146 : memref<4x8x128xf32, #tpu.memory_space<hbm>>)
      %broadcast_in_dim3A = arith.constant 0 : i32
      %broadcast_in_dim3A_147 = vector.broadcast %broadcast_in_dim3A : i32 to vector<16xi32>
      %mul3A_148 = arith.constant 8 : i32
      %mul3A_149 = arith.muli %scan3A_124, %mul3A_148 : i32
      %add3A_150 = arith.constant 0 : i32
      %add3A_151 = arith.addi %mul3A_149, %add3A_150 : i32
      %add3A_152 = arith.constant 0 : i32
      %add3A_153 = arith.addi %add3A_151, %add3A_152 : i32
      %jit3A_154 = arith.constant 128 : i32
      %div3A_155 = arith.divsi %add3A_153, %jit3A_154 : i32
      %sign3A_156 = arith.constant 0 : i32
      %sign3A_157 = arith.cmpi sgt, %add3A_153, %sign3A_156 : i32
      %sign3A_158 = arith.extui %sign3A_157 : i1 to i32
      %sign3A_159 = arith.constant 0 : i32
      %sign3A_160 = arith.cmpi slt, %add3A_153, %sign3A_159 : i32
      %sign3A_161 = arith.extui %sign3A_160 : i1 to i32
      %sign3A_162 = arith.subi %sign3A_158, %sign3A_161 : i32
      %sign3A_163 = arith.constant 0 : i32
      %sign3A_164 = arith.cmpi sgt, %jit3A_154, %sign3A_163 : i32
      %sign3A_165 = arith.extui %sign3A_164 : i1 to i32
      %sign3A_166 = arith.constant 0 : i32
      %sign3A_167 = arith.cmpi slt, %jit3A_154, %sign3A_166 : i32
      %sign3A_168 = arith.extui %sign3A_167 : i1 to i32
      %sign3A_169 = arith.subi %sign3A_165, %sign3A_168 : i32
      %ne3A_170 = arith.cmpi ne, %sign3A_162, %sign3A_169 : i32
      %rem3A_171 = arith.remsi %add3A_153, %jit3A_154 : i32
      %ne3A_172 = arith.constant 0 : i32
      %ne3A_173 = arith.cmpi ne, %rem3A_171, %ne3A_172 : i32
      %and3A_174 = arith.andi %ne3A_170, %ne3A_173 : i1
      %sub3A_175 = arith.constant 1 : i32
      %sub3A_176 = arith.subi %div3A_155, %sub3A_175 : i32
      %select_n3A_177 = arith.select %and3A_174, %sub3A_176, %div3A_155 : i32
      %broadcast_in_dim3A_178 = vector.broadcast %select_n3A_177 : i32 to vector<16xi32>
      %jit3A_179 = arith.constant 128 : i32
      %eq3A_180 = arith.constant 0 : i32
      %eq3A_181 = arith.cmpi eq, %jit3A_179, %eq3A_180 : i32
      %jit3A_182 = arith.constant 1 : i32
      %select_n3A_183 = arith.select %eq3A_181, %jit3A_182, %jit3A_179 : i32
      %rem3A_184 = arith.remsi %add3A_153, %select_n3A_183 : i32
      %ne3A_185 = arith.constant 0 : i32
      %ne3A_186 = arith.cmpi ne, %rem3A_184, %ne3A_185 : i32
      %lt3A_187 = arith.constant 0 : i32
      %lt3A_188 = arith.cmpi slt, %rem3A_184, %lt3A_187 : i32
      %lt3A_189 = arith.constant 0 : i32
      %lt3A_190 = arith.cmpi slt, %select_n3A_183, %lt3A_189 : i32
      %ne3A_191 = arith.xori %lt3A_188, %lt3A_190 : i1
      %and3A_192 = arith.andi %ne3A_191, %ne3A_186 : i1
      %add3A_193 = arith.addi %rem3A_184, %select_n3A_183 : i32
      %select_n3A_194 = arith.select %and3A_192, %add3A_193, %rem3A_184 : i32
      %broadcast_in_dim3A_195 = vector.broadcast %select_n3A_194 : i32 to vector<16xi32>
      %gather3A = tpu.vector_load_idx %arg10[%broadcast_in_dim3A_178, %broadcast_in_dim3A_195] : memref<8x128xf32, #tpu.memory_space<vmem>>[vector<16xi32>, vector<16xi32>], vector<16xf32>,
      %parallel_loop3A = arith.constant 0 : i32
      %parallel_loop3A_196 = arith.constant 64 : i32
      %parallel_loop3A_197 = arith.constant 1 : i32
      scf.for %parallel_loop3A_616 = %parallel_loop3A to %parallel_loop3A_196 step %parallel_loop3A_197  : i32 {
        %parallel_loop3A_617 = arith.constant 3 : i32
        %parallel_loop3A_618 = arith.shrsi %parallel_loop3A_616, %parallel_loop3A_617 : i32
        %parallel_loop3A_619 = arith.constant 7 : i32
        %parallel_loop3A_620 = arith.andi %parallel_loop3A_616, %parallel_loop3A_619 : i32
        %parallel_loop3A_621 = arith.constant 16 : i32
        %parallel_loop3A_622 = arith.muli %parallel_loop3A_620, %parallel_loop3A_621 : i32
        %parallel_loop3A_623 = arith.constant 0 : i32
        %parallel_loop3A_624 = arith.index_cast %parallel_loop3A_618 : i32 to index
        %parallel_loop3A_625 = arith.index_cast %parallel_loop3A_623 : i32 to index
        %parallel_loop3A_626 = arith.index_cast %parallel_loop3A_622 : i32 to index
        %parallel_loop3A_627 = tpu.vector_load %arg8[%parallel_loop3A_624, %parallel_loop3A_625, %parallel_loop3A_626] {strides = array<i32>} : memref<8x4x128xi32, #tpu.memory_space<vmem>>, vector<16xi32>,
        %parallel_loop3A_628 = tpu.vector_load_idx %arg7[%broadcast_in_dim3A_147, %parallel_loop3A_627] : memref<782x128xf32, #tpu.memory_space<vmem>>[vector<16xi32>, vector<16xi32>], vector<16xf32>,
        %parallel_loop3A_629 = arith.addf %parallel_loop3A_628, %gather3A : vector<16xf32>
        %parallel_loop3A_630 = arith.constant 3 : i32
        %parallel_loop3A_631 = arith.shrsi %parallel_loop3A_616, %parallel_loop3A_630 : i32
        %parallel_loop3A_632 = arith.constant 7 : i32
        %parallel_loop3A_633 = arith.andi %parallel_loop3A_616, %parallel_loop3A_632 : i32
        %parallel_loop3A_634 = arith.constant 16 : i32
        %parallel_loop3A_635 = arith.muli %parallel_loop3A_633, %parallel_loop3A_634 : i32
        %parallel_loop3A_636 = arith.constant 0 : i32
        %parallel_loop3A_637 = arith.index_cast %parallel_loop3A_636 : i32 to index
        %parallel_loop3A_638 = arith.index_cast %parallel_loop3A_631 : i32 to index
        %parallel_loop3A_639 = arith.index_cast %parallel_loop3A_635 : i32 to index
        %parallel_loop3A_640 = tpu.vector_load %arg11[%parallel_loop3A_637, %parallel_loop3A_638, %parallel_loop3A_639] {strides = array<i32>} : memref<4x8x128xf32, #tpu.memory_space<vmem>>, vector<16xf32>,
        tpu.vector_store %arg11[%parallel_loop3A_637, %parallel_loop3A_638, %parallel_loop3A_639], %parallel_loop3A_629 {strides = array<i32>} : memref<4x8x128xf32, #tpu.memory_space<vmem>>, vector<16xf32>,
      } {sc.loop_unroll_factor = 64 : i64, sc.parallel_access}
      %mul3A_198 = arith.constant 8 : i32
      %mul3A_199 = arith.muli %scan3A_124, %mul3A_198 : i32
      %add3A_200 = arith.constant 0 : i32
      %add3A_201 = arith.addi %mul3A_199, %add3A_200 : i32
      %add3A_202 = arith.constant 1 : i32
      %add3A_203 = arith.addi %add3A_201, %add3A_202 : i32
      %jit3A_204 = arith.constant 128 : i32
      %div3A_205 = arith.divsi %add3A_203, %jit3A_204 : i32
      %sign3A_206 = arith.constant 0 : i32
      %sign3A_207 = arith.cmpi sgt, %add3A_203, %sign3A_206 : i32
      %sign3A_208 = arith.extui %sign3A_207 : i1 to i32
      %sign3A_209 = arith.constant 0 : i32
      %sign3A_210 = arith.cmpi slt, %add3A_203, %sign3A_209 : i32
      %sign3A_211 = arith.extui %sign3A_210 : i1 to i32
      %sign3A_212 = arith.subi %sign3A_208, %sign3A_211 : i32
      %sign3A_213 = arith.constant 0 : i32
      %sign3A_214 = arith.cmpi sgt, %jit3A_204, %sign3A_213 : i32
      %sign3A_215 = arith.extui %sign3A_214 : i1 to i32
      %sign3A_216 = arith.constant 0 : i32
      %sign3A_217 = arith.cmpi slt, %jit3A_204, %sign3A_216 : i32
      %sign3A_218 = arith.extui %sign3A_217 : i1 to i32
      %sign3A_219 = arith.subi %sign3A_215, %sign3A_218 : i32
      %ne3A_220 = arith.cmpi ne, %sign3A_212, %sign3A_219 : i32
      %rem3A_221 = arith.remsi %add3A_203, %jit3A_204 : i32
      %ne3A_222 = arith.constant 0 : i32
      %ne3A_223 = arith.cmpi ne, %rem3A_221, %ne3A_222 : i32
      %and3A_224 = arith.andi %ne3A_220, %ne3A_223 : i1
      %sub3A_225 = arith.constant 1 : i32
      %sub3A_226 = arith.subi %div3A_205, %sub3A_225 : i32
      %select_n3A_227 = arith.select %and3A_224, %sub3A_226, %div3A_205 : i32
      %broadcast_in_dim3A_228 = vector.broadcast %select_n3A_227 : i32 to vector<16xi32>
      %jit3A_229 = arith.constant 128 : i32
      %eq3A_230 = arith.constant 0 : i32
      %eq3A_231 = arith.cmpi eq, %jit3A_229, %eq3A_230 : i32
      %jit3A_232 = arith.constant 1 : i32
      %select_n3A_233 = arith.select %eq3A_231, %jit3A_232, %jit3A_229 : i32
      %rem3A_234 = arith.remsi %add3A_203, %select_n3A_233 : i32
      %ne3A_235 = arith.constant 0 : i32
      %ne3A_236 = arith.cmpi ne, %rem3A_234, %ne3A_235 : i32
      %lt3A_237 = arith.constant 0 : i32
      %lt3A_238 = arith.cmpi slt, %rem3A_234, %lt3A_237 : i32
      %lt3A_239 = arith.constant 0 : i32
      %lt3A_240 = arith.cmpi slt, %select_n3A_233, %lt3A_239 : i32
      %ne3A_241 = arith.xori %lt3A_238, %lt3A_240 : i1
      %and3A_242 = arith.andi %ne3A_241, %ne3A_236 : i1
      %add3A_243 = arith.addi %rem3A_234, %select_n3A_233 : i32
      %select_n3A_244 = arith.select %and3A_242, %add3A_243, %rem3A_234 : i32
      %broadcast_in_dim3A_245 = vector.broadcast %select_n3A_244 : i32 to vector<16xi32>
      %gather3A_246 = tpu.vector_load_idx %arg10[%broadcast_in_dim3A_228, %broadcast_in_dim3A_245] : memref<8x128xf32, #tpu.memory_space<vmem>>[vector<16xi32>, vector<16xi32>], vector<16xf32>,
      %parallel_loop3A_247 = arith.constant 0 : i32
      %parallel_loop3A_248 = arith.constant 64 : i32
      %parallel_loop3A_249 = arith.constant 1 : i32
      scf.for %parallel_loop3A_616 = %parallel_loop3A_247 to %parallel_loop3A_248 step %parallel_loop3A_249  : i32 {
        %parallel_loop3A_617 = arith.constant 3 : i32
        %parallel_loop3A_618 = arith.shrsi %parallel_loop3A_616, %parallel_loop3A_617 : i32
        %parallel_loop3A_619 = arith.constant 7 : i32
        %parallel_loop3A_620 = arith.andi %parallel_loop3A_616, %parallel_loop3A_619 : i32
        %parallel_loop3A_621 = arith.constant 16 : i32
        %parallel_loop3A_622 = arith.muli %parallel_loop3A_620, %parallel_loop3A_621 : i32
        %parallel_loop3A_623 = arith.constant 1 : i32
        %parallel_loop3A_624 = arith.index_cast %parallel_loop3A_618 : i32 to index
        %parallel_loop3A_625 = arith.index_cast %parallel_loop3A_623 : i32 to index
        %parallel_loop3A_626 = arith.index_cast %parallel_loop3A_622 : i32 to index
        %parallel_loop3A_627 = tpu.vector_load %arg8[%parallel_loop3A_624, %parallel_loop3A_625, %parallel_loop3A_626] {strides = array<i32>} : memref<8x4x128xi32, #tpu.memory_space<vmem>>, vector<16xi32>,
        %parallel_loop3A_628 = tpu.vector_load_idx %arg7[%broadcast_in_dim3A_147, %parallel_loop3A_627] : memref<782x128xf32, #tpu.memory_space<vmem>>[vector<16xi32>, vector<16xi32>], vector<16xf32>,
        %parallel_loop3A_629 = arith.addf %parallel_loop3A_628, %gather3A_246 : vector<16xf32>
        %parallel_loop3A_630 = arith.constant 3 : i32
        %parallel_loop3A_631 = arith.shrsi %parallel_loop3A_616, %parallel_loop3A_630 : i32
        %parallel_loop3A_632 = arith.constant 7 : i32
        %parallel_loop3A_633 = arith.andi %parallel_loop3A_616, %parallel_loop3A_632 : i32
        %parallel_loop3A_634 = arith.constant 16 : i32
        %parallel_loop3A_635 = arith.muli %parallel_loop3A_633, %parallel_loop3A_634 : i32
        %parallel_loop3A_636 = arith.constant 1 : i32
        %parallel_loop3A_637 = arith.index_cast %parallel_loop3A_636 : i32 to index
        %parallel_loop3A_638 = arith.index_cast %parallel_loop3A_631 : i32 to index
        %parallel_loop3A_639 = arith.index_cast %parallel_loop3A_635 : i32 to index
        %parallel_loop3A_640 = tpu.vector_load %arg11[%parallel_loop3A_637, %parallel_loop3A_638, %parallel_loop3A_639] {strides = array<i32>} : memref<4x8x128xf32, #tpu.memory_space<vmem>>, vector<16xf32>,
        tpu.vector_store %arg11[%parallel_loop3A_637, %parallel_loop3A_638, %parallel_loop3A_639], %parallel_loop3A_629 {strides = array<i32>} : memref<4x8x128xf32, #tpu.memory_space<vmem>>, vector<16xf32>,
      } {sc.loop_unroll_factor = 64 : i64, sc.parallel_access}
      %mul3A_250 = arith.constant 8 : i32
      %mul3A_251 = arith.muli %scan3A_124, %mul3A_250 : i32
      %add3A_252 = arith.constant 0 : i32
      %add3A_253 = arith.addi %mul3A_251, %add3A_252 : i32
      %add3A_254 = arith.constant 2 : i32
      %add3A_255 = arith.addi %add3A_253, %add3A_254 : i32
      %jit3A_256 = arith.constant 128 : i32
      %div3A_257 = arith.divsi %add3A_255, %jit3A_256 : i32
      %sign3A_258 = arith.constant 0 : i32
      %sign3A_259 = arith.cmpi sgt, %add3A_255, %sign3A_258 : i32
      %sign3A_260 = arith.extui %sign3A_259 : i1 to i32
      %sign3A_261 = arith.constant 0 : i32
      %sign3A_262 = arith.cmpi slt, %add3A_255, %sign3A_261 : i32
      %sign3A_263 = arith.extui %sign3A_262 : i1 to i32
      %sign3A_264 = arith.subi %sign3A_260, %sign3A_263 : i32
      %sign3A_265 = arith.constant 0 : i32
      %sign3A_266 = arith.cmpi sgt, %jit3A_256, %sign3A_265 : i32
      %sign3A_267 = arith.extui %sign3A_266 : i1 to i32
      %sign3A_268 = arith.constant 0 : i32
      %sign3A_269 = arith.cmpi slt, %jit3A_256, %sign3A_268 : i32
      %sign3A_270 = arith.extui %sign3A_269 : i1 to i32
      %sign3A_271 = arith.subi %sign3A_267, %sign3A_270 : i32
      %ne3A_272 = arith.cmpi ne, %sign3A_264, %sign3A_271 : i32
      %rem3A_273 = arith.remsi %add3A_255, %jit3A_256 : i32
      %ne3A_274 = arith.constant 0 : i32
      %ne3A_275 = arith.cmpi ne, %rem3A_273, %ne3A_274 : i32
      %and3A_276 = arith.andi %ne3A_272, %ne3A_275 : i1
      %sub3A_277 = arith.constant 1 : i32
      %sub3A_278 = arith.subi %div3A_257, %sub3A_277 : i32
      %select_n3A_279 = arith.select %and3A_276, %sub3A_278, %div3A_257 : i32
      %broadcast_in_dim3A_280 = vector.broadcast %select_n3A_279 : i32 to vector<16xi32>
      %jit3A_281 = arith.constant 128 : i32
      %eq3A_282 = arith.constant 0 : i32
      %eq3A_283 = arith.cmpi eq, %jit3A_281, %eq3A_282 : i32
      %jit3A_284 = arith.constant 1 : i32
      %select_n3A_285 = arith.select %eq3A_283, %jit3A_284, %jit3A_281 : i32
      %rem3A_286 = arith.remsi %add3A_255, %select_n3A_285 : i32
      %ne3A_287 = arith.constant 0 : i32
      %ne3A_288 = arith.cmpi ne, %rem3A_286, %ne3A_287 : i32
      %lt3A_289 = arith.constant 0 : i32
      %lt3A_290 = arith.cmpi slt, %rem3A_286, %lt3A_289 : i32
      %lt3A_291 = arith.constant 0 : i32
      %lt3A_292 = arith.cmpi slt, %select_n3A_285, %lt3A_291 : i32
      %ne3A_293 = arith.xori %lt3A_290, %lt3A_292 : i1
      %and3A_294 = arith.andi %ne3A_293, %ne3A_288 : i1
      %add3A_295 = arith.addi %rem3A_286, %select_n3A_285 : i32
      %select_n3A_296 = arith.select %and3A_294, %add3A_295, %rem3A_286 : i32
      %broadcast_in_dim3A_297 = vector.broadcast %select_n3A_296 : i32 to vector<16xi32>
      %gather3A_298 = tpu.vector_load_idx %arg10[%broadcast_in_dim3A_280, %broadcast_in_dim3A_297] : memref<8x128xf32, #tpu.memory_space<vmem>>[vector<16xi32>, vector<16xi32>], vector<16xf32>,
      %parallel_loop3A_299 = arith.constant 0 : i32
      %parallel_loop3A_300 = arith.constant 64 : i32
      %parallel_loop3A_301 = arith.constant 1 : i32
      scf.for %parallel_loop3A_616 = %parallel_loop3A_299 to %parallel_loop3A_300 step %parallel_loop3A_301  : i32 {
        %parallel_loop3A_617 = arith.constant 3 : i32
        %parallel_loop3A_618 = arith.shrsi %parallel_loop3A_616, %parallel_loop3A_617 : i32
        %parallel_loop3A_619 = arith.constant 7 : i32
        %parallel_loop3A_620 = arith.andi %parallel_loop3A_616, %parallel_loop3A_619 : i32
        %parallel_loop3A_621 = arith.constant 16 : i32
        %parallel_loop3A_622 = arith.muli %parallel_loop3A_620, %parallel_loop3A_621 : i32
        %parallel_loop3A_623 = arith.constant 2 : i32
        %parallel_loop3A_624 = arith.index_cast %parallel_loop3A_618 : i32 to index
        %parallel_loop3A_625 = arith.index_cast %parallel_loop3A_623 : i32 to index
        %parallel_loop3A_626 = arith.index_cast %parallel_loop3A_622 : i32 to index
        %parallel_loop3A_627 = tpu.vector_load %arg8[%parallel_loop3A_624, %parallel_loop3A_625, %parallel_loop3A_626] {strides = array<i32>} : memref<8x4x128xi32, #tpu.memory_space<vmem>>, vector<16xi32>,
        %parallel_loop3A_628 = tpu.vector_load_idx %arg7[%broadcast_in_dim3A_147, %parallel_loop3A_627] : memref<782x128xf32, #tpu.memory_space<vmem>>[vector<16xi32>, vector<16xi32>], vector<16xf32>,
        %parallel_loop3A_629 = arith.addf %parallel_loop3A_628, %gather3A_298 : vector<16xf32>
        %parallel_loop3A_630 = arith.constant 3 : i32
        %parallel_loop3A_631 = arith.shrsi %parallel_loop3A_616, %parallel_loop3A_630 : i32
        %parallel_loop3A_632 = arith.constant 7 : i32
        %parallel_loop3A_633 = arith.andi %parallel_loop3A_616, %parallel_loop3A_632 : i32
        %parallel_loop3A_634 = arith.constant 16 : i32
        %parallel_loop3A_635 = arith.muli %parallel_loop3A_633, %parallel_loop3A_634 : i32
        %parallel_loop3A_636 = arith.constant 2 : i32
        %parallel_loop3A_637 = arith.index_cast %parallel_loop3A_636 : i32 to index
        %parallel_loop3A_638 = arith.index_cast %parallel_loop3A_631 : i32 to index
        %parallel_loop3A_639 = arith.index_cast %parallel_loop3A_635 : i32 to index
        %parallel_loop3A_640 = tpu.vector_load %arg11[%parallel_loop3A_637, %parallel_loop3A_638, %parallel_loop3A_639] {strides = array<i32>} : memref<4x8x128xf32, #tpu.memory_space<vmem>>, vector<16xf32>,
        tpu.vector_store %arg11[%parallel_loop3A_637, %parallel_loop3A_638, %parallel_loop3A_639], %parallel_loop3A_629 {strides = array<i32>} : memref<4x8x128xf32, #tpu.memory_space<vmem>>, vector<16xf32>,
      } {sc.loop_unroll_factor = 64 : i64, sc.parallel_access}
      %mul3A_302 = arith.constant 8 : i32
      %mul3A_303 = arith.muli %scan3A_124, %mul3A_302 : i32
      %add3A_304 = arith.constant 0 : i32
      %add3A_305 = arith.addi %mul3A_303, %add3A_304 : i32
      %add3A_306 = arith.constant 3 : i32
      %add3A_307 = arith.addi %add3A_305, %add3A_306 : i32
      %jit3A_308 = arith.constant 128 : i32
      %div3A_309 = arith.divsi %add3A_307, %jit3A_308 : i32
      %sign3A_310 = arith.constant 0 : i32
      %sign3A_311 = arith.cmpi sgt, %add3A_307, %sign3A_310 : i32
      %sign3A_312 = arith.extui %sign3A_311 : i1 to i32
      %sign3A_313 = arith.constant 0 : i32
      %sign3A_314 = arith.cmpi slt, %add3A_307, %sign3A_313 : i32
      %sign3A_315 = arith.extui %sign3A_314 : i1 to i32
      %sign3A_316 = arith.subi %sign3A_312, %sign3A_315 : i32
      %sign3A_317 = arith.constant 0 : i32
      %sign3A_318 = arith.cmpi sgt, %jit3A_308, %sign3A_317 : i32
      %sign3A_319 = arith.extui %sign3A_318 : i1 to i32
      %sign3A_320 = arith.constant 0 : i32
      %sign3A_321 = arith.cmpi slt, %jit3A_308, %sign3A_320 : i32
      %sign3A_322 = arith.extui %sign3A_321 : i1 to i32
      %sign3A_323 = arith.subi %sign3A_319, %sign3A_322 : i32
      %ne3A_324 = arith.cmpi ne, %sign3A_316, %sign3A_323 : i32
      %rem3A_325 = arith.remsi %add3A_307, %jit3A_308 : i32
      %ne3A_326 = arith.constant 0 : i32
      %ne3A_327 = arith.cmpi ne, %rem3A_325, %ne3A_326 : i32
      %and3A_328 = arith.andi %ne3A_324, %ne3A_327 : i1
      %sub3A_329 = arith.constant 1 : i32
      %sub3A_330 = arith.subi %div3A_309, %sub3A_329 : i32
      %select_n3A_331 = arith.select %and3A_328, %sub3A_330, %div3A_309 : i32
      %broadcast_in_dim3A_332 = vector.broadcast %select_n3A_331 : i32 to vector<16xi32>
      %jit3A_333 = arith.constant 128 : i32
      %eq3A_334 = arith.constant 0 : i32
      %eq3A_335 = arith.cmpi eq, %jit3A_333, %eq3A_334 : i32
      %jit3A_336 = arith.constant 1 : i32
      %select_n3A_337 = arith.select %eq3A_335, %jit3A_336, %jit3A_333 : i32
      %rem3A_338 = arith.remsi %add3A_307, %select_n3A_337 : i32
      %ne3A_339 = arith.constant 0 : i32
      %ne3A_340 = arith.cmpi ne, %rem3A_338, %ne3A_339 : i32
      %lt3A_341 = arith.constant 0 : i32
      %lt3A_342 = arith.cmpi slt, %rem3A_338, %lt3A_341 : i32
      %lt3A_343 = arith.constant 0 : i32
      %lt3A_344 = arith.cmpi slt, %select_n3A_337, %lt3A_343 : i32
      %ne3A_345 = arith.xori %lt3A_342, %lt3A_344 : i1
      %and3A_346 = arith.andi %ne3A_345, %ne3A_340 : i1
      %add3A_347 = arith.addi %rem3A_338, %select_n3A_337 : i32
      %select_n3A_348 = arith.select %and3A_346, %add3A_347, %rem3A_338 : i32
      %broadcast_in_dim3A_349 = vector.broadcast %select_n3A_348 : i32 to vector<16xi32>
      %gather3A_350 = tpu.vector_load_idx %arg10[%broadcast_in_dim3A_332, %broadcast_in_dim3A_349] : memref<8x128xf32, #tpu.memory_space<vmem>>[vector<16xi32>, vector<16xi32>], vector<16xf32>,
      %parallel_loop3A_351 = arith.constant 0 : i32
      %parallel_loop3A_352 = arith.constant 64 : i32
      %parallel_loop3A_353 = arith.constant 1 : i32
      scf.for %parallel_loop3A_616 = %parallel_loop3A_351 to %parallel_loop3A_352 step %parallel_loop3A_353  : i32 {
        %parallel_loop3A_617 = arith.constant 3 : i32
        %parallel_loop3A_618 = arith.shrsi %parallel_loop3A_616, %parallel_loop3A_617 : i32
        %parallel_loop3A_619 = arith.constant 7 : i32
        %parallel_loop3A_620 = arith.andi %parallel_loop3A_616, %parallel_loop3A_619 : i32
        %parallel_loop3A_621 = arith.constant 16 : i32
        %parallel_loop3A_622 = arith.muli %parallel_loop3A_620, %parallel_loop3A_621 : i32
        %parallel_loop3A_623 = arith.constant 3 : i32
        %parallel_loop3A_624 = arith.index_cast %parallel_loop3A_618 : i32 to index
        %parallel_loop3A_625 = arith.index_cast %parallel_loop3A_623 : i32 to index
        %parallel_loop3A_626 = arith.index_cast %parallel_loop3A_622 : i32 to index
        %parallel_loop3A_627 = tpu.vector_load %arg8[%parallel_loop3A_624, %parallel_loop3A_625, %parallel_loop3A_626] {strides = array<i32>} : memref<8x4x128xi32, #tpu.memory_space<vmem>>, vector<16xi32>,
        %parallel_loop3A_628 = tpu.vector_load_idx %arg7[%broadcast_in_dim3A_147, %parallel_loop3A_627] : memref<782x128xf32, #tpu.memory_space<vmem>>[vector<16xi32>, vector<16xi32>], vector<16xf32>,
        %parallel_loop3A_629 = arith.addf %parallel_loop3A_628, %gather3A_350 : vector<16xf32>
        %parallel_loop3A_630 = arith.constant 3 : i32
        %parallel_loop3A_631 = arith.shrsi %parallel_loop3A_616, %parallel_loop3A_630 : i32
        %parallel_loop3A_632 = arith.constant 7 : i32
        %parallel_loop3A_633 = arith.andi %parallel_loop3A_616, %parallel_loop3A_632 : i32
        %parallel_loop3A_634 = arith.constant 16 : i32
        %parallel_loop3A_635 = arith.muli %parallel_loop3A_633, %parallel_loop3A_634 : i32
        %parallel_loop3A_636 = arith.constant 3 : i32
        %parallel_loop3A_637 = arith.index_cast %parallel_loop3A_636 : i32 to index
        %parallel_loop3A_638 = arith.index_cast %parallel_loop3A_631 : i32 to index
        %parallel_loop3A_639 = arith.index_cast %parallel_loop3A_635 : i32 to index
        %parallel_loop3A_640 = tpu.vector_load %arg11[%parallel_loop3A_637, %parallel_loop3A_638, %parallel_loop3A_639] {strides = array<i32>} : memref<4x8x128xf32, #tpu.memory_space<vmem>>, vector<16xf32>,
        tpu.vector_store %arg11[%parallel_loop3A_637, %parallel_loop3A_638, %parallel_loop3A_639], %parallel_loop3A_629 {strides = array<i32>} : memref<4x8x128xf32, #tpu.memory_space<vmem>>, vector<16xf32>,
      } {sc.loop_unroll_factor = 64 : i64, sc.parallel_access}
      %dma_start3A_354 = arith.constant 0 : i32
      %dma_start3A_355 = arith.constant 0 : i32
      %dma_start3A_356 = tpu.memref_slice %arg5[%add3A_128, %add3A_69, %dma_start3A_354, %select_n3A_28, %dma_start3A_355] : memref<200x8x8x8x128xf32, #tpu.memory_space<hbm>> -> memref<4x1x8x1x128xf32, #tpu.memory_space<hbm>>
      %dma_start3A_357 = tpu.memref_squeeze %dma_start3A_356 : memref<4x1x8x1x128xf32, #tpu.memory_space<hbm>> -> memref<4x8x128xf32, #tpu.memory_space<hbm>>
      %dma_start3A_358 = arith.constant 0 : i32
      %dma_start3A_359 = arith.constant 0 : i32
      %dma_start3A_360 = tpu.memref_slice %arg5[%add3A_128, %add3A_69, %dma_start3A_358, %select_n3A_28, %dma_start3A_359] : memref<200x8x8x8x128xf32, #tpu.memory_space<hbm>> -> memref<4x1x8x1x128xf32, #tpu.memory_space<hbm>>
      %dma_start3A_361 = tpu.memref_squeeze %dma_start3A_360 : memref<4x1x8x1x128xf32, #tpu.memory_space<hbm>> -> memref<4x8x128xf32, #tpu.memory_space<hbm>>
      tpu.enqueue_dma source(%arg11 : memref<4x8x128xf32, #tpu.memory_space<vmem>>) target(%dma_start3A_361 : memref<4x8x128xf32, #tpu.memory_space<hbm>>) target_semaphore(%arg13 : memref<!tpu.dma_semaphore, #tpu.memory_space<semaphore_mem>>)
      %add3A_362 = arith.constant 1 : i32
      %add3A_363 = arith.addi %scan3A_124, %add3A_362 : i32
      %lt3A_364 = arith.constant 25 : i32
      %lt3A_365 = arith.cmpi slt, %add3A_363, %lt3A_364 : i32
      %convert_element_type3A_366 = arith.extui %lt3A_365 : i1 to i32
      %cond3A_367 = arith.constant 0 : i32
      %cond3A_368 = arith.cmpi ne, %convert_element_type3A_366, %cond3A_367 : i32
      scf.if %cond3A_368 {
        %add3A_616 = arith.constant 1 : i32
        %add3A_617 = arith.addi %scan3A_124, %add3A_616 : i32
        %dma_start3A_618 = arith.constant 0 : i32
        %dma_start3A_619 = arith.constant 0 : i32
        %dma_start3A_620 = arith.constant 0 : i32
        %dma_start3A_621 = tpu.memref_slice %arg6[%add3A_617, %dma_start3A_618, %dma_start3A_619, %dma_start3A_620] : memref<25x8x8x128xi32, #tpu.memory_space<vmem_shared>> -> memref<1x8x4x128xi32, #tpu.memory_space<vmem_shared>>
        %dma_start3A_622 = tpu.memref_squeeze %dma_start3A_621 : memref<1x8x4x128xi32, #tpu.memory_space<vmem_shared>> -> memref<8x4x128xi32, #tpu.memory_space<vmem_shared>>
        %dma_start3A_623 = arith.constant 0 : i32
        %dma_start3A_624 = arith.constant 0 : i32
        %dma_start3A_625 = arith.constant 0 : i32
        %dma_start3A_626 = tpu.memref_slice %arg6[%add3A_617, %dma_start3A_623, %dma_start3A_624, %dma_start3A_625] : memref<25x8x8x128xi32, #tpu.memory_space<vmem_shared>> -> memref<1x8x4x128xi32, #tpu.memory_space<vmem_shared>>
        %dma_start3A_627 = tpu.memref_squeeze %dma_start3A_626 : memref<1x8x4x128xi32, #tpu.memory_space<vmem_shared>> -> memref<8x4x128xi32, #tpu.memory_space<vmem_shared>>
        tpu.enqueue_dma source(%dma_start3A_627 : memref<8x4x128xi32, #tpu.memory_space<vmem_shared>>) target(%arg8 : memref<8x4x128xi32, #tpu.memory_space<vmem>>) target_semaphore(%arg15 : memref<!tpu.dma_semaphore, #tpu.memory_space<semaphore_mem>>)
      } else {
      }
      %mul3A_369 = arith.constant 8 : i32
      %mul3A_370 = arith.muli %scan3A_124, %mul3A_369 : i32
      %add3A_371 = arith.constant 4 : i32
      %add3A_372 = arith.addi %mul3A_370, %add3A_371 : i32
      %dma_wait3A_373 = arith.constant 0 : i32
      %dma_wait3A_374 = arith.constant 4 : i32
      %dma_wait3A_375 = arith.constant 0 : i32
      %dma_wait3A_376 = tpu.memref_slice %arg6[%scan3A_124, %dma_wait3A_373, %dma_wait3A_374, %dma_wait3A_375] : memref<25x8x8x128xi32, #tpu.memory_space<vmem_shared>> -> memref<1x8x4x128xi32, #tpu.memory_space<vmem_shared>>
      %dma_wait3A_377 = tpu.memref_squeeze %dma_wait3A_376 : memref<1x8x4x128xi32, #tpu.memory_space<vmem_shared>> -> memref<8x4x128xi32, #tpu.memory_space<vmem_shared>>
      %dma_wait3A_378 = arith.constant 0 : i32
      %dma_wait3A_379 = arith.constant 4 : i32
      %dma_wait3A_380 = arith.constant 0 : i32
      %dma_wait3A_381 = tpu.memref_slice %arg6[%scan3A_124, %dma_wait3A_378, %dma_wait3A_379, %dma_wait3A_380] : memref<25x8x8x128xi32, #tpu.memory_space<vmem_shared>> -> memref<1x8x4x128xi32, #tpu.memory_space<vmem_shared>>
      %dma_wait3A_382 = tpu.memref_squeeze %dma_wait3A_381 : memref<1x8x4x128xi32, #tpu.memory_space<vmem_shared>> -> memref<8x4x128xi32, #tpu.memory_space<vmem_shared>>
      tpu.wait_dma2 semaphore(%arg16 : memref<!tpu.dma_semaphore, #tpu.memory_space<semaphore_mem>>) src(%dma_wait3A_382 : memref<8x4x128xi32, #tpu.memory_space<vmem_shared>>) dst(%arg9 : memref<8x4x128xi32, #tpu.memory_space<vmem>>)
      %dma_wait3A_383 = arith.constant 0 : i32
      %dma_wait3A_384 = arith.constant 0 : i32
      %dma_wait3A_385 = tpu.memref_slice %arg5[%add3A_372, %add3A_69, %dma_wait3A_383, %select_n3A_28, %dma_wait3A_384] : memref<200x8x8x8x128xf32, #tpu.memory_space<hbm>> -> memref<4x1x8x1x128xf32, #tpu.memory_space<hbm>>
      %dma_wait3A_386 = tpu.memref_squeeze %dma_wait3A_385 : memref<4x1x8x1x128xf32, #tpu.memory_space<hbm>> -> memref<4x8x128xf32, #tpu.memory_space<hbm>>
      %dma_wait3A_387 = arith.constant 0 : i32
      %dma_wait3A_388 = arith.constant 0 : i32
      %dma_wait3A_389 = tpu.memref_slice %arg5[%add3A_372, %add3A_69, %dma_wait3A_387, %select_n3A_28, %dma_wait3A_388] : memref<200x8x8x8x128xf32, #tpu.memory_space<hbm>> -> memref<4x1x8x1x128xf32, #tpu.memory_space<hbm>>
      %dma_wait3A_390 = tpu.memref_squeeze %dma_wait3A_389 : memref<4x1x8x1x128xf32, #tpu.memory_space<hbm>> -> memref<4x8x128xf32, #tpu.memory_space<hbm>>
      tpu.wait_dma2 semaphore(%arg14 : memref<!tpu.dma_semaphore, #tpu.memory_space<semaphore_mem>>) src(%arg12 : memref<4x8x128xf32, #tpu.memory_space<vmem>>) dst(%dma_wait3A_390 : memref<4x8x128xf32, #tpu.memory_space<hbm>>)
      %broadcast_in_dim3A_391 = arith.constant 0 : i32
      %broadcast_in_dim3A_392 = vector.broadcast %broadcast_in_dim3A_391 : i32 to vector<16xi32>
      %mul3A_393 = arith.constant 8 : i32
      %mul3A_394 = arith.muli %scan3A_124, %mul3A_393 : i32
      %add3A_395 = arith.constant 4 : i32
      %add3A_396 = arith.addi %mul3A_394, %add3A_395 : i32
      %add3A_397 = arith.constant 0 : i32
      %add3A_398 = arith.addi %add3A_396, %add3A_397 : i32
      %jit3A_399 = arith.constant 128 : i32
      %div3A_400 = arith.divsi %add3A_398, %jit3A_399 : i32
      %sign3A_401 = arith.constant 0 : i32
      %sign3A_402 = arith.cmpi sgt, %add3A_398, %sign3A_401 : i32
      %sign3A_403 = arith.extui %sign3A_402 : i1 to i32
      %sign3A_404 = arith.constant 0 : i32
      %sign3A_405 = arith.cmpi slt, %add3A_398, %sign3A_404 : i32
      %sign3A_406 = arith.extui %sign3A_405 : i1 to i32
      %sign3A_407 = arith.subi %sign3A_403, %sign3A_406 : i32
      %sign3A_408 = arith.constant 0 : i32
      %sign3A_409 = arith.cmpi sgt, %jit3A_399, %sign3A_408 : i32
      %sign3A_410 = arith.extui %sign3A_409 : i1 to i32
      %sign3A_411 = arith.constant 0 : i32
      %sign3A_412 = arith.cmpi slt, %jit3A_399, %sign3A_411 : i32
      %sign3A_413 = arith.extui %sign3A_412 : i1 to i32
      %sign3A_414 = arith.subi %sign3A_410, %sign3A_413 : i32
      %ne3A_415 = arith.cmpi ne, %sign3A_407, %sign3A_414 : i32
      %rem3A_416 = arith.remsi %add3A_398, %jit3A_399 : i32
      %ne3A_417 = arith.constant 0 : i32
      %ne3A_418 = arith.cmpi ne, %rem3A_416, %ne3A_417 : i32
      %and3A_419 = arith.andi %ne3A_415, %ne3A_418 : i1
      %sub3A_420 = arith.constant 1 : i32
      %sub3A_421 = arith.subi %div3A_400, %sub3A_420 : i32
      %select_n3A_422 = arith.select %and3A_419, %sub3A_421, %div3A_400 : i32
      %broadcast_in_dim3A_423 = vector.broadcast %select_n3A_422 : i32 to vector<16xi32>
      %jit3A_424 = arith.constant 128 : i32
      %eq3A_425 = arith.constant 0 : i32
      %eq3A_426 = arith.cmpi eq, %jit3A_424, %eq3A_425 : i32
      %jit3A_427 = arith.constant 1 : i32
      %select_n3A_428 = arith.select %eq3A_426, %jit3A_427, %jit3A_424 : i32
      %rem3A_429 = arith.remsi %add3A_398, %select_n3A_428 : i32
      %ne3A_430 = arith.constant 0 : i32
      %ne3A_431 = arith.cmpi ne, %rem3A_429, %ne3A_430 : i32
      %lt3A_432 = arith.constant 0 : i32
      %lt3A_433 = arith.cmpi slt, %rem3A_429, %lt3A_432 : i32
      %lt3A_434 = arith.constant 0 : i32
      %lt3A_435 = arith.cmpi slt, %select_n3A_428, %lt3A_434 : i32
      %ne3A_436 = arith.xori %lt3A_433, %lt3A_435 : i1
      %and3A_437 = arith.andi %ne3A_436, %ne3A_431 : i1
      %add3A_438 = arith.addi %rem3A_429, %select_n3A_428 : i32
      %select_n3A_439 = arith.select %and3A_437, %add3A_438, %rem3A_429 : i32
      %broadcast_in_dim3A_440 = vector.broadcast %select_n3A_439 : i32 to vector<16xi32>
      %gather3A_441 = tpu.vector_load_idx %arg10[%broadcast_in_dim3A_423, %broadcast_in_dim3A_440] : memref<8x128xf32, #tpu.memory_space<vmem>>[vector<16xi32>, vector<16xi32>], vector<16xf32>,
      %parallel_loop3A_442 = arith.constant 0 : i32
      %parallel_loop3A_443 = arith.constant 64 : i32
      %parallel_loop3A_444 = arith.constant 1 : i32
      scf.for %parallel_loop3A_616 = %parallel_loop3A_442 to %parallel_loop3A_443 step %parallel_loop3A_444  : i32 {
        %parallel_loop3A_617 = arith.constant 3 : i32
        %parallel_loop3A_618 = arith.shrsi %parallel_loop3A_616, %parallel_loop3A_617 : i32
        %parallel_loop3A_619 = arith.constant 7 : i32
        %parallel_loop3A_620 = arith.andi %parallel_loop3A_616, %parallel_loop3A_619 : i32
        %parallel_loop3A_621 = arith.constant 16 : i32
        %parallel_loop3A_622 = arith.muli %parallel_loop3A_620, %parallel_loop3A_621 : i32
        %parallel_loop3A_623 = arith.constant 0 : i32
        %parallel_loop3A_624 = arith.index_cast %parallel_loop3A_618 : i32 to index
        %parallel_loop3A_625 = arith.index_cast %parallel_loop3A_623 : i32 to index
        %parallel_loop3A_626 = arith.index_cast %parallel_loop3A_622 : i32 to index
        %parallel_loop3A_627 = tpu.vector_load %arg9[%parallel_loop3A_624, %parallel_loop3A_625, %parallel_loop3A_626] {strides = array<i32>} : memref<8x4x128xi32, #tpu.memory_space<vmem>>, vector<16xi32>,
        %parallel_loop3A_628 = tpu.vector_load_idx %arg7[%broadcast_in_dim3A_392, %parallel_loop3A_627] : memref<782x128xf32, #tpu.memory_space<vmem>>[vector<16xi32>, vector<16xi32>], vector<16xf32>,
        %parallel_loop3A_629 = arith.addf %parallel_loop3A_628, %gather3A_441 : vector<16xf32>
        %parallel_loop3A_630 = arith.constant 3 : i32
        %parallel_loop3A_631 = arith.shrsi %parallel_loop3A_616, %parallel_loop3A_630 : i32
        %parallel_loop3A_632 = arith.constant 7 : i32
        %parallel_loop3A_633 = arith.andi %parallel_loop3A_616, %parallel_loop3A_632 : i32
        %parallel_loop3A_634 = arith.constant 16 : i32
        %parallel_loop3A_635 = arith.muli %parallel_loop3A_633, %parallel_loop3A_634 : i32
        %parallel_loop3A_636 = arith.constant 0 : i32
        %parallel_loop3A_637 = arith.index_cast %parallel_loop3A_636 : i32 to index
        %parallel_loop3A_638 = arith.index_cast %parallel_loop3A_631 : i32 to index
        %parallel_loop3A_639 = arith.index_cast %parallel_loop3A_635 : i32 to index
        %parallel_loop3A_640 = tpu.vector_load %arg12[%parallel_loop3A_637, %parallel_loop3A_638, %parallel_loop3A_639] {strides = array<i32>} : memref<4x8x128xf32, #tpu.memory_space<vmem>>, vector<16xf32>,
        tpu.vector_store %arg12[%parallel_loop3A_637, %parallel_loop3A_638, %parallel_loop3A_639], %parallel_loop3A_629 {strides = array<i32>} : memref<4x8x128xf32, #tpu.memory_space<vmem>>, vector<16xf32>,
      } {sc.loop_unroll_factor = 64 : i64, sc.parallel_access}
      %mul3A_445 = arith.constant 8 : i32
      %mul3A_446 = arith.muli %scan3A_124, %mul3A_445 : i32
      %add3A_447 = arith.constant 4 : i32
      %add3A_448 = arith.addi %mul3A_446, %add3A_447 : i32
      %add3A_449 = arith.constant 1 : i32
      %add3A_450 = arith.addi %add3A_448, %add3A_449 : i32
      %jit3A_451 = arith.constant 128 : i32
      %div3A_452 = arith.divsi %add3A_450, %jit3A_451 : i32
      %sign3A_453 = arith.constant 0 : i32
      %sign3A_454 = arith.cmpi sgt, %add3A_450, %sign3A_453 : i32
      %sign3A_455 = arith.extui %sign3A_454 : i1 to i32
      %sign3A_456 = arith.constant 0 : i32
      %sign3A_457 = arith.cmpi slt, %add3A_450, %sign3A_456 : i32
      %sign3A_458 = arith.extui %sign3A_457 : i1 to i32
      %sign3A_459 = arith.subi %sign3A_455, %sign3A_458 : i32
      %sign3A_460 = arith.constant 0 : i32
      %sign3A_461 = arith.cmpi sgt, %jit3A_451, %sign3A_460 : i32
      %sign3A_462 = arith.extui %sign3A_461 : i1 to i32
      %sign3A_463 = arith.constant 0 : i32
      %sign3A_464 = arith.cmpi slt, %jit3A_451, %sign3A_463 : i32
      %sign3A_465 = arith.extui %sign3A_464 : i1 to i32
      %sign3A_466 = arith.subi %sign3A_462, %sign3A_465 : i32
      %ne3A_467 = arith.cmpi ne, %sign3A_459, %sign3A_466 : i32
      %rem3A_468 = arith.remsi %add3A_450, %jit3A_451 : i32
      %ne3A_469 = arith.constant 0 : i32
      %ne3A_470 = arith.cmpi ne, %rem3A_468, %ne3A_469 : i32
      %and3A_471 = arith.andi %ne3A_467, %ne3A_470 : i1
      %sub3A_472 = arith.constant 1 : i32
      %sub3A_473 = arith.subi %div3A_452, %sub3A_472 : i32
      %select_n3A_474 = arith.select %and3A_471, %sub3A_473, %div3A_452 : i32
      %broadcast_in_dim3A_475 = vector.broadcast %select_n3A_474 : i32 to vector<16xi32>
      %jit3A_476 = arith.constant 128 : i32
      %eq3A_477 = arith.constant 0 : i32
      %eq3A_478 = arith.cmpi eq, %jit3A_476, %eq3A_477 : i32
      %jit3A_479 = arith.constant 1 : i32
      %select_n3A_480 = arith.select %eq3A_478, %jit3A_479, %jit3A_476 : i32
      %rem3A_481 = arith.remsi %add3A_450, %select_n3A_480 : i32
      %ne3A_482 = arith.constant 0 : i32
      %ne3A_483 = arith.cmpi ne, %rem3A_481, %ne3A_482 : i32
      %lt3A_484 = arith.constant 0 : i32
      %lt3A_485 = arith.cmpi slt, %rem3A_481, %lt3A_484 : i32
      %lt3A_486 = arith.constant 0 : i32
      %lt3A_487 = arith.cmpi slt, %select_n3A_480, %lt3A_486 : i32
      %ne3A_488 = arith.xori %lt3A_485, %lt3A_487 : i1
      %and3A_489 = arith.andi %ne3A_488, %ne3A_483 : i1
      %add3A_490 = arith.addi %rem3A_481, %select_n3A_480 : i32
      %select_n3A_491 = arith.select %and3A_489, %add3A_490, %rem3A_481 : i32
      %broadcast_in_dim3A_492 = vector.broadcast %select_n3A_491 : i32 to vector<16xi32>
      %gather3A_493 = tpu.vector_load_idx %arg10[%broadcast_in_dim3A_475, %broadcast_in_dim3A_492] : memref<8x128xf32, #tpu.memory_space<vmem>>[vector<16xi32>, vector<16xi32>], vector<16xf32>,
      %parallel_loop3A_494 = arith.constant 0 : i32
      %parallel_loop3A_495 = arith.constant 64 : i32
      %parallel_loop3A_496 = arith.constant 1 : i32
      scf.for %parallel_loop3A_616 = %parallel_loop3A_494 to %parallel_loop3A_495 step %parallel_loop3A_496  : i32 {
        %parallel_loop3A_617 = arith.constant 3 : i32
        %parallel_loop3A_618 = arith.shrsi %parallel_loop3A_616, %parallel_loop3A_617 : i32
        %parallel_loop3A_619 = arith.constant 7 : i32
        %parallel_loop3A_620 = arith.andi %parallel_loop3A_616, %parallel_loop3A_619 : i32
        %parallel_loop3A_621 = arith.constant 16 : i32
        %parallel_loop3A_622 = arith.muli %parallel_loop3A_620, %parallel_loop3A_621 : i32
        %parallel_loop3A_623 = arith.constant 1 : i32
        %parallel_loop3A_624 = arith.index_cast %parallel_loop3A_618 : i32 to index
        %parallel_loop3A_625 = arith.index_cast %parallel_loop3A_623 : i32 to index
        %parallel_loop3A_626 = arith.index_cast %parallel_loop3A_622 : i32 to index
        %parallel_loop3A_627 = tpu.vector_load %arg9[%parallel_loop3A_624, %parallel_loop3A_625, %parallel_loop3A_626] {strides = array<i32>} : memref<8x4x128xi32, #tpu.memory_space<vmem>>, vector<16xi32>,
        %parallel_loop3A_628 = tpu.vector_load_idx %arg7[%broadcast_in_dim3A_392, %parallel_loop3A_627] : memref<782x128xf32, #tpu.memory_space<vmem>>[vector<16xi32>, vector<16xi32>], vector<16xf32>,
        %parallel_loop3A_629 = arith.addf %parallel_loop3A_628, %gather3A_493 : vector<16xf32>
        %parallel_loop3A_630 = arith.constant 3 : i32
        %parallel_loop3A_631 = arith.shrsi %parallel_loop3A_616, %parallel_loop3A_630 : i32
        %parallel_loop3A_632 = arith.constant 7 : i32
        %parallel_loop3A_633 = arith.andi %parallel_loop3A_616, %parallel_loop3A_632 : i32
        %parallel_loop3A_634 = arith.constant 16 : i32
        %parallel_loop3A_635 = arith.muli %parallel_loop3A_633, %parallel_loop3A_634 : i32
        %parallel_loop3A_636 = arith.constant 1 : i32
        %parallel_loop3A_637 = arith.index_cast %parallel_loop3A_636 : i32 to index
        %parallel_loop3A_638 = arith.index_cast %parallel_loop3A_631 : i32 to index
        %parallel_loop3A_639 = arith.index_cast %parallel_loop3A_635 : i32 to index
        %parallel_loop3A_640 = tpu.vector_load %arg12[%parallel_loop3A_637, %parallel_loop3A_638, %parallel_loop3A_639] {strides = array<i32>} : memref<4x8x128xf32, #tpu.memory_space<vmem>>, vector<16xf32>,
        tpu.vector_store %arg12[%parallel_loop3A_637, %parallel_loop3A_638, %parallel_loop3A_639], %parallel_loop3A_629 {strides = array<i32>} : memref<4x8x128xf32, #tpu.memory_space<vmem>>, vector<16xf32>,
      } {sc.loop_unroll_factor = 64 : i64, sc.parallel_access}
      %mul3A_497 = arith.constant 8 : i32
      %mul3A_498 = arith.muli %scan3A_124, %mul3A_497 : i32
      %add3A_499 = arith.constant 4 : i32
      %add3A_500 = arith.addi %mul3A_498, %add3A_499 : i32
      %add3A_501 = arith.constant 2 : i32
      %add3A_502 = arith.addi %add3A_500, %add3A_501 : i32
      %jit3A_503 = arith.constant 128 : i32
      %div3A_504 = arith.divsi %add3A_502, %jit3A_503 : i32
      %sign3A_505 = arith.constant 0 : i32
      %sign3A_506 = arith.cmpi sgt, %add3A_502, %sign3A_505 : i32
      %sign3A_507 = arith.extui %sign3A_506 : i1 to i32
      %sign3A_508 = arith.constant 0 : i32
      %sign3A_509 = arith.cmpi slt, %add3A_502, %sign3A_508 : i32
      %sign3A_510 = arith.extui %sign3A_509 : i1 to i32
      %sign3A_511 = arith.subi %sign3A_507, %sign3A_510 : i32
      %sign3A_512 = arith.constant 0 : i32
      %sign3A_513 = arith.cmpi sgt, %jit3A_503, %sign3A_512 : i32
      %sign3A_514 = arith.extui %sign3A_513 : i1 to i32
      %sign3A_515 = arith.constant 0 : i32
      %sign3A_516 = arith.cmpi slt, %jit3A_503, %sign3A_515 : i32
      %sign3A_517 = arith.extui %sign3A_516 : i1 to i32
      %sign3A_518 = arith.subi %sign3A_514, %sign3A_517 : i32
      %ne3A_519 = arith.cmpi ne, %sign3A_511, %sign3A_518 : i32
      %rem3A_520 = arith.remsi %add3A_502, %jit3A_503 : i32
      %ne3A_521 = arith.constant 0 : i32
      %ne3A_522 = arith.cmpi ne, %rem3A_520, %ne3A_521 : i32
      %and3A_523 = arith.andi %ne3A_519, %ne3A_522 : i1
      %sub3A_524 = arith.constant 1 : i32
      %sub3A_525 = arith.subi %div3A_504, %sub3A_524 : i32
      %select_n3A_526 = arith.select %and3A_523, %sub3A_525, %div3A_504 : i32
      %broadcast_in_dim3A_527 = vector.broadcast %select_n3A_526 : i32 to vector<16xi32>
      %jit3A_528 = arith.constant 128 : i32
      %eq3A_529 = arith.constant 0 : i32
      %eq3A_530 = arith.cmpi eq, %jit3A_528, %eq3A_529 : i32
      %jit3A_531 = arith.constant 1 : i32
      %select_n3A_532 = arith.select %eq3A_530, %jit3A_531, %jit3A_528 : i32
      %rem3A_533 = arith.remsi %add3A_502, %select_n3A_532 : i32
      %ne3A_534 = arith.constant 0 : i32
      %ne3A_535 = arith.cmpi ne, %rem3A_533, %ne3A_534 : i32
      %lt3A_536 = arith.constant 0 : i32
      %lt3A_537 = arith.cmpi slt, %rem3A_533, %lt3A_536 : i32
      %lt3A_538 = arith.constant 0 : i32
      %lt3A_539 = arith.cmpi slt, %select_n3A_532, %lt3A_538 : i32
      %ne3A_540 = arith.xori %lt3A_537, %lt3A_539 : i1
      %and3A_541 = arith.andi %ne3A_540, %ne3A_535 : i1
      %add3A_542 = arith.addi %rem3A_533, %select_n3A_532 : i32
      %select_n3A_543 = arith.select %and3A_541, %add3A_542, %rem3A_533 : i32
      %broadcast_in_dim3A_544 = vector.broadcast %select_n3A_543 : i32 to vector<16xi32>
      %gather3A_545 = tpu.vector_load_idx %arg10[%broadcast_in_dim3A_527, %broadcast_in_dim3A_544] : memref<8x128xf32, #tpu.memory_space<vmem>>[vector<16xi32>, vector<16xi32>], vector<16xf32>,
      %parallel_loop3A_546 = arith.constant 0 : i32
      %parallel_loop3A_547 = arith.constant 64 : i32
      %parallel_loop3A_548 = arith.constant 1 : i32
      scf.for %parallel_loop3A_616 = %parallel_loop3A_546 to %parallel_loop3A_547 step %parallel_loop3A_548  : i32 {
        %parallel_loop3A_617 = arith.constant 3 : i32
        %parallel_loop3A_618 = arith.shrsi %parallel_loop3A_616, %parallel_loop3A_617 : i32
        %parallel_loop3A_619 = arith.constant 7 : i32
        %parallel_loop3A_620 = arith.andi %parallel_loop3A_616, %parallel_loop3A_619 : i32
        %parallel_loop3A_621 = arith.constant 16 : i32
        %parallel_loop3A_622 = arith.muli %parallel_loop3A_620, %parallel_loop3A_621 : i32
        %parallel_loop3A_623 = arith.constant 2 : i32
        %parallel_loop3A_624 = arith.index_cast %parallel_loop3A_618 : i32 to index
        %parallel_loop3A_625 = arith.index_cast %parallel_loop3A_623 : i32 to index
        %parallel_loop3A_626 = arith.index_cast %parallel_loop3A_622 : i32 to index
        %parallel_loop3A_627 = tpu.vector_load %arg9[%parallel_loop3A_624, %parallel_loop3A_625, %parallel_loop3A_626] {strides = array<i32>} : memref<8x4x128xi32, #tpu.memory_space<vmem>>, vector<16xi32>,
        %parallel_loop3A_628 = tpu.vector_load_idx %arg7[%broadcast_in_dim3A_392, %parallel_loop3A_627] : memref<782x128xf32, #tpu.memory_space<vmem>>[vector<16xi32>, vector<16xi32>], vector<16xf32>,
        %parallel_loop3A_629 = arith.addf %parallel_loop3A_628, %gather3A_545 : vector<16xf32>
        %parallel_loop3A_630 = arith.constant 3 : i32
        %parallel_loop3A_631 = arith.shrsi %parallel_loop3A_616, %parallel_loop3A_630 : i32
        %parallel_loop3A_632 = arith.constant 7 : i32
        %parallel_loop3A_633 = arith.andi %parallel_loop3A_616, %parallel_loop3A_632 : i32
        %parallel_loop3A_634 = arith.constant 16 : i32
        %parallel_loop3A_635 = arith.muli %parallel_loop3A_633, %parallel_loop3A_634 : i32
        %parallel_loop3A_636 = arith.constant 2 : i32
        %parallel_loop3A_637 = arith.index_cast %parallel_loop3A_636 : i32 to index
        %parallel_loop3A_638 = arith.index_cast %parallel_loop3A_631 : i32 to index
        %parallel_loop3A_639 = arith.index_cast %parallel_loop3A_635 : i32 to index
        %parallel_loop3A_640 = tpu.vector_load %arg12[%parallel_loop3A_637, %parallel_loop3A_638, %parallel_loop3A_639] {strides = array<i32>} : memref<4x8x128xf32, #tpu.memory_space<vmem>>, vector<16xf32>,
        tpu.vector_store %arg12[%parallel_loop3A_637, %parallel_loop3A_638, %parallel_loop3A_639], %parallel_loop3A_629 {strides = array<i32>} : memref<4x8x128xf32, #tpu.memory_space<vmem>>, vector<16xf32>,
      } {sc.loop_unroll_factor = 64 : i64, sc.parallel_access}
      %mul3A_549 = arith.constant 8 : i32
      %mul3A_550 = arith.muli %scan3A_124, %mul3A_549 : i32
      %add3A_551 = arith.constant 4 : i32
      %add3A_552 = arith.addi %mul3A_550, %add3A_551 : i32
      %add3A_553 = arith.constant 3 : i32
      %add3A_554 = arith.addi %add3A_552, %add3A_553 : i32
      %jit3A_555 = arith.constant 128 : i32
      %div3A_556 = arith.divsi %add3A_554, %jit3A_555 : i32
      %sign3A_557 = arith.constant 0 : i32
      %sign3A_558 = arith.cmpi sgt, %add3A_554, %sign3A_557 : i32
      %sign3A_559 = arith.extui %sign3A_558 : i1 to i32
      %sign3A_560 = arith.constant 0 : i32
      %sign3A_561 = arith.cmpi slt, %add3A_554, %sign3A_560 : i32
      %sign3A_562 = arith.extui %sign3A_561 : i1 to i32
      %sign3A_563 = arith.subi %sign3A_559, %sign3A_562 : i32
      %sign3A_564 = arith.constant 0 : i32
      %sign3A_565 = arith.cmpi sgt, %jit3A_555, %sign3A_564 : i32
      %sign3A_566 = arith.extui %sign3A_565 : i1 to i32
      %sign3A_567 = arith.constant 0 : i32
      %sign3A_568 = arith.cmpi slt, %jit3A_555, %sign3A_567 : i32
      %sign3A_569 = arith.extui %sign3A_568 : i1 to i32
      %sign3A_570 = arith.subi %sign3A_566, %sign3A_569 : i32
      %ne3A_571 = arith.cmpi ne, %sign3A_563, %sign3A_570 : i32
      %rem3A_572 = arith.remsi %add3A_554, %jit3A_555 : i32
      %ne3A_573 = arith.constant 0 : i32
      %ne3A_574 = arith.cmpi ne, %rem3A_572, %ne3A_573 : i32
      %and3A_575 = arith.andi %ne3A_571, %ne3A_574 : i1
      %sub3A_576 = arith.constant 1 : i32
      %sub3A_577 = arith.subi %div3A_556, %sub3A_576 : i32
      %select_n3A_578 = arith.select %and3A_575, %sub3A_577, %div3A_556 : i32
      %broadcast_in_dim3A_579 = vector.broadcast %select_n3A_578 : i32 to vector<16xi32>
      %jit3A_580 = arith.constant 128 : i32
      %eq3A_581 = arith.constant 0 : i32
      %eq3A_582 = arith.cmpi eq, %jit3A_580, %eq3A_581 : i32
      %jit3A_583 = arith.constant 1 : i32
      %select_n3A_584 = arith.select %eq3A_582, %jit3A_583, %jit3A_580 : i32
      %rem3A_585 = arith.remsi %add3A_554, %select_n3A_584 : i32
      %ne3A_586 = arith.constant 0 : i32
      %ne3A_587 = arith.cmpi ne, %rem3A_585, %ne3A_586 : i32
      %lt3A_588 = arith.constant 0 : i32
      %lt3A_589 = arith.cmpi slt, %rem3A_585, %lt3A_588 : i32
      %lt3A_590 = arith.constant 0 : i32
      %lt3A_591 = arith.cmpi slt, %select_n3A_584, %lt3A_590 : i32
      %ne3A_592 = arith.xori %lt3A_589, %lt3A_591 : i1
      %and3A_593 = arith.andi %ne3A_592, %ne3A_587 : i1
      %add3A_594 = arith.addi %rem3A_585, %select_n3A_584 : i32
      %select_n3A_595 = arith.select %and3A_593, %add3A_594, %rem3A_585 : i32
      %broadcast_in_dim3A_596 = vector.broadcast %select_n3A_595 : i32 to vector<16xi32>
      %gather3A_597 = tpu.vector_load_idx %arg10[%broadcast_in_dim3A_579, %broadcast_in_dim3A_596] : memref<8x128xf32, #tpu.memory_space<vmem>>[vector<16xi32>, vector<16xi32>], vector<16xf32>,
      %parallel_loop3A_598 = arith.constant 0 : i32
      %parallel_loop3A_599 = arith.constant 64 : i32
      %parallel_loop3A_600 = arith.constant 1 : i32
      scf.for %parallel_loop3A_616 = %parallel_loop3A_598 to %parallel_loop3A_599 step %parallel_loop3A_600  : i32 {
        %parallel_loop3A_617 = arith.constant 3 : i32
        %parallel_loop3A_618 = arith.shrsi %parallel_loop3A_616, %parallel_loop3A_617 : i32
        %parallel_loop3A_619 = arith.constant 7 : i32
        %parallel_loop3A_620 = arith.andi %parallel_loop3A_616, %parallel_loop3A_619 : i32
        %parallel_loop3A_621 = arith.constant 16 : i32
        %parallel_loop3A_622 = arith.muli %parallel_loop3A_620, %parallel_loop3A_621 : i32
        %parallel_loop3A_623 = arith.constant 3 : i32
        %parallel_loop3A_624 = arith.index_cast %parallel_loop3A_618 : i32 to index
        %parallel_loop3A_625 = arith.index_cast %parallel_loop3A_623 : i32 to index
        %parallel_loop3A_626 = arith.index_cast %parallel_loop3A_622 : i32 to index
        %parallel_loop3A_627 = tpu.vector_load %arg9[%parallel_loop3A_624, %parallel_loop3A_625, %parallel_loop3A_626] {strides = array<i32>} : memref<8x4x128xi32, #tpu.memory_space<vmem>>, vector<16xi32>,
        %parallel_loop3A_628 = tpu.vector_load_idx %arg7[%broadcast_in_dim3A_392, %parallel_loop3A_627] : memref<782x128xf32, #tpu.memory_space<vmem>>[vector<16xi32>, vector<16xi32>], vector<16xf32>,
        %parallel_loop3A_629 = arith.addf %parallel_loop3A_628, %gather3A_597 : vector<16xf32>
        %parallel_loop3A_630 = arith.constant 3 : i32
        %parallel_loop3A_631 = arith.shrsi %parallel_loop3A_616, %parallel_loop3A_630 : i32
        %parallel_loop3A_632 = arith.constant 7 : i32
        %parallel_loop3A_633 = arith.andi %parallel_loop3A_616, %parallel_loop3A_632 : i32
        %parallel_loop3A_634 = arith.constant 16 : i32
        %parallel_loop3A_635 = arith.muli %parallel_loop3A_633, %parallel_loop3A_634 : i32
        %parallel_loop3A_636 = arith.constant 3 : i32
        %parallel_loop3A_637 = arith.index_cast %parallel_loop3A_636 : i32 to index
        %parallel_loop3A_638 = arith.index_cast %parallel_loop3A_631 : i32 to index
        %parallel_loop3A_639 = arith.index_cast %parallel_loop3A_635 : i32 to index
        %parallel_loop3A_640 = tpu.vector_load %arg12[%parallel_loop3A_637, %parallel_loop3A_638, %parallel_loop3A_639] {strides = array<i32>} : memref<4x8x128xf32, #tpu.memory_space<vmem>>, vector<16xf32>,
        tpu.vector_store %arg12[%parallel_loop3A_637, %parallel_loop3A_638, %parallel_loop3A_639], %parallel_loop3A_629 {strides = array<i32>} : memref<4x8x128xf32, #tpu.memory_space<vmem>>, vector<16xf32>,
      } {sc.loop_unroll_factor = 64 : i64, sc.parallel_access}
      %dma_start3A_601 = arith.constant 0 : i32
      %dma_start3A_602 = arith.constant 0 : i32
      %dma_start3A_603 = tpu.memref_slice %arg5[%add3A_372, %add3A_69, %dma_start3A_601, %select_n3A_28, %dma_start3A_602] : memref<200x8x8x8x128xf32, #tpu.memory_space<hbm>> -> memref<4x1x8x1x128xf32, #tpu.memory_space<hbm>>
      %dma_start3A_604 = tpu.memref_squeeze %dma_start3A_603 : memref<4x1x8x1x128xf32, #tpu.memory_space<hbm>> -> memref<4x8x128xf32, #tpu.memory_space<hbm>>
      %dma_start3A_605 = arith.constant 0 : i32
      %dma_start3A_606 = arith.constant 0 : i32
      %dma_start3A_607 = tpu.memref_slice %arg5[%add3A_372, %add3A_69, %dma_start3A_605, %select_n3A_28, %dma_start3A_606] : memref<200x8x8x8x128xf32, #tpu.memory_space<hbm>> -> memref<4x1x8x1x128xf32, #tpu.memory_space<hbm>>
      %dma_start3A_608 = tpu.memref_squeeze %dma_start3A_607 : memref<4x1x8x1x128xf32, #tpu.memory_space<hbm>> -> memref<4x8x128xf32, #tpu.memory_space<hbm>>
      tpu.enqueue_dma source(%arg12 : memref<4x8x128xf32, #tpu.memory_space<vmem>>) target(%dma_start3A_608 : memref<4x8x128xf32, #tpu.memory_space<hbm>>) target_semaphore(%arg14 : memref<!tpu.dma_semaphore, #tpu.memory_space<semaphore_mem>>)
      %add3A_609 = arith.constant 1 : i32
      %add3A_610 = arith.addi %scan3A_124, %add3A_609 : i32
      %lt3A_611 = arith.constant 25 : i32
      %lt3A_612 = arith.cmpi slt, %add3A_610, %lt3A_611 : i32
      %convert_element_type3A_613 = arith.extui %lt3A_612 : i1 to i32
      %cond3A_614 = arith.constant 0 : i32
      %cond3A_615 = arith.cmpi ne, %convert_element_type3A_613, %cond3A_614 : i32
      scf.if %cond3A_615 {
        %add3A_616 = arith.constant 1 : i32
        %add3A_617 = arith.addi %scan3A_124, %add3A_616 : i32
        %dma_start3A_618 = arith.constant 0 : i32
        %dma_start3A_619 = arith.constant 4 : i32
        %dma_start3A_620 = arith.constant 0 : i32
        %dma_start3A_621 = tpu.memref_slice %arg6[%add3A_617, %dma_start3A_618, %dma_start3A_619, %dma_start3A_620] : memref<25x8x8x128xi32, #tpu.memory_space<vmem_shared>> -> memref<1x8x4x128xi32, #tpu.memory_space<vmem_shared>>
        %dma_start3A_622 = tpu.memref_squeeze %dma_start3A_621 : memref<1x8x4x128xi32, #tpu.memory_space<vmem_shared>> -> memref<8x4x128xi32, #tpu.memory_space<vmem_shared>>
        %dma_start3A_623 = arith.constant 0 : i32
        %dma_start3A_624 = arith.constant 4 : i32
        %dma_start3A_625 = arith.constant 0 : i32
        %dma_start3A_626 = tpu.memref_slice %arg6[%add3A_617, %dma_start3A_623, %dma_start3A_624, %dma_start3A_625] : memref<25x8x8x128xi32, #tpu.memory_space<vmem_shared>> -> memref<1x8x4x128xi32, #tpu.memory_space<vmem_shared>>
        %dma_start3A_627 = tpu.memref_squeeze %dma_start3A_626 : memref<1x8x4x128xi32, #tpu.memory_space<vmem_shared>> -> memref<8x4x128xi32, #tpu.memory_space<vmem_shared>>
        tpu.enqueue_dma source(%dma_start3A_627 : memref<8x4x128xi32, #tpu.memory_space<vmem_shared>>) target(%arg9 : memref<8x4x128xi32, #tpu.memory_space<vmem>>) target_semaphore(%arg16 : memref<!tpu.dma_semaphore, #tpu.memory_space<semaphore_mem>>)
      } else {
      }
    }
    %scan3A_100 = arith.constant 25 : i32
    %dma_wait3A = arith.constant 0 : i32
    %dma_wait3A_101 = arith.constant 0 : i32
    %dma_wait3A_102 = arith.constant 0 : i32
    %dma_wait3A_103 = arith.constant 0 : i32
    %dma_wait3A_104 = arith.constant 0 : i32
    %dma_wait3A_105 = tpu.memref_slice %arg5[%dma_wait3A_102, %dma_wait3A, %dma_wait3A_103, %dma_wait3A_101, %dma_wait3A_104] : memref<200x8x8x8x128xf32, #tpu.memory_space<hbm>> -> memref<4x1x8x1x128xf32, #tpu.memory_space<hbm>>
    %dma_wait3A_106 = tpu.memref_squeeze %dma_wait3A_105 : memref<4x1x8x1x128xf32, #tpu.memory_space<hbm>> -> memref<4x8x128xf32, #tpu.memory_space<hbm>>
    %dma_wait3A_107 = arith.constant 0 : i32
    %dma_wait3A_108 = arith.constant 0 : i32
    %dma_wait3A_109 = arith.constant 0 : i32
    %dma_wait3A_110 = tpu.memref_slice %arg5[%dma_wait3A_107, %dma_wait3A, %dma_wait3A_108, %dma_wait3A_101, %dma_wait3A_109] : memref<200x8x8x8x128xf32, #tpu.memory_space<hbm>> -> memref<4x1x8x1x128xf32, #tpu.memory_space<hbm>>
    %dma_wait3A_111 = tpu.memref_squeeze %dma_wait3A_110 : memref<4x1x8x1x128xf32, #tpu.memory_space<hbm>> -> memref<4x8x128xf32, #tpu.memory_space<hbm>>
    tpu.wait_dma2 semaphore(%arg13 : memref<!tpu.dma_semaphore, #tpu.memory_space<semaphore_mem>>) src(%arg11 : memref<4x8x128xf32, #tpu.memory_space<vmem>>) dst(%dma_wait3A_111 : memref<4x8x128xf32, #tpu.memory_space<hbm>>)
    %dma_wait3A_112 = arith.constant 0 : i32
    %dma_wait3A_113 = arith.constant 0 : i32
    %dma_wait3A_114 = arith.constant 0 : i32
    %dma_wait3A_115 = arith.constant 0 : i32
    %dma_wait3A_116 = arith.constant 0 : i32
    %dma_wait3A_117 = tpu.memref_slice %arg5[%dma_wait3A_114, %dma_wait3A_112, %dma_wait3A_115, %dma_wait3A_113, %dma_wait3A_116] : memref<200x8x8x8x128xf32, #tpu.memory_space<hbm>> -> memref<4x1x8x1x128xf32, #tpu.memory_space<hbm>>
    %dma_wait3A_118 = tpu.memref_squeeze %dma_wait3A_117 : memref<4x1x8x1x128xf32, #tpu.memory_space<hbm>> -> memref<4x8x128xf32, #tpu.memory_space<hbm>>
    %dma_wait3A_119 = arith.constant 0 : i32
    %dma_wait3A_120 = arith.constant 0 : i32
    %dma_wait3A_121 = arith.constant 0 : i32
    %dma_wait3A_122 = tpu.memref_slice %arg5[%dma_wait3A_119, %dma_wait3A_112, %dma_wait3A_120, %dma_wait3A_113, %dma_wait3A_121] : memref<200x8x8x8x128xf32, #tpu.memory_space<hbm>> -> memref<4x1x8x1x128xf32, #tpu.memory_space<hbm>>
    %dma_wait3A_123 = tpu.memref_squeeze %dma_wait3A_122 : memref<4x1x8x1x128xf32, #tpu.memory_space<hbm>> -> memref<4x8x128xf32, #tpu.memory_space<hbm>>
    tpu.wait_dma2 semaphore(%arg14 : memref<!tpu.dma_semaphore, #tpu.memory_space<semaphore_mem>>) src(%arg12 : memref<4x8x128xf32, #tpu.memory_space<vmem>>) dst(%dma_wait3A_123 : memref<4x8x128xf32, #tpu.memory_space<hbm>>)
    return
  }
}

</mosaic_0001>

<sc_bundles>
// kernel: kernel.3.cloned.1.call-start
scs
__scs_entry_jumppad:
0x0: {  	(pc) =	sbr.rel $0x88, $3  }
0x1: {  	(tag) =	ssettag $0x0;
	lr =	simm.s32 $0x1  }
0x2: {  	[smem:$0x3F9F] =	sst lr;
	_ =	strace $0xD0000000  }
0x3: {  	_ = 	snop  }
0x4: {  	_ = 	snop  }
0x5: {  	_ = 	snop  }
0x6: {  	_ = 	snop  }
0x7: {  	_ = 	snop  }
__scs_overlays_trampoline_lowered:
0x8: {  	[smem:$0x3FAE] =	sst s0  }
0x9: {  	[smem:$0x3FAF] =	sst s1  }
0xa: {  	[smem:$0x3FB0] =	sst s2  }
0xb: {  	[smem:$0x3FB1] =	sst s3  }
0xc: {  	[smem:$0x3FB2] =	sst s4  }
0xd: {  	[smem:$0x3FB3] =	sst s5  }
0xe: {  	[smem:$0x3FB4] =	sst s6  }
0xf: {  	[smem:$0x3FB5] =	sst s7  }
0x10: {  	[smem:$0x3FB6] =	sst s8  }
0x11: {  	[smem:$0x3FB7] =	sst s9;
	s0 =	simm.s32 @!p0 $0x0  }
0x12: {  	s1 =	sld [smem:$0x3F9D];
	s0 =	simm.s32 @p0 $0x1  }
0x13: {  	[smem:$0x3FB8] =	sst s0;
	s0 =	simm.s32 @!p1 $0x0  }
0x14: {  	s2 =	sld [smem:$0x3F9C];
	s0 =	simm.s32 @p1 $0x1  }
0x15: {  	[smem:$0x3FB9] =	sst s0;
	s0 =	simm.s32 @!p2 $0x0  }
0x16: {  	s3 =	sld [smem:$0x3FDB];
	s0 =	simm.s32 @p2 $0x1  }
0x17: {  	s4 =	simm.s32 $0x1BF5;
	[smem:$0x3FBB] =	sst s0  }
0x18: {  	s0 =	sld [smem:$0x3F9E];
	_ =	swait.ge [sflag:s4], $0x0  }
0x19: {  	s7 =	sld [smem:$0x3F9F]  }
0x1a: {  	s8 =	sadd.s32 $0xFFFFE003, lr  }
0x1b: {  	s9 =	sadd.s32 $0xFFFFFEF7, lr;
	s5 =	simm.s32 $0xFFFFFFFF;
	p2 =	slt.u32 s8, $0xFFFFF086  }
0x1c: {  	p1 =	slt.u32 s9, $0xF7A;
	s5 =	simm.s32 @!p2 $0x0  }
0x1d: {  	s5 =	simm.s32 @p1 $0x1;
	p0 =	seq.s32 s7, s2  }
0x1e: {  	s7 =	smul.u32 @!p0 $0xF7A, s2;
	p2 =	seq.s32 @!p0 s5, $0x0  }
0x1f: {  	s9 =	smul.u32 $0xF7A, s1;
	s8 =	simm.s32 @!p0 $0x1BF5;
	p2 =	por !p2, p0  }
0x20: {  	[sflag:s8] =	ssyncset.s32 @!p0 $0xFFFFF086;
	s6 =	sadd.s32 @!p0 s3, s7;
	s7 =	simm.s32 @!p0 $0x108  }
0x21: {  	s3 =	sadd.s32 s3, s9;
	s6 =	sadd.s32 @!p0 $0x88, s6;
	s7 =	simm.s32 @p2 $0x1082  }
0x22: {  	[simem:s7], [sflag:s8] =	dma.local @!p0 [hbm:s6], $0xF7A  }
0x23: {  	s9 =	sor.u32 $0xD0000000, s2;
	s6 =	simm.s32 $0x108;
	_ =	swait.ge @!p0 [sflag:s8], $0x0  }
0x24: {  	s3 =	sadd.s32 $0x88, s3;
	s6 =	simm.s32 @!p1 $0x1082;
	[sflag:s4] =	ssyncset.s32 $0xFFFFF086  }
0x25: {  	[simem:s6], [sflag:s4] =	dma.local [hbm:s3], $0xF7A  }
0x26: {  	[smem:$0x3F9F] =	sst s1;
	(tag) =	ssettag s2;
	_ =	strace s9  }
0x27: {  	s1 =	sld [smem:$0x3FAF]  }
0x28: {  	s2 =	sld [smem:$0x3FB0]  }
0x29: {  	s4 =	sld [smem:$0x3FB2]  }
0x2a: {  	p0 =	seq.s32 s5, $0x0;
	s5 =	sld [smem:$0x3FB3]  }
0x2b: {  	s6 =	sld [smem:$0x3FB4]  }
0x2c: {  	s7 =	sld [smem:$0x3FB5]  }
0x2d: {  	s3 =	simm.s32 $0x108;
	s8 =	sld [smem:$0x3FB6]  }
0x2e: {  	s3 =	simm.s32 @!p0 $0x1082;
	s9 =	sld [smem:$0x3FB7]  }
0x2f: {  	lr =	sadd.s32 s0, s3;
	s0 =	sld [smem:$0x3FAE]  }
0x30: {  	s3 =	sld [smem:$0x3FB1]  }
0x31: {  	[smem:$0x3FBA] =	sst s10  }
0x32: {  	s10 =	sld [smem:$0x3FB8];
	_ =	sdelay $0x3  }
0x33: {  	p0 =	seq.s32 s10, $0x1;
	s10 =	sld [smem:$0x3FBA];
	_ =	sdelay $0x3  }
0x34: {  	[smem:$0x3FBA] =	sst s10  }
0x35: {  	s10 =	sld [smem:$0x3FB9];
	_ =	sdelay $0x3  }
0x36: {  	p1 =	seq.s32 s10, $0x1;
	s10 =	sld [smem:$0x3FBA];
	_ =	sdelay $0x3  }
0x37: {  	[smem:$0x3FBA] =	sst s10  }
0x38: {  	s10 =	sld [smem:$0x3FBB]  }
0x39: {  	_ = 	snop;
	(pc) =	sbr.ind lr, $3  }
0x3a: {  	_ = 	snop  }
0x3b: {  	_ = 	snop  }
0x3c: {  	p2 =	seq.s32 s10, $0x1;
	s10 =	sld [smem:$0x3FBA]  }
0x3d: {  	_ =	shalt  }
0x3e: {  	_ =	shalt  }
0x3f: {  	_ =	shalt  }
0x40: {  	_ =	shalt  }
0x41: {  	_ =	shalt  }
0x42: {  	_ =	shalt  }
0x43: {  	_ =	shalt  }
0x44: {  	_ =	shalt  }
0x45: {  	_ =	shalt  }
0x46: {  	_ =	shalt  }
0x47: {  	_ =	shalt  }
0x48: {  	_ =	shalt  }
0x49: {  	_ =	shalt  }
0x4a: {  	_ =	shalt  }
0x4b: {  	_ =	shalt  }
0x4c: {  	_ =	shalt  }
0x4d: {  	_ =	shalt  }
0x4e: {  	_ =	shalt  }
0x4f: {  	_ =	shalt  }
0x50: {  	_ =	shalt  }
0x51: {  	_ =	shalt  }
0x52: {  	_ =	shalt  }
0x53: {  	_ =	shalt  }
0x54: {  	_ =	shalt  }
0x55: {  	_ =	shalt  }
0x56: {  	_ =	shalt  }
0x57: {  	_ =	shalt  }
0x58: {  	_ =	shalt  }
0x59: {  	_ =	shalt  }
0x5a: {  	_ =	shalt  }
0x5b: {  	_ =	shalt  }
0x5c: {  	_ =	shalt  }
0x5d: {  	_ =	shalt  }
0x5e: {  	_ =	shalt  }
0x5f: {  	_ =	shalt  }
0x60: {  	_ =	shalt  }
0x61: {  	_ =	shalt  }
0x62: {  	_ =	shalt  }
0x63: {  	_ =	shalt  }
0x64: {  	_ =	shalt  }
0x65: {  	_ =	shalt  }
0x66: {  	_ =	shalt  }
0x67: {  	_ =	shalt  }
0x68: {  	_ =	shalt  }
0x69: {  	_ =	shalt  }
0x6a: {  	_ =	shalt  }
0x6b: {  	_ =	shalt  }
0x6c: {  	_ =	shalt  }
0x6d: {  	_ =	shalt  }
0x6e: {  	_ =	shalt  }
0x6f: {  	_ =	shalt  }
0x70: {  	_ =	shalt  }
0x71: {  	_ =	shalt  }
0x72: {  	_ =	shalt  }
0x73: {  	_ =	shalt  }
0x74: {  	_ =	shalt  }
0x75: {  	_ =	shalt  }
0x76: {  	_ =	shalt  }
0x77: {  	_ =	shalt  }
0x78: {  	_ =	shalt  }
0x79: {  	_ =	shalt  }
0x7a: {  	_ =	shalt  }
0x7b: {  	_ =	shalt  }
0x7c: {  	_ =	shalt  }
0x7d: {  	_ =	shalt  }
0x7e: {  	_ =	shalt  }
0x7f: {  	_ =	shalt  }
0x80: {  	_ =	shalt  }
0x81: {  	_ =	shalt  }
0x82: {  	_ =	shalt  }
0x83: {  	_ =	shalt  }
0x84: {  	_ =	shalt  }
0x85: {  	_ =	shalt  }
0x86: {  	_ =	shalt  }
0x87: {  	_ =	shalt  }
.Lfunc_end0:
.L_simem_size_0:
called_computation_lowered:
.L_overlay_start_0:
0x88: {  	s2 =	sld [smem:$0x3FD9]  }
0x89: {  	s3 =	sld [smem:$0x3FFE];
	_ =	sdelay $0x1  }
0x8a: {  	s1 =	srdreg.scid  }
0x8b: {  	s0 =	sand.u32 $0x1, s1  }
0x8c: {  	s17 =	sshll.u32 s0, $0xA;
	s2 =	sadd.s32 s3, s2  }
0x8d: {  	s2 =	sadd.s32 s2, s17  }
0x8e: {  	[smem:$0x3FC6] =	sst s2  }
0x8f: {  	_ = 	snop  }
0x90: {  	s2 =	sld [smem:$0x3FC9]  }
0x91: {  	s18 =	sld [smem:$0x3FD0];
	(tm) =	ssettm $0x1  }
0x92: {  	s4 =	sld [smem:$0x3FFB];
	_ =	sdelay $0x3  }
0x93: {  	_ =	strace s4  }
0x94: {  	s4 =	sld [smem:$0x3FFC];
	_ =	sdelay $0x3  }
0x95: {  	_ =	strace s4  }
0x96: {  	s4 =	sld [smem:$0x3FFD];
	_ =	sdelay $0x3  }
0x97: {  	_ =	strace s4  }
0x98: {  	_ =	strace $0x8FFFFFFF  }
0x99: {  	s19 =	sld [smem:$0x3FDB];
	_ =	sdelay $0x1  }
0x9a: {  	s5 =	simm.s32 $_scs_section_size  }
0x9b: {  	s6 =	simm.s32 $_size__tile_overlayer_lowered;
	s7 =	simm.s32 $_tile_overlayer_lowered  }
0x9c: {  	s22 =	simm.s32 $0x1BFF;
	s21 =	sshll.u32 s7, $0x1;
	s4 =	sadd.s32 s5, s19  }
0x9d: {  	s8 =	simm.s32 $0x0;
	s20 =	sshll.u32 s6, $0x1;
	s6 =	sadd.s32 s21, s4  }
0x9e: {  	[timem:s8], [sflag:s22] =	dma.local [hbm:s6], s20  }
0x9f: {  	_ =	swait.ge [sflag:s22], s20  }
0xa0: {  	s5 =	ssub.s32 $0x0, s20;
	[sflag:s22] =	ssyncset.done $0x0  }
0xa1: {  	[sflag:s22] =	ssyncadd.s32 s5;
	_ =	sdelay $0x1  }
0xa2: {  	s23 =	simm.s32 $0x1B8B  }
0xa3: {  	_ =	swait.ge [sflag:s23], $0x1  }
0xa4: {  	[sflag:s23] =	ssyncset.done $0x0  }
0xa5: {  	s25 =	simm.s32 $0x1B8E;
	s24 =	sld [smem:$0x3FFE];
	[sflag:s23] =	ssyncadd.s32 $0xFFFFFFFF  }
0xa6: {  	s26 =	simm.s32 $execute0_lowered;
	[smem:$0x3FD2] =	sst s25  }
0xa7: {  	s6 =	sshll.u32 s26, $0x1;
	_ =	strace $0x80000046;
	[dreg:$0x1] =	wrdreg $0xFFFFFFFF  }
0xa8: {  	s28 =	simm.s32 $_size_execute0_lowered;
	s4 =	sadd.s32 s4, s6;
	[dreg:$0x0] =	wrdreg $0x0  }
0xa9: {  	s6 =	sshll.u32 s28, $0x1;
	[dreg:$0x2] =	wrdreg s4  }
0xaa: {  	[dreg:$0x3] =	wrdreg s6  }
0xab: {  	[dreg:$0x4] =	wrdreg $0xC0  }
0xac: {  	_ =	task [dreg:s8], $0x5FFFF  }
0xad: {  	[dreg:$0x1] =	wrdreg $0xFFFFFFFF  }
0xae: {  	[dreg:$0x0] =	wrdreg $0x60  }
0xaf: {  	[dreg:$0x2] =	wrdreg s2  }
0xb0: {  	[dreg:$0x3] =	wrdreg s24  }
0xb1: {  	[dreg:$0x4] =	wrdreg s18  }
0xb2: {  	[dreg:$0x5] =	wrdreg $0x0  }
0xb3: {  	[dreg:$0x6] =	wrdreg $0x9  }
0xb4: {  	_ =	task.clear_ibuf [dreg:s8], $0x7FFFF;
	_ =	strace $0x90000046  }
0xb5: {  	s29 =	simm.s32 $0x9;
	_ =	strace $0x80000048  }
0xb6: {  	_ =	swait.ge [sflag:s29], $0x1  }
0xb7: {  	[sflag:s29] =	ssyncadd.s32 $0xFFFFFFFF  }
0xb8: {  	_ =	strace $0x90000048  }
0xb9: {  	_ =	sfence  }
0xba: {  	s30 =	sld [smem:$0x0];
	_ =	sdelay $0x2  }
0xbb: {  	s31 =	sshll.u32 s1, $0xD;
	s1 =	sshrl.u32 s1, $0x2  }
0xbc: {  	s3 =	sand.u32 $0x4000, s31;
	s1 =	sadd.s32 s1, s30  }
0xbd: {  	s0 =	sor.u32 s3, s0;
	s1 =	sshll.u32 s1, $0x11  }
0xbe: {  	s0 =	sor.u32 s1, s0  }
0xbf: {  	s0 =	sadd.s32 $0x8F2B, s0  }
0xc0: {  	[sflag:s0] =	ssyncadd.remote.s32 $0x1  }
0xc1: {  	_ =	sfence.sel $0xFFFF  }
0xc2: {  	[dreg:$0x0] =	wrdreg $0xFFFFFFFF;
	(pc) =	sbr.abs _section_cstart, $3  }
0xc3: {  	[dreg:$0x1] =	wrdreg $0xFFFFFFFF  }
0xc4: {  	_ =	task.clear_ibuf [dreg:s8], $0x2FFFF;
	_ =	strace $0x9FFFFFFF  }
0xc5: {  	(tm) =	ssettm $0x7FFFFFFF  }
tec
execute0_lowered:
.L_overlay_start_1:
0x0: {  	(tag) =	ssettag $0x1  }
0x1: {  	s0 =	rddreg [dreg:$0x1]  }
0x2: {  	s1 =	rddreg [dreg:$0x2]  }
0x3: {  	s2 =	rddreg [dreg:$0x3]  }
0x4: {  	s3 =	srdreg.scid;
	s4 =	stileid.u32;
	s7 =	simm.s32 $0x0  }
0x5: {  	s28 =	simm.s32 $0x1E600;
	s29 =	simm.s32 $0x1EA00;
	s30 =	simm.s32 $0x4  }
0x6: {  	s31 =	simm.s32 $0x1EE00;
	s3 =	sand.u32 $0x1, s3;
	s5 =	sand.u32 $0x8, s4  }
0x7: {  	[smem:$0x7FF] =	sst s7;
	s15 =	sand.u32 $0x7, s4;
	s8 =	sadd.s32 $0x2400, s0  }
0x8: {  	s0 =	sadd.s32 $0x400, s0;
	s19 =	sshll.u32 s4, $0xA;
	p0 =	sne.s32 s4, $0x0  }
0x9: {  	s4 =	simm.s32 $0x0;
	s6 =	sshll.u32 s3, $0x4;
	_ =	strace $0x80000047  }
0xa: {  	s16 =	ssub.s32 $0x2, s3;
	s3 =	sshll.u32 s3, $0xE;
	s7 =	sshll.u32 s15, $0x7  }
0xb: {  	s5 =	sor.u32 s5, s6;
	s10 =	sshrl.u32 s16, $0x1;
	s6 =	sadd.s32 $0x200, s2  }
0xc: {  	s5 =	sor.u32 s15, s5;
	s10 =	ssub.s32 s16, s10;
	s16 =	simm.s32 $0x3200  }
0xd: {  	s9 =	smul.u32 $0x3100, s5;
	s11 =	sshll.u32 s5, $0x7;
	s5 =	sor.u32 $0x20, s5  }
0xe: {  	s22 =	smax.u32 s10, $0x1;
	s18 =	sadd.s32 s0, s11;
	s20 =	smul.u32 $0x3100, s5  }
0xf: {  	s5 =	sshll.u32 s5, $0x7;
	[dreg:$0x9] =	wrdreg s22;
	s22 =	simm.s32 $0x1  }
0x10: {  	s17 =	sadd.s32 s8, s9;
	[dreg:$0x6] =	wrdreg s18;
	s9 =	sand.u32 $0x2000, s19  }
0x11: {  	s0 =	sadd.s32 s0, s5;
	s18 =	simm.s32 $0x1DA00;
	[dreg:$0x5] =	wrdreg s17  }
0x12: {  	s3 =	sor.u32 s9, s3;
	s8 =	sadd.s32 s8, s20;
	[dreg:$0x8] =	wrdreg s0  }
0x13: {  	s17 =	simm.s32 $0x5;
	s20 =	simm.s32 $0x400;
	s21 =	sor.u32 s7, s3  }
0x14: {  	[dreg:$0x7] =	wrdreg s8;
	s8 =	sadd.s32 $0x2200, s2;
	s23 =	sshrl.u32 s21, $0x3  }
0x15: {  	s24 =	sor.u32 $0x40000, s21;
	s26 =	sor.u32 $0x48000, s21;
	s0 =	sor.u32 $0x8000, s21  }
0x16: {  	s21 =	simm.s32 $0x1FA00;
	s3 =	sadd.s32 s23, s1;
	s25 =	sshrl.u32 s24, $0x3  }
0x17: {  	s0 =	sshrl.u32 s0, $0x3;
	s23 =	simm.s32 $0x3;
	s24 =	simm.s32 $0x80  }
0x18: {  	[dreg:$0xa] =	wrdreg s3;
	s3 =	sadd.s32 s25, s1;
	s0 =	sadd.s32 s0, s1  }
0x19: {  	s25 =	simm.s32 $0x1DE00;
	[dreg:$0xb] =	wrdreg s3;
	s3 =	sshrl.u32 s26, $0x3  }
0x1a: {  	[dreg:$0xd] =	wrdreg s0;
	s0 =	sshrl.u32 @!p0 s2, $0x3;
	s26 =	simm.s32 $0x1E200  }
0x1b: {  	s3 =	sadd.s32 s3, s1;
	[dreg:$0xe] =	wrdreg s0;
	s0 =	simm.s32 $0x1F200  }
0x1c: {  	s1 =	simm.s32 $0x1F600;
	[dreg:$0xc] =	wrdreg s3;
	s3 =	simm.s32 $0x2  }
.LBB2_1:
0x1d: {  	s2 =	rddreg [dreg:$0x0]  }
0x1e: {  	s5 =	simm.s32 @!p0 $0x1C05;
	s7 =	rddreg [dreg:$0xe]  }
0x1f: {  	[spmem:s7], [sflag:s5] =	dma.local @!p0 [hbm:s2], $0x6400  }
0x20: {  	s5 =	simm.s32 @!p0 $0x5  }
0x21: {  	_ =	swait.ge @!p0 [sflag:s5], $0x6400  }
0x22: {  	[sflag:s5] =	ssyncset.done @!p0 $0x0  }
0x23: {  	[sflag:s5] =	ssyncadd.s32 @!p0 $0xFFFF9C00  }
0x24: {  	[bflag:$0x0] =	sbarrier.arrive $0xFFFF  }
0x25: {  	s10 =	simm.s32 $0x0;
	s11 =	rddreg [dreg:$0x5]  }
0x26: {  	[tilespmem:s16], [sflag:$0x5] =	stream.linear.gather [hbm4b:s11+s10], $0x18700, $0x38;
	[tilespmem:$0x1FE00] =	vst v63  }
0x27: {  	_ =	swait.ge [sflag:s17], $0x18700  }
0x28: {  	[sflag:s17] =	ssyncset.done $0x0  }
0x29: {  	s12 =	rddreg [dreg:$0x6];
	[sflag:s17] =	ssyncadd.s32 $0xFFFE7900  }
0x2a: {  	[tilespmem:s18], [sflag:$0x5] =	stream.linear.gather [hbm4b:s12+s10], $0x400, $0x38;
	[tilespmem:$0x1FE00] =	vst v63  }
0x2b: {  	_ =	swait.ge [sflag:s17], $0x400  }
0x2c: {  	s14 =	simm.s32 $0x200;
	[sflag:s17] =	ssyncset.done $0x0  }
0x2d: {  	s15 =	simm.s32 $0x1BA00;
	s5 =	rddreg [dreg:$0xb];
	[sflag:s17] =	ssyncadd.s32 $0xFFFFFC00  }
0x2e: {  	s19 =	simm.s32 $0x1CA00;
	s9 =	simm.s32 $0x0;
	s13 =	rddreg [dreg:$0x3]  }
0x2f: {  	[tilespmem:s15], [sflag:$0x3] =	stream.strided.gather [spmem:s13], $0x1000, s20, s14, $0x38;
	[tilespmem:$0x1FE00] =	vst v63  }
0x30: {  	s10 =	smov.u32 s8;
	s11 =	rddreg [dreg:$0xa];
	s15 =	simm.s32 $0x0  }
0x31: {  	[tilespmem:s19], [sflag:$0x4] =	stream.strided.gather [spmem:s6], $0x1000, s20, s14, $0x38;
	[tilespmem:$0x1FE00] =	vst v63  }
.LBB2_2:
0x32: {  	_ =	swait.ge [sflag:s23], $0x1000  }
0x33: {  	p1 =	seq.s32 s9, $0x0;
	[sflag:s23] =	ssyncset.done $0x0  }
0x34: {  	s7 =	simm.s32 @!p1 $0x1;
	[sflag:s23] =	ssyncadd.s32 $0xFFFFF000  }
0x35: {  	_ =	swait.ge @!p1 [sflag:s7], $0x1000  }
0x36: {  	[sflag:s7] =	ssyncset.done @!p1 $0x0  }
0x37: {  	[sflag:s7] =	ssyncadd.s32 @!p1 $0xFFFFF000  }
0x38: {  	v1 =	vld [tilespmem:$0x1BA00]  }
0x39: {  	v2 =	vld [tilespmem:$0x1BA10]  }
0x3a: {  	v3 =	vld [tilespmem:$0x1BA20]  }
0x3b: {  	v4 =	vld [tilespmem:$0x1BA30]  }
0x3c: {  	v5 =	vld [tilespmem:$0x1BA40]  }
0x3d: {  	v6 =	vld [tilespmem:$0x1BA50]  }
0x3e: {  	v7 =	vld [tilespmem:$0x1BA60]  }
0x3f: {  	v8 =	vld [tilespmem:$0x1BA70]  }
0x40: {  	v9 =	vld [tilespmem:$0x1BC00]  }
0x41: {  	v10 =	vld [tilespmem:$0x1BC10]  }
0x42: {  	v11 =	vld [tilespmem:$0x1BC20]  }
0x43: {  	s12 =	sshll.u32 s15, $0x3;
	v12 =	vld [tilespmem:$0x1BC30]  }
0x44: {  	s12 =	sand.u32 $0xFFFFFF80, s12;
	s7 =	sand.u32 $0x78, s9;
	v13 =	vld [tilespmem:$0x1BC40]  }
0x45: {  	s13 =	sor.u32 s7, s12;
	v14 =	vld [tilespmem:$0x1BC50]  }
0x46: {  	v15 =	vld [tilespmem:$0x1BC60];
	v0 =	vmov s13  }
0x47: {  	v53 =	vld [tilespmem:$0x1BC70]  }
0x48: {  	v55 =	vld [tilespmem:$0x1BE00]  }
0x49: {  	v57 =	vld [tilespmem:$0x1BE10]  }
0x4a: {  	v59 =	vld [tilespmem:$0x1BE20]  }
0x4b: {  	v0 =	vld.idx.msk [tilespmem:v0+s18+$0x0], $0xffff  }
0x4c: {  	v1 =	vld.idx.msk [tilespmem:v1+s16+$0x0], $0xffff  }
0x4d: {  	v2 =	vld.idx.msk [tilespmem:v2+s16+$0x0], $0xffff  }
0x4e: {  	v3 =	vld.idx.msk [tilespmem:v3+s16+$0x0], $0xffff  }
0x4f: {  	v4 =	vld.idx.msk [tilespmem:v4+s16+$0x0], $0xffff  }
0x50: {  	v5 =	vld.idx.msk [tilespmem:v5+s16+$0x0], $0xffff  }
0x51: {  	v6 =	vld.idx.msk [tilespmem:v6+s16+$0x0], $0xffff;
	v1 =	vadd.f32 v1, v0  }
0x52: {  	v7 =	vld.idx.msk [tilespmem:v7+s16+$0x0], $0xffff;
	v2 =	vadd.f32 v2, v0  }
0x53: {  	v8 =	vld.idx.msk [tilespmem:v8+s16+$0x0], $0xffff;
	v52 =	vadd.f32 v3, v0;
	[tilespmem:$0x1DE00] =	vst v1  }
0x54: {  	v9 =	vld.idx.msk [tilespmem:v9+s16+$0x0], $0xffff;
	v54 =	vadd.f32 v4, v0;
	[tilespmem:$0x1DE10] =	vst v2  }
0x55: {  	v10 =	vld.idx.msk [tilespmem:v10+s16+$0x0], $0xffff;
	v56 =	vadd.f32 v5, v0;
	[tilespmem:$0x1DE20] =	vst v52  }
0x56: {  	v11 =	vld.idx.msk [tilespmem:v11+s16+$0x0], $0xffff;
	v58 =	vadd.f32 v6, v0;
	[tilespmem:$0x1DE30] =	vst v54  }
0x57: {  	v61 =	vld.idx.msk [tilespmem:v12+s16+$0x0], $0xffff;
	v60 =	vadd.f32 v7, v0;
	[tilespmem:$0x1DE40] =	vst v56  }
0x58: {  	v63 =	vld.idx.msk [tilespmem:v13+s16+$0x0], $0xffff;
	v62 =	vadd.f32 v8, v0;
	[tilespmem:$0x1DE50] =	vst v58  }
0x59: {  	v13 =	vld.idx.msk [tilespmem:v14+s16+$0x0], $0xffff;
	v12 =	vadd.f32 v9, v0;
	[tilespmem:$0x1DE60] =	vst v60  }
0x5a: {  	v16 =	vld.idx.msk [tilespmem:v15+s16+$0x0], $0xffff;
	v14 =	vadd.f32 v10, v0;
	[tilespmem:$0x1DE70] =	vst v62  }
0x5b: {  	v17 =	vadd.f32 v11, v0;
	v3 =	vld.idx.msk [tilespmem:v53+s16+$0x0], $0xffff;
	[tilespmem:$0x1DE80] =	vst v12  }
0x5c: {  	v18 =	vadd.f32 v61, v0;
	v4 =	vld.idx.msk [tilespmem:v55+s16+$0x0], $0xffff;
	[tilespmem:$0x1DE90] =	vst v14  }
0x5d: {  	v19 =	vadd.f32 v63, v0;
	v5 =	vld.idx.msk [tilespmem:v57+s16+$0x0], $0xffff;
	[tilespmem:$0x1DEA0] =	vst v17  }
0x5e: {  	v20 =	vadd.f32 v13, v0;
	v6 =	vld.idx.msk [tilespmem:v59+s16+$0x0], $0xffff;
	[tilespmem:$0x1DEB0] =	vst v18  }
0x5f: {  	v21 =	vadd.f32 v16, v0;
	[tilespmem:$0x1DEC0] =	vst v19  }
0x60: {  	[tilespmem:$0x1DED0] =	vst v20;
	v22 =	vadd.f32 v3, v0  }
0x61: {  	[tilespmem:$0x1DEE0] =	vst v21;
	v23 =	vadd.f32 v4, v0  }
0x62: {  	v24 =	vadd.f32 v5, v0;
	[tilespmem:$0x1DEF0] =	vst v22  }
0x63: {  	v25 =	vadd.f32 v6, v0;
	[tilespmem:$0x1DF00] =	vst v23  }
0x64: {  	[tilespmem:$0x1DF10] =	vst v24  }
0x65: {  	[tilespmem:$0x1DF20] =	vst v25  }
0x66: {  	v1 =	vld [tilespmem:$0x1BE30]  }
0x67: {  	v26 =	vld [tilespmem:$0x1BE40]  }
0x68: {  	v27 =	vld [tilespmem:$0x1BE50]  }
0x69: {  	v28 =	vld [tilespmem:$0x1BE60]  }
0x6a: {  	v29 =	vld [tilespmem:$0x1BE70]  }
0x6b: {  	v30 =	vld [tilespmem:$0x1C000]  }
0x6c: {  	v31 =	vld [tilespmem:$0x1C010]  }
0x6d: {  	v32 =	vld [tilespmem:$0x1C020]  }
0x6e: {  	v33 =	vld [tilespmem:$0x1C030]  }
0x6f: {  	v34 =	vld [tilespmem:$0x1C040]  }
0x70: {  	v35 =	vld [tilespmem:$0x1C050]  }
0x71: {  	v36 =	vld [tilespmem:$0x1C060]  }
0x72: {  	v37 =	vld [tilespmem:$0x1C070]  }
0x73: {  	v38 =	vld [tilespmem:$0x1C200]  }
0x74: {  	v39 =	vld [tilespmem:$0x1C210]  }
0x75: {  	v16 =	vld [tilespmem:$0x1C220]  }
0x76: {  	v17 =	vld [tilespmem:$0x1C230]  }
0x77: {  	v18 =	vld [tilespmem:$0x1C240]  }
0x78: {  	v19 =	vld [tilespmem:$0x1C250]  }
0x79: {  	v20 =	vld [tilespmem:$0x1C260]  }
0x7a: {  	v21 =	vld [tilespmem:$0x1C270]  }
0x7b: {  	v22 =	vld [tilespmem:$0x1C400]  }
0x7c: {  	v23 =	vld [tilespmem:$0x1C410]  }
0x7d: {  	v24 =	vld [tilespmem:$0x1C420]  }
0x7e: {  	v25 =	vld [tilespmem:$0x1C430]  }
0x7f: {  	v53 =	vld [tilespmem:$0x1C600]  }
0x80: {  	v55 =	vld [tilespmem:$0x1C610]  }
0x81: {  	v57 =	vld [tilespmem:$0x1C620]  }
0x82: {  	v59 =	vld [tilespmem:$0x1C630]  }
0x83: {  	v61 =	vld [tilespmem:$0x1C640]  }
0x84: {  	v63 =	vld [tilespmem:$0x1C650]  }
0x85: {  	v1 =	vld.idx.msk [tilespmem:v1+s16+$0x0], $0xffff  }
0x86: {  	v2 =	vld.idx.msk [tilespmem:v26+s16+$0x0], $0xffff  }
0x87: {  	v3 =	vld.idx.msk [tilespmem:v27+s16+$0x0], $0xffff  }
0x88: {  	v4 =	vld.idx.msk [tilespmem:v28+s16+$0x0], $0xffff  }
0x89: {  	v5 =	vld.idx.msk [tilespmem:v29+s16+$0x0], $0xffff  }
0x8a: {  	v6 =	vld.idx.msk [tilespmem:v30+s16+$0x0], $0xffff  }
0x8b: {  	v7 =	vld.idx.msk [tilespmem:v31+s16+$0x0], $0xffff  }
0x8c: {  	v8 =	vld.idx.msk [tilespmem:v32+s16+$0x0], $0xffff  }
0x8d: {  	v9 =	vld.idx.msk [tilespmem:v33+s16+$0x0], $0xffff  }
0x8e: {  	v10 =	vld.idx.msk [tilespmem:v34+s16+$0x0], $0xffff  }
0x8f: {  	v11 =	vld.idx.msk [tilespmem:v35+s16+$0x0], $0xffff  }
0x90: {  	v12 =	vld.idx.msk [tilespmem:v36+s16+$0x0], $0xffff  }
0x91: {  	v13 =	vld.idx.msk [tilespmem:v37+s16+$0x0], $0xffff  }
0x92: {  	v14 =	vld.idx.msk [tilespmem:v38+s16+$0x0], $0xffff  }
0x93: {  	v15 =	vld.idx.msk [tilespmem:v39+s16+$0x0], $0xffff  }
0x94: {  	v16 =	vld.idx.msk [tilespmem:v16+s16+$0x0], $0xffff  }
0x95: {  	v17 =	vld.idx.msk [tilespmem:v17+s16+$0x0], $0xffff  }
0x96: {  	v18 =	vld.idx.msk [tilespmem:v18+s16+$0x0], $0xffff  }
0x97: {  	v19 =	vld.idx.msk [tilespmem:v19+s16+$0x0], $0xffff  }
0x98: {  	v20 =	vld.idx.msk [tilespmem:v20+s16+$0x0], $0xffff  }
0x99: {  	v21 =	vld.idx.msk [tilespmem:v21+s16+$0x0], $0xffff  }
0x9a: {  	v26 =	vld [tilespmem:$0x1C440]  }
0x9b: {  	v27 =	vld [tilespmem:$0x1C450]  }
0x9c: {  	v28 =	vld [tilespmem:$0x1C460]  }
0x9d: {  	v29 =	vld [tilespmem:$0x1C470]  }
0x9e: {  	v22 =	vld.idx.msk [tilespmem:v22+s16+$0x0], $0xffff  }
0x9f: {  	v23 =	vld.idx.msk [tilespmem:v23+s16+$0x0], $0xffff  }
0xa0: {  	v41 =	vld.idx.msk [tilespmem:v24+s16+$0x0], $0xffff  }
0xa1: {  	v43 =	vld.idx.msk [tilespmem:v25+s16+$0x0], $0xffff  }
0xa2: {  	v25 =	vld [tilespmem:$0x1C660]  }
0xa3: {  	v38 =	vld [tilespmem:$0x1C800]  }
0xa4: {  	v52 =	vadd.f32 v9, v0;
	v9 =	vld.idx.msk [tilespmem:v53+s16+$0x0], $0xffff  }
0xa5: {  	v54 =	vadd.f32 v10, v0;
	v10 =	vld.idx.msk [tilespmem:v55+s16+$0x0], $0xffff  }
0xa6: {  	v56 =	vadd.f32 v11, v0;
	v11 =	vld.idx.msk [tilespmem:v57+s16+$0x0], $0xffff  }
0xa7: {  	v58 =	vadd.f32 v12, v0;
	v12 =	vld.idx.msk [tilespmem:v59+s16+$0x0], $0xffff  }
0xa8: {  	v60 =	vadd.f32 v13, v0;
	v13 =	vld.idx.msk [tilespmem:v61+s16+$0x0], $0xffff  }
0xa9: {  	v62 =	vadd.f32 v14, v0;
	v14 =	vld.idx.msk [tilespmem:v63+s16+$0x0], $0xffff  }
0xaa: {  	v30 =	vadd.f32 v19, v0;
	v19 =	vld [tilespmem:$0x1BAC0]  }
0xab: {  	v31 =	vadd.f32 v20, v0;
	v20 =	vld [tilespmem:$0x1BAD0]  }
0xac: {  	v32 =	vadd.f32 v21, v0;
	v21 =	vld [tilespmem:$0x1BAE0]  }
0xad: {  	v40 =	vadd.f32 v3, v0;
	v33 =	vadd.f32 v22, v0;
	v22 =	vld [tilespmem:$0x1BAF0]  }
0xae: {  	v42 =	vadd.f32 v4, v0;
	v34 =	vadd.f32 v23, v0;
	v23 =	vld [tilespmem:$0x1BC80]  }
0xaf: {  	v44 =	vadd.f32 v5, v0;
	[tilespmem:$0x1DF50] =	vst v40;
	v40 =	vld [tilespmem:$0x1C810]  }
0xb0: {  	v46 =	vadd.f32 v6, v0;
	[tilespmem:$0x1DF60] =	vst v42;
	v42 =	vld [tilespmem:$0x1C820]  }
0xb1: {  	v48 =	vadd.f32 v7, v0;
	[tilespmem:$0x1DF70] =	vst v44;
	v44 =	vld [tilespmem:$0x1C830]  }
0xb2: {  	v50 =	vadd.f32 v8, v0;
	[tilespmem:$0x1DF80] =	vst v46;
	v46 =	vld [tilespmem:$0x1C840]  }
0xb3: {  	[tilespmem:$0x1DF90] =	vst v48;
	v48 =	vld [tilespmem:$0x1C850]  }
0xb4: {  	v24 =	vadd.f32 v15, v0;
	[tilespmem:$0x1DFA0] =	vst v50;
	v50 =	vld [tilespmem:$0x1C860]  }
0xb5: {  	[tilespmem:$0x1DFB0] =	vst v52;
	v52 =	vld [tilespmem:$0x1C870]  }
0xb6: {  	[tilespmem:$0x1E010] =	vst v24;
	v24 =	vld [tilespmem:$0x1BC90]  }
0xb7: {  	[tilespmem:$0x1E050] =	vst v30;
	v30 =	vld [tilespmem:$0x1BCF0]  }
0xb8: {  	[tilespmem:$0x1E060] =	vst v31;
	v31 =	vld [tilespmem:$0x1BE80]  }
0xb9: {  	[tilespmem:$0x1E070] =	vst v32;
	v32 =	vld [tilespmem:$0x1BE90]  }
0xba: {  	v35 =	vadd.f32 v41, v0;
	[tilespmem:$0x1E080] =	vst v33;
	v33 =	vld [tilespmem:$0x1BEA0]  }
0xbb: {  	v37 =	vadd.f32 v43, v0;
	[tilespmem:$0x1E090] =	vst v34;
	v34 =	vld [tilespmem:$0x1BEB0]  }
0xbc: {  	[tilespmem:$0x1E0A0] =	vst v35;
	v35 =	vld [tilespmem:$0x1BEC0]  }
0xbd: {  	[tilespmem:$0x1E0B0] =	vst v37;
	v37 =	vld [tilespmem:$0x1BEE0]  }
0xbe: {  	v45 =	vld.idx.msk [tilespmem:v26+s16+$0x0], $0xffff  }
0xbf: {  	v47 =	vld.idx.msk [tilespmem:v27+s16+$0x0], $0xffff  }
0xc0: {  	v49 =	vld.idx.msk [tilespmem:v28+s16+$0x0], $0xffff  }
0xc1: {  	v51 =	vld.idx.msk [tilespmem:v29+s16+$0x0], $0xffff  }
0xc2: {  	v27 =	vld [tilespmem:$0x1C670]  }
0xc3: {  	v1 =	vadd.f32 v1, v0;
	v15 =	vld.idx.msk [tilespmem:v25+s16+$0x0], $0xffff  }
0xc4: {  	v2 =	vadd.f32 v2, v0;
	v4 =	vld.idx.msk [tilespmem:v38+s16+$0x0], $0xffff  }
0xc5: {  	[tilespmem:$0x1DF30] =	vst v1;
	v26 =	vadd.f32 v16, v0;
	v16 =	vld [tilespmem:$0x1BA90]  }
0xc6: {  	[tilespmem:$0x1DF40] =	vst v2;
	v28 =	vadd.f32 v17, v0;
	v17 =	vld [tilespmem:$0x1BAA0]  }
0xc7: {  	[tilespmem:$0x1DFC0] =	vst v54;
	v29 =	vadd.f32 v18, v0;
	v18 =	vld [tilespmem:$0x1BAB0]  }
0xc8: {  	[tilespmem:$0x1DFD0] =	vst v56;
	v25 =	vld [tilespmem:$0x1BCA0]  }
0xc9: {  	[tilespmem:$0x1DFE0] =	vst v58;
	v38 =	vld [tilespmem:$0x1BEF0]  }
0xca: {  	[tilespmem:$0x1E020] =	vst v26;
	v26 =	vld [tilespmem:$0x1BCB0]  }
0xcb: {  	[tilespmem:$0x1E030] =	vst v28;
	v55 =	vadd.f32 v14, v0;
	v28 =	vld [tilespmem:$0x1BCD0]  }
0xcc: {  	[tilespmem:$0x1E040] =	vst v29;
	v29 =	vld [tilespmem:$0x1BCE0]  }
0xcd: {  	[tilespmem:$0x1E150] =	vst v55;
	v55 =	vld [tilespmem:$0x1C480]  }
0xce: {  	[tilespmem:$0x1DFF0] =	vst v60;
	v53 =	vadd.f32 v12, v0;
	v56 =	vadd.f32 v15, v0;
	v15 =	vld [tilespmem:$0x1BA80]  }
0xcf: {  	[tilespmem:$0x1E000] =	vst v62;
	v54 =	vadd.f32 v13, v0;
	v5 =	vld.idx.msk [tilespmem:v40+s16+$0x0], $0xffff  }
0xd0: {  	[tilespmem:$0x1E130] =	vst v53;
	v39 =	vadd.f32 v45, v0;
	v6 =	vld.idx.msk [tilespmem:v42+s16+$0x0], $0xffff  }
0xd1: {  	[tilespmem:$0x1E140] =	vst v54;
	v41 =	vadd.f32 v47, v0;
	v7 =	vld.idx.msk [tilespmem:v44+s16+$0x0], $0xffff  }
0xd2: {  	v43 =	vadd.f32 v49, v0;
	[tilespmem:$0x1E0C0] =	vst v39;
	v58 =	vld.idx.msk [tilespmem:v46+s16+$0x0], $0xffff  }
0xd3: {  	v45 =	vadd.f32 v51, v0;
	[tilespmem:$0x1E0D0] =	vst v41;
	v60 =	vld.idx.msk [tilespmem:v48+s16+$0x0], $0xffff  }
0xd4: {  	v47 =	vadd.f32 v9, v0;
	[tilespmem:$0x1E0E0] =	vst v43;
	v62 =	vld.idx.msk [tilespmem:v50+s16+$0x0], $0xffff  }
0xd5: {  	v49 =	vadd.f32 v10, v0;
	[tilespmem:$0x1E0F0] =	vst v45;
	v9 =	vld.idx.msk [tilespmem:v52+s16+$0x0], $0xffff  }
0xd6: {  	v51 =	vadd.f32 v11, v0;
	[tilespmem:$0x1E100] =	vst v47;
	v39 =	vld [tilespmem:$0x1C080]  }
0xd7: {  	[tilespmem:$0x1E110] =	vst v49;
	v40 =	vld [tilespmem:$0x1C090]  }
0xd8: {  	v59 =	vadd.f32 v4, v0;
	[tilespmem:$0x1E120] =	vst v51;
	v41 =	vld [tilespmem:$0x1C0A0]  }
0xd9: {  	[tilespmem:$0x1E160] =	vst v56;
	v42 =	vld [tilespmem:$0x1C0B0];
	v61 =	vadd.f32 v5, v0  }
0xda: {  	[tilespmem:$0x1E180] =	vst v59;
	v36 =	vld.idx.msk [tilespmem:v27+s16+$0x0], $0xffff;
	v63 =	vadd.f32 v6, v0  }
0xdb: {  	v43 =	vld [tilespmem:$0x1C0C0];
	v10 =	vadd.f32 v7, v0;
	[tilespmem:$0x1E190] =	vst v61  }
0xdc: {  	v45 =	vld [tilespmem:$0x1C2F0];
	v11 =	vadd.f32 v58, v0;
	[tilespmem:$0x1E1A0] =	vst v63  }
0xdd: {  	s14 =	sor.u32 $0x1, s13;
	v59 =	vld [tilespmem:$0x1C4A0];
	v12 =	vadd.f32 v60, v0;
	[tilespmem:$0x1E1B0] =	vst v10  }
0xde: {  	v13 =	vmov s14;
	v27 =	vld [tilespmem:$0x1BCC0];
	v14 =	vadd.f32 v62, v0;
	[tilespmem:$0x1E1C0] =	vst v11  }
0xdf: {  	v57 =	vadd.f32 v36, v0;
	v36 =	vld [tilespmem:$0x1BED0];
	[tilespmem:$0x1E1D0] =	vst v12  }
0xe0: {  	v0 =	vadd.f32 v9, v0;
	[tilespmem:$0x1E1E0] =	vst v14;
	v61 =	vld [tilespmem:$0x1C4B0]  }
0xe1: {  	v63 =	vld [tilespmem:$0x1C4C0];
	[tilespmem:$0x1E170] =	vst v57  }
0xe2: {  	[tilespmem:$0x1E1F0] =	vst v0;
	v57 =	vld [tilespmem:$0x1C490]  }
0xe3: {  	v0 =	vld.idx.msk [tilespmem:v13+s18+$0x0], $0xffff  }
0xe4: {  	v1 =	vld.idx.msk [tilespmem:v15+s16+$0x0], $0xffff  }
0xe5: {  	v2 =	vld.idx.msk [tilespmem:v16+s16+$0x0], $0xffff  }
0xe6: {  	v3 =	vld.idx.msk [tilespmem:v17+s16+$0x0], $0xffff  }
0xe7: {  	v4 =	vld.idx.msk [tilespmem:v18+s16+$0x0], $0xffff  }
0xe8: {  	v5 =	vld.idx.msk [tilespmem:v19+s16+$0x0], $0xffff  }
0xe9: {  	v6 =	vld.idx.msk [tilespmem:v20+s16+$0x0], $0xffff  }
0xea: {  	v7 =	vld.idx.msk [tilespmem:v21+s16+$0x0], $0xffff  }
0xeb: {  	v8 =	vld.idx.msk [tilespmem:v22+s16+$0x0], $0xffff  }
0xec: {  	v9 =	vld.idx.msk [tilespmem:v23+s16+$0x0], $0xffff  }
0xed: {  	v10 =	vld.idx.msk [tilespmem:v24+s16+$0x0], $0xffff  }
0xee: {  	v11 =	vld.idx.msk [tilespmem:v25+s16+$0x0], $0xffff  }
0xef: {  	v12 =	vld.idx.msk [tilespmem:v26+s16+$0x0], $0xffff  }
0xf0: {  	v13 =	vld.idx.msk [tilespmem:v27+s16+$0x0], $0xffff  }
0xf1: {  	v14 =	vld.idx.msk [tilespmem:v28+s16+$0x0], $0xffff  }
0xf2: {  	v15 =	vld.idx.msk [tilespmem:v29+s16+$0x0], $0xffff  }
0xf3: {  	v16 =	vld.idx.msk [tilespmem:v30+s16+$0x0], $0xffff  }
0xf4: {  	v17 =	vld.idx.msk [tilespmem:v31+s16+$0x0], $0xffff  }
0xf5: {  	v18 =	vld.idx.msk [tilespmem:v32+s16+$0x0], $0xffff  }
0xf6: {  	v19 =	vld.idx.msk [tilespmem:v33+s16+$0x0], $0xffff  }
0xf7: {  	v20 =	vld.idx.msk [tilespmem:v34+s16+$0x0], $0xffff  }
0xf8: {  	v21 =	vld.idx.msk [tilespmem:v35+s16+$0x0], $0xffff  }
0xf9: {  	v23 =	vld.idx.msk [tilespmem:v37+s16+$0x0], $0xffff  }
0xfa: {  	v24 =	vld.idx.msk [tilespmem:v38+s16+$0x0], $0xffff  }
0xfb: {  	v30 =	vld [tilespmem:$0x1C0D0]  }
0xfc: {  	v31 =	vld [tilespmem:$0x1C0E0]  }
0xfd: {  	v32 =	vld [tilespmem:$0x1C0F0]  }
0xfe: {  	v25 =	vld.idx.msk [tilespmem:v39+s16+$0x0], $0xffff  }
0xff: {  	v26 =	vld.idx.msk [tilespmem:v40+s16+$0x0], $0xffff  }
0x100: {  	v27 =	vld.idx.msk [tilespmem:v41+s16+$0x0], $0xffff  }
0x101: {  	v28 =	vld.idx.msk [tilespmem:v42+s16+$0x0], $0xffff  }
0x102: {  	v29 =	vld.idx.msk [tilespmem:v43+s16+$0x0], $0xffff  }
0x103: {  	v33 =	vld [tilespmem:$0x1C280]  }
0x104: {  	v34 =	vld [tilespmem:$0x1C290]  }
0x105: {  	v35 =	vld [tilespmem:$0x1C2A0]  }
0x106: {  	v37 =	vld [tilespmem:$0x1C2C0]  }
0x107: {  	v38 =	vld [tilespmem:$0x1C2D0]  }
0x108: {  	v39 =	vld [tilespmem:$0x1C2E0]  }
0x109: {  	v22 =	vld.idx.msk [tilespmem:v36+s16+$0x0], $0xffff  }
0x10a: {  	v36 =	vld [tilespmem:$0x1C2B0]  }
0x10b: {  	v44 =	vadd.f32 v3, v0;
	v3 =	vld.idx.msk [tilespmem:v45+s16+$0x0], $0xffff  }
0x10c: {  	v53 =	vadd.f32 v11, v0;
	v11 =	vld.idx.msk [tilespmem:v55+s16+$0x0], $0xffff  }
0x10d: {  	v56 =	vadd.f32 v13, v0;
	v13 =	vld.idx.msk [tilespmem:v59+s16+$0x0], $0xffff  }
0x10e: {  	v40 =	vadd.f32 v21, v0;
	v21 =	vld [tilespmem:$0x1BB40]  }
0x10f: {  	v42 =	vadd.f32 v23, v0;
	v23 =	vld [tilespmem:$0x1BB60]  }
0x110: {  	v58 =	vadd.f32 v14, v0;
	v14 =	vld.idx.msk [tilespmem:v61+s16+$0x0], $0xffff  }
0x111: {  	v48 =	vadd.f32 v6, v0;
	v60 =	vadd.f32 v15, v0;
	v15 =	vld.idx.msk [tilespmem:v63+s16+$0x0], $0xffff  }
0x112: {  	v50 =	vadd.f32 v8, v0;
	v54 =	vadd.f32 v12, v0;
	v12 =	vld.idx.msk [tilespmem:v57+s16+$0x0], $0xffff  }
0x113: {  	v52 =	vadd.f32 v10, v0;
	[tilespmem:$0x1E250] =	vst v48;
	v48 =	vld [tilespmem:$0x1C680]  }
0x114: {  	[tilespmem:$0x1E270] =	vst v50;
	v50 =	vld [tilespmem:$0x1C690]  }
0x115: {  	[tilespmem:$0x1E290] =	vst v52;
	v52 =	vld [tilespmem:$0x1C6A0]  }
0x116: {  	[tilespmem:$0x1E2B0] =	vst v54;
	v54 =	vld [tilespmem:$0x1C6B0]  }
0x117: {  	[tilespmem:$0x1E2C0] =	vst v56;
	v56 =	vld [tilespmem:$0x1C6C0]  }
0x118: {  	v62 =	vadd.f32 v16, v0;
	[tilespmem:$0x1E2D0] =	vst v58;
	v58 =	vld [tilespmem:$0x1C6D0]  }
0x119: {  	[tilespmem:$0x1E2E0] =	vst v60;
	v60 =	vld [tilespmem:$0x1C6E0]  }
0x11a: {  	[tilespmem:$0x1E2F0] =	vst v62;
	v62 =	vld [tilespmem:$0x1C6F0]  }
0x11b: {  	[tilespmem:$0x1E340] =	vst v40;
	v40 =	vld [tilespmem:$0x1C8A0]  }
0x11c: {  	[tilespmem:$0x1E360] =	vst v42;
	v42 =	vld [tilespmem:$0x1C8B0]  }
0x11d: {  	v30 =	vld.idx.msk [tilespmem:v30+s16+$0x0], $0xffff  }
0x11e: {  	v31 =	vld.idx.msk [tilespmem:v31+s16+$0x0], $0xffff  }
0x11f: {  	v32 =	vld.idx.msk [tilespmem:v32+s16+$0x0], $0xffff  }
0x120: {  	v46 =	vadd.f32 v4, v0;
	v4 =	vld.idx.msk [tilespmem:v33+s16+$0x0], $0xffff  }
0x121: {  	v47 =	vadd.f32 v5, v0;
	v5 =	vld.idx.msk [tilespmem:v34+s16+$0x0], $0xffff  }
0x122: {  	v6 =	vld.idx.msk [tilespmem:v35+s16+$0x0], $0xffff  }
0x123: {  	v8 =	vld.idx.msk [tilespmem:v37+s16+$0x0], $0xffff  }
0x124: {  	v51 =	vadd.f32 v9, v0;
	v9 =	vld.idx.msk [tilespmem:v38+s16+$0x0], $0xffff  }
0x125: {  	v10 =	vld.idx.msk [tilespmem:v39+s16+$0x0], $0xffff  }
0x126: {  	v34 =	vld [tilespmem:$0x1C4D0]  }
0x127: {  	[tilespmem:$0x1E220] =	vst v44;
	v44 =	vadd.f32 v25, v0;
	v38 =	vld [tilespmem:$0x1C4F0]  }
0x128: {  	[tilespmem:$0x1E230] =	vst v46;
	v46 =	vadd.f32 v27, v0;
	v39 =	vadd.f32 v20, v0;
	v20 =	vld [tilespmem:$0x1BB30]  }
0x129: {  	v33 =	vadd.f32 v17, v0;
	[tilespmem:$0x1E380] =	vst v44;
	v44 =	vld [tilespmem:$0x1C8C0]  }
0x12a: {  	v35 =	vadd.f32 v18, v0;
	[tilespmem:$0x1E3A0] =	vst v46;
	v46 =	vld [tilespmem:$0x1C8D0]  }
0x12b: {  	v37 =	vadd.f32 v19, v0;
	[tilespmem:$0x1E300] =	vst v33;
	v41 =	vadd.f32 v22, v0;
	v22 =	vld [tilespmem:$0x1BB50]  }
0x12c: {  	v49 =	vadd.f32 v7, v0;
	[tilespmem:$0x1E310] =	vst v35;
	v35 =	vadd.f32 v14, v0;
	v7 =	vld.idx.msk [tilespmem:v36+s16+$0x0], $0xffff  }
0x12d: {  	[tilespmem:$0x1E320] =	vst v37;
	v37 =	vadd.f32 v15, v0;
	v36 =	vld [tilespmem:$0x1C4E0]  }
0x12e: {  	v33 =	vadd.f32 v12, v0;
	[tilespmem:$0x1E4B0] =	vst v35;
	v35 =	vld [tilespmem:$0x1BF20]  }
0x12f: {  	[tilespmem:$0x1E4C0] =	vst v37;
	v37 =	vld [tilespmem:$0x1BF40]  }
0x130: {  	[tilespmem:$0x1E490] =	vst v33;
	v33 =	vld [tilespmem:$0x1BF00]  }
0x131: {  	v19 =	vld.idx.msk [tilespmem:v48+s16+$0x0], $0xffff  }
0x132: {  	v25 =	vld.idx.msk [tilespmem:v50+s16+$0x0], $0xffff  }
0x133: {  	v27 =	vld.idx.msk [tilespmem:v52+s16+$0x0], $0xffff  }
0x134: {  	[tilespmem:$0x1E260] =	vst v49;
	v49 =	vadd.f32 v29, v0;
	v29 =	vld.idx.msk [tilespmem:v54+s16+$0x0], $0xffff  }
0x135: {  	[tilespmem:$0x1E2A0] =	vst v53;
	v53 =	vadd.f32 v31, v0;
	v31 =	vld.idx.msk [tilespmem:v56+s16+$0x0], $0xffff  }
0x136: {  	v57 =	vadd.f32 v4, v0;
	v4 =	vld.idx.msk [tilespmem:v58+s16+$0x0], $0xffff  }
0x137: {  	v59 =	vadd.f32 v5, v0;
	v5 =	vld.idx.msk [tilespmem:v60+s16+$0x0], $0xffff  }
0x138: {  	v61 =	vadd.f32 v6, v0;
	v6 =	vld.idx.msk [tilespmem:v62+s16+$0x0], $0xffff  }
0x139: {  	v48 =	vld [tilespmem:$0x1C8E0]  }
0x13a: {  	v50 =	vld [tilespmem:$0x1C8F0]  }
0x13b: {  	v43 =	vadd.f32 v24, v0;
	[tilespmem:$0x1E240] =	vst v47;
	v24 =	vadd.f32 v8, v0;
	v56 =	vld.idx.msk [tilespmem:v40+s16+$0x0], $0xffff  }
0x13c: {  	v45 =	vadd.f32 v26, v0;
	[tilespmem:$0x1E280] =	vst v51;
	v26 =	vadd.f32 v9, v0;
	v58 =	vld.idx.msk [tilespmem:v42+s16+$0x0], $0xffff  }
0x13d: {  	v47 =	vadd.f32 v28, v0;
	v28 =	vadd.f32 v10, v0;
	[tilespmem:$0x1E440] =	vst v24;
	v24 =	vld [tilespmem:$0x1BB70]  }
0x13e: {  	v51 =	vadd.f32 v30, v0;
	v30 =	vadd.f32 v3, v0;
	[tilespmem:$0x1E450] =	vst v26;
	v26 =	vld [tilespmem:$0x1BD10]  }
0x13f: {  	v55 =	vadd.f32 v32, v0;
	v32 =	vadd.f32 v11, v0;
	[tilespmem:$0x1E460] =	vst v28;
	v28 =	vld [tilespmem:$0x1BD30]  }
0x140: {  	[tilespmem:$0x1E470] =	vst v30;
	v30 =	vld [tilespmem:$0x1BD50]  }
0x141: {  	[tilespmem:$0x1E480] =	vst v32;
	v32 =	vld [tilespmem:$0x1BD70]  }
0x142: {  	v40 =	vld [tilespmem:$0x1BF70]  }
0x143: {  	v1 =	vadd.f32 v1, v0;
	v42 =	vld [tilespmem:$0x1C110]  }
0x144: {  	v2 =	vadd.f32 v2, v0;
	v16 =	vld.idx.msk [tilespmem:v34+s16+$0x0], $0xffff  }
0x145: {  	[tilespmem:$0x1E200] =	vst v1;
	v18 =	vld.idx.msk [tilespmem:v38+s16+$0x0], $0xffff  }
0x146: {  	[tilespmem:$0x1E210] =	vst v2;
	v38 =	vld [tilespmem:$0x1C890]  }
0x147: {  	[tilespmem:$0x1E370] =	vst v43;
	v34 =	vadd.f32 v13, v0;
	v13 =	vld [tilespmem:$0x1BB00]  }
0x148: {  	[tilespmem:$0x1E390] =	vst v45;
	v60 =	vld.idx.msk [tilespmem:v44+s16+$0x0], $0xffff  }
0x149: {  	[tilespmem:$0x1E3B0] =	vst v47;
	v44 =	vld [tilespmem:$0x1C130]  }
0x14a: {  	[tilespmem:$0x1E3C0] =	vst v49;
	v63 =	vadd.f32 v7, v0;
	v7 =	vld.idx.msk [tilespmem:v46+s16+$0x0], $0xffff  }
0x14b: {  	[tilespmem:$0x1E4A0] =	vst v34;
	v34 =	vld [tilespmem:$0x1BF10]  }
0x14c: {  	[tilespmem:$0x1E330] =	vst v39;
	v46 =	vld [tilespmem:$0x1C150]  }
0x14d: {  	[tilespmem:$0x1E350] =	vst v41;
	v45 =	vadd.f32 v19, v0;
	v19 =	vld [tilespmem:$0x1BB20]  }
0x14e: {  	[tilespmem:$0x1E3D0] =	vst v51;
	v47 =	vadd.f32 v25, v0;
	v25 =	vld [tilespmem:$0x1BD00]  }
0x14f: {  	[tilespmem:$0x1E3E0] =	vst v53;
	v49 =	vadd.f32 v27, v0;
	v27 =	vld [tilespmem:$0x1BD20]  }
0x150: {  	[tilespmem:$0x1E3F0] =	vst v55;
	v51 =	vadd.f32 v29, v0;
	v29 =	vld [tilespmem:$0x1BD40]  }
0x151: {  	[tilespmem:$0x1E400] =	vst v57;
	v53 =	vadd.f32 v31, v0;
	v31 =	vld [tilespmem:$0x1BD60]  }
0x152: {  	[tilespmem:$0x1E410] =	vst v59;
	v17 =	vld.idx.msk [tilespmem:v36+s16+$0x0], $0xffff  }
0x153: {  	[tilespmem:$0x1E420] =	vst v61;
	v36 =	vld [tilespmem:$0x1C880]  }
0x154: {  	[tilespmem:$0x1E430] =	vst v63;
	v43 =	vadd.f32 v18, v0;
	v18 =	vld [tilespmem:$0x1BB10]  }
0x155: {  	[tilespmem:$0x1E500] =	vst v45;
	v45 =	vld [tilespmem:$0x1C140]  }
0x156: {  	[tilespmem:$0x1E510] =	vst v47;
	v47 =	vld [tilespmem:$0x1C160]  }
0x157: {  	v55 =	vadd.f32 v4, v0;
	[tilespmem:$0x1E520] =	vst v49;
	v49 =	vld [tilespmem:$0x1C300]  }
0x158: {  	v57 =	vadd.f32 v5, v0;
	[tilespmem:$0x1E540] =	vst v53;
	v53 =	vld [tilespmem:$0x1C310]  }
0x159: {  	v59 =	vadd.f32 v6, v0;
	[tilespmem:$0x1E550] =	vst v55;
	v55 =	vld [tilespmem:$0x1C320]  }
0x15a: {  	[tilespmem:$0x1E560] =	vst v57;
	v57 =	vld [tilespmem:$0x1C330]  }
0x15b: {  	v10 =	vadd.f32 v56, v0;
	[tilespmem:$0x1E570] =	vst v59;
	v59 =	vld [tilespmem:$0x1C340]  }
0x15c: {  	v12 =	vadd.f32 v58, v0;
	[tilespmem:$0x1E530] =	vst v51;
	v63 =	vld.idx.msk [tilespmem:v48+s16+$0x0], $0xffff  }
0x15d: {  	v39 =	vadd.f32 v16, v0;
	[tilespmem:$0x1E5A0] =	vst v10;
	v11 =	vld.idx.msk [tilespmem:v50+s16+$0x0], $0xffff  }
0x15e: {  	[tilespmem:$0x1E5B0] =	vst v12;
	v54 =	vld.idx.msk [tilespmem:v38+s16+$0x0], $0xffff  }
0x15f: {  	v14 =	vadd.f32 v60, v0;
	[tilespmem:$0x1E4D0] =	vst v39;
	v52 =	vld.idx.msk [tilespmem:v36+s16+$0x0], $0xffff  }
0x160: {  	[tilespmem:$0x1E4F0] =	vst v43;
	v15 =	vadd.f32 v7, v0;
	v39 =	vld [tilespmem:$0x1BF60]  }
0x161: {  	v43 =	vld [tilespmem:$0x1C120];
	[tilespmem:$0x1E5C0] =	vst v14;
	v41 =	vadd.f32 v17, v0  }
0x162: {  	s2 =	sor.u32 $0x2, s13;
	v48 =	vld [tilespmem:$0x1C170];
	[tilespmem:$0x1E5D0] =	vst v15;
	v17 =	vadd.f32 v63, v0  }
0x163: {  	v16 =	vmov s2;
	v38 =	vld [tilespmem:$0x1BF50];
	[tilespmem:$0x1E4E0] =	vst v41;
	v62 =	vadd.f32 v54, v0  }
0x164: {  	v41 =	vld [tilespmem:$0x1C100];
	[tilespmem:$0x1E5E0] =	vst v17;
	v61 =	vadd.f32 v52, v0  }
0x165: {  	v63 =	vld [tilespmem:$0x1C360];
	[tilespmem:$0x1E590] =	vst v62;
	v0 =	vadd.f32 v11, v0  }
0x166: {  	v36 =	vld [tilespmem:$0x1BF30];
	[tilespmem:$0x1E580] =	vst v61  }
0x167: {  	[tilespmem:$0x1E5F0] =	vst v0;
	v61 =	vld [tilespmem:$0x1C350]  }
0x168: {  	v0 =	vld.idx.msk [tilespmem:v16+s18+$0x0], $0xffff  }
0x169: {  	v1 =	vld.idx.msk [tilespmem:v13+s16+$0x0], $0xffff  }
0x16a: {  	v2 =	vld.idx.msk [tilespmem:v18+s16+$0x0], $0xffff  }
0x16b: {  	v3 =	vld.idx.msk [tilespmem:v19+s16+$0x0], $0xffff  }
0x16c: {  	v4 =	vld.idx.msk [tilespmem:v20+s16+$0x0], $0xffff  }
0x16d: {  	v5 =	vld.idx.msk [tilespmem:v21+s16+$0x0], $0xffff  }
0x16e: {  	v6 =	vld.idx.msk [tilespmem:v22+s16+$0x0], $0xffff  }
0x16f: {  	v7 =	vld.idx.msk [tilespmem:v23+s16+$0x0], $0xffff  }
0x170: {  	v8 =	vld.idx.msk [tilespmem:v24+s16+$0x0], $0xffff  }
0x171: {  	v9 =	vld.idx.msk [tilespmem:v25+s16+$0x0], $0xffff  }
0x172: {  	v10 =	vld.idx.msk [tilespmem:v26+s16+$0x0], $0xffff  }
0x173: {  	v11 =	vld.idx.msk [tilespmem:v27+s16+$0x0], $0xffff  }
0x174: {  	v12 =	vld.idx.msk [tilespmem:v28+s16+$0x0], $0xffff  }
0x175: {  	v13 =	vld.idx.msk [tilespmem:v29+s16+$0x0], $0xffff  }
0x176: {  	v14 =	vld.idx.msk [tilespmem:v30+s16+$0x0], $0xffff  }
0x177: {  	v15 =	vld.idx.msk [tilespmem:v31+s16+$0x0], $0xffff  }
0x178: {  	v16 =	vld.idx.msk [tilespmem:v32+s16+$0x0], $0xffff  }
0x179: {  	v17 =	vld.idx.msk [tilespmem:v33+s16+$0x0], $0xffff  }
0x17a: {  	v18 =	vld.idx.msk [tilespmem:v34+s16+$0x0], $0xffff  }
0x17b: {  	v19 =	vld.idx.msk [tilespmem:v35+s16+$0x0], $0xffff  }
0x17c: {  	v20 =	vld.idx.msk [tilespmem:v36+s16+$0x0], $0xffff  }
0x17d: {  	v21 =	vld.idx.msk [tilespmem:v37+s16+$0x0], $0xffff  }
0x17e: {  	v22 =	vld.idx.msk [tilespmem:v38+s16+$0x0], $0xffff  }
0x17f: {  	v23 =	vld.idx.msk [tilespmem:v39+s16+$0x0], $0xffff  }
0x180: {  	v24 =	vld.idx.msk [tilespmem:v40+s16+$0x0], $0xffff;
	v1 =	vadd.f32 v1, v0  }
0x181: {  	v25 =	vld.idx.msk [tilespmem:v41+s16+$0x0], $0xffff;
	v2 =	vadd.f32 v2, v0  }
0x182: {  	v26 =	vld.idx.msk [tilespmem:v42+s16+$0x0], $0xffff;
	v50 =	vadd.f32 v3, v0;
	[tilespmem:$0x1E600] =	vst v1  }
0x183: {  	v27 =	vld.idx.msk [tilespmem:v43+s16+$0x0], $0xffff;
	v51 =	vadd.f32 v4, v0;
	[tilespmem:$0x1E610] =	vst v2  }
0x184: {  	v28 =	vld.idx.msk [tilespmem:v44+s16+$0x0], $0xffff;
	v52 =	vadd.f32 v5, v0;
	[tilespmem:$0x1E620] =	vst v50  }
0x185: {  	v29 =	vld.idx.msk [tilespmem:v45+s16+$0x0], $0xffff;
	v54 =	vadd.f32 v6, v0;
	[tilespmem:$0x1E630] =	vst v51  }
0x186: {  	v30 =	vld.idx.msk [tilespmem:v46+s16+$0x0], $0xffff;
	v56 =	vadd.f32 v7, v0;
	[tilespmem:$0x1E640] =	vst v52  }
0x187: {  	v31 =	vld.idx.msk [tilespmem:v47+s16+$0x0], $0xffff;
	v58 =	vadd.f32 v8, v0;
	[tilespmem:$0x1E650] =	vst v54  }
0x188: {  	v33 =	vld [tilespmem:$0x1C370];
	v60 =	vadd.f32 v9, v0;
	[tilespmem:$0x1E660] =	vst v56  }
0x189: {  	v35 =	vld [tilespmem:$0x1C500];
	v62 =	vadd.f32 v10, v0;
	[tilespmem:$0x1E670] =	vst v58  }
0x18a: {  	v45 =	vld [tilespmem:$0x1C510];
	v32 =	vadd.f32 v11, v0;
	[tilespmem:$0x1E680] =	vst v60  }
0x18b: {  	v47 =	vld [tilespmem:$0x1C520];
	v34 =	vadd.f32 v12, v0;
	[tilespmem:$0x1E690] =	vst v62  }
0x18c: {  	v3 =	vld.idx.msk [tilespmem:v48+s16+$0x0], $0xffff;
	v36 =	vadd.f32 v13, v0;
	[tilespmem:$0x1E6A0] =	vst v32  }
0x18d: {  	v4 =	vld.idx.msk [tilespmem:v49+s16+$0x0], $0xffff;
	v37 =	vadd.f32 v14, v0;
	[tilespmem:$0x1E6B0] =	vst v34  }
0x18e: {  	v5 =	vld.idx.msk [tilespmem:v53+s16+$0x0], $0xffff;
	v38 =	vadd.f32 v15, v0;
	[tilespmem:$0x1E6C0] =	vst v36  }
0x18f: {  	v6 =	vld.idx.msk [tilespmem:v55+s16+$0x0], $0xffff;
	v39 =	vadd.f32 v16, v0;
	[tilespmem:$0x1E6D0] =	vst v37  }
0x190: {  	v7 =	vld.idx.msk [tilespmem:v57+s16+$0x0], $0xffff;
	v40 =	vadd.f32 v17, v0;
	[tilespmem:$0x1E6E0] =	vst v38  }
0x191: {  	v8 =	vld.idx.msk [tilespmem:v59+s16+$0x0], $0xffff;
	v41 =	vadd.f32 v18, v0;
	[tilespmem:$0x1E6F0] =	vst v39  }
0x192: {  	v10 =	vld.idx.msk [tilespmem:v63+s16+$0x0], $0xffff;
	v42 =	vadd.f32 v19, v0;
	[tilespmem:$0x1E700] =	vst v40  }
0x193: {  	v43 =	vadd.f32 v20, v0;
	v49 =	vld [tilespmem:$0x1C530];
	[tilespmem:$0x1E710] =	vst v41  }
0x194: {  	v44 =	vadd.f32 v21, v0;
	v53 =	vld [tilespmem:$0x1C550];
	[tilespmem:$0x1E720] =	vst v42  }
0x195: {  	v46 =	vadd.f32 v22, v0;
	v55 =	vld [tilespmem:$0x1C560];
	[tilespmem:$0x1E730] =	vst v43  }
0x196: {  	v48 =	vadd.f32 v23, v0;
	v57 =	vld [tilespmem:$0x1C570];
	[tilespmem:$0x1E740] =	vst v44  }
0x197: {  	v59 =	vld [tilespmem:$0x1C700];
	[tilespmem:$0x1E750] =	vst v46;
	v50 =	vadd.f32 v24, v0  }
0x198: {  	v9 =	vld.idx.msk [tilespmem:v61+s16+$0x0], $0xffff;
	[tilespmem:$0x1E760] =	vst v48;
	v52 =	vadd.f32 v25, v0  }
0x199: {  	v51 =	vld [tilespmem:$0x1C540];
	v54 =	vadd.f32 v26, v0;
	[tilespmem:$0x1E770] =	vst v50  }
0x19a: {  	v56 =	vadd.f32 v27, v0;
	v62 =	vadd.f32 v31, v0;
	v31 =	vld [tilespmem:$0x1C710];
	[tilespmem:$0x1E780] =	vst v52  }
0x19b: {  	v58 =	vadd.f32 v28, v0;
	v37 =	vld [tilespmem:$0x1C740];
	[tilespmem:$0x1E790] =	vst v54  }
0x19c: {  	v60 =	vadd.f32 v29, v0;
	v39 =	vld [tilespmem:$0x1C750];
	[tilespmem:$0x1E7A0] =	vst v56  }
0x19d: {  	v61 =	vadd.f32 v30, v0;
	v41 =	vld [tilespmem:$0x1C760];
	[tilespmem:$0x1E7B0] =	vst v58  }
0x19e: {  	v43 =	vld [tilespmem:$0x1C770];
	[tilespmem:$0x1E7C0] =	vst v60  }
0x19f: {  	v11 =	vld.idx.msk [tilespmem:v33+s16+$0x0], $0xffff;
	[tilespmem:$0x1E7D0] =	vst v61;
	v63 =	vadd.f32 v3, v0  }
0x1a0: {  	v12 =	vld.idx.msk [tilespmem:v35+s16+$0x0], $0xffff;
	[tilespmem:$0x1E7E0] =	vst v62;
	v22 =	vadd.f32 v4, v0  }
0x1a1: {  	v13 =	vld.idx.msk [tilespmem:v45+s16+$0x0], $0xffff;
	v24 =	vadd.f32 v5, v0;
	[tilespmem:$0x1E7F0] =	vst v63  }
0x1a2: {  	v14 =	vld.idx.msk [tilespmem:v47+s16+$0x0], $0xffff;
	v26 =	vadd.f32 v6, v0;
	[tilespmem:$0x1E800] =	vst v22  }
0x1a3: {  	v33 =	vld [tilespmem:$0x1C720];
	v28 =	vadd.f32 v7, v0;
	[tilespmem:$0x1E810] =	vst v24  }
0x1a4: {  	v35 =	vld [tilespmem:$0x1C730];
	v30 =	vadd.f32 v8, v0;
	[tilespmem:$0x1E820] =	vst v26  }
0x1a5: {  	v45 =	vld [tilespmem:$0x1C900];
	v34 =	vadd.f32 v10, v0;
	[tilespmem:$0x1E830] =	vst v28  }
0x1a6: {  	v32 =	vadd.f32 v9, v0;
	[tilespmem:$0x1E840] =	vst v30;
	v15 =	vld.idx.msk [tilespmem:v49+s16+$0x0], $0xffff  }
0x1a7: {  	[tilespmem:$0x1E860] =	vst v34;
	v23 =	vld.idx.msk [tilespmem:v53+s16+$0x0], $0xffff;
	v36 =	vadd.f32 v11, v0  }
0x1a8: {  	v25 =	vld.idx.msk [tilespmem:v55+s16+$0x0], $0xffff;
	v38 =	vadd.f32 v12, v0;
	[tilespmem:$0x1E850] =	vst v32  }
0x1a9: {  	v27 =	vld.idx.msk [tilespmem:v57+s16+$0x0], $0xffff;
	v40 =	vadd.f32 v13, v0;
	[tilespmem:$0x1E870] =	vst v36  }
0x1aa: {  	v29 =	vld.idx.msk [tilespmem:v59+s16+$0x0], $0xffff;
	v42 =	vadd.f32 v14, v0;
	[tilespmem:$0x1E880] =	vst v38  }
0x1ab: {  	v21 =	vld.idx.msk [tilespmem:v51+s16+$0x0], $0xffff;
	[tilespmem:$0x1E890] =	vst v40;
	v44 =	vadd.f32 v15, v0  }
0x1ac: {  	[tilespmem:$0x1E8A0] =	vst v42;
	v47 =	vld.idx.msk [tilespmem:v31+s16+$0x0], $0xffff;
	v48 =	vadd.f32 v23, v0  }
0x1ad: {  	v53 =	vld.idx.msk [tilespmem:v37+s16+$0x0], $0xffff;
	v50 =	vadd.f32 v25, v0;
	[tilespmem:$0x1E8B0] =	vst v44  }
0x1ae: {  	v55 =	vld.idx.msk [tilespmem:v39+s16+$0x0], $0xffff;
	v52 =	vadd.f32 v27, v0;
	[tilespmem:$0x1E8D0] =	vst v48  }
0x1af: {  	v57 =	vld.idx.msk [tilespmem:v41+s16+$0x0], $0xffff;
	v54 =	vadd.f32 v29, v0;
	[tilespmem:$0x1E8E0] =	vst v50  }
0x1b0: {  	v59 =	vld.idx.msk [tilespmem:v43+s16+$0x0], $0xffff;
	v46 =	vadd.f32 v21, v0;
	[tilespmem:$0x1E8F0] =	vst v52  }
0x1b1: {  	v49 =	vld.idx.msk [tilespmem:v33+s16+$0x0], $0xffff;
	v56 =	vadd.f32 v47, v0;
	[tilespmem:$0x1E900] =	vst v54  }
0x1b2: {  	v51 =	vld.idx.msk [tilespmem:v35+s16+$0x0], $0xffff;
	v62 =	vadd.f32 v53, v0;
	[tilespmem:$0x1E8C0] =	vst v46  }
0x1b3: {  	v61 =	vld.idx.msk [tilespmem:v45+s16+$0x0], $0xffff;
	v63 =	vadd.f32 v55, v0;
	[tilespmem:$0x1E910] =	vst v56  }
0x1b4: {  	v6 =	vadd.f32 v57, v0;
	[tilespmem:$0x1E940] =	vst v62  }
0x1b5: {  	v7 =	vadd.f32 v59, v0;
	[tilespmem:$0x1E950] =	vst v63  }
0x1b6: {  	v58 =	vadd.f32 v49, v0;
	[tilespmem:$0x1E960] =	vst v6  }
0x1b7: {  	v60 =	vadd.f32 v51, v0;
	[tilespmem:$0x1E970] =	vst v7  }
0x1b8: {  	v8 =	vadd.f32 v61, v0;
	[tilespmem:$0x1E920] =	vst v58  }
0x1b9: {  	[tilespmem:$0x1E930] =	vst v60  }
0x1ba: {  	[tilespmem:$0x1E980] =	vst v8  }
0x1bb: {  	v1 =	vld [tilespmem:$0x1C910]  }
0x1bc: {  	v9 =	vld [tilespmem:$0x1C920]  }
0x1bd: {  	v10 =	vld [tilespmem:$0x1C930]  }
0x1be: {  	v11 =	vld [tilespmem:$0x1C940]  }
0x1bf: {  	v12 =	vld [tilespmem:$0x1C950]  }
0x1c0: {  	v13 =	vld [tilespmem:$0x1C960]  }
0x1c1: {  	v14 =	vld [tilespmem:$0x1C970]  }
0x1c2: {  	v20 =	vld [tilespmem:$0x1BB80]  }
0x1c3: {  	v21 =	vld [tilespmem:$0x1BB90]  }
0x1c4: {  	v22 =	vld [tilespmem:$0x1BBA0]  }
0x1c5: {  	v23 =	vld [tilespmem:$0x1BBB0]  }
0x1c6: {  	v24 =	vld [tilespmem:$0x1BBC0]  }
0x1c7: {  	v25 =	vld [tilespmem:$0x1BBD0]  }
0x1c8: {  	v26 =	vld [tilespmem:$0x1BBE0]  }
0x1c9: {  	v27 =	vld [tilespmem:$0x1BBF0]  }
0x1ca: {  	v28 =	vld [tilespmem:$0x1BD80]  }
0x1cb: {  	v29 =	vld [tilespmem:$0x1BD90]  }
0x1cc: {  	v30 =	vld [tilespmem:$0x1BDA0]  }
0x1cd: {  	v31 =	vld [tilespmem:$0x1BDB0]  }
0x1ce: {  	v32 =	vld [tilespmem:$0x1BDC0]  }
0x1cf: {  	v33 =	vld [tilespmem:$0x1BDD0]  }
0x1d0: {  	v34 =	vld [tilespmem:$0x1BDE0]  }
0x1d1: {  	v35 =	vld [tilespmem:$0x1BDF0]  }
0x1d2: {  	v36 =	vld [tilespmem:$0x1BF80]  }
0x1d3: {  	v37 =	vld [tilespmem:$0x1BF90]  }
0x1d4: {  	v38 =	vld [tilespmem:$0x1BFA0]  }
0x1d5: {  	v39 =	vld [tilespmem:$0x1BFB0]  }
0x1d6: {  	v40 =	vld [tilespmem:$0x1BFC0]  }
0x1d7: {  	v41 =	vld [tilespmem:$0x1BFD0]  }
0x1d8: {  	v42 =	vld [tilespmem:$0x1BFE0]  }
0x1d9: {  	v43 =	vld [tilespmem:$0x1BFF0]  }
0x1da: {  	v44 =	vld [tilespmem:$0x1C180]  }
0x1db: {  	v45 =	vld [tilespmem:$0x1C190]  }
0x1dc: {  	v46 =	vld [tilespmem:$0x1C1A0]  }
0x1dd: {  	v47 =	vld [tilespmem:$0x1C1B0]  }
0x1de: {  	v48 =	vld [tilespmem:$0x1C1C0]  }
0x1df: {  	v49 =	vld [tilespmem:$0x1C1D0]  }
0x1e0: {  	v50 =	vld [tilespmem:$0x1C1E0]  }
0x1e1: {  	v51 =	vld [tilespmem:$0x1C1F0]  }
0x1e2: {  	v52 =	vld [tilespmem:$0x1C380]  }
0x1e3: {  	v1 =	vld.idx.msk [tilespmem:v1+s16+$0x0], $0xffff  }
0x1e4: {  	v2 =	vld.idx.msk [tilespmem:v9+s16+$0x0], $0xffff  }
0x1e5: {  	v3 =	vld.idx.msk [tilespmem:v10+s16+$0x0], $0xffff  }
0x1e6: {  	v4 =	vld.idx.msk [tilespmem:v11+s16+$0x0], $0xffff  }
0x1e7: {  	v5 =	vld.idx.msk [tilespmem:v12+s16+$0x0], $0xffff  }
0x1e8: {  	v6 =	vld.idx.msk [tilespmem:v13+s16+$0x0], $0xffff;
	v1 =	vadd.f32 v1, v0  }
0x1e9: {  	v7 =	vld.idx.msk [tilespmem:v14+s16+$0x0], $0xffff;
	v2 =	vadd.f32 v2, v0  }
0x1ea: {  	v53 =	vld [tilespmem:$0x1C390];
	v15 =	vadd.f32 v3, v0;
	[tilespmem:$0x1E990] =	vst v1  }
0x1eb: {  	s13 =	sor.u32 $0x3, s13;
	v54 =	vld [tilespmem:$0x1C3A0];
	v16 =	vadd.f32 v4, v0;
	[tilespmem:$0x1E9A0] =	vst v2  }
0x1ec: {  	v18 =	vmov s13;
	v55 =	vld [tilespmem:$0x1C3B0];
	v17 =	vadd.f32 v5, v0;
	[tilespmem:$0x1E9B0] =	vst v15  }
0x1ed: {  	v56 =	vld [tilespmem:$0x1C3C0];
	v19 =	vadd.f32 v6, v0;
	[tilespmem:$0x1E9C0] =	vst v16  }
0x1ee: {  	v57 =	vld [tilespmem:$0x1C3D0];
	v0 =	vadd.f32 v7, v0;
	[tilespmem:$0x1E9D0] =	vst v17  }
0x1ef: {  	v58 =	vld [tilespmem:$0x1C3E0];
	[tilespmem:$0x1E9E0] =	vst v19  }
0x1f0: {  	v60 =	vld [tilespmem:$0x1C3F0];
	[tilespmem:$0x1E9F0] =	vst v0  }
0x1f1: {  	v0 =	vld.idx.msk [tilespmem:v18+s18+$0x0], $0xffff  }
0x1f2: {  	v1 =	vld.idx.msk [tilespmem:v20+s16+$0x0], $0xffff  }
0x1f3: {  	v2 =	vld.idx.msk [tilespmem:v21+s16+$0x0], $0xffff  }
0x1f4: {  	v3 =	vld.idx.msk [tilespmem:v22+s16+$0x0], $0xffff  }
0x1f5: {  	v4 =	vld.idx.msk [tilespmem:v23+s16+$0x0], $0xffff  }
0x1f6: {  	v5 =	vld.idx.msk [tilespmem:v24+s16+$0x0], $0xffff  }
0x1f7: {  	v6 =	vld.idx.msk [tilespmem:v25+s16+$0x0], $0xffff  }
0x1f8: {  	v7 =	vld.idx.msk [tilespmem:v26+s16+$0x0], $0xffff  }
0x1f9: {  	v8 =	vld.idx.msk [tilespmem:v27+s16+$0x0], $0xffff  }
0x1fa: {  	v9 =	vld.idx.msk [tilespmem:v28+s16+$0x0], $0xffff  }
0x1fb: {  	v10 =	vld.idx.msk [tilespmem:v29+s16+$0x0], $0xffff  }
0x1fc: {  	v11 =	vld.idx.msk [tilespmem:v30+s16+$0x0], $0xffff  }
0x1fd: {  	v12 =	vld.idx.msk [tilespmem:v31+s16+$0x0], $0xffff  }
0x1fe: {  	v13 =	vld.idx.msk [tilespmem:v32+s16+$0x0], $0xffff  }
0x1ff: {  	v14 =	vld.idx.msk [tilespmem:v33+s16+$0x0], $0xffff  }
0x200: {  	v15 =	vld.idx.msk [tilespmem:v34+s16+$0x0], $0xffff  }
0x201: {  	v16 =	vld.idx.msk [tilespmem:v35+s16+$0x0], $0xffff  }
0x202: {  	v17 =	vld.idx.msk [tilespmem:v36+s16+$0x0], $0xffff  }
0x203: {  	v18 =	vld.idx.msk [tilespmem:v37+s16+$0x0], $0xffff  }
0x204: {  	v19 =	vld.idx.msk [tilespmem:v38+s16+$0x0], $0xffff  }
0x205: {  	v20 =	vld.idx.msk [tilespmem:v39+s16+$0x0], $0xffff  }
0x206: {  	v21 =	vld.idx.msk [tilespmem:v40+s16+$0x0], $0xffff  }
0x207: {  	v22 =	vld.idx.msk [tilespmem:v41+s16+$0x0], $0xffff  }
0x208: {  	v23 =	vld.idx.msk [tilespmem:v42+s16+$0x0], $0xffff  }
0x209: {  	v24 =	vld.idx.msk [tilespmem:v43+s16+$0x0], $0xffff  }
0x20a: {  	v25 =	vld.idx.msk [tilespmem:v44+s16+$0x0], $0xffff  }
0x20b: {  	v26 =	vld.idx.msk [tilespmem:v45+s16+$0x0], $0xffff  }
0x20c: {  	v27 =	vld.idx.msk [tilespmem:v46+s16+$0x0], $0xffff  }
0x20d: {  	v28 =	vld.idx.msk [tilespmem:v47+s16+$0x0], $0xffff  }
0x20e: {  	v29 =	vld.idx.msk [tilespmem:v48+s16+$0x0], $0xffff  }
0x20f: {  	v30 =	vld.idx.msk [tilespmem:v49+s16+$0x0], $0xffff;
	v1 =	vadd.f32 v1, v0  }
0x210: {  	v31 =	vld.idx.msk [tilespmem:v50+s16+$0x0], $0xffff;
	v2 =	vadd.f32 v2, v0  }
0x211: {  	v32 =	vld.idx.msk [tilespmem:v51+s16+$0x0], $0xffff;
	v59 =	vadd.f32 v3, v0;
	[tilespmem:$0x1EA00] =	vst v1  }
0x212: {  	v39 =	vld [tilespmem:$0x1C580];
	v61 =	vadd.f32 v4, v0;
	[tilespmem:$0x1EA10] =	vst v2  }
0x213: {  	v41 =	vld [tilespmem:$0x1C590];
	v62 =	vadd.f32 v5, v0;
	[tilespmem:$0x1EA20] =	vst v59  }
0x214: {  	v43 =	vld [tilespmem:$0x1C5A0];
	v63 =	vadd.f32 v6, v0;
	[tilespmem:$0x1EA30] =	vst v61  }
0x215: {  	v45 =	vld [tilespmem:$0x1C5B0];
	v33 =	vadd.f32 v7, v0;
	[tilespmem:$0x1EA40] =	vst v62  }
0x216: {  	v47 =	vld [tilespmem:$0x1C5C0];
	v34 =	vadd.f32 v8, v0;
	[tilespmem:$0x1EA50] =	vst v63  }
0x217: {  	v49 =	vld [tilespmem:$0x1C5D0];
	v35 =	vadd.f32 v9, v0;
	[tilespmem:$0x1EA60] =	vst v33  }
0x218: {  	v51 =	vld [tilespmem:$0x1C5E0];
	v36 =	vadd.f32 v10, v0;
	[tilespmem:$0x1EA70] =	vst v34  }
0x219: {  	v4 =	vld.idx.msk [tilespmem:v52+s16+$0x0], $0xffff;
	v37 =	vadd.f32 v11, v0;
	[tilespmem:$0x1EA80] =	vst v35  }
0x21a: {  	v5 =	vld.idx.msk [tilespmem:v53+s16+$0x0], $0xffff;
	v38 =	vadd.f32 v12, v0;
	[tilespmem:$0x1EA90] =	vst v36  }
0x21b: {  	v6 =	vld.idx.msk [tilespmem:v54+s16+$0x0], $0xffff;
	v40 =	vadd.f32 v13, v0;
	[tilespmem:$0x1EAA0] =	vst v37  }
0x21c: {  	v7 =	vld.idx.msk [tilespmem:v55+s16+$0x0], $0xffff;
	v42 =	vadd.f32 v14, v0;
	[tilespmem:$0x1EAB0] =	vst v38  }
0x21d: {  	v8 =	vld.idx.msk [tilespmem:v56+s16+$0x0], $0xffff;
	v44 =	vadd.f32 v15, v0;
	[tilespmem:$0x1EAC0] =	vst v40  }
0x21e: {  	v9 =	vld.idx.msk [tilespmem:v57+s16+$0x0], $0xffff;
	v46 =	vadd.f32 v16, v0;
	[tilespmem:$0x1EAD0] =	vst v42  }
0x21f: {  	v10 =	vld.idx.msk [tilespmem:v58+s16+$0x0], $0xffff;
	v48 =	vadd.f32 v17, v0;
	[tilespmem:$0x1EAE0] =	vst v44  }
0x220: {  	v3 =	vld.idx.msk [tilespmem:v60+s16+$0x0], $0xffff;
	v50 =	vadd.f32 v18, v0;
	[tilespmem:$0x1EAF0] =	vst v46  }
0x221: {  	v52 =	vadd.f32 v19, v0;
	v53 =	vld [tilespmem:$0x1C5F0];
	v54 =	vadd.f32 v20, v0;
	[tilespmem:$0x1EB00] =	vst v48  }
0x222: {  	v58 =	vadd.f32 v24, v0;
	v24 =	vadd.f32 v29, v0;
	v29 =	vld [tilespmem:$0x1C7B0];
	[tilespmem:$0x1EB10] =	vst v50  }
0x223: {  	v55 =	vadd.f32 v21, v0;
	[tilespmem:$0x1EB20] =	vst v52;
	v63 =	vld [tilespmem:$0x1C780]  }
0x224: {  	v56 =	vadd.f32 v22, v0;
	[tilespmem:$0x1EB30] =	vst v54;
	v59 =	vadd.f32 v25, v0;
	v25 =	vld [tilespmem:$0x1C790]  }
0x225: {  	v57 =	vadd.f32 v23, v0;
	[tilespmem:$0x1EB40] =	vst v55;
	v61 =	vadd.f32 v27, v0;
	v27 =	vld [tilespmem:$0x1C7A0]  }
0x226: {  	[tilespmem:$0x1EB50] =	vst v56;
	v62 =	vadd.f32 v28, v0;
	v28 =	vadd.f32 v31, v0;
	v31 =	vld [tilespmem:$0x1C7C0]  }
0x227: {  	v60 =	vadd.f32 v26, v0;
	[tilespmem:$0x1EB60] =	vst v57;
	v33 =	vld [tilespmem:$0x1C7D0]  }
0x228: {  	[tilespmem:$0x1EB70] =	vst v58;
	v35 =	vld [tilespmem:$0x1C7E0]  }
0x229: {  	v26 =	vadd.f32 v30, v0;
	[tilespmem:$0x1EB90] =	vst v60;
	v37 =	vld [tilespmem:$0x1C7F0]  }
0x22a: {  	v30 =	vadd.f32 v32, v0;
	[tilespmem:$0x1EBC0] =	vst v24;
	v52 =	vld [tilespmem:$0x1C980]  }
0x22b: {  	[tilespmem:$0x1EBD0] =	vst v26;
	v54 =	vld [tilespmem:$0x1C990]  }
0x22c: {  	[tilespmem:$0x1EBF0] =	vst v30;
	v56 =	vld [tilespmem:$0x1C9A0]  }
0x22d: {  	v58 =	vld [tilespmem:$0x1C9B0];
	[tilespmem:$0x1EB80] =	vst v59  }
0x22e: {  	v60 =	vld [tilespmem:$0x1C9C0];
	[tilespmem:$0x1EBA0] =	vst v61  }
0x22f: {  	v11 =	vld.idx.msk [tilespmem:v39+s16+$0x0], $0xffff;
	[tilespmem:$0x1EBB0] =	vst v62;
	v32 =	vadd.f32 v4, v0  }
0x230: {  	v12 =	vld.idx.msk [tilespmem:v41+s16+$0x0], $0xffff;
	[tilespmem:$0x1EBE0] =	vst v28;
	v34 =	vadd.f32 v5, v0  }
0x231: {  	v13 =	vld.idx.msk [tilespmem:v43+s16+$0x0], $0xffff;
	v36 =	vadd.f32 v6, v0;
	[tilespmem:$0x1EC00] =	vst v32  }
0x232: {  	v14 =	vld.idx.msk [tilespmem:v45+s16+$0x0], $0xffff;
	v38 =	vadd.f32 v7, v0;
	[tilespmem:$0x1EC10] =	vst v34  }
0x233: {  	v15 =	vld.idx.msk [tilespmem:v47+s16+$0x0], $0xffff;
	v40 =	vadd.f32 v8, v0;
	[tilespmem:$0x1EC20] =	vst v36  }
0x234: {  	v16 =	vld.idx.msk [tilespmem:v49+s16+$0x0], $0xffff;
	v42 =	vadd.f32 v9, v0;
	[tilespmem:$0x1EC30] =	vst v38  }
0x235: {  	v17 =	vld.idx.msk [tilespmem:v51+s16+$0x0], $0xffff;
	v44 =	vadd.f32 v10, v0;
	[tilespmem:$0x1EC40] =	vst v40  }
0x236: {  	v62 =	vld [tilespmem:$0x1C9D0];
	v46 =	vadd.f32 v3, v0;
	[tilespmem:$0x1EC50] =	vst v42  }
0x237: {  	[tilespmem:$0x1EC60] =	vst v44;
	v18 =	vld.idx.msk [tilespmem:v53+s16+$0x0], $0xffff;
	v48 =	vadd.f32 v11, v0  }
0x238: {  	[tilespmem:$0x1EC70] =	vst v46;
	v45 =	vld.idx.msk [tilespmem:v29+s16+$0x0], $0xffff;
	v49 =	vadd.f32 v12, v0  }
0x239: {  	v50 =	vadd.f32 v13, v0;
	v55 =	vadd.f32 v16, v0;
	v16 =	vld [tilespmem:$0x1C9E0];
	[tilespmem:$0x1EC80] =	vst v48  }
0x23a: {  	v51 =	vadd.f32 v14, v0;
	v39 =	vld.idx.msk [tilespmem:v63+s16+$0x0], $0xffff;
	[tilespmem:$0x1EC90] =	vst v49  }
0x23b: {  	v53 =	vadd.f32 v15, v0;
	v41 =	vld.idx.msk [tilespmem:v25+s16+$0x0], $0xffff;
	[tilespmem:$0x1ECA0] =	vst v50  }
0x23c: {  	v43 =	vld.idx.msk [tilespmem:v27+s16+$0x0], $0xffff;
	[tilespmem:$0x1ECB0] =	vst v51  }
0x23d: {  	v57 =	vadd.f32 v17, v0;
	v47 =	vld.idx.msk [tilespmem:v31+s16+$0x0], $0xffff;
	[tilespmem:$0x1ECC0] =	vst v53  }
0x23e: {  	v4 =	vld.idx.msk [tilespmem:v33+s16+$0x0], $0xffff;
	[tilespmem:$0x1ECD0] =	vst v55;
	v59 =	vadd.f32 v18, v0  }
0x23f: {  	v5 =	vld.idx.msk [tilespmem:v35+s16+$0x0], $0xffff;
	[tilespmem:$0x1ECE0] =	vst v57;
	v19 =	vadd.f32 v45, v0  }
0x240: {  	v6 =	vld.idx.msk [tilespmem:v37+s16+$0x0], $0xffff;
	v61 =	vadd.f32 v39, v0;
	[tilespmem:$0x1ECF0] =	vst v59  }
0x241: {  	v18 =	vld [tilespmem:$0x1C9F0];
	v63 =	vadd.f32 v41, v0;
	[tilespmem:$0x1ED30] =	vst v19  }
0x242: {  	v20 =	vld.idx.msk [tilespmem:v52+s16+$0x0], $0xffff;
	v17 =	vadd.f32 v43, v0;
	[tilespmem:$0x1ED00] =	vst v61  }
0x243: {  	v22 =	vld.idx.msk [tilespmem:v54+s16+$0x0], $0xffff;
	v21 =	vadd.f32 v47, v0;
	[tilespmem:$0x1ED10] =	vst v63  }
0x244: {  	v24 =	vld.idx.msk [tilespmem:v56+s16+$0x0], $0xffff;
	v23 =	vadd.f32 v4, v0;
	[tilespmem:$0x1ED20] =	vst v17  }
0x245: {  	v26 =	vld.idx.msk [tilespmem:v58+s16+$0x0], $0xffff;
	v25 =	vadd.f32 v5, v0;
	[tilespmem:$0x1ED40] =	vst v21  }
0x246: {  	v28 =	vld.idx.msk [tilespmem:v60+s16+$0x0], $0xffff;
	v27 =	vadd.f32 v6, v0;
	[tilespmem:$0x1ED50] =	vst v23  }
0x247: {  	v7 =	vld.idx.msk [tilespmem:v62+s16+$0x0], $0xffff;
	v29 =	vadd.f32 v20, v0;
	[tilespmem:$0x1ED60] =	vst v25  }
0x248: {  	v30 =	vadd.f32 v22, v0;
	v31 =	vld.idx.msk [tilespmem:v16+s16+$0x0], $0xffff;
	[tilespmem:$0x1ED70] =	vst v27  }
0x249: {  	v32 =	vadd.f32 v24, v0;
	[tilespmem:$0x1ED80] =	vst v29;
	v33 =	vld.idx.msk [tilespmem:v18+s16+$0x0], $0xffff  }
0x24a: {  	v34 =	vadd.f32 v26, v0;
	[tilespmem:$0x1ED90] =	vst v30  }
0x24b: {  	v35 =	vadd.f32 v28, v0;
	[tilespmem:$0x1EDA0] =	vst v32  }
0x24c: {  	[tilespmem:$0x1EDB0] =	vst v34;
	v36 =	vadd.f32 v7, v0  }
0x24d: {  	[tilespmem:$0x1EDC0] =	vst v35;
	v37 =	vadd.f32 v31, v0  }
0x24e: {  	[tilespmem:$0x1EDD0] =	vst v36;
	v0 =	vadd.f32 v33, v0  }
0x24f: {  	[tilespmem:$0x1EDE0] =	vst v37  }
0x250: {  	[tilespmem:$0x1EDF0] =	vst v0  }
0x251: {  	[hbm4b:s11+s24] =	stream.strided.scatter [tilespmem:s25], [sflag:$0x1], $0x400, s20, s24, $0x38;
	[tilespmem:$0x1FE00] =	vst v63  }
0x252: {  	s19 =	sadd.s32 $0x2000, s11  }
0x253: {  	[hbm4b:s19+s24] =	stream.strided.scatter [tilespmem:s26], [sflag:$0x1], $0x400, s20, s24, $0x38;
	[tilespmem:$0x1FE00] =	vst v63  }
0x254: {  	p2 =	seq.s32 s9, $0xC0;
	s2 =	sadd.s32 $0x4000, s11  }
0x255: {  	[hbm4b:s2+s24] =	stream.strided.scatter [tilespmem:s28], [sflag:$0x1], $0x400, s20, s24, $0x38;
	[tilespmem:$0x1FE00] =	vst v63  }
0x256: {  	s14 =	sadd.s32 $0x6000, s11;
	s13 =	simm.s32 @!p2 $0x200  }
0x257: {  	[hbm4b:s14+s24] =	stream.strided.scatter [tilespmem:s29], [sflag:$0x1], $0x400, s20, s24, $0x38;
	[tilespmem:$0x1FE00] =	vst v63  }
0x258: {  	s19 =	simm.s32 @!p2 $0x1BA00;
	s2 =	sadd.s32 @!p2 $0xFFFFFE00, s10;
	s14 =	simm.s32 @!p2 $0x400  }
0x259: {  	[tilespmem:s19], [sflag:$0x3] =	stream.strided.gather @!p2 [spmem:s2], $0x1000, s14, s13, $0x38;
	[tilespmem:$0x1FE00] =	vst v63  }
0x25a: {  	s19 =	sadd.s32 $0x4, s9  }
0x25b: {  	s2 =	sand.u32 $0x7C, s19;
	_ =	swait.ge [sflag:s30], $0x1000  }
0x25c: {  	s2 =	sadd.s32 s12, s2;
	[sflag:s30] =	ssyncset.done $0x0  }
0x25d: {  	v38 =	vmov s2;
	[sflag:s30] =	ssyncadd.s32 $0xFFFFF000;
	s2 =	simm.s32 @!p1 $0x2  }
0x25e: {  	_ =	swait.ge @!p1 [sflag:s2], $0x1000  }
0x25f: {  	[sflag:s2] =	ssyncset.done @!p1 $0x0  }
0x260: {  	[sflag:s2] =	ssyncadd.s32 @!p1 $0xFFFFF000  }
0x261: {  	v39 =	vld [tilespmem:$0x1CA00]  }
0x262: {  	v40 =	vld [tilespmem:$0x1CA10]  }
0x263: {  	v41 =	vld [tilespmem:$0x1CA20]  }
0x264: {  	v42 =	vld [tilespmem:$0x1CA30]  }
0x265: {  	v43 =	vld [tilespmem:$0x1CA40]  }
0x266: {  	v44 =	vld [tilespmem:$0x1CA50]  }
0x267: {  	v45 =	vld [tilespmem:$0x1CA60]  }
0x268: {  	v46 =	vld [tilespmem:$0x1CA70]  }
0x269: {  	v47 =	vld [tilespmem:$0x1CC00]  }
0x26a: {  	v48 =	vld [tilespmem:$0x1CC10]  }
0x26b: {  	v49 =	vld [tilespmem:$0x1CC20]  }
0x26c: {  	v50 =	vld [tilespmem:$0x1CC30]  }
0x26d: {  	v51 =	vld [tilespmem:$0x1CC40]  }
0x26e: {  	v52 =	vld [tilespmem:$0x1CC50]  }
0x26f: {  	v53 =	vld [tilespmem:$0x1CC60]  }
0x270: {  	v54 =	vld [tilespmem:$0x1CC70]  }
0x271: {  	v55 =	vld [tilespmem:$0x1CE00]  }
0x272: {  	v56 =	vld [tilespmem:$0x1CE10]  }
0x273: {  	v57 =	vld [tilespmem:$0x1CE20]  }
0x274: {  	v58 =	vld [tilespmem:$0x1CE30]  }
0x275: {  	v59 =	vld [tilespmem:$0x1CE40]  }
0x276: {  	v60 =	vld [tilespmem:$0x1CE50]  }
0x277: {  	v61 =	vld [tilespmem:$0x1CE60]  }
0x278: {  	v62 =	vld [tilespmem:$0x1CE70]  }
0x279: {  	v63 =	vld [tilespmem:$0x1D000]  }
0x27a: {  	v36 =	vld [tilespmem:$0x1D010]  }
0x27b: {  	v37 =	vld [tilespmem:$0x1D020]  }
0x27c: {  	v34 =	vld [tilespmem:$0x1D420]  }
0x27d: {  	v0 =	vld.idx.msk [tilespmem:v38+s18+$0x0], $0xffff  }
0x27e: {  	v38 =	vld [tilespmem:$0x1D030]  }
0x27f: {  	v1 =	vld.idx.msk [tilespmem:v39+s16+$0x0], $0xffff  }
0x280: {  	v2 =	vld.idx.msk [tilespmem:v40+s16+$0x0], $0xffff  }
0x281: {  	v3 =	vld.idx.msk [tilespmem:v41+s16+$0x0], $0xffff  }
0x282: {  	v4 =	vld.idx.msk [tilespmem:v42+s16+$0x0], $0xffff  }
0x283: {  	v5 =	vld.idx.msk [tilespmem:v43+s16+$0x0], $0xffff  }
0x284: {  	v6 =	vld.idx.msk [tilespmem:v44+s16+$0x0], $0xffff  }
0x285: {  	v7 =	vld.idx.msk [tilespmem:v45+s16+$0x0], $0xffff  }
0x286: {  	v8 =	vld.idx.msk [tilespmem:v46+s16+$0x0], $0xffff  }
0x287: {  	v9 =	vld.idx.msk [tilespmem:v47+s16+$0x0], $0xffff  }
0x288: {  	v10 =	vld.idx.msk [tilespmem:v48+s16+$0x0], $0xffff  }
0x289: {  	v11 =	vld.idx.msk [tilespmem:v49+s16+$0x0], $0xffff  }
0x28a: {  	v12 =	vld.idx.msk [tilespmem:v50+s16+$0x0], $0xffff  }
0x28b: {  	v13 =	vld.idx.msk [tilespmem:v51+s16+$0x0], $0xffff  }
0x28c: {  	v14 =	vld.idx.msk [tilespmem:v52+s16+$0x0], $0xffff  }
0x28d: {  	v15 =	vld.idx.msk [tilespmem:v53+s16+$0x0], $0xffff  }
0x28e: {  	v16 =	vld.idx.msk [tilespmem:v54+s16+$0x0], $0xffff  }
0x28f: {  	v17 =	vld.idx.msk [tilespmem:v55+s16+$0x0], $0xffff  }
0x290: {  	v18 =	vld.idx.msk [tilespmem:v56+s16+$0x0], $0xffff  }
0x291: {  	v19 =	vld.idx.msk [tilespmem:v57+s16+$0x0], $0xffff  }
0x292: {  	v20 =	vld.idx.msk [tilespmem:v58+s16+$0x0], $0xffff  }
0x293: {  	v21 =	vld.idx.msk [tilespmem:v59+s16+$0x0], $0xffff  }
0x294: {  	v22 =	vld.idx.msk [tilespmem:v60+s16+$0x0], $0xffff  }
0x295: {  	v23 =	vld.idx.msk [tilespmem:v61+s16+$0x0], $0xffff  }
0x296: {  	v24 =	vld.idx.msk [tilespmem:v62+s16+$0x0], $0xffff  }
0x297: {  	v39 =	vld [tilespmem:$0x1D040]  }
0x298: {  	v40 =	vld [tilespmem:$0x1D050]  }
0x299: {  	v41 =	vld [tilespmem:$0x1D060]  }
0x29a: {  	v42 =	vld [tilespmem:$0x1D070]  }
0x29b: {  	v25 =	vld.idx.msk [tilespmem:v63+s16+$0x0], $0xffff  }
0x29c: {  	v26 =	vld.idx.msk [tilespmem:v36+s16+$0x0], $0xffff  }
0x29d: {  	v27 =	vld.idx.msk [tilespmem:v37+s16+$0x0], $0xffff  }
0x29e: {  	v43 =	vld [tilespmem:$0x1D200]  }
0x29f: {  	v44 =	vld [tilespmem:$0x1D210]  }
0x2a0: {  	v45 =	vld [tilespmem:$0x1D220]  }
0x2a1: {  	v46 =	vld [tilespmem:$0x1D230]  }
0x2a2: {  	v47 =	vld [tilespmem:$0x1D240]  }
0x2a3: {  	v48 =	vld [tilespmem:$0x1D250]  }
0x2a4: {  	v49 =	vld [tilespmem:$0x1D260]  }
0x2a5: {  	v51 =	vld [tilespmem:$0x1D270]  }
0x2a6: {  	v61 =	vld [tilespmem:$0x1D400]  }
0x2a7: {  	v63 =	vld [tilespmem:$0x1D410]  }
0x2a8: {  	v36 =	vld [tilespmem:$0x1D430]  }
0x2a9: {  	v28 =	vld.idx.msk [tilespmem:v38+s16+$0x0], $0xffff  }
0x2aa: {  	v38 =	vld [tilespmem:$0x1D440];
	v54 =	vadd.f32 v6, v0  }
0x2ab: {  	v56 =	vadd.f32 v8, v0;
	v62 =	vadd.f32 v13, v0;
	v13 =	vld.idx.msk [tilespmem:v34+s16+$0x0], $0xffff  }
0x2ac: {  	v58 =	vadd.f32 v10, v0;
	[tilespmem:$0x1EE50] =	vst v54;
	v54 =	vld [tilespmem:$0x1D600]  }
0x2ad: {  	v60 =	vadd.f32 v12, v0;
	[tilespmem:$0x1EE70] =	vst v56;
	v56 =	vld [tilespmem:$0x1D610]  }
0x2ae: {  	[tilespmem:$0x1EE90] =	vst v58;
	v58 =	vld [tilespmem:$0x1D620]  }
0x2af: {  	v53 =	vadd.f32 v5, v0;
	[tilespmem:$0x1EEB0] =	vst v60;
	v60 =	vld [tilespmem:$0x1D630]  }
0x2b0: {  	[tilespmem:$0x1EEC0] =	vst v62;
	v62 =	vld [tilespmem:$0x1D640]  }
0x2b1: {  	[tilespmem:$0x1EE40] =	vst v53;
	v53 =	vadd.f32 v28, v0;
	v28 =	vld [tilespmem:$0x1D670]  }
0x2b2: {  	v29 =	vld.idx.msk [tilespmem:v39+s16+$0x0], $0xffff  }
0x2b3: {  	v30 =	vld.idx.msk [tilespmem:v40+s16+$0x0], $0xffff  }
0x2b4: {  	v31 =	vld.idx.msk [tilespmem:v41+s16+$0x0], $0xffff  }
0x2b5: {  	v32 =	vld.idx.msk [tilespmem:v42+s16+$0x0], $0xffff  }
0x2b6: {  	v52 =	vadd.f32 v4, v0;
	v4 =	vld.idx.msk [tilespmem:v43+s16+$0x0], $0xffff  }
0x2b7: {  	v5 =	vld.idx.msk [tilespmem:v44+s16+$0x0], $0xffff  }
0x2b8: {  	v6 =	vld.idx.msk [tilespmem:v45+s16+$0x0], $0xffff  }
0x2b9: {  	v55 =	vadd.f32 v7, v0;
	v7 =	vld.idx.msk [tilespmem:v46+s16+$0x0], $0xffff  }
0x2ba: {  	v8 =	vld.idx.msk [tilespmem:v47+s16+$0x0], $0xffff  }
0x2bb: {  	v57 =	vadd.f32 v9, v0;
	v9 =	vld.idx.msk [tilespmem:v48+s16+$0x0], $0xffff  }
0x2bc: {  	v10 =	vld.idx.msk [tilespmem:v49+s16+$0x0], $0xffff  }
0x2bd: {  	v50 =	vadd.f32 v3, v0;
	v3 =	vld.idx.msk [tilespmem:v51+s16+$0x0], $0xffff  }
0x2be: {  	v40 =	vld [tilespmem:$0x1D450]  }
0x2bf: {  	v1 =	vadd.f32 v1, v0;
	v42 =	vld [tilespmem:$0x1D460]  }
0x2c0: {  	v2 =	vadd.f32 v2, v0;
	v44 =	vld [tilespmem:$0x1D470]  }
0x2c1: {  	v59 =	vadd.f32 v11, v0;
	[tilespmem:$0x1EE00] =	vst v1;
	v11 =	vld.idx.msk [tilespmem:v61+s16+$0x0], $0xffff  }
0x2c2: {  	[tilespmem:$0x1EE10] =	vst v2;
	v12 =	vld.idx.msk [tilespmem:v63+s16+$0x0], $0xffff  }
0x2c3: {  	v33 =	vadd.f32 v14, v0;
	[tilespmem:$0x1EE20] =	vst v50;
	v14 =	vld.idx.msk [tilespmem:v36+s16+$0x0], $0xffff  }
0x2c4: {  	[tilespmem:$0x1EE30] =	vst v52;
	v49 =	vadd.f32 v24, v0;
	v24 =	vld [tilespmem:$0x1D650]  }
0x2c5: {  	[tilespmem:$0x1EE60] =	vst v55;
	v51 =	vadd.f32 v26, v0;
	v26 =	vld [tilespmem:$0x1D660]  }
0x2c6: {  	[tilespmem:$0x1EE80] =	vst v57;
	v46 =	vadd.f32 v21, v0;
	v21 =	vld [tilespmem:$0x1CA80]  }
0x2c7: {  	[tilespmem:$0x1EEA0] =	vst v59;
	v41 =	vadd.f32 v18, v0;
	v48 =	vadd.f32 v23, v0;
	v23 =	vld [tilespmem:$0x1CA90]  }
0x2c8: {  	v35 =	vadd.f32 v15, v0;
	v43 =	vadd.f32 v19, v0;
	v15 =	vld.idx.msk [tilespmem:v38+s16+$0x0], $0xffff;
	[tilespmem:$0x1EFB0] =	vst v53  }
0x2c9: {  	v45 =	vadd.f32 v20, v0;
	v53 =	vld [tilespmem:$0x1D850];
	[tilespmem:$0x1EF10] =	vst v41  }
0x2ca: {  	v47 =	vadd.f32 v22, v0;
	[tilespmem:$0x1EF20] =	vst v43;
	v43 =	vld [tilespmem:$0x1D800]  }
0x2cb: {  	[tilespmem:$0x1EF30] =	vst v45;
	v45 =	vld [tilespmem:$0x1D810]  }
0x2cc: {  	[tilespmem:$0x1EF50] =	vst v47;
	v47 =	vld [tilespmem:$0x1D820]  }
0x2cd: {  	[tilespmem:$0x1EF70] =	vst v49;
	v41 =	vadd.f32 v13, v0;
	v49 =	vld [tilespmem:$0x1D830]  }
0x2ce: {  	[tilespmem:$0x1EF90] =	vst v51;
	v51 =	vld [tilespmem:$0x1D840]  }
0x2cf: {  	[tilespmem:$0x1F0A0] =	vst v41;
	v41 =	vld [tilespmem:$0x1CCF0]  }
0x2d0: {  	v37 =	vadd.f32 v16, v0;
	[tilespmem:$0x1EED0] =	vst v33;
	v57 =	vadd.f32 v30, v0;
	v30 =	vld.idx.msk [tilespmem:v54+s16+$0x0], $0xffff  }
0x2d1: {  	[tilespmem:$0x1EEE0] =	vst v35;
	v50 =	vadd.f32 v25, v0;
	v61 =	vadd.f32 v32, v0;
	v32 =	vld.idx.msk [tilespmem:v56+s16+$0x0], $0xffff  }
0x2d2: {  	[tilespmem:$0x1EEF0] =	vst v37;
	v52 =	vadd.f32 v27, v0;
	v34 =	vld.idx.msk [tilespmem:v58+s16+$0x0], $0xffff  }
0x2d3: {  	v39 =	vadd.f32 v17, v0;
	[tilespmem:$0x1EF80] =	vst v50;
	v36 =	vld.idx.msk [tilespmem:v60+s16+$0x0], $0xffff  }
0x2d4: {  	[tilespmem:$0x1EFA0] =	vst v52;
	v55 =	vadd.f32 v29, v0;
	v38 =	vld.idx.msk [tilespmem:v62+s16+$0x0], $0xffff  }
0x2d5: {  	[tilespmem:$0x1EF00] =	vst v39;
	v27 =	vadd.f32 v6, v0;
	v6 =	vld.idx.msk [tilespmem:v28+s16+$0x0], $0xffff  }
0x2d6: {  	[tilespmem:$0x1EFC0] =	vst v55;
	v55 =	vld [tilespmem:$0x1D860]  }
0x2d7: {  	v59 =	vadd.f32 v31, v0;
	v31 =	vadd.f32 v8, v0;
	[tilespmem:$0x1EFD0] =	vst v57;
	v57 =	vld [tilespmem:$0x1D870]  }
0x2d8: {  	[tilespmem:$0x1EF40] =	vst v46;
	v33 =	vadd.f32 v9, v0;
	v28 =	vld [tilespmem:$0x1CAB0]  }
0x2d9: {  	v35 =	vadd.f32 v10, v0;
	[tilespmem:$0x1F040] =	vst v31;
	v31 =	vld [tilespmem:$0x1CAD0]  }
0x2da: {  	v37 =	vadd.f32 v3, v0;
	[tilespmem:$0x1F050] =	vst v33;
	v33 =	vld [tilespmem:$0x1CAF0]  }
0x2db: {  	v39 =	vadd.f32 v11, v0;
	[tilespmem:$0x1F060] =	vst v35;
	v35 =	vld [tilespmem:$0x1CC90]  }
0x2dc: {  	[tilespmem:$0x1F070] =	vst v37;
	v37 =	vld [tilespmem:$0x1CCB0]  }
0x2dd: {  	[tilespmem:$0x1F080] =	vst v39;
	v39 =	vld [tilespmem:$0x1CCD0]  }
0x2de: {  	[tilespmem:$0x1EF60] =	vst v48;
	v16 =	vld.idx.msk [tilespmem:v40+s16+$0x0], $0xffff  }
0x2df: {  	v63 =	vadd.f32 v4, v0;
	[tilespmem:$0x1EFE0] =	vst v59;
	v17 =	vld.idx.msk [tilespmem:v42+s16+$0x0], $0xffff  }
0x2e0: {  	v25 =	vadd.f32 v5, v0;
	[tilespmem:$0x1EFF0] =	vst v61;
	v18 =	vld.idx.msk [tilespmem:v44+s16+$0x0], $0xffff  }
0x2e1: {  	[tilespmem:$0x1F000] =	vst v63;
	v4 =	vld.idx.msk [tilespmem:v24+s16+$0x0], $0xffff  }
0x2e2: {  	v29 =	vadd.f32 v7, v0;
	[tilespmem:$0x1F010] =	vst v25;
	v5 =	vld.idx.msk [tilespmem:v26+s16+$0x0], $0xffff  }
0x2e3: {  	[tilespmem:$0x1F020] =	vst v27;
	v40 =	vadd.f32 v12, v0;
	v26 =	vld [tilespmem:$0x1CAA0]  }
0x2e4: {  	[tilespmem:$0x1F030] =	vst v29;
	v42 =	vadd.f32 v14, v0;
	v7 =	vld.idx.msk [tilespmem:v53+s16+$0x0], $0xffff  }
0x2e5: {  	v44 =	vadd.f32 v15, v0;
	[tilespmem:$0x1F090] =	vst v40;
	v59 =	vld.idx.msk [tilespmem:v43+s16+$0x0], $0xffff  }
0x2e6: {  	[tilespmem:$0x1F0B0] =	vst v42;
	v61 =	vld.idx.msk [tilespmem:v45+s16+$0x0], $0xffff;
	v52 =	vadd.f32 v30, v0  }
0x2e7: {  	[tilespmem:$0x1F0C0] =	vst v44;
	v63 =	vld.idx.msk [tilespmem:v47+s16+$0x0], $0xffff;
	v54 =	vadd.f32 v32, v0  }
0x2e8: {  	v12 =	vld.idx.msk [tilespmem:v49+s16+$0x0], $0xffff;
	v56 =	vadd.f32 v34, v0;
	[tilespmem:$0x1F100] =	vst v52  }
0x2e9: {  	v14 =	vld.idx.msk [tilespmem:v51+s16+$0x0], $0xffff;
	v58 =	vadd.f32 v36, v0;
	[tilespmem:$0x1F110] =	vst v54  }
0x2ea: {  	v40 =	vld [tilespmem:$0x1CCE0];
	v60 =	vadd.f32 v38, v0;
	[tilespmem:$0x1F120] =	vst v56  }
0x2eb: {  	v42 =	vld [tilespmem:$0x1CE80];
	v13 =	vadd.f32 v6, v0;
	[tilespmem:$0x1F130] =	vst v58  }
0x2ec: {  	v43 =	vld [tilespmem:$0x1CE90];
	v46 =	vadd.f32 v16, v0;
	[tilespmem:$0x1F140] =	vst v60  }
0x2ed: {  	v44 =	vld [tilespmem:$0x1CEA0];
	v48 =	vadd.f32 v17, v0;
	[tilespmem:$0x1F170] =	vst v13  }
0x2ee: {  	v45 =	vld [tilespmem:$0x1CEB0];
	v50 =	vadd.f32 v18, v0;
	[tilespmem:$0x1F0D0] =	vst v46  }
0x2ef: {  	v30 =	vld [tilespmem:$0x1CAC0];
	v62 =	vadd.f32 v4, v0;
	[tilespmem:$0x1F0E0] =	vst v48  }
0x2f0: {  	v32 =	vld [tilespmem:$0x1CAE0];
	v11 =	vadd.f32 v5, v0;
	[tilespmem:$0x1F0F0] =	vst v50  }
0x2f1: {  	v34 =	vld [tilespmem:$0x1CC80];
	v24 =	vadd.f32 v7, v0;
	[tilespmem:$0x1F150] =	vst v62  }
0x2f2: {  	[tilespmem:$0x1F160] =	vst v11;
	v15 =	vadd.f32 v59, v0;
	v17 =	vld.idx.msk [tilespmem:v55+s16+$0x0], $0xffff  }
0x2f3: {  	v16 =	vadd.f32 v61, v0;
	v19 =	vld.idx.msk [tilespmem:v57+s16+$0x0], $0xffff;
	[tilespmem:$0x1F1D0] =	vst v24  }
0x2f4: {  	s7 =	sadd.s32 s7, s12;
	v36 =	vld [tilespmem:$0x1CCA0];
	v18 =	vadd.f32 v63, v0;
	[tilespmem:$0x1F180] =	vst v15  }
0x2f5: {  	s19 =	sadd.s32 $0x5, s7;
	v38 =	vld [tilespmem:$0x1CCC0];
	v20 =	vadd.f32 v12, v0;
	[tilespmem:$0x1F190] =	vst v16  }
0x2f6: {  	v25 =	vmov s19;
	v22 =	vadd.f32 v14, v0;
	v57 =	vld [tilespmem:$0x1CEC0];
	[tilespmem:$0x1F1A0] =	vst v18  }
0x2f7: {  	v59 =	vld [tilespmem:$0x1CED0];
	[tilespmem:$0x1F1B0] =	vst v20;
	v27 =	vadd.f32 v17, v0  }
0x2f8: {  	v61 =	vld [tilespmem:$0x1CEE0];
	[tilespmem:$0x1F1C0] =	vst v22;
	v0 =	vadd.f32 v19, v0  }
0x2f9: {  	v63 =	vld [tilespmem:$0x1CEF0];
	[tilespmem:$0x1F1E0] =	vst v27  }
0x2fa: {  	v19 =	vld [tilespmem:$0x1D080];
	[tilespmem:$0x1F1F0] =	vst v0  }
0x2fb: {  	v0 =	vld.idx.msk [tilespmem:v25+s18+$0x0], $0xffff  }
0x2fc: {  	v1 =	vld.idx.msk [tilespmem:v21+s16+$0x0], $0xffff  }
0x2fd: {  	v2 =	vld.idx.msk [tilespmem:v23+s16+$0x0], $0xffff  }
0x2fe: {  	v29 =	vld.idx.msk [tilespmem:v26+s16+$0x0], $0xffff  }
0x2ff: {  	v3 =	vld.idx.msk [tilespmem:v28+s16+$0x0], $0xffff  }
0x300: {  	v5 =	vld.idx.msk [tilespmem:v30+s16+$0x0], $0xffff  }
0x301: {  	v6 =	vld.idx.msk [tilespmem:v31+s16+$0x0], $0xffff  }
0x302: {  	v7 =	vld.idx.msk [tilespmem:v32+s16+$0x0], $0xffff  }
0x303: {  	v8 =	vld.idx.msk [tilespmem:v33+s16+$0x0], $0xffff  }
0x304: {  	v9 =	vld.idx.msk [tilespmem:v34+s16+$0x0], $0xffff;
	v1 =	vadd.f32 v1, v0  }
0x305: {  	v10 =	vld.idx.msk [tilespmem:v35+s16+$0x0], $0xffff;
	v2 =	vadd.f32 v2, v0  }
0x306: {  	v11 =	vld.idx.msk [tilespmem:v36+s16+$0x0], $0xffff;
	v46 =	vadd.f32 v29, v0;
	[tilespmem:$0x1F200] =	vst v1  }
0x307: {  	v12 =	vld.idx.msk [tilespmem:v37+s16+$0x0], $0xffff;
	v48 =	vadd.f32 v3, v0;
	[tilespmem:$0x1F210] =	vst v2  }
0x308: {  	v13 =	vld.idx.msk [tilespmem:v38+s16+$0x0], $0xffff;
	v50 =	vadd.f32 v5, v0;
	[tilespmem:$0x1F220] =	vst v46  }
0x309: {  	v14 =	vld.idx.msk [tilespmem:v39+s16+$0x0], $0xffff;
	v52 =	vadd.f32 v6, v0;
	[tilespmem:$0x1F230] =	vst v48  }
0x30a: {  	v15 =	vld.idx.msk [tilespmem:v40+s16+$0x0], $0xffff;
	v54 =	vadd.f32 v7, v0;
	[tilespmem:$0x1F240] =	vst v50  }
0x30b: {  	v47 =	vld.idx.msk [tilespmem:v41+s16+$0x0], $0xffff;
	v56 =	vadd.f32 v8, v0;
	[tilespmem:$0x1F250] =	vst v52  }
0x30c: {  	v49 =	vld.idx.msk [tilespmem:v42+s16+$0x0], $0xffff;
	v58 =	vadd.f32 v9, v0;
	[tilespmem:$0x1F260] =	vst v54  }
0x30d: {  	v51 =	vld.idx.msk [tilespmem:v43+s16+$0x0], $0xffff;
	v60 =	vadd.f32 v10, v0;
	[tilespmem:$0x1F270] =	vst v56  }
0x30e: {  	v53 =	vld.idx.msk [tilespmem:v44+s16+$0x0], $0xffff;
	v62 =	vadd.f32 v11, v0;
	[tilespmem:$0x1F280] =	vst v58  }
0x30f: {  	v55 =	vld.idx.msk [tilespmem:v45+s16+$0x0], $0xffff;
	v18 =	vadd.f32 v12, v0;
	[tilespmem:$0x1F290] =	vst v60  }
0x310: {  	v21 =	vld [tilespmem:$0x1D090];
	v20 =	vadd.f32 v13, v0;
	[tilespmem:$0x1F2A0] =	vst v62  }
0x311: {  	v23 =	vld [tilespmem:$0x1D0A0];
	v22 =	vadd.f32 v14, v0;
	[tilespmem:$0x1F2B0] =	vst v18  }
0x312: {  	v25 =	vld [tilespmem:$0x1D0B0];
	v24 =	vadd.f32 v15, v0;
	[tilespmem:$0x1F2C0] =	vst v20  }
0x313: {  	v27 =	vld.idx.msk [tilespmem:v57+s16+$0x0], $0xffff;
	v26 =	vadd.f32 v47, v0;
	[tilespmem:$0x1F2D0] =	vst v22  }
0x314: {  	v31 =	vld.idx.msk [tilespmem:v61+s16+$0x0], $0xffff;
	v28 =	vadd.f32 v49, v0;
	[tilespmem:$0x1F2E0] =	vst v24  }
0x315: {  	v33 =	vld.idx.msk [tilespmem:v63+s16+$0x0], $0xffff;
	v30 =	vadd.f32 v51, v0;
	[tilespmem:$0x1F2F0] =	vst v26  }
0x316: {  	v29 =	vld.idx.msk [tilespmem:v59+s16+$0x0], $0xffff;
	v32 =	vadd.f32 v53, v0;
	[tilespmem:$0x1F300] =	vst v28  }
0x317: {  	v34 =	vadd.f32 v55, v0;
	v35 =	vld.idx.msk [tilespmem:v19+s16+$0x0], $0xffff;
	[tilespmem:$0x1F310] =	vst v30  }
0x318: {  	v36 =	vadd.f32 v27, v0;
	[tilespmem:$0x1F320] =	vst v32;
	v37 =	vld.idx.msk [tilespmem:v21+s16+$0x0], $0xffff  }
0x319: {  	v40 =	vadd.f32 v31, v0;
	[tilespmem:$0x1F330] =	vst v34;
	v39 =	vld.idx.msk [tilespmem:v23+s16+$0x0], $0xffff  }
0x31a: {  	v42 =	vadd.f32 v33, v0;
	[tilespmem:$0x1F340] =	vst v36;
	v41 =	vld.idx.msk [tilespmem:v25+s16+$0x0], $0xffff  }
0x31b: {  	[tilespmem:$0x1F360] =	vst v40;
	v38 =	vadd.f32 v29, v0  }
0x31c: {  	[tilespmem:$0x1F370] =	vst v42;
	v43 =	vadd.f32 v35, v0  }
0x31d: {  	[tilespmem:$0x1F350] =	vst v38;
	v44 =	vadd.f32 v37, v0  }
0x31e: {  	[tilespmem:$0x1F380] =	vst v43;
	v45 =	vadd.f32 v39, v0  }
0x31f: {  	v46 =	vadd.f32 v41, v0;
	[tilespmem:$0x1F390] =	vst v44  }
0x320: {  	[tilespmem:$0x1F3A0] =	vst v45  }
0x321: {  	[tilespmem:$0x1F3B0] =	vst v46  }
0x322: {  	v47 =	vld [tilespmem:$0x1D0C0]  }
0x323: {  	v2 =	vld [tilespmem:$0x1D0D0]  }
0x324: {  	v48 =	vld [tilespmem:$0x1D0E0]  }
0x325: {  	v49 =	vld [tilespmem:$0x1D0F0]  }
0x326: {  	v50 =	vld [tilespmem:$0x1D280]  }
0x327: {  	v51 =	vld [tilespmem:$0x1D290]  }
0x328: {  	v52 =	vld [tilespmem:$0x1D2A0]  }
0x329: {  	v53 =	vld [tilespmem:$0x1D2B0]  }
0x32a: {  	v54 =	vld [tilespmem:$0x1D2C0]  }
0x32b: {  	v55 =	vld [tilespmem:$0x1D2D0]  }
0x32c: {  	v56 =	vld [tilespmem:$0x1D2E0]  }
0x32d: {  	v57 =	vld [tilespmem:$0x1D2F0]  }
0x32e: {  	v58 =	vld [tilespmem:$0x1D480]  }
0x32f: {  	v59 =	vld [tilespmem:$0x1D490]  }
0x330: {  	v60 =	vld [tilespmem:$0x1D4A0]  }
0x331: {  	v61 =	vld [tilespmem:$0x1D4B0]  }
0x332: {  	v62 =	vld [tilespmem:$0x1D4C0]  }
0x333: {  	v63 =	vld [tilespmem:$0x1D4D0]  }
0x334: {  	v24 =	vld [tilespmem:$0x1D4E0]  }
0x335: {  	v25 =	vld [tilespmem:$0x1D4F0]  }
0x336: {  	v26 =	vld [tilespmem:$0x1D680]  }
0x337: {  	v27 =	vld [tilespmem:$0x1D690]  }
0x338: {  	v28 =	vld [tilespmem:$0x1D6A0]  }
0x339: {  	v30 =	vld [tilespmem:$0x1D6B0]  }
0x33a: {  	v32 =	vld [tilespmem:$0x1D6C0]  }
0x33b: {  	v34 =	vld [tilespmem:$0x1D6D0]  }
0x33c: {  	v36 =	vld [tilespmem:$0x1D6E0]  }
0x33d: {  	v38 =	vld [tilespmem:$0x1D6F0]  }
0x33e: {  	v1 =	vld.idx.msk [tilespmem:v47+s16+$0x0], $0xffff  }
0x33f: {  	v2 =	vld.idx.msk [tilespmem:v2+s16+$0x0], $0xffff  }
0x340: {  	v3 =	vld.idx.msk [tilespmem:v48+s16+$0x0], $0xffff  }
0x341: {  	v4 =	vld.idx.msk [tilespmem:v49+s16+$0x0], $0xffff  }
0x342: {  	v5 =	vld.idx.msk [tilespmem:v50+s16+$0x0], $0xffff  }
0x343: {  	v6 =	vld.idx.msk [tilespmem:v51+s16+$0x0], $0xffff  }
0x344: {  	v7 =	vld.idx.msk [tilespmem:v52+s16+$0x0], $0xffff  }
0x345: {  	v8 =	vld.idx.msk [tilespmem:v53+s16+$0x0], $0xffff  }
0x346: {  	v9 =	vld.idx.msk [tilespmem:v54+s16+$0x0], $0xffff  }
0x347: {  	v10 =	vld.idx.msk [tilespmem:v55+s16+$0x0], $0xffff  }
0x348: {  	v11 =	vld.idx.msk [tilespmem:v56+s16+$0x0], $0xffff  }
0x349: {  	v12 =	vld.idx.msk [tilespmem:v57+s16+$0x0], $0xffff  }
0x34a: {  	v13 =	vld.idx.msk [tilespmem:v58+s16+$0x0], $0xffff  }
0x34b: {  	v14 =	vld.idx.msk [tilespmem:v59+s16+$0x0], $0xffff  }
0x34c: {  	v15 =	vld.idx.msk [tilespmem:v60+s16+$0x0], $0xffff  }
0x34d: {  	v16 =	vld.idx.msk [tilespmem:v61+s16+$0x0], $0xffff  }
0x34e: {  	v17 =	vld.idx.msk [tilespmem:v62+s16+$0x0], $0xffff  }
0x34f: {  	v18 =	vld.idx.msk [tilespmem:v63+s16+$0x0], $0xffff  }
0x350: {  	v19 =	vld.idx.msk [tilespmem:v24+s16+$0x0], $0xffff  }
0x351: {  	v20 =	vld.idx.msk [tilespmem:v25+s16+$0x0], $0xffff  }
0x352: {  	v40 =	vld.idx.msk [tilespmem:v26+s16+$0x0], $0xffff  }
0x353: {  	v42 =	vld.idx.msk [tilespmem:v27+s16+$0x0], $0xffff  }
0x354: {  	v44 =	vld.idx.msk [tilespmem:v28+s16+$0x0], $0xffff  }
0x355: {  	v51 =	vld [tilespmem:$0x1D880]  }
0x356: {  	v53 =	vld [tilespmem:$0x1D890]  }
0x357: {  	v55 =	vld [tilespmem:$0x1D8A0]  }
0x358: {  	v57 =	vld [tilespmem:$0x1D8B0]  }
0x359: {  	v59 =	vld [tilespmem:$0x1D8C0]  }
0x35a: {  	v61 =	vld [tilespmem:$0x1D8D0]  }
0x35b: {  	v63 =	vld [tilespmem:$0x1D8E0]  }
0x35c: {  	v29 =	vadd.f32 v3, v0;
	v3 =	vld.idx.msk [tilespmem:v30+s16+$0x0], $0xffff  }
0x35d: {  	v31 =	vadd.f32 v4, v0;
	v4 =	vld.idx.msk [tilespmem:v32+s16+$0x0], $0xffff  }
0x35e: {  	v33 =	vadd.f32 v5, v0;
	v5 =	vld.idx.msk [tilespmem:v34+s16+$0x0], $0xffff  }
0x35f: {  	v35 =	vadd.f32 v6, v0;
	v6 =	vld.idx.msk [tilespmem:v36+s16+$0x0], $0xffff  }
0x360: {  	v1 =	vadd.f32 v1, v0;
	v37 =	vadd.f32 v7, v0;
	v7 =	vld.idx.msk [tilespmem:v38+s16+$0x0], $0xffff  }
0x361: {  	v2 =	vadd.f32 v2, v0;
	v52 =	vadd.f32 v17, v0;
	v17 =	vld [tilespmem:$0x1D8F0]  }
0x362: {  	v39 =	vadd.f32 v8, v0;
	v60 =	vadd.f32 v40, v0;
	v40 =	vld [tilespmem:$0x1CB10];
	[tilespmem:$0x1F3C0] =	vst v1  }
0x363: {  	v41 =	vadd.f32 v9, v0;
	v62 =	vadd.f32 v42, v0;
	v42 =	vld [tilespmem:$0x1CB30];
	[tilespmem:$0x1F3D0] =	vst v2  }
0x364: {  	v50 =	vadd.f32 v16, v0;
	v16 =	vadd.f32 v44, v0;
	v44 =	vld [tilespmem:$0x1CB50];
	[tilespmem:$0x1F3E0] =	vst v29  }
0x365: {  	v43 =	vadd.f32 v10, v0;
	[tilespmem:$0x1F430] =	vst v39;
	v39 =	vld [tilespmem:$0x1CB00]  }
0x366: {  	v45 =	vadd.f32 v11, v0;
	[tilespmem:$0x1F440] =	vst v41;
	v41 =	vld [tilespmem:$0x1CB20]  }
0x367: {  	v46 =	vadd.f32 v12, v0;
	[tilespmem:$0x1F450] =	vst v43;
	v43 =	vld [tilespmem:$0x1CB40]  }
0x368: {  	v47 =	vadd.f32 v13, v0;
	[tilespmem:$0x1F460] =	vst v45;
	v45 =	vld [tilespmem:$0x1CB60]  }
0x369: {  	v48 =	vadd.f32 v14, v0;
	[tilespmem:$0x1F470] =	vst v46;
	v46 =	vld [tilespmem:$0x1CB70]  }
0x36a: {  	v49 =	vadd.f32 v15, v0;
	[tilespmem:$0x1F480] =	vst v47;
	v47 =	vld [tilespmem:$0x1CD00]  }
0x36b: {  	[tilespmem:$0x1F490] =	vst v48;
	v48 =	vld [tilespmem:$0x1CD10]  }
0x36c: {  	[tilespmem:$0x1F4A0] =	vst v49;
	v49 =	vld [tilespmem:$0x1CD20]  }
0x36d: {  	v54 =	vadd.f32 v18, v0;
	[tilespmem:$0x1F4B0] =	vst v50;
	v50 =	vld [tilespmem:$0x1CD30]  }
0x36e: {  	v56 =	vadd.f32 v19, v0;
	[tilespmem:$0x1F4C0] =	vst v52;
	v52 =	vld [tilespmem:$0x1CD50]  }
0x36f: {  	v58 =	vadd.f32 v20, v0;
	[tilespmem:$0x1F4D0] =	vst v54;
	v54 =	vld [tilespmem:$0x1CD70]  }
0x370: {  	[tilespmem:$0x1F4E0] =	vst v56;
	v56 =	vld [tilespmem:$0x1CF10]  }
0x371: {  	[tilespmem:$0x1F4F0] =	vst v58;
	v58 =	vld [tilespmem:$0x1CF30]  }
0x372: {  	[tilespmem:$0x1F500] =	vst v60;
	v60 =	vld [tilespmem:$0x1CF50]  }
0x373: {  	[tilespmem:$0x1F510] =	vst v62;
	v62 =	vld [tilespmem:$0x1CF70]  }
0x374: {  	[tilespmem:$0x1F3F0] =	vst v31;
	v19 =	vld.idx.msk [tilespmem:v51+s16+$0x0], $0xffff  }
0x375: {  	[tilespmem:$0x1F400] =	vst v33;
	v21 =	vld.idx.msk [tilespmem:v53+s16+$0x0], $0xffff  }
0x376: {  	[tilespmem:$0x1F410] =	vst v35;
	v23 =	vld.idx.msk [tilespmem:v55+s16+$0x0], $0xffff  }
0x377: {  	[tilespmem:$0x1F420] =	vst v37;
	v25 =	vld.idx.msk [tilespmem:v57+s16+$0x0], $0xffff;
	v18 =	vadd.f32 v3, v0  }
0x378: {  	[tilespmem:$0x1F520] =	vst v16;
	v27 =	vld.idx.msk [tilespmem:v59+s16+$0x0], $0xffff;
	v20 =	vadd.f32 v4, v0  }
0x379: {  	v29 =	vld.idx.msk [tilespmem:v61+s16+$0x0], $0xffff;
	v22 =	vadd.f32 v5, v0;
	[tilespmem:$0x1F530] =	vst v18  }
0x37a: {  	v31 =	vld.idx.msk [tilespmem:v63+s16+$0x0], $0xffff;
	v24 =	vadd.f32 v6, v0;
	[tilespmem:$0x1F540] =	vst v20  }
0x37b: {  	v51 =	vld [tilespmem:$0x1CD40];
	v26 =	vadd.f32 v7, v0;
	[tilespmem:$0x1F550] =	vst v22  }
0x37c: {  	v53 =	vld [tilespmem:$0x1CD60];
	[tilespmem:$0x1F560] =	vst v24;
	v28 =	vadd.f32 v19, v0  }
0x37d: {  	v55 =	vld [tilespmem:$0x1CF00];
	[tilespmem:$0x1F570] =	vst v26;
	v30 =	vadd.f32 v21, v0  }
0x37e: {  	v32 =	vadd.f32 v23, v0;
	v33 =	vld.idx.msk [tilespmem:v17+s16+$0x0], $0xffff;
	[tilespmem:$0x1F580] =	vst v28  }
0x37f: {  	v57 =	vld [tilespmem:$0x1CF20];
	v34 =	vadd.f32 v25, v0;
	[tilespmem:$0x1F590] =	vst v30  }
0x380: {  	s12 =	sadd.s32 $0x6, s7;
	v59 =	vld [tilespmem:$0x1CF40];
	v35 =	vadd.f32 v27, v0;
	[tilespmem:$0x1F5A0] =	vst v32  }
0x381: {  	v37 =	vmov s12;
	v61 =	vld [tilespmem:$0x1CF60];
	v36 =	vadd.f32 v29, v0;
	[tilespmem:$0x1F5B0] =	vst v34  }
0x382: {  	v63 =	vld [tilespmem:$0x1D100];
	v38 =	vadd.f32 v31, v0;
	[tilespmem:$0x1F5C0] =	vst v35  }
0x383: {  	[tilespmem:$0x1F5D0] =	vst v36;
	v36 =	vld [tilespmem:$0x1D110];
	v0 =	vadd.f32 v33, v0  }
0x384: {  	[tilespmem:$0x1F5E0] =	vst v38;
	v38 =	vld [tilespmem:$0x1D130]  }
0x385: {  	v34 =	vld [tilespmem:$0x1D520];
	[tilespmem:$0x1F5F0] =	vst v0  }
0x386: {  	v0 =	vld.idx.msk [tilespmem:v37+s18+$0x0], $0xffff  }
0x387: {  	v1 =	vld.idx.msk [tilespmem:v39+s16+$0x0], $0xffff  }
0x388: {  	v2 =	vld.idx.msk [tilespmem:v40+s16+$0x0], $0xffff  }
0x389: {  	v3 =	vld.idx.msk [tilespmem:v41+s16+$0x0], $0xffff  }
0x38a: {  	v4 =	vld.idx.msk [tilespmem:v42+s16+$0x0], $0xffff  }
0x38b: {  	v5 =	vld.idx.msk [tilespmem:v43+s16+$0x0], $0xffff  }
0x38c: {  	v6 =	vld.idx.msk [tilespmem:v44+s16+$0x0], $0xffff  }
0x38d: {  	v7 =	vld.idx.msk [tilespmem:v45+s16+$0x0], $0xffff  }
0x38e: {  	v8 =	vld.idx.msk [tilespmem:v46+s16+$0x0], $0xffff  }
0x38f: {  	v9 =	vld.idx.msk [tilespmem:v47+s16+$0x0], $0xffff  }
0x390: {  	v10 =	vld.idx.msk [tilespmem:v48+s16+$0x0], $0xffff  }
0x391: {  	v11 =	vld.idx.msk [tilespmem:v49+s16+$0x0], $0xffff  }
0x392: {  	v12 =	vld.idx.msk [tilespmem:v50+s16+$0x0], $0xffff  }
0x393: {  	v13 =	vld.idx.msk [tilespmem:v51+s16+$0x0], $0xffff  }
0x394: {  	v14 =	vld.idx.msk [tilespmem:v52+s16+$0x0], $0xffff  }
0x395: {  	v15 =	vld.idx.msk [tilespmem:v53+s16+$0x0], $0xffff  }
0x396: {  	v16 =	vld.idx.msk [tilespmem:v54+s16+$0x0], $0xffff  }
0x397: {  	v17 =	vld.idx.msk [tilespmem:v55+s16+$0x0], $0xffff  }
0x398: {  	v18 =	vld.idx.msk [tilespmem:v56+s16+$0x0], $0xffff  }
0x399: {  	v19 =	vld.idx.msk [tilespmem:v57+s16+$0x0], $0xffff  }
0x39a: {  	v20 =	vld.idx.msk [tilespmem:v58+s16+$0x0], $0xffff  }
0x39b: {  	v21 =	vld.idx.msk [tilespmem:v59+s16+$0x0], $0xffff  }
0x39c: {  	v22 =	vld.idx.msk [tilespmem:v60+s16+$0x0], $0xffff  }
0x39d: {  	v23 =	vld.idx.msk [tilespmem:v61+s16+$0x0], $0xffff  }
0x39e: {  	v24 =	vld.idx.msk [tilespmem:v62+s16+$0x0], $0xffff  }
0x39f: {  	v37 =	vld [tilespmem:$0x1D120]  }
0x3a0: {  	v39 =	vld [tilespmem:$0x1D140]  }
0x3a1: {  	v40 =	vld [tilespmem:$0x1D150]  }
0x3a2: {  	v41 =	vld [tilespmem:$0x1D160]  }
0x3a3: {  	v42 =	vld [tilespmem:$0x1D170]  }
0x3a4: {  	v25 =	vld.idx.msk [tilespmem:v63+s16+$0x0], $0xffff  }
0x3a5: {  	v43 =	vld [tilespmem:$0x1D300]  }
0x3a6: {  	v44 =	vld [tilespmem:$0x1D310]  }
0x3a7: {  	v45 =	vld [tilespmem:$0x1D320]  }
0x3a8: {  	v46 =	vld [tilespmem:$0x1D330]  }
0x3a9: {  	v47 =	vld [tilespmem:$0x1D340]  }
0x3aa: {  	v48 =	vld [tilespmem:$0x1D350]  }
0x3ab: {  	v49 =	vld [tilespmem:$0x1D360]  }
0x3ac: {  	v51 =	vld [tilespmem:$0x1D370]  }
0x3ad: {  	v61 =	vld [tilespmem:$0x1D500]  }
0x3ae: {  	v63 =	vld [tilespmem:$0x1D510]  }
0x3af: {  	v26 =	vld.idx.msk [tilespmem:v36+s16+$0x0], $0xffff  }
0x3b0: {  	v28 =	vld.idx.msk [tilespmem:v38+s16+$0x0], $0xffff  }
0x3b1: {  	v36 =	vld [tilespmem:$0x1D530]  }
0x3b2: {  	v38 =	vld [tilespmem:$0x1D540];
	v54 =	vadd.f32 v6, v0  }
0x3b3: {  	v56 =	vadd.f32 v8, v0;
	v62 =	vadd.f32 v13, v0;
	v13 =	vld.idx.msk [tilespmem:v34+s16+$0x0], $0xffff  }
0x3b4: {  	v58 =	vadd.f32 v10, v0;
	[tilespmem:$0x1F650] =	vst v54;
	v54 =	vld [tilespmem:$0x1D700]  }
0x3b5: {  	v60 =	vadd.f32 v12, v0;
	[tilespmem:$0x1F670] =	vst v56;
	v56 =	vld [tilespmem:$0x1D710]  }
0x3b6: {  	[tilespmem:$0x1F690] =	vst v58;
	v58 =	vld [tilespmem:$0x1D720]  }
0x3b7: {  	v53 =	vadd.f32 v5, v0;
	[tilespmem:$0x1F6B0] =	vst v60;
	v60 =	vld [tilespmem:$0x1D730]  }
0x3b8: {  	[tilespmem:$0x1F6C0] =	vst v62;
	v62 =	vld [tilespmem:$0x1D740]  }
0x3b9: {  	[tilespmem:$0x1F640] =	vst v53;
	v53 =	vadd.f32 v28, v0;
	v28 =	vld [tilespmem:$0x1D770]  }
0x3ba: {  	v27 =	vld.idx.msk [tilespmem:v37+s16+$0x0], $0xffff  }
0x3bb: {  	v29 =	vld.idx.msk [tilespmem:v39+s16+$0x0], $0xffff  }
0x3bc: {  	v30 =	vld.idx.msk [tilespmem:v40+s16+$0x0], $0xffff  }
0x3bd: {  	v31 =	vld.idx.msk [tilespmem:v41+s16+$0x0], $0xffff  }
0x3be: {  	v32 =	vld.idx.msk [tilespmem:v42+s16+$0x0], $0xffff  }
0x3bf: {  	v52 =	vadd.f32 v4, v0;
	v4 =	vld.idx.msk [tilespmem:v43+s16+$0x0], $0xffff  }
0x3c0: {  	v5 =	vld.idx.msk [tilespmem:v44+s16+$0x0], $0xffff  }
0x3c1: {  	v6 =	vld.idx.msk [tilespmem:v45+s16+$0x0], $0xffff  }
0x3c2: {  	v55 =	vadd.f32 v7, v0;
	v7 =	vld.idx.msk [tilespmem:v46+s16+$0x0], $0xffff  }
0x3c3: {  	v8 =	vld.idx.msk [tilespmem:v47+s16+$0x0], $0xffff  }
0x3c4: {  	v57 =	vadd.f32 v9, v0;
	v9 =	vld.idx.msk [tilespmem:v48+s16+$0x0], $0xffff  }
0x3c5: {  	v10 =	vld.idx.msk [tilespmem:v49+s16+$0x0], $0xffff  }
0x3c6: {  	v50 =	vadd.f32 v3, v0;
	v3 =	vld.idx.msk [tilespmem:v51+s16+$0x0], $0xffff  }
0x3c7: {  	v40 =	vld [tilespmem:$0x1D550]  }
0x3c8: {  	v42 =	vld [tilespmem:$0x1D560]  }
0x3c9: {  	v44 =	vld [tilespmem:$0x1D570]  }
0x3ca: {  	v59 =	vadd.f32 v11, v0;
	v11 =	vld.idx.msk [tilespmem:v61+s16+$0x0], $0xffff  }
0x3cb: {  	v12 =	vld.idx.msk [tilespmem:v63+s16+$0x0], $0xffff  }
0x3cc: {  	v49 =	vadd.f32 v24, v0;
	v24 =	vld [tilespmem:$0x1D750]  }
0x3cd: {  	[tilespmem:$0x1F620] =	vst v50;
	v51 =	vadd.f32 v26, v0;
	v26 =	vld [tilespmem:$0x1D760]  }
0x3ce: {  	v41 =	vadd.f32 v18, v0;
	[tilespmem:$0x1F7B0] =	vst v53;
	v53 =	vld [tilespmem:$0x1D950]  }
0x3cf: {  	v33 =	vadd.f32 v14, v0;
	[tilespmem:$0x1F630] =	vst v52;
	v43 =	vadd.f32 v19, v0;
	v14 =	vld.idx.msk [tilespmem:v36+s16+$0x0], $0xffff  }
0x3d0: {  	v35 =	vadd.f32 v15, v0;
	v45 =	vadd.f32 v20, v0;
	[tilespmem:$0x1F710] =	vst v41;
	v15 =	vld.idx.msk [tilespmem:v38+s16+$0x0], $0xffff  }
0x3d1: {  	v47 =	vadd.f32 v22, v0;
	[tilespmem:$0x1F720] =	vst v43;
	v43 =	vld [tilespmem:$0x1D900]  }
0x3d2: {  	[tilespmem:$0x1F730] =	vst v45;
	v45 =	vld [tilespmem:$0x1D910]  }
0x3d3: {  	[tilespmem:$0x1F750] =	vst v47;
	v47 =	vld [tilespmem:$0x1D920]  }
0x3d4: {  	[tilespmem:$0x1F770] =	vst v49;
	v41 =	vadd.f32 v13, v0;
	v49 =	vld [tilespmem:$0x1D930]  }
0x3d5: {  	[tilespmem:$0x1F790] =	vst v51;
	v51 =	vld [tilespmem:$0x1D940]  }
0x3d6: {  	[tilespmem:$0x1F8A0] =	vst v41;
	v41 =	vld [tilespmem:$0x1CF80]  }
0x3d7: {  	[tilespmem:$0x1F680] =	vst v57;
	v57 =	vadd.f32 v30, v0;
	v30 =	vld.idx.msk [tilespmem:v54+s16+$0x0], $0xffff  }
0x3d8: {  	[tilespmem:$0x1F660] =	vst v55;
	v61 =	vadd.f32 v32, v0;
	v32 =	vld.idx.msk [tilespmem:v56+s16+$0x0], $0xffff  }
0x3d9: {  	[tilespmem:$0x1F6A0] =	vst v59;
	v34 =	vld.idx.msk [tilespmem:v58+s16+$0x0], $0xffff  }
0x3da: {  	[tilespmem:$0x1F6D0] =	vst v33;
	v37 =	vadd.f32 v16, v0;
	v36 =	vld.idx.msk [tilespmem:v60+s16+$0x0], $0xffff  }
0x3db: {  	[tilespmem:$0x1F6E0] =	vst v35;
	v55 =	vadd.f32 v29, v0;
	v38 =	vld.idx.msk [tilespmem:v62+s16+$0x0], $0xffff  }
0x3dc: {  	[tilespmem:$0x1F6F0] =	vst v37;
	v52 =	vadd.f32 v27, v0;
	v27 =	vadd.f32 v6, v0;
	v6 =	vld.idx.msk [tilespmem:v28+s16+$0x0], $0xffff  }
0x3dd: {  	v50 =	vadd.f32 v25, v0;
	v25 =	vadd.f32 v5, v0;
	[tilespmem:$0x1F7C0] =	vst v55;
	v55 =	vld [tilespmem:$0x1D960]  }
0x3de: {  	[tilespmem:$0x1F7D0] =	vst v57;
	v57 =	vld [tilespmem:$0x1D970]  }
0x3df: {  	v39 =	vadd.f32 v17, v0;
	[tilespmem:$0x1F810] =	vst v25;
	v25 =	vld [tilespmem:$0x1CB80]  }
0x3e0: {  	v29 =	vadd.f32 v7, v0;
	[tilespmem:$0x1F820] =	vst v27;
	v27 =	vld [tilespmem:$0x1CBA0]  }
0x3e1: {  	[tilespmem:$0x1F700] =	vst v39;
	v59 =	vadd.f32 v31, v0;
	v31 =	vadd.f32 v8, v0;
	v28 =	vld [tilespmem:$0x1CBB0]  }
0x3e2: {  	v33 =	vadd.f32 v9, v0;
	[tilespmem:$0x1F830] =	vst v29;
	v29 =	vld [tilespmem:$0x1CBC0]  }
0x3e3: {  	v35 =	vadd.f32 v10, v0;
	[tilespmem:$0x1F840] =	vst v31;
	v31 =	vld [tilespmem:$0x1CBE0]  }
0x3e4: {  	v37 =	vadd.f32 v3, v0;
	[tilespmem:$0x1F850] =	vst v33;
	v33 =	vld [tilespmem:$0x1CD80]  }
0x3e5: {  	v39 =	vadd.f32 v11, v0;
	[tilespmem:$0x1F860] =	vst v35;
	v35 =	vld [tilespmem:$0x1CDA0]  }
0x3e6: {  	[tilespmem:$0x1F870] =	vst v37;
	v37 =	vld [tilespmem:$0x1CDC0]  }
0x3e7: {  	[tilespmem:$0x1F880] =	vst v39;
	v39 =	vld [tilespmem:$0x1CDE0]  }
0x3e8: {  	v16 =	vld.idx.msk [tilespmem:v40+s16+$0x0], $0xffff  }
0x3e9: {  	v17 =	vld.idx.msk [tilespmem:v42+s16+$0x0], $0xffff  }
0x3ea: {  	v18 =	vld.idx.msk [tilespmem:v44+s16+$0x0], $0xffff  }
0x3eb: {  	v63 =	vadd.f32 v4, v0;
	v4 =	vld.idx.msk [tilespmem:v24+s16+$0x0], $0xffff  }
0x3ec: {  	v5 =	vld.idx.msk [tilespmem:v26+s16+$0x0], $0xffff  }
0x3ed: {  	v26 =	vld [tilespmem:$0x1CB90]  }
0x3ee: {  	v7 =	vld.idx.msk [tilespmem:v53+s16+$0x0], $0xffff  }
0x3ef: {  	v53 =	vld [tilespmem:$0x1D1C0]  }
0x3f0: {  	[tilespmem:$0x1F7E0] =	vst v59;
	v59 =	vld.idx.msk [tilespmem:v43+s16+$0x0], $0xffff  }
0x3f1: {  	[tilespmem:$0x1F7F0] =	vst v61;
	v61 =	vld.idx.msk [tilespmem:v45+s16+$0x0], $0xffff  }
0x3f2: {  	[tilespmem:$0x1F800] =	vst v63;
	v63 =	vld.idx.msk [tilespmem:v47+s16+$0x0], $0xffff  }
0x3f3: {  	v40 =	vadd.f32 v12, v0;
	v12 =	vld.idx.msk [tilespmem:v49+s16+$0x0], $0xffff  }
0x3f4: {  	v42 =	vadd.f32 v14, v0;
	v14 =	vld.idx.msk [tilespmem:v51+s16+$0x0], $0xffff  }
0x3f5: {  	[tilespmem:$0x1F890] =	vst v40;
	v40 =	vld [tilespmem:$0x1CDF0]  }
0x3f6: {  	v44 =	vadd.f32 v15, v0;
	[tilespmem:$0x1F8B0] =	vst v42;
	v42 =	vld [tilespmem:$0x1CF90]  }
0x3f7: {  	v1 =	vadd.f32 v1, v0;
	v43 =	vld [tilespmem:$0x1CFA0]  }
0x3f8: {  	v2 =	vadd.f32 v2, v0;
	[tilespmem:$0x1F8C0] =	vst v44;
	v44 =	vld [tilespmem:$0x1CFB0]  }
0x3f9: {  	[tilespmem:$0x1F600] =	vst v1;
	v45 =	vld [tilespmem:$0x1CFC0]  }
0x3fa: {  	[tilespmem:$0x1F610] =	vst v2;
	v46 =	vadd.f32 v21, v0;
	v47 =	vld [tilespmem:$0x1CFE0]  }
0x3fb: {  	[tilespmem:$0x1F780] =	vst v50;
	v49 =	vld [tilespmem:$0x1D180]  }
0x3fc: {  	v48 =	vadd.f32 v23, v0;
	[tilespmem:$0x1F740] =	vst v46;
	v51 =	vld [tilespmem:$0x1D1A0]  }
0x3fd: {  	[tilespmem:$0x1F7A0] =	vst v52;
	v52 =	vadd.f32 v30, v0;
	v30 =	vld [tilespmem:$0x1CBD0]  }
0x3fe: {  	[tilespmem:$0x1F760] =	vst v48;
	v54 =	vadd.f32 v32, v0;
	v32 =	vld [tilespmem:$0x1CBF0]  }
0x3ff: {  	v56 =	vadd.f32 v34, v0;
	v34 =	vld [tilespmem:$0x1CD90];
	[tilespmem:$0x1F900] =	vst v52  }
0x400: {  	v58 =	vadd.f32 v36, v0;
	v36 =	vld [tilespmem:$0x1CDB0];
	[tilespmem:$0x1F910] =	vst v54  }
0x401: {  	v60 =	vadd.f32 v38, v0;
	v38 =	vld [tilespmem:$0x1CDD0];
	[tilespmem:$0x1F920] =	vst v56  }
0x402: {  	v13 =	vadd.f32 v6, v0;
	[tilespmem:$0x1F930] =	vst v58;
	v52 =	vld [tilespmem:$0x1D1B0]  }
0x403: {  	v46 =	vadd.f32 v16, v0;
	[tilespmem:$0x1F940] =	vst v60;
	v54 =	vld [tilespmem:$0x1D1D0]  }
0x404: {  	v48 =	vadd.f32 v17, v0;
	[tilespmem:$0x1F970] =	vst v13;
	v56 =	vld [tilespmem:$0x1D1F0]  }
0x405: {  	v50 =	vadd.f32 v18, v0;
	v58 =	vld [tilespmem:$0x1D390];
	[tilespmem:$0x1F8D0] =	vst v46  }
0x406: {  	v62 =	vadd.f32 v4, v0;
	v60 =	vld [tilespmem:$0x1D3B0];
	[tilespmem:$0x1F8E0] =	vst v48  }
0x407: {  	v11 =	vadd.f32 v5, v0;
	[tilespmem:$0x1F8F0] =	vst v50;
	v17 =	vld.idx.msk [tilespmem:v55+s16+$0x0], $0xffff  }
0x408: {  	v22 =	vadd.f32 v7, v0;
	[tilespmem:$0x1F950] =	vst v62;
	v19 =	vld.idx.msk [tilespmem:v57+s16+$0x0], $0xffff  }
0x409: {  	[tilespmem:$0x1F960] =	vst v11;
	v15 =	vadd.f32 v59, v0;
	v46 =	vld [tilespmem:$0x1CFD0]  }
0x40a: {  	v16 =	vadd.f32 v61, v0;
	v48 =	vld [tilespmem:$0x1CFF0];
	[tilespmem:$0x1F9D0] =	vst v22  }
0x40b: {  	v18 =	vadd.f32 v63, v0;
	v50 =	vld [tilespmem:$0x1D190];
	[tilespmem:$0x1F980] =	vst v15  }
0x40c: {  	s19 =	sadd.s32 $0x7, s7;
	v20 =	vadd.f32 v12, v0;
	v55 =	vld [tilespmem:$0x1D1E0];
	[tilespmem:$0x1F990] =	vst v16  }
0x40d: {  	v23 =	vmov s19;
	v21 =	vadd.f32 v14, v0;
	v57 =	vld [tilespmem:$0x1D380];
	[tilespmem:$0x1F9A0] =	vst v18  }
0x40e: {  	v59 =	vld [tilespmem:$0x1D3A0];
	[tilespmem:$0x1F9B0] =	vst v20;
	v24 =	vadd.f32 v17, v0  }
0x40f: {  	v61 =	vld [tilespmem:$0x1D3C0];
	[tilespmem:$0x1F9C0] =	vst v21;
	v0 =	vadd.f32 v19, v0  }
0x410: {  	v62 =	vld [tilespmem:$0x1D3D0];
	[tilespmem:$0x1F9E0] =	vst v24  }
0x411: {  	v63 =	vld [tilespmem:$0x1D3E0];
	[tilespmem:$0x1F9F0] =	vst v0  }
0x412: {  	v0 =	vld.idx.msk [tilespmem:v23+s18+$0x0], $0xffff  }
0x413: {  	v1 =	vld.idx.msk [tilespmem:v25+s16+$0x0], $0xffff  }
0x414: {  	v2 =	vld.idx.msk [tilespmem:v26+s16+$0x0], $0xffff  }
0x415: {  	v3 =	vld.idx.msk [tilespmem:v27+s16+$0x0], $0xffff  }
0x416: {  	v4 =	vld.idx.msk [tilespmem:v28+s16+$0x0], $0xffff  }
0x417: {  	v5 =	vld.idx.msk [tilespmem:v29+s16+$0x0], $0xffff  }
0x418: {  	v6 =	vld.idx.msk [tilespmem:v30+s16+$0x0], $0xffff  }
0x419: {  	v7 =	vld.idx.msk [tilespmem:v31+s16+$0x0], $0xffff  }
0x41a: {  	v8 =	vld.idx.msk [tilespmem:v32+s16+$0x0], $0xffff  }
0x41b: {  	v9 =	vld.idx.msk [tilespmem:v33+s16+$0x0], $0xffff  }
0x41c: {  	v10 =	vld.idx.msk [tilespmem:v34+s16+$0x0], $0xffff  }
0x41d: {  	v11 =	vld.idx.msk [tilespmem:v35+s16+$0x0], $0xffff  }
0x41e: {  	v12 =	vld.idx.msk [tilespmem:v36+s16+$0x0], $0xffff  }
0x41f: {  	v13 =	vld.idx.msk [tilespmem:v37+s16+$0x0], $0xffff  }
0x420: {  	v14 =	vld.idx.msk [tilespmem:v38+s16+$0x0], $0xffff  }
0x421: {  	v15 =	vld.idx.msk [tilespmem:v39+s16+$0x0], $0xffff  }
0x422: {  	v16 =	vld.idx.msk [tilespmem:v40+s16+$0x0], $0xffff  }
0x423: {  	v17 =	vld.idx.msk [tilespmem:v41+s16+$0x0], $0xffff  }
0x424: {  	v18 =	vld.idx.msk [tilespmem:v42+s16+$0x0], $0xffff  }
0x425: {  	v19 =	vld.idx.msk [tilespmem:v43+s16+$0x0], $0xffff  }
0x426: {  	v20 =	vld.idx.msk [tilespmem:v44+s16+$0x0], $0xffff  }
0x427: {  	v21 =	vld.idx.msk [tilespmem:v45+s16+$0x0], $0xffff  }
0x428: {  	v22 =	vld.idx.msk [tilespmem:v46+s16+$0x0], $0xffff  }
0x429: {  	v23 =	vld.idx.msk [tilespmem:v47+s16+$0x0], $0xffff  }
0x42a: {  	v24 =	vld.idx.msk [tilespmem:v48+s16+$0x0], $0xffff  }
0x42b: {  	v25 =	vld.idx.msk [tilespmem:v49+s16+$0x0], $0xffff  }
0x42c: {  	v26 =	vld.idx.msk [tilespmem:v50+s16+$0x0], $0xffff  }
0x42d: {  	v27 =	vld.idx.msk [tilespmem:v51+s16+$0x0], $0xffff  }
0x42e: {  	v28 =	vld.idx.msk [tilespmem:v52+s16+$0x0], $0xffff  }
0x42f: {  	v29 =	vld.idx.msk [tilespmem:v53+s16+$0x0], $0xffff  }
0x430: {  	v30 =	vld.idx.msk [tilespmem:v54+s16+$0x0], $0xffff  }
0x431: {  	v31 =	vld.idx.msk [tilespmem:v55+s16+$0x0], $0xffff;
	v1 =	vadd.f32 v1, v0  }
0x432: {  	v32 =	vld.idx.msk [tilespmem:v56+s16+$0x0], $0xffff;
	v2 =	vadd.f32 v2, v0  }
0x433: {  	v42 =	vld [tilespmem:$0x1D3F0];
	v41 =	vadd.f32 v3, v0;
	[tilespmem:$0x1FA00] =	vst v1  }
0x434: {  	v52 =	vld [tilespmem:$0x1D580];
	v43 =	vadd.f32 v4, v0;
	[tilespmem:$0x1FA10] =	vst v2  }
0x435: {  	v54 =	vld [tilespmem:$0x1D590];
	v44 =	vadd.f32 v5, v0;
	[tilespmem:$0x1FA20] =	vst v41  }
0x436: {  	v56 =	vld [tilespmem:$0x1D5A0];
	v45 =	vadd.f32 v6, v0;
	[tilespmem:$0x1FA30] =	vst v43  }
0x437: {  	v33 =	vld [tilespmem:$0x1D5E0];
	v46 =	vadd.f32 v7, v0;
	[tilespmem:$0x1FA40] =	vst v44  }
0x438: {  	v35 =	vld [tilespmem:$0x1D5F0];
	v47 =	vadd.f32 v8, v0;
	[tilespmem:$0x1FA50] =	vst v45  }
0x439: {  	v4 =	vld.idx.msk [tilespmem:v57+s16+$0x0], $0xffff;
	v48 =	vadd.f32 v9, v0;
	[tilespmem:$0x1FA60] =	vst v46  }
0x43a: {  	v5 =	vld.idx.msk [tilespmem:v58+s16+$0x0], $0xffff;
	v49 =	vadd.f32 v10, v0;
	[tilespmem:$0x1FA70] =	vst v47  }
0x43b: {  	v6 =	vld.idx.msk [tilespmem:v59+s16+$0x0], $0xffff;
	v50 =	vadd.f32 v11, v0;
	[tilespmem:$0x1FA80] =	vst v48  }
0x43c: {  	v7 =	vld.idx.msk [tilespmem:v60+s16+$0x0], $0xffff;
	v51 =	vadd.f32 v12, v0;
	[tilespmem:$0x1FA90] =	vst v49  }
0x43d: {  	v8 =	vld.idx.msk [tilespmem:v61+s16+$0x0], $0xffff;
	v53 =	vadd.f32 v13, v0;
	[tilespmem:$0x1FAA0] =	vst v50  }
0x43e: {  	v9 =	vld.idx.msk [tilespmem:v62+s16+$0x0], $0xffff;
	v55 =	vadd.f32 v14, v0;
	[tilespmem:$0x1FAB0] =	vst v51  }
0x43f: {  	v10 =	vld.idx.msk [tilespmem:v63+s16+$0x0], $0xffff;
	v57 =	vadd.f32 v15, v0;
	[tilespmem:$0x1FAC0] =	vst v53  }
0x440: {  	v58 =	vld [tilespmem:$0x1D5B0];
	v59 =	vadd.f32 v16, v0;
	[tilespmem:$0x1FAD0] =	vst v55  }
0x441: {  	v60 =	vld [tilespmem:$0x1D5C0];
	v61 =	vadd.f32 v17, v0;
	[tilespmem:$0x1FAE0] =	vst v57  }
0x442: {  	v62 =	vld [tilespmem:$0x1D5D0];
	v63 =	vadd.f32 v18, v0;
	[tilespmem:$0x1FAF0] =	vst v59  }
0x443: {  	v34 =	vadd.f32 v19, v0;
	[tilespmem:$0x1FB00] =	vst v61;
	v45 =	vld [tilespmem:$0x1D780]  }
0x444: {  	v36 =	vadd.f32 v20, v0;
	[tilespmem:$0x1FB10] =	vst v63;
	v47 =	vld [tilespmem:$0x1D790]  }
0x445: {  	v37 =	vadd.f32 v21, v0;
	[tilespmem:$0x1FB20] =	vst v34;
	v49 =	vld [tilespmem:$0x1D7A0]  }
0x446: {  	v38 =	vadd.f32 v22, v0;
	[tilespmem:$0x1FB30] =	vst v36;
	v51 =	vld [tilespmem:$0x1D7B0]  }
0x447: {  	v39 =	vadd.f32 v23, v0;
	[tilespmem:$0x1FB40] =	vst v37;
	v53 =	vld [tilespmem:$0x1D7C0]  }
0x448: {  	v40 =	vadd.f32 v24, v0;
	[tilespmem:$0x1FB50] =	vst v38;
	v55 =	vld [tilespmem:$0x1D7D0]  }
0x449: {  	[tilespmem:$0x1FB60] =	vst v39;
	v41 =	vadd.f32 v25, v0;
	v57 =	vld [tilespmem:$0x1D7E0]  }
0x44a: {  	[tilespmem:$0x1FB70] =	vst v40;
	v43 =	vadd.f32 v27, v0;
	v59 =	vld [tilespmem:$0x1D7F0]  }
0x44b: {  	v44 =	vadd.f32 v28, v0;
	v48 =	vadd.f32 v30, v0;
	v30 =	vld [tilespmem:$0x1D980];
	[tilespmem:$0x1FB80] =	vst v41  }
0x44c: {  	v46 =	vadd.f32 v29, v0;
	v34 =	vld [tilespmem:$0x1D9A0];
	[tilespmem:$0x1FBA0] =	vst v43  }
0x44d: {  	v36 =	vld [tilespmem:$0x1D9B0];
	[tilespmem:$0x1FBB0] =	vst v44  }
0x44e: {  	v50 =	vadd.f32 v31, v0;
	v38 =	vld [tilespmem:$0x1D9C0];
	[tilespmem:$0x1FBC0] =	vst v46  }
0x44f: {  	v3 =	vld.idx.msk [tilespmem:v42+s16+$0x0], $0xffff;
	v42 =	vadd.f32 v26, v0;
	[tilespmem:$0x1FBD0] =	vst v48  }
0x450: {  	v11 =	vld.idx.msk [tilespmem:v52+s16+$0x0], $0xffff;
	v52 =	vadd.f32 v32, v0;
	[tilespmem:$0x1FBE0] =	vst v50  }
0x451: {  	v12 =	vld.idx.msk [tilespmem:v54+s16+$0x0], $0xffff;
	[tilespmem:$0x1FB90] =	vst v42;
	v54 =	vadd.f32 v4, v0  }
0x452: {  	v13 =	vld.idx.msk [tilespmem:v56+s16+$0x0], $0xffff;
	[tilespmem:$0x1FBF0] =	vst v52;
	v56 =	vadd.f32 v5, v0  }
0x453: {  	v40 =	vld [tilespmem:$0x1D9D0];
	v19 =	vadd.f32 v9, v0;
	[tilespmem:$0x1FC00] =	vst v54  }
0x454: {  	v17 =	vld.idx.msk [tilespmem:v33+s16+$0x0], $0xffff;
	v21 =	vadd.f32 v10, v0;
	[tilespmem:$0x1FC10] =	vst v56  }
0x455: {  	[tilespmem:$0x1FC50] =	vst v19;
	v14 =	vld.idx.msk [tilespmem:v58+s16+$0x0], $0xffff;
	v58 =	vadd.f32 v6, v0  }
0x456: {  	[tilespmem:$0x1FC60] =	vst v21;
	v15 =	vld.idx.msk [tilespmem:v60+s16+$0x0], $0xffff;
	v60 =	vadd.f32 v7, v0  }
0x457: {  	v16 =	vld.idx.msk [tilespmem:v62+s16+$0x0], $0xffff;
	v62 =	vadd.f32 v8, v0;
	[tilespmem:$0x1FC20] =	vst v58  }
0x458: {  	v18 =	vld.idx.msk [tilespmem:v35+s16+$0x0], $0xffff;
	v24 =	vadd.f32 v3, v0;
	[tilespmem:$0x1FC30] =	vst v60  }
0x459: {  	v32 =	vld [tilespmem:$0x1D990];
	v26 =	vadd.f32 v11, v0;
	[tilespmem:$0x1FC40] =	vst v62  }
0x45a: {  	v44 =	vld [tilespmem:$0x1D9F0];
	v27 =	vadd.f32 v12, v0;
	[tilespmem:$0x1FC70] =	vst v24  }
0x45b: {  	v42 =	vld [tilespmem:$0x1D9E0];
	v28 =	vadd.f32 v13, v0;
	[tilespmem:$0x1FC80] =	vst v26  }
0x45c: {  	v35 =	vadd.f32 v17, v0;
	v61 =	vld.idx.msk [tilespmem:v45+s16+$0x0], $0xffff;
	[tilespmem:$0x1FC90] =	vst v27  }
0x45d: {  	v37 =	vadd.f32 v18, v0;
	v63 =	vld.idx.msk [tilespmem:v47+s16+$0x0], $0xffff;
	[tilespmem:$0x1FCA0] =	vst v28  }
0x45e: {  	v20 =	vld.idx.msk [tilespmem:v49+s16+$0x0], $0xffff;
	[tilespmem:$0x1FCE0] =	vst v35;
	v29 =	vadd.f32 v14, v0  }
0x45f: {  	v22 =	vld.idx.msk [tilespmem:v51+s16+$0x0], $0xffff;
	[tilespmem:$0x1FCF0] =	vst v37;
	v31 =	vadd.f32 v15, v0  }
0x460: {  	v25 =	vld.idx.msk [tilespmem:v53+s16+$0x0], $0xffff;
	v33 =	vadd.f32 v16, v0;
	[tilespmem:$0x1FCB0] =	vst v29  }
0x461: {  	v4 =	vld.idx.msk [tilespmem:v55+s16+$0x0], $0xffff;
	[tilespmem:$0x1FCC0] =	vst v31;
	v39 =	vadd.f32 v61, v0  }
0x462: {  	v5 =	vld.idx.msk [tilespmem:v57+s16+$0x0], $0xffff;
	[tilespmem:$0x1FCD0] =	vst v33;
	v41 =	vadd.f32 v63, v0  }
0x463: {  	v6 =	vld.idx.msk [tilespmem:v59+s16+$0x0], $0xffff;
	v43 =	vadd.f32 v20, v0;
	[tilespmem:$0x1FD00] =	vst v39  }
0x464: {  	v46 =	vld.idx.msk [tilespmem:v30+s16+$0x0], $0xffff;
	v45 =	vadd.f32 v22, v0;
	[tilespmem:$0x1FD10] =	vst v41  }
0x465: {  	v50 =	vld.idx.msk [tilespmem:v34+s16+$0x0], $0xffff;
	v47 =	vadd.f32 v25, v0;
	[tilespmem:$0x1FD20] =	vst v43  }
0x466: {  	v52 =	vld.idx.msk [tilespmem:v36+s16+$0x0], $0xffff;
	v49 =	vadd.f32 v4, v0;
	[tilespmem:$0x1FD30] =	vst v45  }
0x467: {  	v54 =	vld.idx.msk [tilespmem:v38+s16+$0x0], $0xffff;
	v51 =	vadd.f32 v5, v0;
	[tilespmem:$0x1FD40] =	vst v47  }
0x468: {  	v7 =	vld.idx.msk [tilespmem:v40+s16+$0x0], $0xffff;
	v53 =	vadd.f32 v6, v0;
	[tilespmem:$0x1FD50] =	vst v49  }
0x469: {  	v48 =	vld.idx.msk [tilespmem:v32+s16+$0x0], $0xffff;
	v55 =	vadd.f32 v46, v0;
	[tilespmem:$0x1FD60] =	vst v51  }
0x46a: {  	v57 =	vld.idx.msk [tilespmem:v42+s16+$0x0], $0xffff;
	v58 =	vadd.f32 v50, v0;
	[tilespmem:$0x1FD70] =	vst v53  }
0x46b: {  	v59 =	vld.idx.msk [tilespmem:v44+s16+$0x0], $0xffff;
	v60 =	vadd.f32 v52, v0;
	[tilespmem:$0x1FD80] =	vst v55  }
0x46c: {  	v61 =	vadd.f32 v54, v0;
	[tilespmem:$0x1FDA0] =	vst v58  }
0x46d: {  	v62 =	vadd.f32 v7, v0;
	[tilespmem:$0x1FDB0] =	vst v60  }
0x46e: {  	v56 =	vadd.f32 v48, v0;
	[tilespmem:$0x1FDC0] =	vst v61  }
0x46f: {  	[tilespmem:$0x1FDD0] =	vst v62;
	v63 =	vadd.f32 v57, v0  }
0x470: {  	[tilespmem:$0x1FD90] =	vst v56;
	v0 =	vadd.f32 v59, v0  }
0x471: {  	[tilespmem:$0x1FDE0] =	vst v63  }
0x472: {  	s9 =	sadd.s32 @!p2 $0x8, s9;
	[tilespmem:$0x1FDF0] =	vst v0  }
0x473: {  	[hbm4b:s5+s24] =	stream.strided.scatter [tilespmem:s31], [sflag:$0x2], $0x400, s20, s24, $0x38;
	[tilespmem:$0x1FE00] =	vst v63  }
0x474: {  	p1 =	sne.s32 @!p2 s9, $0xC8;
	s7 =	sadd.s32 $0x2000, s5  }
0x475: {  	[hbm4b:s7+s24] =	stream.strided.scatter [tilespmem:s0], [sflag:$0x2], $0x400, s20, s24, $0x38;
	[tilespmem:$0x1FE00] =	vst v63  }
0x476: {  	p1 =	por p2, !p1;
	s12 =	sadd.s32 $0x4000, s5  }
0x477: {  	[hbm4b:s12+s24] =	stream.strided.scatter [tilespmem:s1], [sflag:$0x2], $0x400, s20, s24, $0x38;
	[tilespmem:$0x1FE00] =	vst v63  }
.Ltmp0:
0x478: {  	s19 =	sadd.s32 $0x6000, s5;
	(pc) =	sbr.rel @!p1 .LBB2_2-.Ltmp0, $4  }
0x479: {  	[hbm4b:s19+s24] =	stream.strided.scatter [tilespmem:s21], [sflag:$0x2], $0x400, s20, s24, $0x38;
	[tilespmem:$0x1FE00] =	vst v63  }
0x47a: {  	s15 =	sadd.s32 @!p2 $0x1, s15;
	s2 =	simm.s32 @!p2 $0x1CA00  }
0x47b: {  	[tilespmem:s2], [sflag:$0x4] =	stream.strided.gather @!p2 [spmem:s10], $0x1000, s14, s13, $0x38;
	[tilespmem:$0x1FE00] =	vst v63  }
0x47c: {  	s11 =	sadd.s32 @!p2 $0x10000, s11;
	s5 =	sadd.s32 @!p2 $0x10000, s5;
	s10 =	sadd.s32 @!p2 $0x2000, s10  }
0x47d: {  	s5 =	simm.s32 $0x0;
	s2 =	rddreg [dreg:$0x7]  }
0x47e: {  	[tilespmem:s16], [sflag:$0x5] =	stream.linear.gather [hbm4b:s2+s5], $0x18700, $0x38;
	[tilespmem:$0x1FE00] =	vst v63  }
0x47f: {  	_ =	swait.ge [sflag:s17], $0x18700  }
0x480: {  	[sflag:s17] =	ssyncset.done $0x0  }
0x481: {  	s14 =	rddreg [dreg:$0x8];
	[sflag:s17] =	ssyncadd.s32 $0xFFFE7900  }
0x482: {  	[tilespmem:s18], [sflag:$0x5] =	stream.linear.gather [hbm4b:s14+s5], $0x400, $0x38;
	[tilespmem:$0x1FE00] =	vst v63  }
0x483: {  	_ =	swait.ge [sflag:s17], $0x400  }
0x484: {  	[sflag:s17] =	ssyncset.done $0x0  }
0x485: {  	s7 =	simm.s32 $0x200;
	s10 =	rddreg [dreg:$0xc];
	[sflag:s17] =	ssyncadd.s32 $0xFFFFFC00  }
0x486: {  	s9 =	simm.s32 $0x1BA00;
	s19 =	simm.s32 $0x1CA00;
	s15 =	rddreg [dreg:$0x3]  }
0x487: {  	[tilespmem:s9], [sflag:$0x3] =	stream.strided.gather [spmem:s15], $0x1000, s20, s7, $0x38;
	[tilespmem:$0x1FE00] =	vst v63  }
0x488: {  	s11 =	smov.u32 s8;
	s9 =	rddreg [dreg:$0xd];
	s15 =	simm.s32 $0x0  }
0x489: {  	[tilespmem:s19], [sflag:$0x4] =	stream.strided.gather [spmem:s6], $0x1000, s20, s7, $0x38;
	[tilespmem:$0x1FE00] =	vst v63  }
.LBB2_4:
0x48a: {  	_ =	swait.ge [sflag:s23], $0x1000  }
0x48b: {  	[sflag:s23] =	ssyncset.done $0x0  }
0x48c: {  	[sflag:s23] =	ssyncadd.s32 $0xFFFFF000  }
0x48d: {  	_ =	swait.ge [sflag:s22], $0x1000  }
0x48e: {  	[sflag:s22] =	ssyncset.done $0x0  }
0x48f: {  	[sflag:s22] =	ssyncadd.s32 $0xFFFFF000  }
0x490: {  	v1 =	vld [tilespmem:$0x1BA00]  }
0x491: {  	v2 =	vld [tilespmem:$0x1BA10]  }
0x492: {  	v3 =	vld [tilespmem:$0x1BA20]  }
0x493: {  	v4 =	vld [tilespmem:$0x1BA30]  }
0x494: {  	v5 =	vld [tilespmem:$0x1BA40]  }
0x495: {  	v6 =	vld [tilespmem:$0x1BA50]  }
0x496: {  	v7 =	vld [tilespmem:$0x1BA60]  }
0x497: {  	v8 =	vld [tilespmem:$0x1BA70]  }
0x498: {  	v9 =	vld [tilespmem:$0x1BC00]  }
0x499: {  	v10 =	vld [tilespmem:$0x1BC10]  }
0x49a: {  	v11 =	vld [tilespmem:$0x1BC20]  }
0x49b: {  	s2 =	sshll.u32 s15, $0x3;
	v12 =	vld [tilespmem:$0x1BC30]  }
0x49c: {  	s7 =	sand.u32 $0x78, s5;
	s12 =	sand.u32 $0xFFFFFF80, s2;
	v13 =	vld [tilespmem:$0x1BC40]  }
0x49d: {  	s13 =	sor.u32 s7, s12;
	v14 =	vld [tilespmem:$0x1BC50]  }
0x49e: {  	v0 =	vmov s13;
	v15 =	vld [tilespmem:$0x1BC60]  }
0x49f: {  	v53 =	vld [tilespmem:$0x1BC70]  }
0x4a0: {  	v55 =	vld [tilespmem:$0x1BE00]  }
0x4a1: {  	v57 =	vld [tilespmem:$0x1BE10]  }
0x4a2: {  	v59 =	vld [tilespmem:$0x1BE20]  }
0x4a3: {  	v0 =	vld.idx.msk [tilespmem:v0+s18+$0x0], $0xffff  }
0x4a4: {  	v1 =	vld.idx.msk [tilespmem:v1+s16+$0x0], $0xffff  }
0x4a5: {  	v2 =	vld.idx.msk [tilespmem:v2+s16+$0x0], $0xffff  }
0x4a6: {  	v3 =	vld.idx.msk [tilespmem:v3+s16+$0x0], $0xffff  }
0x4a7: {  	v4 =	vld.idx.msk [tilespmem:v4+s16+$0x0], $0xffff  }
0x4a8: {  	v5 =	vld.idx.msk [tilespmem:v5+s16+$0x0], $0xffff  }
0x4a9: {  	v6 =	vld.idx.msk [tilespmem:v6+s16+$0x0], $0xffff;
	v1 =	vadd.f32 v1, v0  }
0x4aa: {  	v7 =	vld.idx.msk [tilespmem:v7+s16+$0x0], $0xffff;
	v2 =	vadd.f32 v2, v0  }
0x4ab: {  	v8 =	vld.idx.msk [tilespmem:v8+s16+$0x0], $0xffff;
	v52 =	vadd.f32 v3, v0;
	[tilespmem:$0x1DE00] =	vst v1  }
0x4ac: {  	v9 =	vld.idx.msk [tilespmem:v9+s16+$0x0], $0xffff;
	v54 =	vadd.f32 v4, v0;
	[tilespmem:$0x1DE10] =	vst v2  }
0x4ad: {  	v10 =	vld.idx.msk [tilespmem:v10+s16+$0x0], $0xffff;
	v56 =	vadd.f32 v5, v0;
	[tilespmem:$0x1DE20] =	vst v52  }
0x4ae: {  	v11 =	vld.idx.msk [tilespmem:v11+s16+$0x0], $0xffff;
	v58 =	vadd.f32 v6, v0;
	[tilespmem:$0x1DE30] =	vst v54  }
0x4af: {  	v61 =	vld.idx.msk [tilespmem:v12+s16+$0x0], $0xffff;
	v60 =	vadd.f32 v7, v0;
	[tilespmem:$0x1DE40] =	vst v56  }
0x4b0: {  	v63 =	vld.idx.msk [tilespmem:v13+s16+$0x0], $0xffff;
	v62 =	vadd.f32 v8, v0;
	[tilespmem:$0x1DE50] =	vst v58  }
0x4b1: {  	v13 =	vld.idx.msk [tilespmem:v14+s16+$0x0], $0xffff;
	v12 =	vadd.f32 v9, v0;
	[tilespmem:$0x1DE60] =	vst v60  }
0x4b2: {  	v16 =	vld.idx.msk [tilespmem:v15+s16+$0x0], $0xffff;
	v14 =	vadd.f32 v10, v0;
	[tilespmem:$0x1DE70] =	vst v62  }
0x4b3: {  	v17 =	vadd.f32 v11, v0;
	v3 =	vld.idx.msk [tilespmem:v53+s16+$0x0], $0xffff;
	[tilespmem:$0x1DE80] =	vst v12  }
0x4b4: {  	v18 =	vadd.f32 v61, v0;
	v4 =	vld.idx.msk [tilespmem:v55+s16+$0x0], $0xffff;
	[tilespmem:$0x1DE90] =	vst v14  }
0x4b5: {  	v19 =	vadd.f32 v63, v0;
	v5 =	vld.idx.msk [tilespmem:v57+s16+$0x0], $0xffff;
	[tilespmem:$0x1DEA0] =	vst v17  }
0x4b6: {  	v20 =	vadd.f32 v13, v0;
	v6 =	vld.idx.msk [tilespmem:v59+s16+$0x0], $0xffff;
	[tilespmem:$0x1DEB0] =	vst v18  }
0x4b7: {  	v21 =	vadd.f32 v16, v0;
	[tilespmem:$0x1DEC0] =	vst v19  }
0x4b8: {  	[tilespmem:$0x1DED0] =	vst v20;
	v22 =	vadd.f32 v3, v0  }
0x4b9: {  	[tilespmem:$0x1DEE0] =	vst v21;
	v23 =	vadd.f32 v4, v0  }
0x4ba: {  	v24 =	vadd.f32 v5, v0;
	[tilespmem:$0x1DEF0] =	vst v22  }
0x4bb: {  	v25 =	vadd.f32 v6, v0;
	[tilespmem:$0x1DF00] =	vst v23  }
0x4bc: {  	[tilespmem:$0x1DF10] =	vst v24  }
0x4bd: {  	[tilespmem:$0x1DF20] =	vst v25  }
0x4be: {  	v1 =	vld [tilespmem:$0x1BE30]  }
0x4bf: {  	v26 =	vld [tilespmem:$0x1BE40]  }
0x4c0: {  	v27 =	vld [tilespmem:$0x1BE50]  }
0x4c1: {  	v28 =	vld [tilespmem:$0x1BE60]  }
0x4c2: {  	v29 =	vld [tilespmem:$0x1BE70]  }
0x4c3: {  	v30 =	vld [tilespmem:$0x1C000]  }
0x4c4: {  	v31 =	vld [tilespmem:$0x1C010]  }
0x4c5: {  	v32 =	vld [tilespmem:$0x1C020]  }
0x4c6: {  	v33 =	vld [tilespmem:$0x1C030]  }
0x4c7: {  	v34 =	vld [tilespmem:$0x1C040]  }
0x4c8: {  	v35 =	vld [tilespmem:$0x1C050]  }
0x4c9: {  	v36 =	vld [tilespmem:$0x1C060]  }
0x4ca: {  	v37 =	vld [tilespmem:$0x1C070]  }
0x4cb: {  	v38 =	vld [tilespmem:$0x1C200]  }
0x4cc: {  	v39 =	vld [tilespmem:$0x1C210]  }
0x4cd: {  	v16 =	vld [tilespmem:$0x1C220]  }
0x4ce: {  	v17 =	vld [tilespmem:$0x1C230]  }
0x4cf: {  	v18 =	vld [tilespmem:$0x1C240]  }
0x4d0: {  	v19 =	vld [tilespmem:$0x1C250]  }
0x4d1: {  	v20 =	vld [tilespmem:$0x1C260]  }
0x4d2: {  	v21 =	vld [tilespmem:$0x1C270]  }
0x4d3: {  	v22 =	vld [tilespmem:$0x1C400]  }
0x4d4: {  	v23 =	vld [tilespmem:$0x1C410]  }
0x4d5: {  	v24 =	vld [tilespmem:$0x1C420]  }
0x4d6: {  	v25 =	vld [tilespmem:$0x1C430]  }
0x4d7: {  	v53 =	vld [tilespmem:$0x1C600]  }
0x4d8: {  	v55 =	vld [tilespmem:$0x1C610]  }
0x4d9: {  	v57 =	vld [tilespmem:$0x1C620]  }
0x4da: {  	v59 =	vld [tilespmem:$0x1C630]  }
0x4db: {  	v61 =	vld [tilespmem:$0x1C640]  }
0x4dc: {  	v63 =	vld [tilespmem:$0x1C650]  }
0x4dd: {  	v1 =	vld.idx.msk [tilespmem:v1+s16+$0x0], $0xffff  }
0x4de: {  	v2 =	vld.idx.msk [tilespmem:v26+s16+$0x0], $0xffff  }
0x4df: {  	v3 =	vld.idx.msk [tilespmem:v27+s16+$0x0], $0xffff  }
0x4e0: {  	v4 =	vld.idx.msk [tilespmem:v28+s16+$0x0], $0xffff  }
0x4e1: {  	v5 =	vld.idx.msk [tilespmem:v29+s16+$0x0], $0xffff  }
0x4e2: {  	v6 =	vld.idx.msk [tilespmem:v30+s16+$0x0], $0xffff  }
0x4e3: {  	v7 =	vld.idx.msk [tilespmem:v31+s16+$0x0], $0xffff  }
0x4e4: {  	v8 =	vld.idx.msk [tilespmem:v32+s16+$0x0], $0xffff  }
0x4e5: {  	v9 =	vld.idx.msk [tilespmem:v33+s16+$0x0], $0xffff  }
0x4e6: {  	v10 =	vld.idx.msk [tilespmem:v34+s16+$0x0], $0xffff  }
0x4e7: {  	v11 =	vld.idx.msk [tilespmem:v35+s16+$0x0], $0xffff  }
0x4e8: {  	v12 =	vld.idx.msk [tilespmem:v36+s16+$0x0], $0xffff  }
0x4e9: {  	v13 =	vld.idx.msk [tilespmem:v37+s16+$0x0], $0xffff  }
0x4ea: {  	v14 =	vld.idx.msk [tilespmem:v38+s16+$0x0], $0xffff  }
0x4eb: {  	v15 =	vld.idx.msk [tilespmem:v39+s16+$0x0], $0xffff  }
0x4ec: {  	v16 =	vld.idx.msk [tilespmem:v16+s16+$0x0], $0xffff  }
0x4ed: {  	v17 =	vld.idx.msk [tilespmem:v17+s16+$0x0], $0xffff  }
0x4ee: {  	v18 =	vld.idx.msk [tilespmem:v18+s16+$0x0], $0xffff  }
0x4ef: {  	v19 =	vld.idx.msk [tilespmem:v19+s16+$0x0], $0xffff  }
0x4f0: {  	v20 =	vld.idx.msk [tilespmem:v20+s16+$0x0], $0xffff  }
0x4f1: {  	v21 =	vld.idx.msk [tilespmem:v21+s16+$0x0], $0xffff  }
0x4f2: {  	v26 =	vld [tilespmem:$0x1C440]  }
0x4f3: {  	v27 =	vld [tilespmem:$0x1C450]  }
0x4f4: {  	v28 =	vld [tilespmem:$0x1C460]  }
0x4f5: {  	v29 =	vld [tilespmem:$0x1C470]  }
0x4f6: {  	v22 =	vld.idx.msk [tilespmem:v22+s16+$0x0], $0xffff  }
0x4f7: {  	v23 =	vld.idx.msk [tilespmem:v23+s16+$0x0], $0xffff  }
0x4f8: {  	v41 =	vld.idx.msk [tilespmem:v24+s16+$0x0], $0xffff  }
0x4f9: {  	v43 =	vld.idx.msk [tilespmem:v25+s16+$0x0], $0xffff  }
0x4fa: {  	v25 =	vld [tilespmem:$0x1C660]  }
0x4fb: {  	v38 =	vld [tilespmem:$0x1C800]  }
0x4fc: {  	v52 =	vadd.f32 v9, v0;
	v9 =	vld.idx.msk [tilespmem:v53+s16+$0x0], $0xffff  }
0x4fd: {  	v54 =	vadd.f32 v10, v0;
	v10 =	vld.idx.msk [tilespmem:v55+s16+$0x0], $0xffff  }
0x4fe: {  	v56 =	vadd.f32 v11, v0;
	v11 =	vld.idx.msk [tilespmem:v57+s16+$0x0], $0xffff  }
0x4ff: {  	v58 =	vadd.f32 v12, v0;
	v12 =	vld.idx.msk [tilespmem:v59+s16+$0x0], $0xffff  }
0x500: {  	v60 =	vadd.f32 v13, v0;
	v13 =	vld.idx.msk [tilespmem:v61+s16+$0x0], $0xffff  }
0x501: {  	v62 =	vadd.f32 v14, v0;
	v14 =	vld.idx.msk [tilespmem:v63+s16+$0x0], $0xffff  }
0x502: {  	v30 =	vadd.f32 v19, v0;
	v19 =	vld [tilespmem:$0x1BAC0]  }
0x503: {  	v31 =	vadd.f32 v20, v0;
	v20 =	vld [tilespmem:$0x1BAD0]  }
0x504: {  	v32 =	vadd.f32 v21, v0;
	v21 =	vld [tilespmem:$0x1BAE0]  }
0x505: {  	v40 =	vadd.f32 v3, v0;
	v33 =	vadd.f32 v22, v0;
	v22 =	vld [tilespmem:$0x1BAF0]  }
0x506: {  	v42 =	vadd.f32 v4, v0;
	v34 =	vadd.f32 v23, v0;
	v23 =	vld [tilespmem:$0x1BC80]  }
0x507: {  	v44 =	vadd.f32 v5, v0;
	[tilespmem:$0x1DF50] =	vst v40;
	v40 =	vld [tilespmem:$0x1C810]  }
0x508: {  	v46 =	vadd.f32 v6, v0;
	[tilespmem:$0x1DF60] =	vst v42;
	v42 =	vld [tilespmem:$0x1C820]  }
0x509: {  	v48 =	vadd.f32 v7, v0;
	[tilespmem:$0x1DF70] =	vst v44;
	v44 =	vld [tilespmem:$0x1C830]  }
0x50a: {  	v50 =	vadd.f32 v8, v0;
	[tilespmem:$0x1DF80] =	vst v46;
	v46 =	vld [tilespmem:$0x1C840]  }
0x50b: {  	[tilespmem:$0x1DF90] =	vst v48;
	v48 =	vld [tilespmem:$0x1C850]  }
0x50c: {  	v24 =	vadd.f32 v15, v0;
	[tilespmem:$0x1DFA0] =	vst v50;
	v50 =	vld [tilespmem:$0x1C860]  }
0x50d: {  	[tilespmem:$0x1DFB0] =	vst v52;
	v52 =	vld [tilespmem:$0x1C870]  }
0x50e: {  	[tilespmem:$0x1E010] =	vst v24;
	v24 =	vld [tilespmem:$0x1BC90]  }
0x50f: {  	[tilespmem:$0x1E050] =	vst v30;
	v30 =	vld [tilespmem:$0x1BCF0]  }
0x510: {  	[tilespmem:$0x1E060] =	vst v31;
	v31 =	vld [tilespmem:$0x1BE80]  }
0x511: {  	[tilespmem:$0x1E070] =	vst v32;
	v32 =	vld [tilespmem:$0x1BE90]  }
0x512: {  	v35 =	vadd.f32 v41, v0;
	[tilespmem:$0x1E080] =	vst v33;
	v33 =	vld [tilespmem:$0x1BEA0]  }
0x513: {  	v37 =	vadd.f32 v43, v0;
	[tilespmem:$0x1E090] =	vst v34;
	v34 =	vld [tilespmem:$0x1BEB0]  }
0x514: {  	[tilespmem:$0x1E0A0] =	vst v35;
	v35 =	vld [tilespmem:$0x1BEC0]  }
0x515: {  	[tilespmem:$0x1E0B0] =	vst v37;
	v37 =	vld [tilespmem:$0x1BEE0]  }
0x516: {  	v45 =	vld.idx.msk [tilespmem:v26+s16+$0x0], $0xffff  }
0x517: {  	v47 =	vld.idx.msk [tilespmem:v27+s16+$0x0], $0xffff  }
0x518: {  	v49 =	vld.idx.msk [tilespmem:v28+s16+$0x0], $0xffff  }
0x519: {  	v51 =	vld.idx.msk [tilespmem:v29+s16+$0x0], $0xffff  }
0x51a: {  	v27 =	vld [tilespmem:$0x1C670]  }
0x51b: {  	v1 =	vadd.f32 v1, v0;
	v15 =	vld.idx.msk [tilespmem:v25+s16+$0x0], $0xffff  }
0x51c: {  	v2 =	vadd.f32 v2, v0;
	v4 =	vld.idx.msk [tilespmem:v38+s16+$0x0], $0xffff  }
0x51d: {  	[tilespmem:$0x1DF30] =	vst v1;
	v26 =	vadd.f32 v16, v0;
	v16 =	vld [tilespmem:$0x1BA90]  }
0x51e: {  	[tilespmem:$0x1DF40] =	vst v2;
	v28 =	vadd.f32 v17, v0;
	v17 =	vld [tilespmem:$0x1BAA0]  }
0x51f: {  	[tilespmem:$0x1DFC0] =	vst v54;
	v29 =	vadd.f32 v18, v0;
	v18 =	vld [tilespmem:$0x1BAB0]  }
0x520: {  	[tilespmem:$0x1DFD0] =	vst v56;
	v25 =	vld [tilespmem:$0x1BCA0]  }
0x521: {  	[tilespmem:$0x1DFE0] =	vst v58;
	v38 =	vld [tilespmem:$0x1BEF0]  }
0x522: {  	[tilespmem:$0x1E020] =	vst v26;
	v26 =	vld [tilespmem:$0x1BCB0]  }
0x523: {  	[tilespmem:$0x1E030] =	vst v28;
	v55 =	vadd.f32 v14, v0;
	v28 =	vld [tilespmem:$0x1BCD0]  }
0x524: {  	[tilespmem:$0x1E040] =	vst v29;
	v29 =	vld [tilespmem:$0x1BCE0]  }
0x525: {  	[tilespmem:$0x1E150] =	vst v55;
	v55 =	vld [tilespmem:$0x1C480]  }
0x526: {  	[tilespmem:$0x1DFF0] =	vst v60;
	v53 =	vadd.f32 v12, v0;
	v56 =	vadd.f32 v15, v0;
	v15 =	vld [tilespmem:$0x1BA80]  }
0x527: {  	[tilespmem:$0x1E000] =	vst v62;
	v54 =	vadd.f32 v13, v0;
	v5 =	vld.idx.msk [tilespmem:v40+s16+$0x0], $0xffff  }
0x528: {  	[tilespmem:$0x1E130] =	vst v53;
	v39 =	vadd.f32 v45, v0;
	v6 =	vld.idx.msk [tilespmem:v42+s16+$0x0], $0xffff  }
0x529: {  	[tilespmem:$0x1E140] =	vst v54;
	v41 =	vadd.f32 v47, v0;
	v7 =	vld.idx.msk [tilespmem:v44+s16+$0x0], $0xffff  }
0x52a: {  	v43 =	vadd.f32 v49, v0;
	[tilespmem:$0x1E0C0] =	vst v39;
	v58 =	vld.idx.msk [tilespmem:v46+s16+$0x0], $0xffff  }
0x52b: {  	v45 =	vadd.f32 v51, v0;
	[tilespmem:$0x1E0D0] =	vst v41;
	v60 =	vld.idx.msk [tilespmem:v48+s16+$0x0], $0xffff  }
0x52c: {  	v47 =	vadd.f32 v9, v0;
	[tilespmem:$0x1E0E0] =	vst v43;
	v62 =	vld.idx.msk [tilespmem:v50+s16+$0x0], $0xffff  }
0x52d: {  	v49 =	vadd.f32 v10, v0;
	[tilespmem:$0x1E0F0] =	vst v45;
	v9 =	vld.idx.msk [tilespmem:v52+s16+$0x0], $0xffff  }
0x52e: {  	v51 =	vadd.f32 v11, v0;
	[tilespmem:$0x1E100] =	vst v47;
	v39 =	vld [tilespmem:$0x1C080]  }
0x52f: {  	[tilespmem:$0x1E110] =	vst v49;
	v40 =	vld [tilespmem:$0x1C090]  }
0x530: {  	v59 =	vadd.f32 v4, v0;
	[tilespmem:$0x1E120] =	vst v51;
	v41 =	vld [tilespmem:$0x1C0A0]  }
0x531: {  	[tilespmem:$0x1E160] =	vst v56;
	v42 =	vld [tilespmem:$0x1C0B0];
	v61 =	vadd.f32 v5, v0  }
0x532: {  	[tilespmem:$0x1E180] =	vst v59;
	v36 =	vld.idx.msk [tilespmem:v27+s16+$0x0], $0xffff;
	v63 =	vadd.f32 v6, v0  }
0x533: {  	v43 =	vld [tilespmem:$0x1C0C0];
	v10 =	vadd.f32 v7, v0;
	[tilespmem:$0x1E190] =	vst v61  }
0x534: {  	v45 =	vld [tilespmem:$0x1C2F0];
	v11 =	vadd.f32 v58, v0;
	[tilespmem:$0x1E1A0] =	vst v63  }
0x535: {  	s14 =	sor.u32 $0x1, s13;
	v59 =	vld [tilespmem:$0x1C4A0];
	v12 =	vadd.f32 v60, v0;
	[tilespmem:$0x1E1B0] =	vst v10  }
0x536: {  	v13 =	vmov s14;
	v27 =	vld [tilespmem:$0x1BCC0];
	v14 =	vadd.f32 v62, v0;
	[tilespmem:$0x1E1C0] =	vst v11  }
0x537: {  	v57 =	vadd.f32 v36, v0;
	v36 =	vld [tilespmem:$0x1BED0];
	[tilespmem:$0x1E1D0] =	vst v12  }
0x538: {  	v0 =	vadd.f32 v9, v0;
	[tilespmem:$0x1E1E0] =	vst v14;
	v61 =	vld [tilespmem:$0x1C4B0]  }
0x539: {  	v63 =	vld [tilespmem:$0x1C4C0];
	[tilespmem:$0x1E170] =	vst v57  }
0x53a: {  	[tilespmem:$0x1E1F0] =	vst v0;
	v57 =	vld [tilespmem:$0x1C490]  }
0x53b: {  	v0 =	vld.idx.msk [tilespmem:v13+s18+$0x0], $0xffff  }
0x53c: {  	v1 =	vld.idx.msk [tilespmem:v15+s16+$0x0], $0xffff  }
0x53d: {  	v2 =	vld.idx.msk [tilespmem:v16+s16+$0x0], $0xffff  }
0x53e: {  	v3 =	vld.idx.msk [tilespmem:v17+s16+$0x0], $0xffff  }
0x53f: {  	v4 =	vld.idx.msk [tilespmem:v18+s16+$0x0], $0xffff  }
0x540: {  	v5 =	vld.idx.msk [tilespmem:v19+s16+$0x0], $0xffff  }
0x541: {  	v6 =	vld.idx.msk [tilespmem:v20+s16+$0x0], $0xffff  }
0x542: {  	v7 =	vld.idx.msk [tilespmem:v21+s16+$0x0], $0xffff  }
0x543: {  	v8 =	vld.idx.msk [tilespmem:v22+s16+$0x0], $0xffff  }
0x544: {  	v9 =	vld.idx.msk [tilespmem:v23+s16+$0x0], $0xffff  }
0x545: {  	v10 =	vld.idx.msk [tilespmem:v24+s16+$0x0], $0xffff  }
0x546: {  	v11 =	vld.idx.msk [tilespmem:v25+s16+$0x0], $0xffff  }
0x547: {  	v12 =	vld.idx.msk [tilespmem:v26+s16+$0x0], $0xffff  }
0x548: {  	v13 =	vld.idx.msk [tilespmem:v27+s16+$0x0], $0xffff  }
0x549: {  	v14 =	vld.idx.msk [tilespmem:v28+s16+$0x0], $0xffff  }
0x54a: {  	v15 =	vld.idx.msk [tilespmem:v29+s16+$0x0], $0xffff  }
0x54b: {  	v16 =	vld.idx.msk [tilespmem:v30+s16+$0x0], $0xffff  }
0x54c: {  	v17 =	vld.idx.msk [tilespmem:v31+s16+$0x0], $0xffff  }
0x54d: {  	v18 =	vld.idx.msk [tilespmem:v32+s16+$0x0], $0xffff  }
0x54e: {  	v19 =	vld.idx.msk [tilespmem:v33+s16+$0x0], $0xffff  }
0x54f: {  	v20 =	vld.idx.msk [tilespmem:v34+s16+$0x0], $0xffff  }
0x550: {  	v21 =	vld.idx.msk [tilespmem:v35+s16+$0x0], $0xffff  }
0x551: {  	v23 =	vld.idx.msk [tilespmem:v37+s16+$0x0], $0xffff  }
0x552: {  	v24 =	vld.idx.msk [tilespmem:v38+s16+$0x0], $0xffff  }
0x553: {  	v30 =	vld [tilespmem:$0x1C0D0]  }
0x554: {  	v31 =	vld [tilespmem:$0x1C0E0]  }
0x555: {  	v32 =	vld [tilespmem:$0x1C0F0]  }
0x556: {  	v25 =	vld.idx.msk [tilespmem:v39+s16+$0x0], $0xffff  }
0x557: {  	v26 =	vld.idx.msk [tilespmem:v40+s16+$0x0], $0xffff  }
0x558: {  	v27 =	vld.idx.msk [tilespmem:v41+s16+$0x0], $0xffff  }
0x559: {  	v28 =	vld.idx.msk [tilespmem:v42+s16+$0x0], $0xffff  }
0x55a: {  	v29 =	vld.idx.msk [tilespmem:v43+s16+$0x0], $0xffff  }
0x55b: {  	v33 =	vld [tilespmem:$0x1C280]  }
0x55c: {  	v34 =	vld [tilespmem:$0x1C290]  }
0x55d: {  	v35 =	vld [tilespmem:$0x1C2A0]  }
0x55e: {  	v37 =	vld [tilespmem:$0x1C2C0]  }
0x55f: {  	v38 =	vld [tilespmem:$0x1C2D0]  }
0x560: {  	v39 =	vld [tilespmem:$0x1C2E0]  }
0x561: {  	v22 =	vld.idx.msk [tilespmem:v36+s16+$0x0], $0xffff  }
0x562: {  	v36 =	vld [tilespmem:$0x1C2B0]  }
0x563: {  	v44 =	vadd.f32 v3, v0;
	v3 =	vld.idx.msk [tilespmem:v45+s16+$0x0], $0xffff  }
0x564: {  	v53 =	vadd.f32 v11, v0;
	v11 =	vld.idx.msk [tilespmem:v55+s16+$0x0], $0xffff  }
0x565: {  	v56 =	vadd.f32 v13, v0;
	v13 =	vld.idx.msk [tilespmem:v59+s16+$0x0], $0xffff  }
0x566: {  	v40 =	vadd.f32 v21, v0;
	v21 =	vld [tilespmem:$0x1BB40]  }
0x567: {  	v42 =	vadd.f32 v23, v0;
	v23 =	vld [tilespmem:$0x1BB60]  }
0x568: {  	v58 =	vadd.f32 v14, v0;
	v14 =	vld.idx.msk [tilespmem:v61+s16+$0x0], $0xffff  }
0x569: {  	v48 =	vadd.f32 v6, v0;
	v60 =	vadd.f32 v15, v0;
	v15 =	vld.idx.msk [tilespmem:v63+s16+$0x0], $0xffff  }
0x56a: {  	v50 =	vadd.f32 v8, v0;
	v54 =	vadd.f32 v12, v0;
	v12 =	vld.idx.msk [tilespmem:v57+s16+$0x0], $0xffff  }
0x56b: {  	v52 =	vadd.f32 v10, v0;
	[tilespmem:$0x1E250] =	vst v48;
	v48 =	vld [tilespmem:$0x1C680]  }
0x56c: {  	[tilespmem:$0x1E270] =	vst v50;
	v50 =	vld [tilespmem:$0x1C690]  }
0x56d: {  	[tilespmem:$0x1E290] =	vst v52;
	v52 =	vld [tilespmem:$0x1C6A0]  }
0x56e: {  	[tilespmem:$0x1E2B0] =	vst v54;
	v54 =	vld [tilespmem:$0x1C6B0]  }
0x56f: {  	[tilespmem:$0x1E2C0] =	vst v56;
	v56 =	vld [tilespmem:$0x1C6C0]  }
0x570: {  	v62 =	vadd.f32 v16, v0;
	[tilespmem:$0x1E2D0] =	vst v58;
	v58 =	vld [tilespmem:$0x1C6D0]  }
0x571: {  	[tilespmem:$0x1E2E0] =	vst v60;
	v60 =	vld [tilespmem:$0x1C6E0]  }
0x572: {  	[tilespmem:$0x1E2F0] =	vst v62;
	v62 =	vld [tilespmem:$0x1C6F0]  }
0x573: {  	[tilespmem:$0x1E340] =	vst v40;
	v40 =	vld [tilespmem:$0x1C8A0]  }
0x574: {  	[tilespmem:$0x1E360] =	vst v42;
	v42 =	vld [tilespmem:$0x1C8B0]  }
0x575: {  	v30 =	vld.idx.msk [tilespmem:v30+s16+$0x0], $0xffff  }
0x576: {  	v31 =	vld.idx.msk [tilespmem:v31+s16+$0x0], $0xffff  }
0x577: {  	v32 =	vld.idx.msk [tilespmem:v32+s16+$0x0], $0xffff  }
0x578: {  	v46 =	vadd.f32 v4, v0;
	v4 =	vld.idx.msk [tilespmem:v33+s16+$0x0], $0xffff  }
0x579: {  	v47 =	vadd.f32 v5, v0;
	v5 =	vld.idx.msk [tilespmem:v34+s16+$0x0], $0xffff  }
0x57a: {  	v6 =	vld.idx.msk [tilespmem:v35+s16+$0x0], $0xffff  }
0x57b: {  	v8 =	vld.idx.msk [tilespmem:v37+s16+$0x0], $0xffff  }
0x57c: {  	v51 =	vadd.f32 v9, v0;
	v9 =	vld.idx.msk [tilespmem:v38+s16+$0x0], $0xffff  }
0x57d: {  	v10 =	vld.idx.msk [tilespmem:v39+s16+$0x0], $0xffff  }
0x57e: {  	v34 =	vld [tilespmem:$0x1C4D0]  }
0x57f: {  	[tilespmem:$0x1E220] =	vst v44;
	v44 =	vadd.f32 v25, v0;
	v38 =	vld [tilespmem:$0x1C4F0]  }
0x580: {  	[tilespmem:$0x1E230] =	vst v46;
	v46 =	vadd.f32 v27, v0;
	v39 =	vadd.f32 v20, v0;
	v20 =	vld [tilespmem:$0x1BB30]  }
0x581: {  	v33 =	vadd.f32 v17, v0;
	[tilespmem:$0x1E380] =	vst v44;
	v44 =	vld [tilespmem:$0x1C8C0]  }
0x582: {  	v35 =	vadd.f32 v18, v0;
	[tilespmem:$0x1E3A0] =	vst v46;
	v46 =	vld [tilespmem:$0x1C8D0]  }
0x583: {  	v37 =	vadd.f32 v19, v0;
	[tilespmem:$0x1E300] =	vst v33;
	v41 =	vadd.f32 v22, v0;
	v22 =	vld [tilespmem:$0x1BB50]  }
0x584: {  	v49 =	vadd.f32 v7, v0;
	[tilespmem:$0x1E310] =	vst v35;
	v35 =	vadd.f32 v14, v0;
	v7 =	vld.idx.msk [tilespmem:v36+s16+$0x0], $0xffff  }
0x585: {  	[tilespmem:$0x1E320] =	vst v37;
	v37 =	vadd.f32 v15, v0;
	v36 =	vld [tilespmem:$0x1C4E0]  }
0x586: {  	v33 =	vadd.f32 v12, v0;
	[tilespmem:$0x1E4B0] =	vst v35;
	v35 =	vld [tilespmem:$0x1BF20]  }
0x587: {  	[tilespmem:$0x1E4C0] =	vst v37;
	v37 =	vld [tilespmem:$0x1BF40]  }
0x588: {  	[tilespmem:$0x1E490] =	vst v33;
	v33 =	vld [tilespmem:$0x1BF00]  }
0x589: {  	v19 =	vld.idx.msk [tilespmem:v48+s16+$0x0], $0xffff  }
0x58a: {  	v25 =	vld.idx.msk [tilespmem:v50+s16+$0x0], $0xffff  }
0x58b: {  	v27 =	vld.idx.msk [tilespmem:v52+s16+$0x0], $0xffff  }
0x58c: {  	[tilespmem:$0x1E260] =	vst v49;
	v49 =	vadd.f32 v29, v0;
	v29 =	vld.idx.msk [tilespmem:v54+s16+$0x0], $0xffff  }
0x58d: {  	[tilespmem:$0x1E2A0] =	vst v53;
	v53 =	vadd.f32 v31, v0;
	v31 =	vld.idx.msk [tilespmem:v56+s16+$0x0], $0xffff  }
0x58e: {  	v57 =	vadd.f32 v4, v0;
	v4 =	vld.idx.msk [tilespmem:v58+s16+$0x0], $0xffff  }
0x58f: {  	v59 =	vadd.f32 v5, v0;
	v5 =	vld.idx.msk [tilespmem:v60+s16+$0x0], $0xffff  }
0x590: {  	v61 =	vadd.f32 v6, v0;
	v6 =	vld.idx.msk [tilespmem:v62+s16+$0x0], $0xffff  }
0x591: {  	v48 =	vld [tilespmem:$0x1C8E0]  }
0x592: {  	v50 =	vld [tilespmem:$0x1C8F0]  }
0x593: {  	v43 =	vadd.f32 v24, v0;
	[tilespmem:$0x1E240] =	vst v47;
	v24 =	vadd.f32 v8, v0;
	v56 =	vld.idx.msk [tilespmem:v40+s16+$0x0], $0xffff  }
0x594: {  	v45 =	vadd.f32 v26, v0;
	[tilespmem:$0x1E280] =	vst v51;
	v26 =	vadd.f32 v9, v0;
	v58 =	vld.idx.msk [tilespmem:v42+s16+$0x0], $0xffff  }
0x595: {  	v47 =	vadd.f32 v28, v0;
	v28 =	vadd.f32 v10, v0;
	[tilespmem:$0x1E440] =	vst v24;
	v24 =	vld [tilespmem:$0x1BB70]  }
0x596: {  	v51 =	vadd.f32 v30, v0;
	v30 =	vadd.f32 v3, v0;
	[tilespmem:$0x1E450] =	vst v26;
	v26 =	vld [tilespmem:$0x1BD10]  }
0x597: {  	v55 =	vadd.f32 v32, v0;
	v32 =	vadd.f32 v11, v0;
	[tilespmem:$0x1E460] =	vst v28;
	v28 =	vld [tilespmem:$0x1BD30]  }
0x598: {  	[tilespmem:$0x1E470] =	vst v30;
	v30 =	vld [tilespmem:$0x1BD50]  }
0x599: {  	[tilespmem:$0x1E480] =	vst v32;
	v32 =	vld [tilespmem:$0x1BD70]  }
0x59a: {  	v40 =	vld [tilespmem:$0x1BF70]  }
0x59b: {  	v1 =	vadd.f32 v1, v0;
	v42 =	vld [tilespmem:$0x1C110]  }
0x59c: {  	v2 =	vadd.f32 v2, v0;
	v16 =	vld.idx.msk [tilespmem:v34+s16+$0x0], $0xffff  }
0x59d: {  	[tilespmem:$0x1E200] =	vst v1;
	v18 =	vld.idx.msk [tilespmem:v38+s16+$0x0], $0xffff  }
0x59e: {  	[tilespmem:$0x1E210] =	vst v2;
	v38 =	vld [tilespmem:$0x1C890]  }
0x59f: {  	[tilespmem:$0x1E370] =	vst v43;
	v34 =	vadd.f32 v13, v0;
	v13 =	vld [tilespmem:$0x1BB00]  }
0x5a0: {  	[tilespmem:$0x1E390] =	vst v45;
	v60 =	vld.idx.msk [tilespmem:v44+s16+$0x0], $0xffff  }
0x5a1: {  	[tilespmem:$0x1E3B0] =	vst v47;
	v44 =	vld [tilespmem:$0x1C130]  }
0x5a2: {  	[tilespmem:$0x1E3C0] =	vst v49;
	v63 =	vadd.f32 v7, v0;
	v7 =	vld.idx.msk [tilespmem:v46+s16+$0x0], $0xffff  }
0x5a3: {  	[tilespmem:$0x1E4A0] =	vst v34;
	v34 =	vld [tilespmem:$0x1BF10]  }
0x5a4: {  	[tilespmem:$0x1E330] =	vst v39;
	v46 =	vld [tilespmem:$0x1C150]  }
0x5a5: {  	[tilespmem:$0x1E350] =	vst v41;
	v45 =	vadd.f32 v19, v0;
	v19 =	vld [tilespmem:$0x1BB20]  }
0x5a6: {  	[tilespmem:$0x1E3D0] =	vst v51;
	v47 =	vadd.f32 v25, v0;
	v25 =	vld [tilespmem:$0x1BD00]  }
0x5a7: {  	[tilespmem:$0x1E3E0] =	vst v53;
	v49 =	vadd.f32 v27, v0;
	v27 =	vld [tilespmem:$0x1BD20]  }
0x5a8: {  	[tilespmem:$0x1E3F0] =	vst v55;
	v51 =	vadd.f32 v29, v0;
	v29 =	vld [tilespmem:$0x1BD40]  }
0x5a9: {  	[tilespmem:$0x1E400] =	vst v57;
	v53 =	vadd.f32 v31, v0;
	v31 =	vld [tilespmem:$0x1BD60]  }
0x5aa: {  	[tilespmem:$0x1E410] =	vst v59;
	v17 =	vld.idx.msk [tilespmem:v36+s16+$0x0], $0xffff  }
0x5ab: {  	[tilespmem:$0x1E420] =	vst v61;
	v36 =	vld [tilespmem:$0x1C880]  }
0x5ac: {  	[tilespmem:$0x1E430] =	vst v63;
	v43 =	vadd.f32 v18, v0;
	v18 =	vld [tilespmem:$0x1BB10]  }
0x5ad: {  	[tilespmem:$0x1E500] =	vst v45;
	v45 =	vld [tilespmem:$0x1C140]  }
0x5ae: {  	[tilespmem:$0x1E510] =	vst v47;
	v47 =	vld [tilespmem:$0x1C160]  }
0x5af: {  	v55 =	vadd.f32 v4, v0;
	[tilespmem:$0x1E520] =	vst v49;
	v49 =	vld [tilespmem:$0x1C300]  }
0x5b0: {  	v57 =	vadd.f32 v5, v0;
	[tilespmem:$0x1E540] =	vst v53;
	v53 =	vld [tilespmem:$0x1C310]  }
0x5b1: {  	v59 =	vadd.f32 v6, v0;
	[tilespmem:$0x1E550] =	vst v55;
	v55 =	vld [tilespmem:$0x1C320]  }
0x5b2: {  	[tilespmem:$0x1E560] =	vst v57;
	v57 =	vld [tilespmem:$0x1C330]  }
0x5b3: {  	v10 =	vadd.f32 v56, v0;
	[tilespmem:$0x1E570] =	vst v59;
	v59 =	vld [tilespmem:$0x1C340]  }
0x5b4: {  	v12 =	vadd.f32 v58, v0;
	[tilespmem:$0x1E530] =	vst v51;
	v63 =	vld.idx.msk [tilespmem:v48+s16+$0x0], $0xffff  }
0x5b5: {  	v39 =	vadd.f32 v16, v0;
	[tilespmem:$0x1E5A0] =	vst v10;
	v11 =	vld.idx.msk [tilespmem:v50+s16+$0x0], $0xffff  }
0x5b6: {  	[tilespmem:$0x1E5B0] =	vst v12;
	v54 =	vld.idx.msk [tilespmem:v38+s16+$0x0], $0xffff  }
0x5b7: {  	v14 =	vadd.f32 v60, v0;
	[tilespmem:$0x1E4D0] =	vst v39;
	v52 =	vld.idx.msk [tilespmem:v36+s16+$0x0], $0xffff  }
0x5b8: {  	[tilespmem:$0x1E4F0] =	vst v43;
	v15 =	vadd.f32 v7, v0;
	v39 =	vld [tilespmem:$0x1BF60]  }
0x5b9: {  	v43 =	vld [tilespmem:$0x1C120];
	[tilespmem:$0x1E5C0] =	vst v14;
	v41 =	vadd.f32 v17, v0  }
0x5ba: {  	s19 =	sor.u32 $0x2, s13;
	v48 =	vld [tilespmem:$0x1C170];
	[tilespmem:$0x1E5D0] =	vst v15;
	v17 =	vadd.f32 v63, v0  }
0x5bb: {  	v16 =	vmov s19;
	v38 =	vld [tilespmem:$0x1BF50];
	[tilespmem:$0x1E4E0] =	vst v41;
	v62 =	vadd.f32 v54, v0  }
0x5bc: {  	v41 =	vld [tilespmem:$0x1C100];
	[tilespmem:$0x1E5E0] =	vst v17;
	v61 =	vadd.f32 v52, v0  }
0x5bd: {  	v63 =	vld [tilespmem:$0x1C360];
	[tilespmem:$0x1E590] =	vst v62;
	v0 =	vadd.f32 v11, v0  }
0x5be: {  	v36 =	vld [tilespmem:$0x1BF30];
	[tilespmem:$0x1E580] =	vst v61  }
0x5bf: {  	[tilespmem:$0x1E5F0] =	vst v0;
	v61 =	vld [tilespmem:$0x1C350]  }
0x5c0: {  	v0 =	vld.idx.msk [tilespmem:v16+s18+$0x0], $0xffff  }
0x5c1: {  	v1 =	vld.idx.msk [tilespmem:v13+s16+$0x0], $0xffff  }
0x5c2: {  	v2 =	vld.idx.msk [tilespmem:v18+s16+$0x0], $0xffff  }
0x5c3: {  	v3 =	vld.idx.msk [tilespmem:v19+s16+$0x0], $0xffff  }
0x5c4: {  	v4 =	vld.idx.msk [tilespmem:v20+s16+$0x0], $0xffff  }
0x5c5: {  	v5 =	vld.idx.msk [tilespmem:v21+s16+$0x0], $0xffff  }
0x5c6: {  	v6 =	vld.idx.msk [tilespmem:v22+s16+$0x0], $0xffff  }
0x5c7: {  	v7 =	vld.idx.msk [tilespmem:v23+s16+$0x0], $0xffff  }
0x5c8: {  	v8 =	vld.idx.msk [tilespmem:v24+s16+$0x0], $0xffff  }
0x5c9: {  	v9 =	vld.idx.msk [tilespmem:v25+s16+$0x0], $0xffff  }
0x5ca: {  	v10 =	vld.idx.msk [tilespmem:v26+s16+$0x0], $0xffff  }
0x5cb: {  	v11 =	vld.idx.msk [tilespmem:v27+s16+$0x0], $0xffff  }
0x5cc: {  	v12 =	vld.idx.msk [tilespmem:v28+s16+$0x0], $0xffff  }
0x5cd: {  	v13 =	vld.idx.msk [tilespmem:v29+s16+$0x0], $0xffff  }
0x5ce: {  	v14 =	vld.idx.msk [tilespmem:v30+s16+$0x0], $0xffff  }
0x5cf: {  	v15 =	vld.idx.msk [tilespmem:v31+s16+$0x0], $0xffff  }
0x5d0: {  	v16 =	vld.idx.msk [tilespmem:v32+s16+$0x0], $0xffff  }
0x5d1: {  	v17 =	vld.idx.msk [tilespmem:v33+s16+$0x0], $0xffff  }
0x5d2: {  	v18 =	vld.idx.msk [tilespmem:v34+s16+$0x0], $0xffff  }
0x5d3: {  	v19 =	vld.idx.msk [tilespmem:v35+s16+$0x0], $0xffff  }
0x5d4: {  	v20 =	vld.idx.msk [tilespmem:v36+s16+$0x0], $0xffff  }
0x5d5: {  	v21 =	vld.idx.msk [tilespmem:v37+s16+$0x0], $0xffff  }
0x5d6: {  	v22 =	vld.idx.msk [tilespmem:v38+s16+$0x0], $0xffff  }
0x5d7: {  	v23 =	vld.idx.msk [tilespmem:v39+s16+$0x0], $0xffff  }
0x5d8: {  	v24 =	vld.idx.msk [tilespmem:v40+s16+$0x0], $0xffff;
	v1 =	vadd.f32 v1, v0  }
0x5d9: {  	v25 =	vld.idx.msk [tilespmem:v41+s16+$0x0], $0xffff;
	v2 =	vadd.f32 v2, v0  }
0x5da: {  	v26 =	vld.idx.msk [tilespmem:v42+s16+$0x0], $0xffff;
	v50 =	vadd.f32 v3, v0;
	[tilespmem:$0x1E600] =	vst v1  }
0x5db: {  	v27 =	vld.idx.msk [tilespmem:v43+s16+$0x0], $0xffff;
	v51 =	vadd.f32 v4, v0;
	[tilespmem:$0x1E610] =	vst v2  }
0x5dc: {  	v28 =	vld.idx.msk [tilespmem:v44+s16+$0x0], $0xffff;
	v52 =	vadd.f32 v5, v0;
	[tilespmem:$0x1E620] =	vst v50  }
0x5dd: {  	v29 =	vld.idx.msk [tilespmem:v45+s16+$0x0], $0xffff;
	v54 =	vadd.f32 v6, v0;
	[tilespmem:$0x1E630] =	vst v51  }
0x5de: {  	v30 =	vld.idx.msk [tilespmem:v46+s16+$0x0], $0xffff;
	v56 =	vadd.f32 v7, v0;
	[tilespmem:$0x1E640] =	vst v52  }
0x5df: {  	v31 =	vld.idx.msk [tilespmem:v47+s16+$0x0], $0xffff;
	v58 =	vadd.f32 v8, v0;
	[tilespmem:$0x1E650] =	vst v54  }
0x5e0: {  	v33 =	vld [tilespmem:$0x1C370];
	v60 =	vadd.f32 v9, v0;
	[tilespmem:$0x1E660] =	vst v56  }
0x5e1: {  	v35 =	vld [tilespmem:$0x1C500];
	v62 =	vadd.f32 v10, v0;
	[tilespmem:$0x1E670] =	vst v58  }
0x5e2: {  	v45 =	vld [tilespmem:$0x1C510];
	v32 =	vadd.f32 v11, v0;
	[tilespmem:$0x1E680] =	vst v60  }
0x5e3: {  	v47 =	vld [tilespmem:$0x1C520];
	v34 =	vadd.f32 v12, v0;
	[tilespmem:$0x1E690] =	vst v62  }
0x5e4: {  	v3 =	vld.idx.msk [tilespmem:v48+s16+$0x0], $0xffff;
	v36 =	vadd.f32 v13, v0;
	[tilespmem:$0x1E6A0] =	vst v32  }
0x5e5: {  	v4 =	vld.idx.msk [tilespmem:v49+s16+$0x0], $0xffff;
	v37 =	vadd.f32 v14, v0;
	[tilespmem:$0x1E6B0] =	vst v34  }
0x5e6: {  	v5 =	vld.idx.msk [tilespmem:v53+s16+$0x0], $0xffff;
	v38 =	vadd.f32 v15, v0;
	[tilespmem:$0x1E6C0] =	vst v36  }
0x5e7: {  	v6 =	vld.idx.msk [tilespmem:v55+s16+$0x0], $0xffff;
	v39 =	vadd.f32 v16, v0;
	[tilespmem:$0x1E6D0] =	vst v37  }
0x5e8: {  	v7 =	vld.idx.msk [tilespmem:v57+s16+$0x0], $0xffff;
	v40 =	vadd.f32 v17, v0;
	[tilespmem:$0x1E6E0] =	vst v38  }
0x5e9: {  	v8 =	vld.idx.msk [tilespmem:v59+s16+$0x0], $0xffff;
	v41 =	vadd.f32 v18, v0;
	[tilespmem:$0x1E6F0] =	vst v39  }
0x5ea: {  	v10 =	vld.idx.msk [tilespmem:v63+s16+$0x0], $0xffff;
	v42 =	vadd.f32 v19, v0;
	[tilespmem:$0x1E700] =	vst v40  }
0x5eb: {  	v43 =	vadd.f32 v20, v0;
	v49 =	vld [tilespmem:$0x1C530];
	[tilespmem:$0x1E710] =	vst v41  }
0x5ec: {  	v44 =	vadd.f32 v21, v0;
	v53 =	vld [tilespmem:$0x1C550];
	[tilespmem:$0x1E720] =	vst v42  }
0x5ed: {  	v46 =	vadd.f32 v22, v0;
	v55 =	vld [tilespmem:$0x1C560];
	[tilespmem:$0x1E730] =	vst v43  }
0x5ee: {  	v48 =	vadd.f32 v23, v0;
	v57 =	vld [tilespmem:$0x1C570];
	[tilespmem:$0x1E740] =	vst v44  }
0x5ef: {  	v59 =	vld [tilespmem:$0x1C700];
	[tilespmem:$0x1E750] =	vst v46;
	v50 =	vadd.f32 v24, v0  }
0x5f0: {  	v9 =	vld.idx.msk [tilespmem:v61+s16+$0x0], $0xffff;
	[tilespmem:$0x1E760] =	vst v48;
	v52 =	vadd.f32 v25, v0  }
0x5f1: {  	v51 =	vld [tilespmem:$0x1C540];
	v54 =	vadd.f32 v26, v0;
	[tilespmem:$0x1E770] =	vst v50  }
0x5f2: {  	v56 =	vadd.f32 v27, v0;
	v62 =	vadd.f32 v31, v0;
	v31 =	vld [tilespmem:$0x1C710];
	[tilespmem:$0x1E780] =	vst v52  }
0x5f3: {  	v58 =	vadd.f32 v28, v0;
	v37 =	vld [tilespmem:$0x1C740];
	[tilespmem:$0x1E790] =	vst v54  }
0x5f4: {  	v60 =	vadd.f32 v29, v0;
	v39 =	vld [tilespmem:$0x1C750];
	[tilespmem:$0x1E7A0] =	vst v56  }
0x5f5: {  	v61 =	vadd.f32 v30, v0;
	v41 =	vld [tilespmem:$0x1C760];
	[tilespmem:$0x1E7B0] =	vst v58  }
0x5f6: {  	v43 =	vld [tilespmem:$0x1C770];
	[tilespmem:$0x1E7C0] =	vst v60  }
0x5f7: {  	v11 =	vld.idx.msk [tilespmem:v33+s16+$0x0], $0xffff;
	[tilespmem:$0x1E7D0] =	vst v61;
	v63 =	vadd.f32 v3, v0  }
0x5f8: {  	v12 =	vld.idx.msk [tilespmem:v35+s16+$0x0], $0xffff;
	[tilespmem:$0x1E7E0] =	vst v62;
	v22 =	vadd.f32 v4, v0  }
0x5f9: {  	v13 =	vld.idx.msk [tilespmem:v45+s16+$0x0], $0xffff;
	v24 =	vadd.f32 v5, v0;
	[tilespmem:$0x1E7F0] =	vst v63  }
0x5fa: {  	v14 =	vld.idx.msk [tilespmem:v47+s16+$0x0], $0xffff;
	v26 =	vadd.f32 v6, v0;
	[tilespmem:$0x1E800] =	vst v22  }
0x5fb: {  	v33 =	vld [tilespmem:$0x1C720];
	v28 =	vadd.f32 v7, v0;
	[tilespmem:$0x1E810] =	vst v24  }
0x5fc: {  	v35 =	vld [tilespmem:$0x1C730];
	v30 =	vadd.f32 v8, v0;
	[tilespmem:$0x1E820] =	vst v26  }
0x5fd: {  	v45 =	vld [tilespmem:$0x1C900];
	v34 =	vadd.f32 v10, v0;
	[tilespmem:$0x1E830] =	vst v28  }
0x5fe: {  	v32 =	vadd.f32 v9, v0;
	[tilespmem:$0x1E840] =	vst v30;
	v15 =	vld.idx.msk [tilespmem:v49+s16+$0x0], $0xffff  }
0x5ff: {  	[tilespmem:$0x1E860] =	vst v34;
	v23 =	vld.idx.msk [tilespmem:v53+s16+$0x0], $0xffff;
	v36 =	vadd.f32 v11, v0  }
0x600: {  	v25 =	vld.idx.msk [tilespmem:v55+s16+$0x0], $0xffff;
	v38 =	vadd.f32 v12, v0;
	[tilespmem:$0x1E850] =	vst v32  }
0x601: {  	v27 =	vld.idx.msk [tilespmem:v57+s16+$0x0], $0xffff;
	v40 =	vadd.f32 v13, v0;
	[tilespmem:$0x1E870] =	vst v36  }
0x602: {  	v29 =	vld.idx.msk [tilespmem:v59+s16+$0x0], $0xffff;
	v42 =	vadd.f32 v14, v0;
	[tilespmem:$0x1E880] =	vst v38  }
0x603: {  	v21 =	vld.idx.msk [tilespmem:v51+s16+$0x0], $0xffff;
	[tilespmem:$0x1E890] =	vst v40;
	v44 =	vadd.f32 v15, v0  }
0x604: {  	[tilespmem:$0x1E8A0] =	vst v42;
	v47 =	vld.idx.msk [tilespmem:v31+s16+$0x0], $0xffff;
	v48 =	vadd.f32 v23, v0  }
0x605: {  	v53 =	vld.idx.msk [tilespmem:v37+s16+$0x0], $0xffff;
	v50 =	vadd.f32 v25, v0;
	[tilespmem:$0x1E8B0] =	vst v44  }
0x606: {  	v55 =	vld.idx.msk [tilespmem:v39+s16+$0x0], $0xffff;
	v52 =	vadd.f32 v27, v0;
	[tilespmem:$0x1E8D0] =	vst v48  }
0x607: {  	v57 =	vld.idx.msk [tilespmem:v41+s16+$0x0], $0xffff;
	v54 =	vadd.f32 v29, v0;
	[tilespmem:$0x1E8E0] =	vst v50  }
0x608: {  	v59 =	vld.idx.msk [tilespmem:v43+s16+$0x0], $0xffff;
	v46 =	vadd.f32 v21, v0;
	[tilespmem:$0x1E8F0] =	vst v52  }
0x609: {  	v49 =	vld.idx.msk [tilespmem:v33+s16+$0x0], $0xffff;
	v56 =	vadd.f32 v47, v0;
	[tilespmem:$0x1E900] =	vst v54  }
0x60a: {  	v51 =	vld.idx.msk [tilespmem:v35+s16+$0x0], $0xffff;
	v62 =	vadd.f32 v53, v0;
	[tilespmem:$0x1E8C0] =	vst v46  }
0x60b: {  	v61 =	vld.idx.msk [tilespmem:v45+s16+$0x0], $0xffff;
	v63 =	vadd.f32 v55, v0;
	[tilespmem:$0x1E910] =	vst v56  }
0x60c: {  	v6 =	vadd.f32 v57, v0;
	[tilespmem:$0x1E940] =	vst v62  }
0x60d: {  	v7 =	vadd.f32 v59, v0;
	[tilespmem:$0x1E950] =	vst v63  }
0x60e: {  	v58 =	vadd.f32 v49, v0;
	[tilespmem:$0x1E960] =	vst v6  }
0x60f: {  	v60 =	vadd.f32 v51, v0;
	[tilespmem:$0x1E970] =	vst v7  }
0x610: {  	v8 =	vadd.f32 v61, v0;
	[tilespmem:$0x1E920] =	vst v58  }
0x611: {  	[tilespmem:$0x1E930] =	vst v60  }
0x612: {  	[tilespmem:$0x1E980] =	vst v8  }
0x613: {  	v1 =	vld [tilespmem:$0x1C910]  }
0x614: {  	v9 =	vld [tilespmem:$0x1C920]  }
0x615: {  	v10 =	vld [tilespmem:$0x1C930]  }
0x616: {  	v11 =	vld [tilespmem:$0x1C940]  }
0x617: {  	v12 =	vld [tilespmem:$0x1C950]  }
0x618: {  	v13 =	vld [tilespmem:$0x1C960]  }
0x619: {  	v14 =	vld [tilespmem:$0x1C970]  }
0x61a: {  	v20 =	vld [tilespmem:$0x1BB80]  }
0x61b: {  	v21 =	vld [tilespmem:$0x1BB90]  }
0x61c: {  	v22 =	vld [tilespmem:$0x1BBA0]  }
0x61d: {  	v23 =	vld [tilespmem:$0x1BBB0]  }
0x61e: {  	v24 =	vld [tilespmem:$0x1BBC0]  }
0x61f: {  	v25 =	vld [tilespmem:$0x1BBD0]  }
0x620: {  	v26 =	vld [tilespmem:$0x1BBE0]  }
0x621: {  	v27 =	vld [tilespmem:$0x1BBF0]  }
0x622: {  	v28 =	vld [tilespmem:$0x1BD80]  }
0x623: {  	v29 =	vld [tilespmem:$0x1BD90]  }
0x624: {  	v30 =	vld [tilespmem:$0x1BDA0]  }
0x625: {  	v31 =	vld [tilespmem:$0x1BDB0]  }
0x626: {  	v32 =	vld [tilespmem:$0x1BDC0]  }
0x627: {  	v33 =	vld [tilespmem:$0x1BDD0]  }
0x628: {  	v34 =	vld [tilespmem:$0x1BDE0]  }
0x629: {  	v35 =	vld [tilespmem:$0x1BDF0]  }
0x62a: {  	v36 =	vld [tilespmem:$0x1BF80]  }
0x62b: {  	v37 =	vld [tilespmem:$0x1BF90]  }
0x62c: {  	v38 =	vld [tilespmem:$0x1BFA0]  }
0x62d: {  	v39 =	vld [tilespmem:$0x1BFB0]  }
0x62e: {  	v40 =	vld [tilespmem:$0x1BFC0]  }
0x62f: {  	v41 =	vld [tilespmem:$0x1BFD0]  }
0x630: {  	v42 =	vld [tilespmem:$0x1BFE0]  }
0x631: {  	v43 =	vld [tilespmem:$0x1BFF0]  }
0x632: {  	v44 =	vld [tilespmem:$0x1C180]  }
0x633: {  	v45 =	vld [tilespmem:$0x1C190]  }
0x634: {  	v46 =	vld [tilespmem:$0x1C1A0]  }
0x635: {  	v47 =	vld [tilespmem:$0x1C1B0]  }
0x636: {  	v48 =	vld [tilespmem:$0x1C1C0]  }
0x637: {  	v49 =	vld [tilespmem:$0x1C1D0]  }
0x638: {  	v50 =	vld [tilespmem:$0x1C1E0]  }
0x639: {  	v51 =	vld [tilespmem:$0x1C1F0]  }
0x63a: {  	v52 =	vld [tilespmem:$0x1C380]  }
0x63b: {  	v1 =	vld.idx.msk [tilespmem:v1+s16+$0x0], $0xffff  }
0x63c: {  	v2 =	vld.idx.msk [tilespmem:v9+s16+$0x0], $0xffff  }
0x63d: {  	v3 =	vld.idx.msk [tilespmem:v10+s16+$0x0], $0xffff  }
0x63e: {  	v4 =	vld.idx.msk [tilespmem:v11+s16+$0x0], $0xffff  }
0x63f: {  	v5 =	vld.idx.msk [tilespmem:v12+s16+$0x0], $0xffff  }
0x640: {  	v6 =	vld.idx.msk [tilespmem:v13+s16+$0x0], $0xffff;
	v1 =	vadd.f32 v1, v0  }
0x641: {  	v7 =	vld.idx.msk [tilespmem:v14+s16+$0x0], $0xffff;
	v2 =	vadd.f32 v2, v0  }
0x642: {  	v53 =	vld [tilespmem:$0x1C390];
	v15 =	vadd.f32 v3, v0;
	[tilespmem:$0x1E990] =	vst v1  }
0x643: {  	s14 =	sor.u32 $0x3, s13;
	v54 =	vld [tilespmem:$0x1C3A0];
	v16 =	vadd.f32 v4, v0;
	[tilespmem:$0x1E9A0] =	vst v2  }
0x644: {  	v18 =	vmov s14;
	v55 =	vld [tilespmem:$0x1C3B0];
	v17 =	vadd.f32 v5, v0;
	[tilespmem:$0x1E9B0] =	vst v15  }
0x645: {  	v56 =	vld [tilespmem:$0x1C3C0];
	v19 =	vadd.f32 v6, v0;
	[tilespmem:$0x1E9C0] =	vst v16  }
0x646: {  	v57 =	vld [tilespmem:$0x1C3D0];
	v0 =	vadd.f32 v7, v0;
	[tilespmem:$0x1E9D0] =	vst v17  }
0x647: {  	v58 =	vld [tilespmem:$0x1C3E0];
	[tilespmem:$0x1E9E0] =	vst v19  }
0x648: {  	v60 =	vld [tilespmem:$0x1C3F0];
	[tilespmem:$0x1E9F0] =	vst v0  }
0x649: {  	v0 =	vld.idx.msk [tilespmem:v18+s18+$0x0], $0xffff  }
0x64a: {  	v1 =	vld.idx.msk [tilespmem:v20+s16+$0x0], $0xffff  }
0x64b: {  	v2 =	vld.idx.msk [tilespmem:v21+s16+$0x0], $0xffff  }
0x64c: {  	v3 =	vld.idx.msk [tilespmem:v22+s16+$0x0], $0xffff  }
0x64d: {  	v4 =	vld.idx.msk [tilespmem:v23+s16+$0x0], $0xffff  }
0x64e: {  	v5 =	vld.idx.msk [tilespmem:v24+s16+$0x0], $0xffff  }
0x64f: {  	v6 =	vld.idx.msk [tilespmem:v25+s16+$0x0], $0xffff  }
0x650: {  	v7 =	vld.idx.msk [tilespmem:v26+s16+$0x0], $0xffff  }
0x651: {  	v8 =	vld.idx.msk [tilespmem:v27+s16+$0x0], $0xffff  }
0x652: {  	v9 =	vld.idx.msk [tilespmem:v28+s16+$0x0], $0xffff  }
0x653: {  	v10 =	vld.idx.msk [tilespmem:v29+s16+$0x0], $0xffff  }
0x654: {  	v11 =	vld.idx.msk [tilespmem:v30+s16+$0x0], $0xffff  }
0x655: {  	v12 =	vld.idx.msk [tilespmem:v31+s16+$0x0], $0xffff  }
0x656: {  	v13 =	vld.idx.msk [tilespmem:v32+s16+$0x0], $0xffff  }
0x657: {  	v14 =	vld.idx.msk [tilespmem:v33+s16+$0x0], $0xffff  }
0x658: {  	v15 =	vld.idx.msk [tilespmem:v34+s16+$0x0], $0xffff  }
0x659: {  	v16 =	vld.idx.msk [tilespmem:v35+s16+$0x0], $0xffff  }
0x65a: {  	v17 =	vld.idx.msk [tilespmem:v36+s16+$0x0], $0xffff  }
0x65b: {  	v18 =	vld.idx.msk [tilespmem:v37+s16+$0x0], $0xffff  }
0x65c: {  	v19 =	vld.idx.msk [tilespmem:v38+s16+$0x0], $0xffff  }
0x65d: {  	v20 =	vld.idx.msk [tilespmem:v39+s16+$0x0], $0xffff  }
0x65e: {  	v21 =	vld.idx.msk [tilespmem:v40+s16+$0x0], $0xffff  }
0x65f: {  	v22 =	vld.idx.msk [tilespmem:v41+s16+$0x0], $0xffff  }
0x660: {  	v23 =	vld.idx.msk [tilespmem:v42+s16+$0x0], $0xffff  }
0x661: {  	v24 =	vld.idx.msk [tilespmem:v43+s16+$0x0], $0xffff  }
0x662: {  	v25 =	vld.idx.msk [tilespmem:v44+s16+$0x0], $0xffff  }
0x663: {  	v26 =	vld.idx.msk [tilespmem:v45+s16+$0x0], $0xffff  }
0x664: {  	v27 =	vld.idx.msk [tilespmem:v46+s16+$0x0], $0xffff  }
0x665: {  	v28 =	vld.idx.msk [tilespmem:v47+s16+$0x0], $0xffff  }
0x666: {  	v29 =	vld.idx.msk [tilespmem:v48+s16+$0x0], $0xffff  }
0x667: {  	v30 =	vld.idx.msk [tilespmem:v49+s16+$0x0], $0xffff;
	v1 =	vadd.f32 v1, v0  }
0x668: {  	v31 =	vld.idx.msk [tilespmem:v50+s16+$0x0], $0xffff;
	v2 =	vadd.f32 v2, v0  }
0x669: {  	v32 =	vld.idx.msk [tilespmem:v51+s16+$0x0], $0xffff;
	v59 =	vadd.f32 v3, v0;
	[tilespmem:$0x1EA00] =	vst v1  }
0x66a: {  	v39 =	vld [tilespmem:$0x1C580];
	v61 =	vadd.f32 v4, v0;
	[tilespmem:$0x1EA10] =	vst v2  }
0x66b: {  	v41 =	vld [tilespmem:$0x1C590];
	v62 =	vadd.f32 v5, v0;
	[tilespmem:$0x1EA20] =	vst v59  }
0x66c: {  	v43 =	vld [tilespmem:$0x1C5A0];
	v63 =	vadd.f32 v6, v0;
	[tilespmem:$0x1EA30] =	vst v61  }
0x66d: {  	v45 =	vld [tilespmem:$0x1C5B0];
	v33 =	vadd.f32 v7, v0;
	[tilespmem:$0x1EA40] =	vst v62  }
0x66e: {  	v47 =	vld [tilespmem:$0x1C5C0];
	v34 =	vadd.f32 v8, v0;
	[tilespmem:$0x1EA50] =	vst v63  }
0x66f: {  	v49 =	vld [tilespmem:$0x1C5D0];
	v35 =	vadd.f32 v9, v0;
	[tilespmem:$0x1EA60] =	vst v33  }
0x670: {  	v51 =	vld [tilespmem:$0x1C5E0];
	v36 =	vadd.f32 v10, v0;
	[tilespmem:$0x1EA70] =	vst v34  }
0x671: {  	v4 =	vld.idx.msk [tilespmem:v52+s16+$0x0], $0xffff;
	v37 =	vadd.f32 v11, v0;
	[tilespmem:$0x1EA80] =	vst v35  }
0x672: {  	v5 =	vld.idx.msk [tilespmem:v53+s16+$0x0], $0xffff;
	v38 =	vadd.f32 v12, v0;
	[tilespmem:$0x1EA90] =	vst v36  }
0x673: {  	v6 =	vld.idx.msk [tilespmem:v54+s16+$0x0], $0xffff;
	v40 =	vadd.f32 v13, v0;
	[tilespmem:$0x1EAA0] =	vst v37  }
0x674: {  	v7 =	vld.idx.msk [tilespmem:v55+s16+$0x0], $0xffff;
	v42 =	vadd.f32 v14, v0;
	[tilespmem:$0x1EAB0] =	vst v38  }
0x675: {  	v8 =	vld.idx.msk [tilespmem:v56+s16+$0x0], $0xffff;
	v44 =	vadd.f32 v15, v0;
	[tilespmem:$0x1EAC0] =	vst v40  }
0x676: {  	v9 =	vld.idx.msk [tilespmem:v57+s16+$0x0], $0xffff;
	v46 =	vadd.f32 v16, v0;
	[tilespmem:$0x1EAD0] =	vst v42  }
0x677: {  	v10 =	vld.idx.msk [tilespmem:v58+s16+$0x0], $0xffff;
	v48 =	vadd.f32 v17, v0;
	[tilespmem:$0x1EAE0] =	vst v44  }
0x678: {  	v3 =	vld.idx.msk [tilespmem:v60+s16+$0x0], $0xffff;
	v50 =	vadd.f32 v18, v0;
	[tilespmem:$0x1EAF0] =	vst v46  }
0x679: {  	v52 =	vadd.f32 v19, v0;
	v53 =	vld [tilespmem:$0x1C5F0];
	v54 =	vadd.f32 v20, v0;
	[tilespmem:$0x1EB00] =	vst v48  }
0x67a: {  	v58 =	vadd.f32 v24, v0;
	v24 =	vadd.f32 v29, v0;
	v29 =	vld [tilespmem:$0x1C7B0];
	[tilespmem:$0x1EB10] =	vst v50  }
0x67b: {  	v55 =	vadd.f32 v21, v0;
	[tilespmem:$0x1EB20] =	vst v52;
	v63 =	vld [tilespmem:$0x1C780]  }
0x67c: {  	v56 =	vadd.f32 v22, v0;
	[tilespmem:$0x1EB30] =	vst v54;
	v59 =	vadd.f32 v25, v0;
	v25 =	vld [tilespmem:$0x1C790]  }
0x67d: {  	v57 =	vadd.f32 v23, v0;
	[tilespmem:$0x1EB40] =	vst v55;
	v61 =	vadd.f32 v27, v0;
	v27 =	vld [tilespmem:$0x1C7A0]  }
0x67e: {  	[tilespmem:$0x1EB50] =	vst v56;
	v62 =	vadd.f32 v28, v0;
	v28 =	vadd.f32 v31, v0;
	v31 =	vld [tilespmem:$0x1C7C0]  }
0x67f: {  	v60 =	vadd.f32 v26, v0;
	[tilespmem:$0x1EB60] =	vst v57;
	v33 =	vld [tilespmem:$0x1C7D0]  }
0x680: {  	[tilespmem:$0x1EB70] =	vst v58;
	v35 =	vld [tilespmem:$0x1C7E0]  }
0x681: {  	v26 =	vadd.f32 v30, v0;
	[tilespmem:$0x1EB90] =	vst v60;
	v37 =	vld [tilespmem:$0x1C7F0]  }
0x682: {  	v30 =	vadd.f32 v32, v0;
	[tilespmem:$0x1EBC0] =	vst v24;
	v52 =	vld [tilespmem:$0x1C980]  }
0x683: {  	[tilespmem:$0x1EBD0] =	vst v26;
	v54 =	vld [tilespmem:$0x1C990]  }
0x684: {  	[tilespmem:$0x1EBF0] =	vst v30;
	v56 =	vld [tilespmem:$0x1C9A0]  }
0x685: {  	v58 =	vld [tilespmem:$0x1C9B0];
	[tilespmem:$0x1EB80] =	vst v59  }
0x686: {  	v60 =	vld [tilespmem:$0x1C9C0];
	[tilespmem:$0x1EBA0] =	vst v61  }
0x687: {  	v11 =	vld.idx.msk [tilespmem:v39+s16+$0x0], $0xffff;
	[tilespmem:$0x1EBB0] =	vst v62;
	v32 =	vadd.f32 v4, v0  }
0x688: {  	v12 =	vld.idx.msk [tilespmem:v41+s16+$0x0], $0xffff;
	[tilespmem:$0x1EBE0] =	vst v28;
	v34 =	vadd.f32 v5, v0  }
0x689: {  	v13 =	vld.idx.msk [tilespmem:v43+s16+$0x0], $0xffff;
	v36 =	vadd.f32 v6, v0;
	[tilespmem:$0x1EC00] =	vst v32  }
0x68a: {  	v14 =	vld.idx.msk [tilespmem:v45+s16+$0x0], $0xffff;
	v38 =	vadd.f32 v7, v0;
	[tilespmem:$0x1EC10] =	vst v34  }
0x68b: {  	v15 =	vld.idx.msk [tilespmem:v47+s16+$0x0], $0xffff;
	v40 =	vadd.f32 v8, v0;
	[tilespmem:$0x1EC20] =	vst v36  }
0x68c: {  	v16 =	vld.idx.msk [tilespmem:v49+s16+$0x0], $0xffff;
	v42 =	vadd.f32 v9, v0;
	[tilespmem:$0x1EC30] =	vst v38  }
0x68d: {  	v17 =	vld.idx.msk [tilespmem:v51+s16+$0x0], $0xffff;
	v44 =	vadd.f32 v10, v0;
	[tilespmem:$0x1EC40] =	vst v40  }
0x68e: {  	v62 =	vld [tilespmem:$0x1C9D0];
	v46 =	vadd.f32 v3, v0;
	[tilespmem:$0x1EC50] =	vst v42  }
0x68f: {  	[tilespmem:$0x1EC60] =	vst v44;
	v18 =	vld.idx.msk [tilespmem:v53+s16+$0x0], $0xffff;
	v48 =	vadd.f32 v11, v0  }
0x690: {  	[tilespmem:$0x1EC70] =	vst v46;
	v45 =	vld.idx.msk [tilespmem:v29+s16+$0x0], $0xffff;
	v49 =	vadd.f32 v12, v0  }
0x691: {  	v50 =	vadd.f32 v13, v0;
	v55 =	vadd.f32 v16, v0;
	v16 =	vld [tilespmem:$0x1C9E0];
	[tilespmem:$0x1EC80] =	vst v48  }
0x692: {  	v51 =	vadd.f32 v14, v0;
	v39 =	vld.idx.msk [tilespmem:v63+s16+$0x0], $0xffff;
	[tilespmem:$0x1EC90] =	vst v49  }
0x693: {  	v53 =	vadd.f32 v15, v0;
	v41 =	vld.idx.msk [tilespmem:v25+s16+$0x0], $0xffff;
	[tilespmem:$0x1ECA0] =	vst v50  }
0x694: {  	v43 =	vld.idx.msk [tilespmem:v27+s16+$0x0], $0xffff;
	[tilespmem:$0x1ECB0] =	vst v51  }
0x695: {  	v57 =	vadd.f32 v17, v0;
	v47 =	vld.idx.msk [tilespmem:v31+s16+$0x0], $0xffff;
	[tilespmem:$0x1ECC0] =	vst v53  }
0x696: {  	v4 =	vld.idx.msk [tilespmem:v33+s16+$0x0], $0xffff;
	[tilespmem:$0x1ECD0] =	vst v55;
	v59 =	vadd.f32 v18, v0  }
0x697: {  	v5 =	vld.idx.msk [tilespmem:v35+s16+$0x0], $0xffff;
	[tilespmem:$0x1ECE0] =	vst v57;
	v19 =	vadd.f32 v45, v0  }
0x698: {  	v6 =	vld.idx.msk [tilespmem:v37+s16+$0x0], $0xffff;
	v61 =	vadd.f32 v39, v0;
	[tilespmem:$0x1ECF0] =	vst v59  }
0x699: {  	v18 =	vld [tilespmem:$0x1C9F0];
	v63 =	vadd.f32 v41, v0;
	[tilespmem:$0x1ED30] =	vst v19  }
0x69a: {  	v20 =	vld.idx.msk [tilespmem:v52+s16+$0x0], $0xffff;
	v17 =	vadd.f32 v43, v0;
	[tilespmem:$0x1ED00] =	vst v61  }
0x69b: {  	v22 =	vld.idx.msk [tilespmem:v54+s16+$0x0], $0xffff;
	v21 =	vadd.f32 v47, v0;
	[tilespmem:$0x1ED10] =	vst v63  }
0x69c: {  	v24 =	vld.idx.msk [tilespmem:v56+s16+$0x0], $0xffff;
	v23 =	vadd.f32 v4, v0;
	[tilespmem:$0x1ED20] =	vst v17  }
0x69d: {  	v26 =	vld.idx.msk [tilespmem:v58+s16+$0x0], $0xffff;
	v25 =	vadd.f32 v5, v0;
	[tilespmem:$0x1ED40] =	vst v21  }
0x69e: {  	v28 =	vld.idx.msk [tilespmem:v60+s16+$0x0], $0xffff;
	v27 =	vadd.f32 v6, v0;
	[tilespmem:$0x1ED50] =	vst v23  }
0x69f: {  	v7 =	vld.idx.msk [tilespmem:v62+s16+$0x0], $0xffff;
	v29 =	vadd.f32 v20, v0;
	[tilespmem:$0x1ED60] =	vst v25  }
0x6a0: {  	v30 =	vadd.f32 v22, v0;
	v31 =	vld.idx.msk [tilespmem:v16+s16+$0x0], $0xffff;
	[tilespmem:$0x1ED70] =	vst v27  }
0x6a1: {  	v32 =	vadd.f32 v24, v0;
	[tilespmem:$0x1ED80] =	vst v29;
	v33 =	vld.idx.msk [tilespmem:v18+s16+$0x0], $0xffff  }
0x6a2: {  	v34 =	vadd.f32 v26, v0;
	[tilespmem:$0x1ED90] =	vst v30  }
0x6a3: {  	v35 =	vadd.f32 v28, v0;
	[tilespmem:$0x1EDA0] =	vst v32  }
0x6a4: {  	[tilespmem:$0x1EDB0] =	vst v34;
	v36 =	vadd.f32 v7, v0  }
0x6a5: {  	[tilespmem:$0x1EDC0] =	vst v35;
	v37 =	vadd.f32 v31, v0  }
0x6a6: {  	[tilespmem:$0x1EDD0] =	vst v36;
	v0 =	vadd.f32 v33, v0  }
0x6a7: {  	[tilespmem:$0x1EDE0] =	vst v37  }
0x6a8: {  	[tilespmem:$0x1EDF0] =	vst v0  }
0x6a9: {  	[hbm4b:s9+s24] =	stream.strided.scatter [tilespmem:s25], [sflag:$0x1], $0x400, s20, s24, $0x38;
	[tilespmem:$0x1FE00] =	vst v63  }
0x6aa: {  	s19 =	sadd.s32 $0x2000, s9  }
0x6ab: {  	[hbm4b:s19+s24] =	stream.strided.scatter [tilespmem:s26], [sflag:$0x1], $0x400, s20, s24, $0x38;
	[tilespmem:$0x1FE00] =	vst v63  }
0x6ac: {  	p1 =	seq.s32 s5, $0xC0;
	s13 =	sadd.s32 $0x4000, s9  }
0x6ad: {  	[hbm4b:s13+s24] =	stream.strided.scatter [tilespmem:s28], [sflag:$0x1], $0x400, s20, s24, $0x38;
	[tilespmem:$0x1FE00] =	vst v63  }
0x6ae: {  	s2 =	sadd.s32 @!p1 $0xFFFFFE00, s11;
	s14 =	sadd.s32 $0x6000, s9  }
0x6af: {  	[hbm4b:s14+s24] =	stream.strided.scatter [tilespmem:s29], [sflag:$0x1], $0x400, s20, s24, $0x38;
	[tilespmem:$0x1FE00] =	vst v63  }
0x6b0: {  	s19 =	simm.s32 @!p1 $0x1BA00;
	s13 =	simm.s32 @!p1 $0x200;
	s14 =	simm.s32 @!p1 $0x400  }
0x6b1: {  	[tilespmem:s19], [sflag:$0x3] =	stream.strided.gather @!p1 [spmem:s2], $0x1000, s14, s13, $0x38;
	[tilespmem:$0x1FE00] =	vst v63  }
0x6b2: {  	_ =	swait.ge [sflag:s30], $0x1000  }
0x6b3: {  	[sflag:s30] =	ssyncset.done $0x0  }
0x6b4: {  	[sflag:s30] =	ssyncadd.s32 $0xFFFFF000  }
0x6b5: {  	_ =	swait.ge [sflag:s3], $0x1000  }
0x6b6: {  	[sflag:s3] =	ssyncset.done $0x0  }
0x6b7: {  	[sflag:s3] =	ssyncadd.s32 $0xFFFFF000  }
0x6b8: {  	v39 =	vld [tilespmem:$0x1CA00]  }
0x6b9: {  	v40 =	vld [tilespmem:$0x1CA10]  }
0x6ba: {  	v41 =	vld [tilespmem:$0x1CA20]  }
0x6bb: {  	v42 =	vld [tilespmem:$0x1CA30]  }
0x6bc: {  	v43 =	vld [tilespmem:$0x1CA40]  }
0x6bd: {  	v44 =	vld [tilespmem:$0x1CA50]  }
0x6be: {  	v45 =	vld [tilespmem:$0x1CA60]  }
0x6bf: {  	v46 =	vld [tilespmem:$0x1CA70]  }
0x6c0: {  	v47 =	vld [tilespmem:$0x1CC00]  }
0x6c1: {  	v48 =	vld [tilespmem:$0x1CC10]  }
0x6c2: {  	v49 =	vld [tilespmem:$0x1CC20]  }
0x6c3: {  	v50 =	vld [tilespmem:$0x1CC30]  }
0x6c4: {  	v51 =	vld [tilespmem:$0x1CC40]  }
0x6c5: {  	v52 =	vld [tilespmem:$0x1CC50]  }
0x6c6: {  	v53 =	vld [tilespmem:$0x1CC60]  }
0x6c7: {  	v54 =	vld [tilespmem:$0x1CC70]  }
0x6c8: {  	v55 =	vld [tilespmem:$0x1CE00]  }
0x6c9: {  	v56 =	vld [tilespmem:$0x1CE10]  }
0x6ca: {  	v57 =	vld [tilespmem:$0x1CE20]  }
0x6cb: {  	v58 =	vld [tilespmem:$0x1CE30]  }
0x6cc: {  	s19 =	sadd.s32 $0x4, s5;
	v59 =	vld [tilespmem:$0x1CE40]  }
0x6cd: {  	s2 =	sand.u32 $0x7C, s19;
	v60 =	vld [tilespmem:$0x1CE50]  }
0x6ce: {  	s2 =	sadd.s32 s12, s2;
	v61 =	vld [tilespmem:$0x1CE60]  }
0x6cf: {  	v38 =	vmov s2;
	v62 =	vld [tilespmem:$0x1CE70]  }
0x6d0: {  	v63 =	vld [tilespmem:$0x1D000]  }
0x6d1: {  	v36 =	vld [tilespmem:$0x1D010]  }
0x6d2: {  	v37 =	vld [tilespmem:$0x1D020]  }
0x6d3: {  	v34 =	vld [tilespmem:$0x1D420]  }
0x6d4: {  	v0 =	vld.idx.msk [tilespmem:v38+s18+$0x0], $0xffff  }
0x6d5: {  	v38 =	vld [tilespmem:$0x1D030]  }
0x6d6: {  	v1 =	vld.idx.msk [tilespmem:v39+s16+$0x0], $0xffff  }
0x6d7: {  	v2 =	vld.idx.msk [tilespmem:v40+s16+$0x0], $0xffff  }
0x6d8: {  	v3 =	vld.idx.msk [tilespmem:v41+s16+$0x0], $0xffff  }
0x6d9: {  	v4 =	vld.idx.msk [tilespmem:v42+s16+$0x0], $0xffff  }
0x6da: {  	v5 =	vld.idx.msk [tilespmem:v43+s16+$0x0], $0xffff  }
0x6db: {  	v6 =	vld.idx.msk [tilespmem:v44+s16+$0x0], $0xffff  }
0x6dc: {  	v7 =	vld.idx.msk [tilespmem:v45+s16+$0x0], $0xffff  }
0x6dd: {  	v8 =	vld.idx.msk [tilespmem:v46+s16+$0x0], $0xffff  }
0x6de: {  	v9 =	vld.idx.msk [tilespmem:v47+s16+$0x0], $0xffff  }
0x6df: {  	v10 =	vld.idx.msk [tilespmem:v48+s16+$0x0], $0xffff  }
0x6e0: {  	v11 =	vld.idx.msk [tilespmem:v49+s16+$0x0], $0xffff  }
0x6e1: {  	v12 =	vld.idx.msk [tilespmem:v50+s16+$0x0], $0xffff  }
0x6e2: {  	v13 =	vld.idx.msk [tilespmem:v51+s16+$0x0], $0xffff  }
0x6e3: {  	v14 =	vld.idx.msk [tilespmem:v52+s16+$0x0], $0xffff  }
0x6e4: {  	v15 =	vld.idx.msk [tilespmem:v53+s16+$0x0], $0xffff  }
0x6e5: {  	v16 =	vld.idx.msk [tilespmem:v54+s16+$0x0], $0xffff  }
0x6e6: {  	v17 =	vld.idx.msk [tilespmem:v55+s16+$0x0], $0xffff  }
0x6e7: {  	v18 =	vld.idx.msk [tilespmem:v56+s16+$0x0], $0xffff  }
0x6e8: {  	v19 =	vld.idx.msk [tilespmem:v57+s16+$0x0], $0xffff  }
0x6e9: {  	v20 =	vld.idx.msk [tilespmem:v58+s16+$0x0], $0xffff  }
0x6ea: {  	v21 =	vld.idx.msk [tilespmem:v59+s16+$0x0], $0xffff  }
0x6eb: {  	v22 =	vld.idx.msk [tilespmem:v60+s16+$0x0], $0xffff  }
0x6ec: {  	v23 =	vld.idx.msk [tilespmem:v61+s16+$0x0], $0xffff  }
0x6ed: {  	v24 =	vld.idx.msk [tilespmem:v62+s16+$0x0], $0xffff  }
0x6ee: {  	v39 =	vld [tilespmem:$0x1D040]  }
0x6ef: {  	v40 =	vld [tilespmem:$0x1D050]  }
0x6f0: {  	v41 =	vld [tilespmem:$0x1D060]  }
0x6f1: {  	v42 =	vld [tilespmem:$0x1D070]  }
0x6f2: {  	v25 =	vld.idx.msk [tilespmem:v63+s16+$0x0], $0xffff  }
0x6f3: {  	v26 =	vld.idx.msk [tilespmem:v36+s16+$0x0], $0xffff  }
0x6f4: {  	v27 =	vld.idx.msk [tilespmem:v37+s16+$0x0], $0xffff  }
0x6f5: {  	v43 =	vld [tilespmem:$0x1D200]  }
0x6f6: {  	v44 =	vld [tilespmem:$0x1D210]  }
0x6f7: {  	v45 =	vld [tilespmem:$0x1D220]  }
0x6f8: {  	v46 =	vld [tilespmem:$0x1D230]  }
0x6f9: {  	v47 =	vld [tilespmem:$0x1D240]  }
0x6fa: {  	v48 =	vld [tilespmem:$0x1D250]  }
0x6fb: {  	v49 =	vld [tilespmem:$0x1D260]  }
0x6fc: {  	v51 =	vld [tilespmem:$0x1D270]  }
0x6fd: {  	v61 =	vld [tilespmem:$0x1D400]  }
0x6fe: {  	v63 =	vld [tilespmem:$0x1D410]  }
0x6ff: {  	v36 =	vld [tilespmem:$0x1D430]  }
0x700: {  	v28 =	vld.idx.msk [tilespmem:v38+s16+$0x0], $0xffff  }
0x701: {  	v38 =	vld [tilespmem:$0x1D440];
	v54 =	vadd.f32 v6, v0  }
0x702: {  	v56 =	vadd.f32 v8, v0;
	v62 =	vadd.f32 v13, v0;
	v13 =	vld.idx.msk [tilespmem:v34+s16+$0x0], $0xffff  }
0x703: {  	v58 =	vadd.f32 v10, v0;
	[tilespmem:$0x1EE50] =	vst v54;
	v54 =	vld [tilespmem:$0x1D600]  }
0x704: {  	v60 =	vadd.f32 v12, v0;
	[tilespmem:$0x1EE70] =	vst v56;
	v56 =	vld [tilespmem:$0x1D610]  }
0x705: {  	[tilespmem:$0x1EE90] =	vst v58;
	v58 =	vld [tilespmem:$0x1D620]  }
0x706: {  	v53 =	vadd.f32 v5, v0;
	[tilespmem:$0x1EEB0] =	vst v60;
	v60 =	vld [tilespmem:$0x1D630]  }
0x707: {  	[tilespmem:$0x1EEC0] =	vst v62;
	v62 =	vld [tilespmem:$0x1D640]  }
0x708: {  	[tilespmem:$0x1EE40] =	vst v53;
	v53 =	vadd.f32 v28, v0;
	v28 =	vld [tilespmem:$0x1D670]  }
0x709: {  	v29 =	vld.idx.msk [tilespmem:v39+s16+$0x0], $0xffff  }
0x70a: {  	v30 =	vld.idx.msk [tilespmem:v40+s16+$0x0], $0xffff  }
0x70b: {  	v31 =	vld.idx.msk [tilespmem:v41+s16+$0x0], $0xffff  }
0x70c: {  	v32 =	vld.idx.msk [tilespmem:v42+s16+$0x0], $0xffff  }
0x70d: {  	v52 =	vadd.f32 v4, v0;
	v4 =	vld.idx.msk [tilespmem:v43+s16+$0x0], $0xffff  }
0x70e: {  	v5 =	vld.idx.msk [tilespmem:v44+s16+$0x0], $0xffff  }
0x70f: {  	v6 =	vld.idx.msk [tilespmem:v45+s16+$0x0], $0xffff  }
0x710: {  	v55 =	vadd.f32 v7, v0;
	v7 =	vld.idx.msk [tilespmem:v46+s16+$0x0], $0xffff  }
0x711: {  	v8 =	vld.idx.msk [tilespmem:v47+s16+$0x0], $0xffff  }
0x712: {  	v57 =	vadd.f32 v9, v0;
	v9 =	vld.idx.msk [tilespmem:v48+s16+$0x0], $0xffff  }
0x713: {  	v10 =	vld.idx.msk [tilespmem:v49+s16+$0x0], $0xffff  }
0x714: {  	v50 =	vadd.f32 v3, v0;
	v3 =	vld.idx.msk [tilespmem:v51+s16+$0x0], $0xffff  }
0x715: {  	v40 =	vld [tilespmem:$0x1D450]  }
0x716: {  	v1 =	vadd.f32 v1, v0;
	v42 =	vld [tilespmem:$0x1D460]  }
0x717: {  	v2 =	vadd.f32 v2, v0;
	v44 =	vld [tilespmem:$0x1D470]  }
0x718: {  	v59 =	vadd.f32 v11, v0;
	[tilespmem:$0x1EE00] =	vst v1;
	v11 =	vld.idx.msk [tilespmem:v61+s16+$0x0], $0xffff  }
0x719: {  	[tilespmem:$0x1EE10] =	vst v2;
	v12 =	vld.idx.msk [tilespmem:v63+s16+$0x0], $0xffff  }
0x71a: {  	v33 =	vadd.f32 v14, v0;
	[tilespmem:$0x1EE20] =	vst v50;
	v14 =	vld.idx.msk [tilespmem:v36+s16+$0x0], $0xffff  }
0x71b: {  	[tilespmem:$0x1EE30] =	vst v52;
	v49 =	vadd.f32 v24, v0;
	v24 =	vld [tilespmem:$0x1D650]  }
0x71c: {  	[tilespmem:$0x1EE60] =	vst v55;
	v51 =	vadd.f32 v26, v0;
	v26 =	vld [tilespmem:$0x1D660]  }
0x71d: {  	[tilespmem:$0x1EE80] =	vst v57;
	v46 =	vadd.f32 v21, v0;
	v21 =	vld [tilespmem:$0x1CA80]  }
0x71e: {  	[tilespmem:$0x1EEA0] =	vst v59;
	v41 =	vadd.f32 v18, v0;
	v48 =	vadd.f32 v23, v0;
	v23 =	vld [tilespmem:$0x1CA90]  }
0x71f: {  	v35 =	vadd.f32 v15, v0;
	v43 =	vadd.f32 v19, v0;
	v15 =	vld.idx.msk [tilespmem:v38+s16+$0x0], $0xffff;
	[tilespmem:$0x1EFB0] =	vst v53  }
0x720: {  	v45 =	vadd.f32 v20, v0;
	v53 =	vld [tilespmem:$0x1D850];
	[tilespmem:$0x1EF10] =	vst v41  }
0x721: {  	v47 =	vadd.f32 v22, v0;
	[tilespmem:$0x1EF20] =	vst v43;
	v43 =	vld [tilespmem:$0x1D800]  }
0x722: {  	[tilespmem:$0x1EF30] =	vst v45;
	v45 =	vld [tilespmem:$0x1D810]  }
0x723: {  	[tilespmem:$0x1EF50] =	vst v47;
	v47 =	vld [tilespmem:$0x1D820]  }
0x724: {  	[tilespmem:$0x1EF70] =	vst v49;
	v41 =	vadd.f32 v13, v0;
	v49 =	vld [tilespmem:$0x1D830]  }
0x725: {  	[tilespmem:$0x1EF90] =	vst v51;
	v51 =	vld [tilespmem:$0x1D840]  }
0x726: {  	[tilespmem:$0x1F0A0] =	vst v41;
	v41 =	vld [tilespmem:$0x1CCF0]  }
0x727: {  	v37 =	vadd.f32 v16, v0;
	[tilespmem:$0x1EED0] =	vst v33;
	v57 =	vadd.f32 v30, v0;
	v30 =	vld.idx.msk [tilespmem:v54+s16+$0x0], $0xffff  }
0x728: {  	[tilespmem:$0x1EEE0] =	vst v35;
	v50 =	vadd.f32 v25, v0;
	v61 =	vadd.f32 v32, v0;
	v32 =	vld.idx.msk [tilespmem:v56+s16+$0x0], $0xffff  }
0x729: {  	[tilespmem:$0x1EEF0] =	vst v37;
	v52 =	vadd.f32 v27, v0;
	v34 =	vld.idx.msk [tilespmem:v58+s16+$0x0], $0xffff  }
0x72a: {  	v39 =	vadd.f32 v17, v0;
	[tilespmem:$0x1EF80] =	vst v50;
	v36 =	vld.idx.msk [tilespmem:v60+s16+$0x0], $0xffff  }
0x72b: {  	[tilespmem:$0x1EFA0] =	vst v52;
	v55 =	vadd.f32 v29, v0;
	v38 =	vld.idx.msk [tilespmem:v62+s16+$0x0], $0xffff  }
0x72c: {  	[tilespmem:$0x1EF00] =	vst v39;
	v27 =	vadd.f32 v6, v0;
	v6 =	vld.idx.msk [tilespmem:v28+s16+$0x0], $0xffff  }
0x72d: {  	[tilespmem:$0x1EFC0] =	vst v55;
	v55 =	vld [tilespmem:$0x1D860]  }
0x72e: {  	v59 =	vadd.f32 v31, v0;
	v31 =	vadd.f32 v8, v0;
	[tilespmem:$0x1EFD0] =	vst v57;
	v57 =	vld [tilespmem:$0x1D870]  }
0x72f: {  	[tilespmem:$0x1EF40] =	vst v46;
	v33 =	vadd.f32 v9, v0;
	v28 =	vld [tilespmem:$0x1CAB0]  }
0x730: {  	v35 =	vadd.f32 v10, v0;
	[tilespmem:$0x1F040] =	vst v31;
	v31 =	vld [tilespmem:$0x1CAD0]  }
0x731: {  	v37 =	vadd.f32 v3, v0;
	[tilespmem:$0x1F050] =	vst v33;
	v33 =	vld [tilespmem:$0x1CAF0]  }
0x732: {  	v39 =	vadd.f32 v11, v0;
	[tilespmem:$0x1F060] =	vst v35;
	v35 =	vld [tilespmem:$0x1CC90]  }
0x733: {  	[tilespmem:$0x1F070] =	vst v37;
	v37 =	vld [tilespmem:$0x1CCB0]  }
0x734: {  	[tilespmem:$0x1F080] =	vst v39;
	v39 =	vld [tilespmem:$0x1CCD0]  }
0x735: {  	[tilespmem:$0x1EF60] =	vst v48;
	v16 =	vld.idx.msk [tilespmem:v40+s16+$0x0], $0xffff  }
0x736: {  	v63 =	vadd.f32 v4, v0;
	[tilespmem:$0x1EFE0] =	vst v59;
	v17 =	vld.idx.msk [tilespmem:v42+s16+$0x0], $0xffff  }
0x737: {  	v25 =	vadd.f32 v5, v0;
	[tilespmem:$0x1EFF0] =	vst v61;
	v18 =	vld.idx.msk [tilespmem:v44+s16+$0x0], $0xffff  }
0x738: {  	[tilespmem:$0x1F000] =	vst v63;
	v4 =	vld.idx.msk [tilespmem:v24+s16+$0x0], $0xffff  }
0x739: {  	v29 =	vadd.f32 v7, v0;
	[tilespmem:$0x1F010] =	vst v25;
	v5 =	vld.idx.msk [tilespmem:v26+s16+$0x0], $0xffff  }
0x73a: {  	[tilespmem:$0x1F020] =	vst v27;
	v40 =	vadd.f32 v12, v0;
	v26 =	vld [tilespmem:$0x1CAA0]  }
0x73b: {  	[tilespmem:$0x1F030] =	vst v29;
	v42 =	vadd.f32 v14, v0;
	v7 =	vld.idx.msk [tilespmem:v53+s16+$0x0], $0xffff  }
0x73c: {  	v44 =	vadd.f32 v15, v0;
	[tilespmem:$0x1F090] =	vst v40;
	v59 =	vld.idx.msk [tilespmem:v43+s16+$0x0], $0xffff  }
0x73d: {  	[tilespmem:$0x1F0B0] =	vst v42;
	v61 =	vld.idx.msk [tilespmem:v45+s16+$0x0], $0xffff;
	v52 =	vadd.f32 v30, v0  }
0x73e: {  	[tilespmem:$0x1F0C0] =	vst v44;
	v63 =	vld.idx.msk [tilespmem:v47+s16+$0x0], $0xffff;
	v54 =	vadd.f32 v32, v0  }
0x73f: {  	v12 =	vld.idx.msk [tilespmem:v49+s16+$0x0], $0xffff;
	v56 =	vadd.f32 v34, v0;
	[tilespmem:$0x1F100] =	vst v52  }
0x740: {  	v14 =	vld.idx.msk [tilespmem:v51+s16+$0x0], $0xffff;
	v58 =	vadd.f32 v36, v0;
	[tilespmem:$0x1F110] =	vst v54  }
0x741: {  	v40 =	vld [tilespmem:$0x1CCE0];
	v60 =	vadd.f32 v38, v0;
	[tilespmem:$0x1F120] =	vst v56  }
0x742: {  	v42 =	vld [tilespmem:$0x1CE80];
	v13 =	vadd.f32 v6, v0;
	[tilespmem:$0x1F130] =	vst v58  }
0x743: {  	v43 =	vld [tilespmem:$0x1CE90];
	v46 =	vadd.f32 v16, v0;
	[tilespmem:$0x1F140] =	vst v60  }
0x744: {  	v44 =	vld [tilespmem:$0x1CEA0];
	v48 =	vadd.f32 v17, v0;
	[tilespmem:$0x1F170] =	vst v13  }
0x745: {  	v45 =	vld [tilespmem:$0x1CEB0];
	v50 =	vadd.f32 v18, v0;
	[tilespmem:$0x1F0D0] =	vst v46  }
0x746: {  	v30 =	vld [tilespmem:$0x1CAC0];
	v62 =	vadd.f32 v4, v0;
	[tilespmem:$0x1F0E0] =	vst v48  }
0x747: {  	v32 =	vld [tilespmem:$0x1CAE0];
	v11 =	vadd.f32 v5, v0;
	[tilespmem:$0x1F0F0] =	vst v50  }
0x748: {  	v34 =	vld [tilespmem:$0x1CC80];
	v24 =	vadd.f32 v7, v0;
	[tilespmem:$0x1F150] =	vst v62  }
0x749: {  	[tilespmem:$0x1F160] =	vst v11;
	v15 =	vadd.f32 v59, v0;
	v17 =	vld.idx.msk [tilespmem:v55+s16+$0x0], $0xffff  }
0x74a: {  	v16 =	vadd.f32 v61, v0;
	v19 =	vld.idx.msk [tilespmem:v57+s16+$0x0], $0xffff;
	[tilespmem:$0x1F1D0] =	vst v24  }
0x74b: {  	s7 =	sadd.s32 s7, s12;
	v36 =	vld [tilespmem:$0x1CCA0];
	v18 =	vadd.f32 v63, v0;
	[tilespmem:$0x1F180] =	vst v15  }
0x74c: {  	s19 =	sadd.s32 $0x5, s7;
	v38 =	vld [tilespmem:$0x1CCC0];
	v20 =	vadd.f32 v12, v0;
	[tilespmem:$0x1F190] =	vst v16  }
0x74d: {  	v25 =	vmov s19;
	v22 =	vadd.f32 v14, v0;
	v57 =	vld [tilespmem:$0x1CEC0];
	[tilespmem:$0x1F1A0] =	vst v18  }
0x74e: {  	v59 =	vld [tilespmem:$0x1CED0];
	[tilespmem:$0x1F1B0] =	vst v20;
	v27 =	vadd.f32 v17, v0  }
0x74f: {  	v61 =	vld [tilespmem:$0x1CEE0];
	[tilespmem:$0x1F1C0] =	vst v22;
	v0 =	vadd.f32 v19, v0  }
0x750: {  	v63 =	vld [tilespmem:$0x1CEF0];
	[tilespmem:$0x1F1E0] =	vst v27  }
0x751: {  	v19 =	vld [tilespmem:$0x1D080];
	[tilespmem:$0x1F1F0] =	vst v0  }
0x752: {  	v0 =	vld.idx.msk [tilespmem:v25+s18+$0x0], $0xffff  }
0x753: {  	v1 =	vld.idx.msk [tilespmem:v21+s16+$0x0], $0xffff  }
0x754: {  	v2 =	vld.idx.msk [tilespmem:v23+s16+$0x0], $0xffff  }
0x755: {  	v29 =	vld.idx.msk [tilespmem:v26+s16+$0x0], $0xffff  }
0x756: {  	v3 =	vld.idx.msk [tilespmem:v28+s16+$0x0], $0xffff  }
0x757: {  	v5 =	vld.idx.msk [tilespmem:v30+s16+$0x0], $0xffff  }
0x758: {  	v6 =	vld.idx.msk [tilespmem:v31+s16+$0x0], $0xffff  }
0x759: {  	v7 =	vld.idx.msk [tilespmem:v32+s16+$0x0], $0xffff  }
0x75a: {  	v8 =	vld.idx.msk [tilespmem:v33+s16+$0x0], $0xffff  }
0x75b: {  	v9 =	vld.idx.msk [tilespmem:v34+s16+$0x0], $0xffff;
	v1 =	vadd.f32 v1, v0  }
0x75c: {  	v10 =	vld.idx.msk [tilespmem:v35+s16+$0x0], $0xffff;
	v2 =	vadd.f32 v2, v0  }
0x75d: {  	v11 =	vld.idx.msk [tilespmem:v36+s16+$0x0], $0xffff;
	v46 =	vadd.f32 v29, v0;
	[tilespmem:$0x1F200] =	vst v1  }
0x75e: {  	v12 =	vld.idx.msk [tilespmem:v37+s16+$0x0], $0xffff;
	v48 =	vadd.f32 v3, v0;
	[tilespmem:$0x1F210] =	vst v2  }
0x75f: {  	v13 =	vld.idx.msk [tilespmem:v38+s16+$0x0], $0xffff;
	v50 =	vadd.f32 v5, v0;
	[tilespmem:$0x1F220] =	vst v46  }
0x760: {  	v14 =	vld.idx.msk [tilespmem:v39+s16+$0x0], $0xffff;
	v52 =	vadd.f32 v6, v0;
	[tilespmem:$0x1F230] =	vst v48  }
0x761: {  	v15 =	vld.idx.msk [tilespmem:v40+s16+$0x0], $0xffff;
	v54 =	vadd.f32 v7, v0;
	[tilespmem:$0x1F240] =	vst v50  }
0x762: {  	v47 =	vld.idx.msk [tilespmem:v41+s16+$0x0], $0xffff;
	v56 =	vadd.f32 v8, v0;
	[tilespmem:$0x1F250] =	vst v52  }
0x763: {  	v49 =	vld.idx.msk [tilespmem:v42+s16+$0x0], $0xffff;
	v58 =	vadd.f32 v9, v0;
	[tilespmem:$0x1F260] =	vst v54  }
0x764: {  	v51 =	vld.idx.msk [tilespmem:v43+s16+$0x0], $0xffff;
	v60 =	vadd.f32 v10, v0;
	[tilespmem:$0x1F270] =	vst v56  }
0x765: {  	v53 =	vld.idx.msk [tilespmem:v44+s16+$0x0], $0xffff;
	v62 =	vadd.f32 v11, v0;
	[tilespmem:$0x1F280] =	vst v58  }
0x766: {  	v55 =	vld.idx.msk [tilespmem:v45+s16+$0x0], $0xffff;
	v18 =	vadd.f32 v12, v0;
	[tilespmem:$0x1F290] =	vst v60  }
0x767: {  	v21 =	vld [tilespmem:$0x1D090];
	v20 =	vadd.f32 v13, v0;
	[tilespmem:$0x1F2A0] =	vst v62  }
0x768: {  	v23 =	vld [tilespmem:$0x1D0A0];
	v22 =	vadd.f32 v14, v0;
	[tilespmem:$0x1F2B0] =	vst v18  }
0x769: {  	v25 =	vld [tilespmem:$0x1D0B0];
	v24 =	vadd.f32 v15, v0;
	[tilespmem:$0x1F2C0] =	vst v20  }
0x76a: {  	v27 =	vld.idx.msk [tilespmem:v57+s16+$0x0], $0xffff;
	v26 =	vadd.f32 v47, v0;
	[tilespmem:$0x1F2D0] =	vst v22  }
0x76b: {  	v31 =	vld.idx.msk [tilespmem:v61+s16+$0x0], $0xffff;
	v28 =	vadd.f32 v49, v0;
	[tilespmem:$0x1F2E0] =	vst v24  }
0x76c: {  	v33 =	vld.idx.msk [tilespmem:v63+s16+$0x0], $0xffff;
	v30 =	vadd.f32 v51, v0;
	[tilespmem:$0x1F2F0] =	vst v26  }
0x76d: {  	v29 =	vld.idx.msk [tilespmem:v59+s16+$0x0], $0xffff;
	v32 =	vadd.f32 v53, v0;
	[tilespmem:$0x1F300] =	vst v28  }
0x76e: {  	v34 =	vadd.f32 v55, v0;
	v35 =	vld.idx.msk [tilespmem:v19+s16+$0x0], $0xffff;
	[tilespmem:$0x1F310] =	vst v30  }
0x76f: {  	v36 =	vadd.f32 v27, v0;
	[tilespmem:$0x1F320] =	vst v32;
	v37 =	vld.idx.msk [tilespmem:v21+s16+$0x0], $0xffff  }
0x770: {  	v40 =	vadd.f32 v31, v0;
	[tilespmem:$0x1F330] =	vst v34;
	v39 =	vld.idx.msk [tilespmem:v23+s16+$0x0], $0xffff  }
0x771: {  	v42 =	vadd.f32 v33, v0;
	[tilespmem:$0x1F340] =	vst v36;
	v41 =	vld.idx.msk [tilespmem:v25+s16+$0x0], $0xffff  }
0x772: {  	[tilespmem:$0x1F360] =	vst v40;
	v38 =	vadd.f32 v29, v0  }
0x773: {  	[tilespmem:$0x1F370] =	vst v42;
	v43 =	vadd.f32 v35, v0  }
0x774: {  	[tilespmem:$0x1F350] =	vst v38;
	v44 =	vadd.f32 v37, v0  }
0x775: {  	[tilespmem:$0x1F380] =	vst v43;
	v45 =	vadd.f32 v39, v0  }
0x776: {  	v46 =	vadd.f32 v41, v0;
	[tilespmem:$0x1F390] =	vst v44  }
0x777: {  	[tilespmem:$0x1F3A0] =	vst v45  }
0x778: {  	[tilespmem:$0x1F3B0] =	vst v46  }
0x779: {  	v47 =	vld [tilespmem:$0x1D0C0]  }
0x77a: {  	v2 =	vld [tilespmem:$0x1D0D0]  }
0x77b: {  	v48 =	vld [tilespmem:$0x1D0E0]  }
0x77c: {  	v49 =	vld [tilespmem:$0x1D0F0]  }
0x77d: {  	v50 =	vld [tilespmem:$0x1D280]  }
0x77e: {  	v51 =	vld [tilespmem:$0x1D290]  }
0x77f: {  	v52 =	vld [tilespmem:$0x1D2A0]  }
0x780: {  	v53 =	vld [tilespmem:$0x1D2B0]  }
0x781: {  	v54 =	vld [tilespmem:$0x1D2C0]  }
0x782: {  	v55 =	vld [tilespmem:$0x1D2D0]  }
0x783: {  	v56 =	vld [tilespmem:$0x1D2E0]  }
0x784: {  	v57 =	vld [tilespmem:$0x1D2F0]  }
0x785: {  	v58 =	vld [tilespmem:$0x1D480]  }
0x786: {  	v59 =	vld [tilespmem:$0x1D490]  }
0x787: {  	v60 =	vld [tilespmem:$0x1D4A0]  }
0x788: {  	v61 =	vld [tilespmem:$0x1D4B0]  }
0x789: {  	v62 =	vld [tilespmem:$0x1D4C0]  }
0x78a: {  	v63 =	vld [tilespmem:$0x1D4D0]  }
0x78b: {  	v24 =	vld [tilespmem:$0x1D4E0]  }
0x78c: {  	v25 =	vld [tilespmem:$0x1D4F0]  }
0x78d: {  	v26 =	vld [tilespmem:$0x1D680]  }
0x78e: {  	v27 =	vld [tilespmem:$0x1D690]  }
0x78f: {  	v28 =	vld [tilespmem:$0x1D6A0]  }
0x790: {  	v30 =	vld [tilespmem:$0x1D6B0]  }
0x791: {  	v32 =	vld [tilespmem:$0x1D6C0]  }
0x792: {  	v34 =	vld [tilespmem:$0x1D6D0]  }
0x793: {  	v36 =	vld [tilespmem:$0x1D6E0]  }
0x794: {  	v38 =	vld [tilespmem:$0x1D6F0]  }
0x795: {  	v1 =	vld.idx.msk [tilespmem:v47+s16+$0x0], $0xffff  }
0x796: {  	v2 =	vld.idx.msk [tilespmem:v2+s16+$0x0], $0xffff  }
0x797: {  	v3 =	vld.idx.msk [tilespmem:v48+s16+$0x0], $0xffff  }
0x798: {  	v4 =	vld.idx.msk [tilespmem:v49+s16+$0x0], $0xffff  }
0x799: {  	v5 =	vld.idx.msk [tilespmem:v50+s16+$0x0], $0xffff  }
0x79a: {  	v6 =	vld.idx.msk [tilespmem:v51+s16+$0x0], $0xffff  }
0x79b: {  	v7 =	vld.idx.msk [tilespmem:v52+s16+$0x0], $0xffff  }
0x79c: {  	v8 =	vld.idx.msk [tilespmem:v53+s16+$0x0], $0xffff  }
0x79d: {  	v9 =	vld.idx.msk [tilespmem:v54+s16+$0x0], $0xffff  }
0x79e: {  	v10 =	vld.idx.msk [tilespmem:v55+s16+$0x0], $0xffff  }
0x79f: {  	v11 =	vld.idx.msk [tilespmem:v56+s16+$0x0], $0xffff  }
0x7a0: {  	v12 =	vld.idx.msk [tilespmem:v57+s16+$0x0], $0xffff  }
0x7a1: {  	v13 =	vld.idx.msk [tilespmem:v58+s16+$0x0], $0xffff  }
0x7a2: {  	v14 =	vld.idx.msk [tilespmem:v59+s16+$0x0], $0xffff  }
0x7a3: {  	v15 =	vld.idx.msk [tilespmem:v60+s16+$0x0], $0xffff  }
0x7a4: {  	v16 =	vld.idx.msk [tilespmem:v61+s16+$0x0], $0xffff  }
0x7a5: {  	v17 =	vld.idx.msk [tilespmem:v62+s16+$0x0], $0xffff  }
0x7a6: {  	v18 =	vld.idx.msk [tilespmem:v63+s16+$0x0], $0xffff  }
0x7a7: {  	v19 =	vld.idx.msk [tilespmem:v24+s16+$0x0], $0xffff  }
0x7a8: {  	v20 =	vld.idx.msk [tilespmem:v25+s16+$0x0], $0xffff  }
0x7a9: {  	v40 =	vld.idx.msk [tilespmem:v26+s16+$0x0], $0xffff  }
0x7aa: {  	v42 =	vld.idx.msk [tilespmem:v27+s16+$0x0], $0xffff  }
0x7ab: {  	v44 =	vld.idx.msk [tilespmem:v28+s16+$0x0], $0xffff  }
0x7ac: {  	v51 =	vld [tilespmem:$0x1D880]  }
0x7ad: {  	v53 =	vld [tilespmem:$0x1D890]  }
0x7ae: {  	v55 =	vld [tilespmem:$0x1D8A0]  }
0x7af: {  	v57 =	vld [tilespmem:$0x1D8B0]  }
0x7b0: {  	v59 =	vld [tilespmem:$0x1D8C0]  }
0x7b1: {  	v61 =	vld [tilespmem:$0x1D8D0]  }
0x7b2: {  	v63 =	vld [tilespmem:$0x1D8E0]  }
0x7b3: {  	v29 =	vadd.f32 v3, v0;
	v3 =	vld.idx.msk [tilespmem:v30+s16+$0x0], $0xffff  }
0x7b4: {  	v31 =	vadd.f32 v4, v0;
	v4 =	vld.idx.msk [tilespmem:v32+s16+$0x0], $0xffff  }
0x7b5: {  	v33 =	vadd.f32 v5, v0;
	v5 =	vld.idx.msk [tilespmem:v34+s16+$0x0], $0xffff  }
0x7b6: {  	v35 =	vadd.f32 v6, v0;
	v6 =	vld.idx.msk [tilespmem:v36+s16+$0x0], $0xffff  }
0x7b7: {  	v1 =	vadd.f32 v1, v0;
	v37 =	vadd.f32 v7, v0;
	v7 =	vld.idx.msk [tilespmem:v38+s16+$0x0], $0xffff  }
0x7b8: {  	v2 =	vadd.f32 v2, v0;
	v52 =	vadd.f32 v17, v0;
	v17 =	vld [tilespmem:$0x1D8F0]  }
0x7b9: {  	v39 =	vadd.f32 v8, v0;
	v60 =	vadd.f32 v40, v0;
	v40 =	vld [tilespmem:$0x1CB10];
	[tilespmem:$0x1F3C0] =	vst v1  }
0x7ba: {  	v41 =	vadd.f32 v9, v0;
	v62 =	vadd.f32 v42, v0;
	v42 =	vld [tilespmem:$0x1CB30];
	[tilespmem:$0x1F3D0] =	vst v2  }
0x7bb: {  	v50 =	vadd.f32 v16, v0;
	v16 =	vadd.f32 v44, v0;
	v44 =	vld [tilespmem:$0x1CB50];
	[tilespmem:$0x1F3E0] =	vst v29  }
0x7bc: {  	v43 =	vadd.f32 v10, v0;
	[tilespmem:$0x1F430] =	vst v39;
	v39 =	vld [tilespmem:$0x1CB00]  }
0x7bd: {  	v45 =	vadd.f32 v11, v0;
	[tilespmem:$0x1F440] =	vst v41;
	v41 =	vld [tilespmem:$0x1CB20]  }
0x7be: {  	v46 =	vadd.f32 v12, v0;
	[tilespmem:$0x1F450] =	vst v43;
	v43 =	vld [tilespmem:$0x1CB40]  }
0x7bf: {  	v47 =	vadd.f32 v13, v0;
	[tilespmem:$0x1F460] =	vst v45;
	v45 =	vld [tilespmem:$0x1CB60]  }
0x7c0: {  	v48 =	vadd.f32 v14, v0;
	[tilespmem:$0x1F470] =	vst v46;
	v46 =	vld [tilespmem:$0x1CB70]  }
0x7c1: {  	v49 =	vadd.f32 v15, v0;
	[tilespmem:$0x1F480] =	vst v47;
	v47 =	vld [tilespmem:$0x1CD00]  }
0x7c2: {  	[tilespmem:$0x1F490] =	vst v48;
	v48 =	vld [tilespmem:$0x1CD10]  }
0x7c3: {  	[tilespmem:$0x1F4A0] =	vst v49;
	v49 =	vld [tilespmem:$0x1CD20]  }
0x7c4: {  	v54 =	vadd.f32 v18, v0;
	[tilespmem:$0x1F4B0] =	vst v50;
	v50 =	vld [tilespmem:$0x1CD30]  }
0x7c5: {  	v56 =	vadd.f32 v19, v0;
	[tilespmem:$0x1F4C0] =	vst v52;
	v52 =	vld [tilespmem:$0x1CD50]  }
0x7c6: {  	v58 =	vadd.f32 v20, v0;
	[tilespmem:$0x1F4D0] =	vst v54;
	v54 =	vld [tilespmem:$0x1CD70]  }
0x7c7: {  	[tilespmem:$0x1F4E0] =	vst v56;
	v56 =	vld [tilespmem:$0x1CF10]  }
0x7c8: {  	[tilespmem:$0x1F4F0] =	vst v58;
	v58 =	vld [tilespmem:$0x1CF30]  }
0x7c9: {  	[tilespmem:$0x1F500] =	vst v60;
	v60 =	vld [tilespmem:$0x1CF50]  }
0x7ca: {  	[tilespmem:$0x1F510] =	vst v62;
	v62 =	vld [tilespmem:$0x1CF70]  }
0x7cb: {  	[tilespmem:$0x1F3F0] =	vst v31;
	v19 =	vld.idx.msk [tilespmem:v51+s16+$0x0], $0xffff  }
0x7cc: {  	[tilespmem:$0x1F400] =	vst v33;
	v21 =	vld.idx.msk [tilespmem:v53+s16+$0x0], $0xffff  }
0x7cd: {  	[tilespmem:$0x1F410] =	vst v35;
	v23 =	vld.idx.msk [tilespmem:v55+s16+$0x0], $0xffff  }
0x7ce: {  	[tilespmem:$0x1F420] =	vst v37;
	v25 =	vld.idx.msk [tilespmem:v57+s16+$0x0], $0xffff;
	v18 =	vadd.f32 v3, v0  }
0x7cf: {  	[tilespmem:$0x1F520] =	vst v16;
	v27 =	vld.idx.msk [tilespmem:v59+s16+$0x0], $0xffff;
	v20 =	vadd.f32 v4, v0  }
0x7d0: {  	v29 =	vld.idx.msk [tilespmem:v61+s16+$0x0], $0xffff;
	v22 =	vadd.f32 v5, v0;
	[tilespmem:$0x1F530] =	vst v18  }
0x7d1: {  	v31 =	vld.idx.msk [tilespmem:v63+s16+$0x0], $0xffff;
	v24 =	vadd.f32 v6, v0;
	[tilespmem:$0x1F540] =	vst v20  }
0x7d2: {  	v51 =	vld [tilespmem:$0x1CD40];
	v26 =	vadd.f32 v7, v0;
	[tilespmem:$0x1F550] =	vst v22  }
0x7d3: {  	v53 =	vld [tilespmem:$0x1CD60];
	[tilespmem:$0x1F560] =	vst v24;
	v28 =	vadd.f32 v19, v0  }
0x7d4: {  	v55 =	vld [tilespmem:$0x1CF00];
	[tilespmem:$0x1F570] =	vst v26;
	v30 =	vadd.f32 v21, v0  }
0x7d5: {  	v32 =	vadd.f32 v23, v0;
	v33 =	vld.idx.msk [tilespmem:v17+s16+$0x0], $0xffff;
	[tilespmem:$0x1F580] =	vst v28  }
0x7d6: {  	v57 =	vld [tilespmem:$0x1CF20];
	v34 =	vadd.f32 v25, v0;
	[tilespmem:$0x1F590] =	vst v30  }
0x7d7: {  	s12 =	sadd.s32 $0x6, s7;
	v59 =	vld [tilespmem:$0x1CF40];
	v35 =	vadd.f32 v27, v0;
	[tilespmem:$0x1F5A0] =	vst v32  }
0x7d8: {  	v36 =	vmov s12;
	v61 =	vld [tilespmem:$0x1CF60];
	v37 =	vadd.f32 v29, v0;
	[tilespmem:$0x1F5B0] =	vst v34  }
0x7d9: {  	v63 =	vld [tilespmem:$0x1D100];
	v38 =	vadd.f32 v31, v0;
	[tilespmem:$0x1F5C0] =	vst v35  }
0x7da: {  	[tilespmem:$0x1F5D0] =	vst v37;
	v37 =	vld [tilespmem:$0x1D120];
	v0 =	vadd.f32 v33, v0  }
0x7db: {  	[tilespmem:$0x1F5E0] =	vst v38;
	v38 =	vld [tilespmem:$0x1D130]  }
0x7dc: {  	v34 =	vld [tilespmem:$0x1D520];
	[tilespmem:$0x1F5F0] =	vst v0  }
0x7dd: {  	v0 =	vld.idx.msk [tilespmem:v36+s18+$0x0], $0xffff  }
0x7de: {  	v1 =	vld.idx.msk [tilespmem:v39+s16+$0x0], $0xffff  }
0x7df: {  	v2 =	vld.idx.msk [tilespmem:v40+s16+$0x0], $0xffff  }
0x7e0: {  	v3 =	vld.idx.msk [tilespmem:v41+s16+$0x0], $0xffff  }
0x7e1: {  	v4 =	vld.idx.msk [tilespmem:v42+s16+$0x0], $0xffff  }
0x7e2: {  	v5 =	vld.idx.msk [tilespmem:v43+s16+$0x0], $0xffff  }
0x7e3: {  	v6 =	vld.idx.msk [tilespmem:v44+s16+$0x0], $0xffff  }
0x7e4: {  	v7 =	vld.idx.msk [tilespmem:v45+s16+$0x0], $0xffff  }
0x7e5: {  	v8 =	vld.idx.msk [tilespmem:v46+s16+$0x0], $0xffff  }
0x7e6: {  	v9 =	vld.idx.msk [tilespmem:v47+s16+$0x0], $0xffff  }
0x7e7: {  	v10 =	vld.idx.msk [tilespmem:v48+s16+$0x0], $0xffff  }
0x7e8: {  	v11 =	vld.idx.msk [tilespmem:v49+s16+$0x0], $0xffff  }
0x7e9: {  	v12 =	vld.idx.msk [tilespmem:v50+s16+$0x0], $0xffff  }
0x7ea: {  	v13 =	vld.idx.msk [tilespmem:v51+s16+$0x0], $0xffff  }
0x7eb: {  	v14 =	vld.idx.msk [tilespmem:v52+s16+$0x0], $0xffff  }
0x7ec: {  	v15 =	vld.idx.msk [tilespmem:v53+s16+$0x0], $0xffff  }
0x7ed: {  	v16 =	vld.idx.msk [tilespmem:v54+s16+$0x0], $0xffff  }
0x7ee: {  	v17 =	vld.idx.msk [tilespmem:v55+s16+$0x0], $0xffff  }
0x7ef: {  	v18 =	vld.idx.msk [tilespmem:v56+s16+$0x0], $0xffff  }
0x7f0: {  	v19 =	vld.idx.msk [tilespmem:v57+s16+$0x0], $0xffff  }
0x7f1: {  	v20 =	vld.idx.msk [tilespmem:v58+s16+$0x0], $0xffff  }
0x7f2: {  	v21 =	vld.idx.msk [tilespmem:v59+s16+$0x0], $0xffff  }
0x7f3: {  	v22 =	vld.idx.msk [tilespmem:v60+s16+$0x0], $0xffff  }
0x7f4: {  	v23 =	vld.idx.msk [tilespmem:v61+s16+$0x0], $0xffff  }
0x7f5: {  	v24 =	vld.idx.msk [tilespmem:v62+s16+$0x0], $0xffff  }
0x7f6: {  	v36 =	vld [tilespmem:$0x1D110]  }
0x7f7: {  	v39 =	vld [tilespmem:$0x1D140]  }
0x7f8: {  	v40 =	vld [tilespmem:$0x1D150]  }
0x7f9: {  	v41 =	vld [tilespmem:$0x1D160]  }
0x7fa: {  	v42 =	vld [tilespmem:$0x1D170]  }
0x7fb: {  	v25 =	vld.idx.msk [tilespmem:v63+s16+$0x0], $0xffff  }
0x7fc: {  	v43 =	vld [tilespmem:$0x1D300]  }
0x7fd: {  	v44 =	vld [tilespmem:$0x1D310]  }
0x7fe: {  	v45 =	vld [tilespmem:$0x1D320]  }
0x7ff: {  	v46 =	vld [tilespmem:$0x1D330]  }
0x800: {  	v47 =	vld [tilespmem:$0x1D340]  }
0x801: {  	v48 =	vld [tilespmem:$0x1D350]  }
0x802: {  	v49 =	vld [tilespmem:$0x1D360]  }
0x803: {  	v51 =	vld [tilespmem:$0x1D370]  }
0x804: {  	v61 =	vld [tilespmem:$0x1D500]  }
0x805: {  	v63 =	vld [tilespmem:$0x1D510]  }
0x806: {  	v27 =	vld.idx.msk [tilespmem:v37+s16+$0x0], $0xffff  }
0x807: {  	v28 =	vld.idx.msk [tilespmem:v38+s16+$0x0], $0xffff  }
0x808: {  	v38 =	vld [tilespmem:$0x1D540];
	v54 =	vadd.f32 v6, v0  }
0x809: {  	v56 =	vadd.f32 v8, v0;
	v62 =	vadd.f32 v13, v0;
	v13 =	vld.idx.msk [tilespmem:v34+s16+$0x0], $0xffff  }
0x80a: {  	v58 =	vadd.f32 v10, v0;
	[tilespmem:$0x1F650] =	vst v54;
	v54 =	vld [tilespmem:$0x1D700]  }
0x80b: {  	v60 =	vadd.f32 v12, v0;
	[tilespmem:$0x1F670] =	vst v56;
	v56 =	vld [tilespmem:$0x1D710]  }
0x80c: {  	[tilespmem:$0x1F690] =	vst v58;
	v58 =	vld [tilespmem:$0x1D720]  }
0x80d: {  	v53 =	vadd.f32 v5, v0;
	[tilespmem:$0x1F6B0] =	vst v60;
	v60 =	vld [tilespmem:$0x1D730]  }
0x80e: {  	[tilespmem:$0x1F6C0] =	vst v62;
	v62 =	vld [tilespmem:$0x1D740]  }
0x80f: {  	[tilespmem:$0x1F640] =	vst v53;
	v53 =	vadd.f32 v28, v0;
	v28 =	vld [tilespmem:$0x1D770]  }
0x810: {  	v26 =	vld.idx.msk [tilespmem:v36+s16+$0x0], $0xffff  }
0x811: {  	v29 =	vld.idx.msk [tilespmem:v39+s16+$0x0], $0xffff  }
0x812: {  	v30 =	vld.idx.msk [tilespmem:v40+s16+$0x0], $0xffff  }
0x813: {  	v31 =	vld.idx.msk [tilespmem:v41+s16+$0x0], $0xffff  }
0x814: {  	v32 =	vld.idx.msk [tilespmem:v42+s16+$0x0], $0xffff  }
0x815: {  	v52 =	vadd.f32 v4, v0;
	v4 =	vld.idx.msk [tilespmem:v43+s16+$0x0], $0xffff  }
0x816: {  	v5 =	vld.idx.msk [tilespmem:v44+s16+$0x0], $0xffff  }
0x817: {  	v6 =	vld.idx.msk [tilespmem:v45+s16+$0x0], $0xffff  }
0x818: {  	v55 =	vadd.f32 v7, v0;
	v7 =	vld.idx.msk [tilespmem:v46+s16+$0x0], $0xffff  }
0x819: {  	v8 =	vld.idx.msk [tilespmem:v47+s16+$0x0], $0xffff  }
0x81a: {  	v57 =	vadd.f32 v9, v0;
	v9 =	vld.idx.msk [tilespmem:v48+s16+$0x0], $0xffff  }
0x81b: {  	v10 =	vld.idx.msk [tilespmem:v49+s16+$0x0], $0xffff  }
0x81c: {  	v50 =	vadd.f32 v3, v0;
	v3 =	vld.idx.msk [tilespmem:v51+s16+$0x0], $0xffff  }
0x81d: {  	v36 =	vld [tilespmem:$0x1D530]  }
0x81e: {  	v40 =	vld [tilespmem:$0x1D550]  }
0x81f: {  	v42 =	vld [tilespmem:$0x1D560]  }
0x820: {  	v44 =	vld [tilespmem:$0x1D570]  }
0x821: {  	v59 =	vadd.f32 v11, v0;
	v11 =	vld.idx.msk [tilespmem:v61+s16+$0x0], $0xffff  }
0x822: {  	[tilespmem:$0x1F620] =	vst v50;
	v12 =	vld.idx.msk [tilespmem:v63+s16+$0x0], $0xffff  }
0x823: {  	[tilespmem:$0x1F630] =	vst v52;
	v41 =	vadd.f32 v18, v0;
	v49 =	vadd.f32 v24, v0;
	v24 =	vld [tilespmem:$0x1D750]  }
0x824: {  	v43 =	vadd.f32 v19, v0;
	[tilespmem:$0x1F7B0] =	vst v53;
	v53 =	vld [tilespmem:$0x1D950]  }
0x825: {  	v35 =	vadd.f32 v15, v0;
	v45 =	vadd.f32 v20, v0;
	[tilespmem:$0x1F710] =	vst v41;
	v15 =	vld.idx.msk [tilespmem:v38+s16+$0x0], $0xffff  }
0x826: {  	v47 =	vadd.f32 v22, v0;
	[tilespmem:$0x1F720] =	vst v43;
	v43 =	vld [tilespmem:$0x1D900]  }
0x827: {  	[tilespmem:$0x1F730] =	vst v45;
	v45 =	vld [tilespmem:$0x1D910]  }
0x828: {  	[tilespmem:$0x1F750] =	vst v47;
	v41 =	vadd.f32 v13, v0;
	v47 =	vld [tilespmem:$0x1D920]  }
0x829: {  	[tilespmem:$0x1F770] =	vst v49;
	v49 =	vld [tilespmem:$0x1D930]  }
0x82a: {  	[tilespmem:$0x1F8A0] =	vst v41;
	v41 =	vld [tilespmem:$0x1CF80]  }
0x82b: {  	[tilespmem:$0x1F660] =	vst v55;
	v51 =	vadd.f32 v26, v0;
	v26 =	vld [tilespmem:$0x1D760]  }
0x82c: {  	v33 =	vadd.f32 v14, v0;
	[tilespmem:$0x1F680] =	vst v57;
	v57 =	vadd.f32 v30, v0;
	v30 =	vld.idx.msk [tilespmem:v54+s16+$0x0], $0xffff  }
0x82d: {  	[tilespmem:$0x1F6A0] =	vst v59;
	v61 =	vadd.f32 v32, v0;
	v32 =	vld.idx.msk [tilespmem:v56+s16+$0x0], $0xffff  }
0x82e: {  	v37 =	vadd.f32 v16, v0;
	[tilespmem:$0x1F6D0] =	vst v33;
	v34 =	vld.idx.msk [tilespmem:v58+s16+$0x0], $0xffff  }
0x82f: {  	[tilespmem:$0x1F6E0] =	vst v35;
	v52 =	vadd.f32 v27, v0;
	v38 =	vld.idx.msk [tilespmem:v62+s16+$0x0], $0xffff  }
0x830: {  	[tilespmem:$0x1F6F0] =	vst v37;
	v55 =	vadd.f32 v29, v0;
	v27 =	vadd.f32 v6, v0;
	v6 =	vld.idx.msk [tilespmem:v28+s16+$0x0], $0xffff  }
0x831: {  	[tilespmem:$0x1F790] =	vst v51;
	v51 =	vld [tilespmem:$0x1D940]  }
0x832: {  	v50 =	vadd.f32 v25, v0;
	v25 =	vadd.f32 v5, v0;
	[tilespmem:$0x1F7C0] =	vst v55;
	v55 =	vld [tilespmem:$0x1D960]  }
0x833: {  	[tilespmem:$0x1F7D0] =	vst v57;
	v57 =	vld [tilespmem:$0x1D970]  }
0x834: {  	v39 =	vadd.f32 v17, v0;
	[tilespmem:$0x1F810] =	vst v25;
	v25 =	vld [tilespmem:$0x1CB80]  }
0x835: {  	v29 =	vadd.f32 v7, v0;
	[tilespmem:$0x1F820] =	vst v27;
	v27 =	vld [tilespmem:$0x1CBA0]  }
0x836: {  	[tilespmem:$0x1F700] =	vst v39;
	v59 =	vadd.f32 v31, v0;
	v31 =	vadd.f32 v8, v0;
	v28 =	vld [tilespmem:$0x1CBB0]  }
0x837: {  	v33 =	vadd.f32 v9, v0;
	[tilespmem:$0x1F830] =	vst v29;
	v29 =	vld [tilespmem:$0x1CBC0]  }
0x838: {  	v35 =	vadd.f32 v10, v0;
	[tilespmem:$0x1F840] =	vst v31;
	v31 =	vld [tilespmem:$0x1CBE0]  }
0x839: {  	v37 =	vadd.f32 v3, v0;
	[tilespmem:$0x1F850] =	vst v33;
	v33 =	vld [tilespmem:$0x1CD80]  }
0x83a: {  	v39 =	vadd.f32 v11, v0;
	[tilespmem:$0x1F860] =	vst v35;
	v35 =	vld [tilespmem:$0x1CDA0]  }
0x83b: {  	[tilespmem:$0x1F870] =	vst v37;
	v37 =	vld [tilespmem:$0x1CDC0]  }
0x83c: {  	[tilespmem:$0x1F880] =	vst v39;
	v39 =	vld [tilespmem:$0x1CDE0]  }
0x83d: {  	v14 =	vld.idx.msk [tilespmem:v36+s16+$0x0], $0xffff  }
0x83e: {  	v16 =	vld.idx.msk [tilespmem:v40+s16+$0x0], $0xffff  }
0x83f: {  	v17 =	vld.idx.msk [tilespmem:v42+s16+$0x0], $0xffff  }
0x840: {  	v18 =	vld.idx.msk [tilespmem:v44+s16+$0x0], $0xffff  }
0x841: {  	v36 =	vld.idx.msk [tilespmem:v60+s16+$0x0], $0xffff  }
0x842: {  	v63 =	vadd.f32 v4, v0;
	v4 =	vld.idx.msk [tilespmem:v24+s16+$0x0], $0xffff  }
0x843: {  	v7 =	vld.idx.msk [tilespmem:v53+s16+$0x0], $0xffff  }
0x844: {  	v53 =	vld [tilespmem:$0x1D1C0]  }
0x845: {  	[tilespmem:$0x1F7E0] =	vst v59;
	v59 =	vld.idx.msk [tilespmem:v43+s16+$0x0], $0xffff  }
0x846: {  	[tilespmem:$0x1F7F0] =	vst v61;
	v61 =	vld.idx.msk [tilespmem:v45+s16+$0x0], $0xffff  }
0x847: {  	[tilespmem:$0x1F800] =	vst v63;
	v40 =	vadd.f32 v12, v0;
	v63 =	vld.idx.msk [tilespmem:v47+s16+$0x0], $0xffff  }
0x848: {  	v12 =	vld.idx.msk [tilespmem:v49+s16+$0x0], $0xffff  }
0x849: {  	v44 =	vadd.f32 v15, v0;
	[tilespmem:$0x1F890] =	vst v40;
	v40 =	vld [tilespmem:$0x1CDF0]  }
0x84a: {  	v43 =	vld [tilespmem:$0x1CFA0]  }
0x84b: {  	[tilespmem:$0x1F8C0] =	vst v44;
	v44 =	vld [tilespmem:$0x1CFB0]  }
0x84c: {  	v45 =	vld [tilespmem:$0x1CFC0]  }
0x84d: {  	v47 =	vld [tilespmem:$0x1CFE0]  }
0x84e: {  	v1 =	vadd.f32 v1, v0;
	v49 =	vld [tilespmem:$0x1D180]  }
0x84f: {  	v2 =	vadd.f32 v2, v0;
	[tilespmem:$0x1F7A0] =	vst v52;
	v52 =	vadd.f32 v30, v0;
	v30 =	vld [tilespmem:$0x1CBD0]  }
0x850: {  	[tilespmem:$0x1F600] =	vst v1;
	v54 =	vadd.f32 v32, v0;
	v32 =	vld [tilespmem:$0x1CBF0]  }
0x851: {  	[tilespmem:$0x1F610] =	vst v2;
	v46 =	vadd.f32 v21, v0;
	v56 =	vadd.f32 v34, v0;
	v34 =	vld [tilespmem:$0x1CD90]  }
0x852: {  	v48 =	vadd.f32 v23, v0;
	[tilespmem:$0x1F780] =	vst v50;
	v60 =	vadd.f32 v38, v0;
	v38 =	vld [tilespmem:$0x1CDD0]  }
0x853: {  	[tilespmem:$0x1F740] =	vst v46;
	v5 =	vld.idx.msk [tilespmem:v26+s16+$0x0], $0xffff  }
0x854: {  	[tilespmem:$0x1F760] =	vst v48;
	v26 =	vld [tilespmem:$0x1CB90]  }
0x855: {  	v58 =	vadd.f32 v36, v0;
	v36 =	vld [tilespmem:$0x1CDB0];
	[tilespmem:$0x1F900] =	vst v52  }
0x856: {  	[tilespmem:$0x1F910] =	vst v54;
	v52 =	vld [tilespmem:$0x1D1B0]  }
0x857: {  	v13 =	vadd.f32 v6, v0;
	[tilespmem:$0x1F920] =	vst v56;
	v54 =	vld [tilespmem:$0x1D1D0]  }
0x858: {  	v42 =	vadd.f32 v14, v0;
	[tilespmem:$0x1F940] =	vst v60;
	v56 =	vld [tilespmem:$0x1D1F0]  }
0x859: {  	v46 =	vadd.f32 v16, v0;
	[tilespmem:$0x1F970] =	vst v13;
	v60 =	vld [tilespmem:$0x1D3B0]  }
0x85a: {  	v48 =	vadd.f32 v17, v0;
	[tilespmem:$0x1F8B0] =	vst v42;
	v14 =	vld.idx.msk [tilespmem:v51+s16+$0x0], $0xffff  }
0x85b: {  	v50 =	vadd.f32 v18, v0;
	[tilespmem:$0x1F8D0] =	vst v46;
	v17 =	vld.idx.msk [tilespmem:v55+s16+$0x0], $0xffff  }
0x85c: {  	[tilespmem:$0x1F8E0] =	vst v48;
	v19 =	vld.idx.msk [tilespmem:v57+s16+$0x0], $0xffff  }
0x85d: {  	v62 =	vadd.f32 v4, v0;
	[tilespmem:$0x1F8F0] =	vst v50;
	v42 =	vld [tilespmem:$0x1CF90]  }
0x85e: {  	v22 =	vadd.f32 v7, v0;
	[tilespmem:$0x1F930] =	vst v58;
	v46 =	vld [tilespmem:$0x1CFD0]  }
0x85f: {  	[tilespmem:$0x1F950] =	vst v62;
	v15 =	vadd.f32 v59, v0;
	v48 =	vld [tilespmem:$0x1CFF0]  }
0x860: {  	v16 =	vadd.f32 v61, v0;
	v50 =	vld [tilespmem:$0x1D190];
	[tilespmem:$0x1F9D0] =	vst v22  }
0x861: {  	v18 =	vadd.f32 v63, v0;
	v51 =	vld [tilespmem:$0x1D1A0];
	[tilespmem:$0x1F980] =	vst v15  }
0x862: {  	v20 =	vadd.f32 v12, v0;
	v55 =	vld [tilespmem:$0x1D1E0];
	[tilespmem:$0x1F990] =	vst v16  }
0x863: {  	s19 =	sadd.s32 $0x7, s7;
	v57 =	vld [tilespmem:$0x1D380];
	[tilespmem:$0x1F9A0] =	vst v18;
	v11 =	vadd.f32 v5, v0  }
0x864: {  	v23 =	vmov s19;
	v58 =	vld [tilespmem:$0x1D390];
	[tilespmem:$0x1F9B0] =	vst v20;
	v21 =	vadd.f32 v14, v0  }
0x865: {  	v59 =	vld [tilespmem:$0x1D3A0];
	[tilespmem:$0x1F960] =	vst v11;
	v24 =	vadd.f32 v17, v0  }
0x866: {  	v61 =	vld [tilespmem:$0x1D3C0];
	v0 =	vadd.f32 v19, v0;
	[tilespmem:$0x1F9C0] =	vst v21  }
0x867: {  	v62 =	vld [tilespmem:$0x1D3D0];
	[tilespmem:$0x1F9E0] =	vst v24  }
0x868: {  	v63 =	vld [tilespmem:$0x1D3E0];
	[tilespmem:$0x1F9F0] =	vst v0  }
0x869: {  	v0 =	vld.idx.msk [tilespmem:v23+s18+$0x0], $0xffff  }
0x86a: {  	v1 =	vld.idx.msk [tilespmem:v25+s16+$0x0], $0xffff  }
0x86b: {  	v2 =	vld.idx.msk [tilespmem:v26+s16+$0x0], $0xffff  }
0x86c: {  	v3 =	vld.idx.msk [tilespmem:v27+s16+$0x0], $0xffff  }
0x86d: {  	v4 =	vld.idx.msk [tilespmem:v28+s16+$0x0], $0xffff  }
0x86e: {  	v5 =	vld.idx.msk [tilespmem:v29+s16+$0x0], $0xffff  }
0x86f: {  	v6 =	vld.idx.msk [tilespmem:v30+s16+$0x0], $0xffff  }
0x870: {  	v7 =	vld.idx.msk [tilespmem:v31+s16+$0x0], $0xffff  }
0x871: {  	v8 =	vld.idx.msk [tilespmem:v32+s16+$0x0], $0xffff  }
0x872: {  	v9 =	vld.idx.msk [tilespmem:v33+s16+$0x0], $0xffff  }
0x873: {  	v10 =	vld.idx.msk [tilespmem:v34+s16+$0x0], $0xffff  }
0x874: {  	v11 =	vld.idx.msk [tilespmem:v35+s16+$0x0], $0xffff  }
0x875: {  	v12 =	vld.idx.msk [tilespmem:v36+s16+$0x0], $0xffff  }
0x876: {  	v13 =	vld.idx.msk [tilespmem:v37+s16+$0x0], $0xffff  }
0x877: {  	v14 =	vld.idx.msk [tilespmem:v38+s16+$0x0], $0xffff  }
0x878: {  	v15 =	vld.idx.msk [tilespmem:v39+s16+$0x0], $0xffff  }
0x879: {  	v16 =	vld.idx.msk [tilespmem:v40+s16+$0x0], $0xffff  }
0x87a: {  	v17 =	vld.idx.msk [tilespmem:v41+s16+$0x0], $0xffff  }
0x87b: {  	v18 =	vld.idx.msk [tilespmem:v42+s16+$0x0], $0xffff  }
0x87c: {  	v19 =	vld.idx.msk [tilespmem:v43+s16+$0x0], $0xffff  }
0x87d: {  	v20 =	vld.idx.msk [tilespmem:v44+s16+$0x0], $0xffff  }
0x87e: {  	v21 =	vld.idx.msk [tilespmem:v45+s16+$0x0], $0xffff  }
0x87f: {  	v22 =	vld.idx.msk [tilespmem:v46+s16+$0x0], $0xffff  }
0x880: {  	v23 =	vld.idx.msk [tilespmem:v47+s16+$0x0], $0xffff  }
0x881: {  	v24 =	vld.idx.msk [tilespmem:v48+s16+$0x0], $0xffff  }
0x882: {  	v25 =	vld.idx.msk [tilespmem:v49+s16+$0x0], $0xffff  }
0x883: {  	v26 =	vld.idx.msk [tilespmem:v50+s16+$0x0], $0xffff  }
0x884: {  	v27 =	vld.idx.msk [tilespmem:v51+s16+$0x0], $0xffff  }
0x885: {  	v28 =	vld.idx.msk [tilespmem:v52+s16+$0x0], $0xffff  }
0x886: {  	v29 =	vld.idx.msk [tilespmem:v53+s16+$0x0], $0xffff  }
0x887: {  	v30 =	vld.idx.msk [tilespmem:v54+s16+$0x0], $0xffff  }
0x888: {  	v31 =	vld.idx.msk [tilespmem:v55+s16+$0x0], $0xffff;
	v1 =	vadd.f32 v1, v0  }
0x889: {  	v32 =	vld.idx.msk [tilespmem:v56+s16+$0x0], $0xffff;
	v2 =	vadd.f32 v2, v0  }
0x88a: {  	v42 =	vld [tilespmem:$0x1D3F0];
	v41 =	vadd.f32 v3, v0;
	[tilespmem:$0x1FA00] =	vst v1  }
0x88b: {  	v52 =	vld [tilespmem:$0x1D580];
	v43 =	vadd.f32 v4, v0;
	[tilespmem:$0x1FA10] =	vst v2  }
0x88c: {  	v54 =	vld [tilespmem:$0x1D590];
	v44 =	vadd.f32 v5, v0;
	[tilespmem:$0x1FA20] =	vst v41  }
0x88d: {  	v56 =	vld [tilespmem:$0x1D5A0];
	v45 =	vadd.f32 v6, v0;
	[tilespmem:$0x1FA30] =	vst v43  }
0x88e: {  	v33 =	vld [tilespmem:$0x1D5E0];
	v46 =	vadd.f32 v7, v0;
	[tilespmem:$0x1FA40] =	vst v44  }
0x88f: {  	v35 =	vld [tilespmem:$0x1D5F0];
	v47 =	vadd.f32 v8, v0;
	[tilespmem:$0x1FA50] =	vst v45  }
0x890: {  	v4 =	vld.idx.msk [tilespmem:v57+s16+$0x0], $0xffff;
	v48 =	vadd.f32 v9, v0;
	[tilespmem:$0x1FA60] =	vst v46  }
0x891: {  	v5 =	vld.idx.msk [tilespmem:v58+s16+$0x0], $0xffff;
	v49 =	vadd.f32 v10, v0;
	[tilespmem:$0x1FA70] =	vst v47  }
0x892: {  	v6 =	vld.idx.msk [tilespmem:v59+s16+$0x0], $0xffff;
	v50 =	vadd.f32 v11, v0;
	[tilespmem:$0x1FA80] =	vst v48  }
0x893: {  	v7 =	vld.idx.msk [tilespmem:v60+s16+$0x0], $0xffff;
	v51 =	vadd.f32 v12, v0;
	[tilespmem:$0x1FA90] =	vst v49  }
0x894: {  	v8 =	vld.idx.msk [tilespmem:v61+s16+$0x0], $0xffff;
	v53 =	vadd.f32 v13, v0;
	[tilespmem:$0x1FAA0] =	vst v50  }
0x895: {  	v9 =	vld.idx.msk [tilespmem:v62+s16+$0x0], $0xffff;
	v55 =	vadd.f32 v14, v0;
	[tilespmem:$0x1FAB0] =	vst v51  }
0x896: {  	v10 =	vld.idx.msk [tilespmem:v63+s16+$0x0], $0xffff;
	v57 =	vadd.f32 v15, v0;
	[tilespmem:$0x1FAC0] =	vst v53  }
0x897: {  	v58 =	vld [tilespmem:$0x1D5B0];
	v59 =	vadd.f32 v16, v0;
	[tilespmem:$0x1FAD0] =	vst v55  }
0x898: {  	v60 =	vld [tilespmem:$0x1D5C0];
	v61 =	vadd.f32 v17, v0;
	[tilespmem:$0x1FAE0] =	vst v57  }
0x899: {  	v62 =	vld [tilespmem:$0x1D5D0];
	v63 =	vadd.f32 v18, v0;
	[tilespmem:$0x1FAF0] =	vst v59  }
0x89a: {  	v34 =	vadd.f32 v19, v0;
	[tilespmem:$0x1FB00] =	vst v61;
	v45 =	vld [tilespmem:$0x1D780]  }
0x89b: {  	v36 =	vadd.f32 v20, v0;
	[tilespmem:$0x1FB10] =	vst v63;
	v47 =	vld [tilespmem:$0x1D790]  }
0x89c: {  	v37 =	vadd.f32 v21, v0;
	[tilespmem:$0x1FB20] =	vst v34;
	v49 =	vld [tilespmem:$0x1D7A0]  }
0x89d: {  	v38 =	vadd.f32 v22, v0;
	[tilespmem:$0x1FB30] =	vst v36;
	v51 =	vld [tilespmem:$0x1D7B0]  }
0x89e: {  	v39 =	vadd.f32 v23, v0;
	[tilespmem:$0x1FB40] =	vst v37;
	v53 =	vld [tilespmem:$0x1D7C0]  }
0x89f: {  	v40 =	vadd.f32 v24, v0;
	[tilespmem:$0x1FB50] =	vst v38;
	v55 =	vld [tilespmem:$0x1D7D0]  }
0x8a0: {  	[tilespmem:$0x1FB60] =	vst v39;
	v41 =	vadd.f32 v25, v0;
	v57 =	vld [tilespmem:$0x1D7E0]  }
0x8a1: {  	[tilespmem:$0x1FB70] =	vst v40;
	v43 =	vadd.f32 v27, v0;
	v59 =	vld [tilespmem:$0x1D7F0]  }
0x8a2: {  	v44 =	vadd.f32 v28, v0;
	v48 =	vadd.f32 v30, v0;
	v30 =	vld [tilespmem:$0x1D980];
	[tilespmem:$0x1FB80] =	vst v41  }
0x8a3: {  	v46 =	vadd.f32 v29, v0;
	v34 =	vld [tilespmem:$0x1D9A0];
	[tilespmem:$0x1FBA0] =	vst v43  }
0x8a4: {  	v36 =	vld [tilespmem:$0x1D9B0];
	[tilespmem:$0x1FBB0] =	vst v44  }
0x8a5: {  	v50 =	vadd.f32 v31, v0;
	v38 =	vld [tilespmem:$0x1D9C0];
	[tilespmem:$0x1FBC0] =	vst v46  }
0x8a6: {  	v3 =	vld.idx.msk [tilespmem:v42+s16+$0x0], $0xffff;
	v42 =	vadd.f32 v26, v0;
	[tilespmem:$0x1FBD0] =	vst v48  }
0x8a7: {  	v11 =	vld.idx.msk [tilespmem:v52+s16+$0x0], $0xffff;
	v52 =	vadd.f32 v32, v0;
	[tilespmem:$0x1FBE0] =	vst v50  }
0x8a8: {  	v12 =	vld.idx.msk [tilespmem:v54+s16+$0x0], $0xffff;
	[tilespmem:$0x1FB90] =	vst v42;
	v54 =	vadd.f32 v4, v0  }
0x8a9: {  	v13 =	vld.idx.msk [tilespmem:v56+s16+$0x0], $0xffff;
	[tilespmem:$0x1FBF0] =	vst v52;
	v56 =	vadd.f32 v5, v0  }
0x8aa: {  	v40 =	vld [tilespmem:$0x1D9D0];
	v19 =	vadd.f32 v9, v0;
	[tilespmem:$0x1FC00] =	vst v54  }
0x8ab: {  	v17 =	vld.idx.msk [tilespmem:v33+s16+$0x0], $0xffff;
	v21 =	vadd.f32 v10, v0;
	[tilespmem:$0x1FC10] =	vst v56  }
0x8ac: {  	[tilespmem:$0x1FC50] =	vst v19;
	v14 =	vld.idx.msk [tilespmem:v58+s16+$0x0], $0xffff;
	v58 =	vadd.f32 v6, v0  }
0x8ad: {  	[tilespmem:$0x1FC60] =	vst v21;
	v15 =	vld.idx.msk [tilespmem:v60+s16+$0x0], $0xffff;
	v60 =	vadd.f32 v7, v0  }
0x8ae: {  	v16 =	vld.idx.msk [tilespmem:v62+s16+$0x0], $0xffff;
	v62 =	vadd.f32 v8, v0;
	[tilespmem:$0x1FC20] =	vst v58  }
0x8af: {  	v18 =	vld.idx.msk [tilespmem:v35+s16+$0x0], $0xffff;
	v24 =	vadd.f32 v3, v0;
	[tilespmem:$0x1FC30] =	vst v60  }
0x8b0: {  	v32 =	vld [tilespmem:$0x1D990];
	v26 =	vadd.f32 v11, v0;
	[tilespmem:$0x1FC40] =	vst v62  }
0x8b1: {  	v44 =	vld [tilespmem:$0x1D9F0];
	v27 =	vadd.f32 v12, v0;
	[tilespmem:$0x1FC70] =	vst v24  }
0x8b2: {  	v42 =	vld [tilespmem:$0x1D9E0];
	v28 =	vadd.f32 v13, v0;
	[tilespmem:$0x1FC80] =	vst v26  }
0x8b3: {  	v35 =	vadd.f32 v17, v0;
	v61 =	vld.idx.msk [tilespmem:v45+s16+$0x0], $0xffff;
	[tilespmem:$0x1FC90] =	vst v27  }
0x8b4: {  	v37 =	vadd.f32 v18, v0;
	v63 =	vld.idx.msk [tilespmem:v47+s16+$0x0], $0xffff;
	[tilespmem:$0x1FCA0] =	vst v28  }
0x8b5: {  	v20 =	vld.idx.msk [tilespmem:v49+s16+$0x0], $0xffff;
	[tilespmem:$0x1FCE0] =	vst v35;
	v29 =	vadd.f32 v14, v0  }
0x8b6: {  	v22 =	vld.idx.msk [tilespmem:v51+s16+$0x0], $0xffff;
	[tilespmem:$0x1FCF0] =	vst v37;
	v31 =	vadd.f32 v15, v0  }
0x8b7: {  	v25 =	vld.idx.msk [tilespmem:v53+s16+$0x0], $0xffff;
	v33 =	vadd.f32 v16, v0;
	[tilespmem:$0x1FCB0] =	vst v29  }
0x8b8: {  	v4 =	vld.idx.msk [tilespmem:v55+s16+$0x0], $0xffff;
	[tilespmem:$0x1FCC0] =	vst v31;
	v39 =	vadd.f32 v61, v0  }
0x8b9: {  	v5 =	vld.idx.msk [tilespmem:v57+s16+$0x0], $0xffff;
	[tilespmem:$0x1FCD0] =	vst v33;
	v41 =	vadd.f32 v63, v0  }
0x8ba: {  	v6 =	vld.idx.msk [tilespmem:v59+s16+$0x0], $0xffff;
	v43 =	vadd.f32 v20, v0;
	[tilespmem:$0x1FD00] =	vst v39  }
0x8bb: {  	v46 =	vld.idx.msk [tilespmem:v30+s16+$0x0], $0xffff;
	v45 =	vadd.f32 v22, v0;
	[tilespmem:$0x1FD10] =	vst v41  }
0x8bc: {  	v50 =	vld.idx.msk [tilespmem:v34+s16+$0x0], $0xffff;
	v47 =	vadd.f32 v25, v0;
	[tilespmem:$0x1FD20] =	vst v43  }
0x8bd: {  	v52 =	vld.idx.msk [tilespmem:v36+s16+$0x0], $0xffff;
	v49 =	vadd.f32 v4, v0;
	[tilespmem:$0x1FD30] =	vst v45  }
0x8be: {  	v54 =	vld.idx.msk [tilespmem:v38+s16+$0x0], $0xffff;
	v51 =	vadd.f32 v5, v0;
	[tilespmem:$0x1FD40] =	vst v47  }
0x8bf: {  	v7 =	vld.idx.msk [tilespmem:v40+s16+$0x0], $0xffff;
	v53 =	vadd.f32 v6, v0;
	[tilespmem:$0x1FD50] =	vst v49  }
0x8c0: {  	v48 =	vld.idx.msk [tilespmem:v32+s16+$0x0], $0xffff;
	v55 =	vadd.f32 v46, v0;
	[tilespmem:$0x1FD60] =	vst v51  }
0x8c1: {  	v57 =	vld.idx.msk [tilespmem:v42+s16+$0x0], $0xffff;
	v58 =	vadd.f32 v50, v0;
	[tilespmem:$0x1FD70] =	vst v53  }
0x8c2: {  	v59 =	vld.idx.msk [tilespmem:v44+s16+$0x0], $0xffff;
	v60 =	vadd.f32 v52, v0;
	[tilespmem:$0x1FD80] =	vst v55  }
0x8c3: {  	v61 =	vadd.f32 v54, v0;
	[tilespmem:$0x1FDA0] =	vst v58  }
0x8c4: {  	v62 =	vadd.f32 v7, v0;
	[tilespmem:$0x1FDB0] =	vst v60  }
0x8c5: {  	v56 =	vadd.f32 v48, v0;
	[tilespmem:$0x1FDC0] =	vst v61  }
0x8c6: {  	[tilespmem:$0x1FDD0] =	vst v62;
	v63 =	vadd.f32 v57, v0  }
0x8c7: {  	[tilespmem:$0x1FD90] =	vst v56;
	v0 =	vadd.f32 v59, v0  }
0x8c8: {  	[tilespmem:$0x1FDE0] =	vst v63  }
0x8c9: {  	s5 =	sadd.s32 @!p1 $0x8, s5;
	[tilespmem:$0x1FDF0] =	vst v0  }
0x8ca: {  	[hbm4b:s10+s24] =	stream.strided.scatter [tilespmem:s31], [sflag:$0x2], $0x400, s20, s24, $0x38;
	[tilespmem:$0x1FE00] =	vst v63  }
0x8cb: {  	p2 =	sne.s32 @!p1 s5, $0xC8;
	s7 =	sadd.s32 $0x2000, s10  }
0x8cc: {  	[hbm4b:s7+s24] =	stream.strided.scatter [tilespmem:s0], [sflag:$0x2], $0x400, s20, s24, $0x38;
	[tilespmem:$0x1FE00] =	vst v63  }
0x8cd: {  	p2 =	por p1, !p2;
	s12 =	sadd.s32 $0x4000, s10  }
0x8ce: {  	[hbm4b:s12+s24] =	stream.strided.scatter [tilespmem:s1], [sflag:$0x2], $0x400, s20, s24, $0x38;
	[tilespmem:$0x1FE00] =	vst v63  }
.Ltmp1:
0x8cf: {  	s19 =	sadd.s32 $0x6000, s10;
	(pc) =	sbr.rel @!p2 .LBB2_4-.Ltmp1, $4  }
0x8d0: {  	[hbm4b:s19+s24] =	stream.strided.scatter [tilespmem:s21], [sflag:$0x2], $0x400, s20, s24, $0x38;
	[tilespmem:$0x1FE00] =	vst v63  }
0x8d1: {  	s15 =	sadd.s32 @!p1 $0x1, s15;
	s2 =	simm.s32 @!p1 $0x1CA00  }
0x8d2: {  	[tilespmem:s2], [sflag:$0x4] =	stream.strided.gather @!p1 [spmem:s11], $0x1000, s14, s13, $0x38;
	[tilespmem:$0x1FE00] =	vst v63  }
0x8d3: {  	s9 =	sadd.s32 @!p1 $0x10000, s9;
	s10 =	sadd.s32 @!p1 $0x10000, s10;
	s11 =	sadd.s32 @!p1 $0x2000, s11  }
0x8d4: {  	_ =	swait.ge [sflag:s22], $0x1000  }
0x8d5: {  	[sflag:s22] =	ssyncset.done $0x0  }
0x8d6: {  	[sflag:s22] =	ssyncadd.s32 $0xFFFFF000  }
0x8d7: {  	_ =	swait.ge [sflag:s3], $0x1000  }
0x8d8: {  	s4 =	sadd.s32 $0x1, s4;
	s2 =	rddreg [dreg:$0x9]  }
0x8d9: {  	p1 =	sne.s32 s4, s2  }
.Ltmp2:
0x8da: {  	_ = 	snop;
	(pc) =	sbr.rel @p1 .LBB2_1-.Ltmp2, $3  }
0x8db: {  	_ =	sdelay $0x1  }
0x8dc: {  	[sflag:s3] =	ssyncset.done $0x0  }
0x8dd: {  	[sflag:s3] =	ssyncadd.s32 $0xFFFFF000  }
0x8de: {  	_ =	sfence.sel $0x180000  }
0x8df: {  	[bflag:$0x0] =	sbarrier.arrive $0xFFFF  }
0x8e0: {  	_ =	strace $0x90000047  }
0x8e1: {  	[bflag:$0x2] =	sbarrier.arrive $0xFFFF  }
0x8e2: {  	s0 =	rddreg [dreg:$0x4]  }
0x8e3: {  	s0 =	sadd.s32 @!p0 $0x100000, s0  }
0x8e4: {  	[sflag:s0] =	ssyncadd.tile.s32 @!p0 $0x1;
	_ =	shalt  }
.Lfunc_end2:
_tile_overlayer_lowered:
.L_overlay_start_2:
0x8e5: {  	(tag) =	ssettag $0x2  }
0x8e6: {  	s0 =	rddreg [dreg:$0x0];
	s2 =	stileid.u32  }
0x8e7: {  	s1 =	rddreg [dreg:$0x1];
	p0 =	sne.s32 s2, $0x0  }
0x8e8: {  	s3 =	rddreg [dreg:$0x2];
	[bflag:$0x3] =	sbarrier.arrive $0xFFFF;
	s2 =	simm.s32 @!p0 $0x1C05  }
0x8e9: {  	[timem:s3], [sflag:s2] =	dma.local @!p0 [hbm:s0], s1  }
0x8ea: {  	s0 =	simm.s32 @!p0 $0x5  }
0x8eb: {  	_ =	swait.ge @!p0 [sflag:s0], s1  }
0x8ec: {  	s1 =	ssub.s32 @!p0 $0x0, s1;
	[sflag:s0] =	ssyncset.done @!p0 $0x0  }
0x8ed: {  	[sflag:s0] =	ssyncadd.s32 @!p0 s1  }
0x8ee: {  	[bflag:$0x3] =	sbarrier.arrive $0xFFFF  }
0x8ef: {  	_ =	shalt  }

</sc_bundles>
